<compile_context>
chip_gen: v7x
topology: tpu7x:2x2x1
jax: 0.10.2.dev20260603
libtpu: 0.0.44.dev20260713+nightly
codegen_flags: <defaults>
</compile_context>

<pallas_src>
import functools

import jax
import jax.numpy as jnp
from jax import lax
from jax.experimental import pallas as pl
from jax.experimental.pallas import tpu as pltpu, tpu_sc as plsc

N = 10000
E = 320000
F = 128
K = 6
N_STEPS = 5
N_ITERS = 3
BATCH = 64
HID = F

NC = 2
NS = 16
NW = NC * NS
CHB = 128
NCHUNK = E // CHB
NCHT = NCHUNK // NW
REM = NCHUNK - NCHT * NW
NPAIR = NCHT // 2
RPT = 632
N_PAD = RPT * NS

_f32 = jnp.float32


def _hall_body(h_ref, w_ref, b_ref, out_ref):
    out_ref[...] = (
        jnp.dot(h_ref[...], w_ref[0], preferred_element_type=_f32)
        + b_ref[0]
    )


def _hall(h, w_kT, b_et2, bn=2000):
    return pl.pallas_call(
        _hall_body,
        grid=(K, N // bn),
        in_specs=[
            pl.BlockSpec((bn, F), lambda e, i: (i, 0)),
            pl.BlockSpec((1, F, F), lambda e, i: (e, 0, 0)),
            pl.BlockSpec((1, 1, F), lambda e, i: (e, 0, 0)),
        ],
        out_specs=pl.BlockSpec((bn, F), lambda e, i: (e * (N // bn) + i, 0)),
        out_shape=jax.ShapeDtypeStruct((K * N, F), _f32),
    )(h, w_kT, b_et2)


def _edge_body(tbl, gidx2d, didx2d, zeros, out,
               gia, dia, gib, dib, rows_a, rows_b,
               iga, ida, igb, idb, gsa, gsb, ssa, ssb, acc):
    c = lax.axis_index("c")
    s = lax.axis_index("s")
    wid = s * NC + c

    pltpu.async_copy(gidx2d.at[wid], gia, iga)
    pltpu.async_copy(didx2d.at[wid], dia, ida)
    pltpu.async_copy(gidx2d.at[wid + NW], gib, igb)
    pltpu.async_copy(didx2d.at[wid + NW], dib, idb)

    r0 = pl.multiple_of(s * RPT, 8)
    pltpu.sync_copy(zeros, acc.at[pl.ds(r0, RPT), :])
    plsc.subcore_barrier()

    def _drain(dst, sem):
        pltpu.make_async_copy(gidx2d.at[0], dst, sem).wait()

    def pair(j, carry):
        _drain(gia, iga)
        ga = pltpu.async_copy(tbl.at[gia], rows_a, gsa)
        _drain(gib, igb)
        gb = pltpu.async_copy(tbl.at[gib], rows_b, gsb)
        _drain(dia, ida)
        ga.wait()
        sa = pltpu.async_copy(rows_a, acc.at[dia], ssa, add=True)
        _drain(dib, idb)
        gb.wait()
        sb = pltpu.async_copy(rows_b, acc.at[dib], ssb, add=True)
        sa.wait()

        @pl.when(j < NPAIR - 1)
        def _():
            cn = wid + NW * (2 * j + 2)
            pltpu.async_copy(gidx2d.at[cn], gia, iga)
            pltpu.async_copy(didx2d.at[cn], dia, ida)

        sb.wait()

        @pl.when(j < NPAIR - 1)
        def _():
            cn = wid + NW * (2 * j + 3)
            pltpu.async_copy(gidx2d.at[cn], gib, igb)
            pltpu.async_copy(didx2d.at[cn], dib, idb)

        return carry

    lax.fori_loop(0, NPAIR, pair, 0)

    @pl.when(wid < REM)
    def _():
        ce = NCHT * NW + wid
        pltpu.sync_copy(gidx2d.at[ce], gia)
        pltpu.sync_copy(didx2d.at[ce], dia)
        pltpu.async_copy(tbl.at[gia], rows_a, gsa).wait()
        pltpu.sync_copy(rows_a, acc.at[dia], add=True)

    plsc.subcore_barrier()

    pltpu.sync_copy(acc.at[pl.ds(r0, RPT), :], out.at[c, pl.ds(r0, RPT), :])


@functools.cache
def _edge_pass_built():
    return functools.partial(
        pl.kernel,
        out_type=jax.ShapeDtypeStruct((NC, N_PAD, F), _f32),
        mesh=plsc.VectorSubcoreMesh(
            core_axis_name="c", subcore_axis_name="s",
            num_cores=NC, num_subcores=NS,
        ),
        scratch_types=[
            pltpu.VMEM((CHB,), jnp.int32),
            pltpu.VMEM((CHB,), jnp.int32),
            pltpu.VMEM((CHB,), jnp.int32),
            pltpu.VMEM((CHB,), jnp.int32),
            pltpu.VMEM((CHB, F), _f32),
            pltpu.VMEM((CHB, F), _f32),
            pltpu.SemaphoreType.DMA,
            pltpu.SemaphoreType.DMA,
            pltpu.SemaphoreType.DMA,
            pltpu.SemaphoreType.DMA,
            pltpu.SemaphoreType.DMA,
            pltpu.SemaphoreType.DMA,
            pltpu.SemaphoreType.DMA,
            pltpu.SemaphoreType.DMA,
            pltpu.VMEM_SHARED((N_PAD, F), _f32),
        ],
    )(_edge_body)


def _edge_pass(tbl, gidx2d, didx2d, zeros):
    return _edge_pass_built()(tbl, gidx2d, didx2d, zeros)


def _gru_body(a_ref, h_ref, wi_ref, wh_ref, bi_ref, bh_ref, out_ref):
    a = a_ref[0] + a_ref[1]
    h = h_ref[...]
    gi = jnp.dot(a, wi_ref[...], preferred_element_type=_f32) + bi_ref[...]
    gh = jnp.dot(h, wh_ref[...], preferred_element_type=_f32) + bh_ref[...]
    r = jax.nn.sigmoid(gi[:, :F] + gh[:, :F])
    z = jax.nn.sigmoid(gi[:, F:2 * F] + gh[:, F:2 * F])
    n = jnp.tanh(gi[:, 2 * F:] + r * gh[:, 2 * F:])
    out_ref[...] = (1.0 - z) * n + z * h


def _gru(parts, h, wiT, whT, bi, bh, bn=1000):
    return pl.pallas_call(
        _gru_body,
        grid=(N // bn,),
        in_specs=[
            pl.BlockSpec((NC, bn, F), lambda i: (0, i, 0)),
            pl.BlockSpec((bn, F), lambda i: (i, 0)),
            pl.BlockSpec((F, 3 * F), lambda i: (0, 0)),
            pl.BlockSpec((F, 3 * F), lambda i: (0, 0)),
            pl.BlockSpec((1, 3 * F), lambda i: (0, 0)),
            pl.BlockSpec((1, 3 * F), lambda i: (0, 0)),
        ],
        out_specs=pl.BlockSpec((bn, F), lambda i: (i, 0)),
        out_shape=jax.ShapeDtypeStruct((N, F), _f32),
    )(parts, h, wiT, whT, bi, bh)


def _step_body(a_ref, h_ref, wi_ref, wh_ref, bi_ref, bh_ref, wk_ref, be_ref,
               hn_ref, tbl_ref):
    a = a_ref[0] + a_ref[1]
    h = h_ref[...]
    gi = jnp.dot(a, wi_ref[...], preferred_element_type=_f32) + bi_ref[...]
    gh = jnp.dot(h, wh_ref[...], preferred_element_type=_f32) + bh_ref[...]
    r = jax.nn.sigmoid(gi[:, :F] + gh[:, :F])
    z = jax.nn.sigmoid(gi[:, F:2 * F] + gh[:, F:2 * F])
    n = jnp.tanh(gi[:, 2 * F:] + r * gh[:, 2 * F:])
    hn = (1.0 - z) * n + z * h
    hn_ref[...] = hn
    for e in range(K):
        tbl_ref[e] = (
            jnp.dot(hn, wk_ref[e], preferred_element_type=_f32) + be_ref[e]
        )


def _gru_step(parts, h, wiT, whT, bi, bh, w_kT, b_et3, bn=2000):
    hn, tbl = pl.pallas_call(
        _step_body,
        grid=(N // bn,),
        in_specs=[
            pl.BlockSpec((NC, bn, F), lambda i: (0, i, 0)),
            pl.BlockSpec((bn, F), lambda i: (i, 0)),
            pl.BlockSpec((F, 3 * F), lambda i: (0, 0)),
            pl.BlockSpec((F, 3 * F), lambda i: (0, 0)),
            pl.BlockSpec((1, 3 * F), lambda i: (0, 0)),
            pl.BlockSpec((1, 3 * F), lambda i: (0, 0)),
            pl.BlockSpec((K, F, F), lambda i: (0, 0, 0)),
            pl.BlockSpec((K, 1, F), lambda i: (0, 0, 0)),
        ],
        out_specs=[
            pl.BlockSpec((bn, F), lambda i: (i, 0)),
            pl.BlockSpec((K, bn, F), lambda i: (0, i, 0)),
        ],
        out_shape=[
            jax.ShapeDtypeStruct((N, F), _f32),
            jax.ShapeDtypeStruct((K, N, F), _f32),
        ],
    )(parts, h, wiT, whT, bi, bh, w_kT, b_et3)
    return hn, tbl.reshape(K * N, F)


def _s2s_body(feat_ref, ids_ref, wi0, wh0, b0, wi1, wh1, b1, wi2, wh2, b2,
              wpredT, bpred, out_ref):
    feat = feat_ref[...]
    ids = ids_ref[...]
    gids = lax.broadcasted_iota(jnp.int32, (N, BATCH), 1)
    pb = ids == gids
    pf = pb.astype(_f32)
    lstm = [(wi0, wh0, b0), (wi1, wh1, b1), (wi2, wh2, b2)]

    hs = [jnp.zeros((BATCH, HID), _f32) for _ in range(3)]
    cs = [jnp.zeros((BATCH, HID), _f32) for _ in range(3)]
    q_star = jnp.zeros((BATCH, 2 * HID), _f32)
    for _ in range(N_ITERS):
        x = q_star
        for l in range(3):
            wi, wh, b = lstm[l]
            gates = (
                jnp.dot(x, wi[...], preferred_element_type=_f32)
                + jnp.dot(hs[l], wh[...], preferred_element_type=_f32)
                + b[...]
            )
            gi = gates[:, :HID]
            gf = gates[:, HID:2 * HID]
            gg = gates[:, 2 * HID:3 * HID]
            go = gates[:, 3 * HID:]
            cs[l] = jax.nn.sigmoid(gf) * cs[l] + jax.nn.sigmoid(gi) * jnp.tanh(gg)
            hs[l] = jax.nn.sigmoid(go) * jnp.tanh(cs[l])
            x = hs[l]
        q = x
        qn = jnp.dot(pf, q, preferred_element_type=_f32)
        e = jnp.sum(feat * qn, axis=1, keepdims=True)
        em = jnp.max(jnp.where(pb, e, -1e30), axis=0, keepdims=True)
        emg = lax.dot_general(pf, em, (((1,), (1,)), ((), ())),
                              preferred_element_type=_f32)
        ee = jnp.exp(e - emg)
        den = lax.dot_general(ee, pf, (((0,), (0,)), ((), ())),
                              preferred_element_type=_f32)
        deng = lax.dot_general(pf, den, (((1,), (1,)), ((), ())),
                               preferred_element_type=_f32)
        alpha = ee / deng
        ro = lax.dot_general(pf, feat * alpha, (((0,), (0,)), ((), ())),
                             preferred_element_type=_f32)
        q_star = jnp.concatenate([q, ro], axis=-1)
    out_ref[...] = (
        jnp.dot(q_star, wpredT[...], preferred_element_type=_f32) + bpred[...]
    )


def _s2s(feat, ids2d, lstm_wT, lstm_b, wpredT, bpred):
    args = [feat, ids2d]
    specs = [
        pl.BlockSpec((N, F), lambda: (0, 0)),
        pl.BlockSpec((N, 1), lambda: (0, 0)),
    ]
    in_sizes = [2 * HID, HID, HID]
    for l in range(3):
        args += [lstm_wT[l][0], lstm_wT[l][1], lstm_b[l]]
        specs += [
            pl.BlockSpec((in_sizes[l], 4 * HID), lambda: (0, 0)),
            pl.BlockSpec((HID, 4 * HID), lambda: (0, 0)),
            pl.BlockSpec((1, 4 * HID), lambda: (0, 0)),
        ]
    args += [wpredT, bpred]
    specs += [
        pl.BlockSpec((2 * HID, 3), lambda: (0, 0)),
        pl.BlockSpec((1, 3), lambda: (0, 0)),
    ]
    return pl.pallas_call(
        _s2s_body,
        grid=(),
        in_specs=specs,
        out_specs=pl.BlockSpec((BATCH, 3), lambda: (0, 0)),
        out_shape=jax.ShapeDtypeStruct((BATCH, 3), _f32),
    )(*args)


def kernel(feats, edge_index, etypes, node_graph_ids, W_et, b_et,
           gru_Wih, gru_Whh, gru_bih, gru_bhh,
           lstm_Wih0, lstm_Whh0, lstm_bih0, lstm_bhh0,
           lstm_Wih1, lstm_Whh1, lstm_bih1, lstm_bhh1,
           lstm_Wih2, lstm_Whh2, lstm_bih2, lstm_bhh2,
           W_pred, b_pred):
    src = edge_index[0].astype(jnp.int32)
    dst = edge_index[1].astype(jnp.int32)
    row_idx = (etypes.astype(jnp.int32) * N + src).reshape(NCHUNK, CHB)
    dst2d = dst.reshape(NCHUNK, CHB)

    w_kT = jnp.transpose(W_et, (0, 2, 1))
    wiT = gru_Wih.T
    whT = gru_Whh.T
    bi = gru_bih.reshape(1, 3 * F)
    bh = gru_bhh.reshape(1, 3 * F)
    zeros_nf = jnp.zeros((RPT, F), _f32)

    b_et3 = b_et.reshape(K, 1, F)
    h = feats
    h_all = _hall(h, w_kT, b_et3)
    for step in range(N_STEPS):
        parts = _edge_pass(h_all, row_idx, dst2d, zeros_nf)
        if step < N_STEPS - 1:
            h, h_all = _gru_step(parts, h, wiT, whT, bi, bh, w_kT, b_et3)
        else:
            h = _gru(parts, h, wiT, whT, bi, bh)

    lstm_wT = [(lstm_Wih0.T, lstm_Whh0.T), (lstm_Wih1.T, lstm_Whh1.T),
               (lstm_Wih2.T, lstm_Whh2.T)]
    lstm_b = [(lstm_bih0 + lstm_bhh0).reshape(1, 4 * HID),
              (lstm_bih1 + lstm_bhh1).reshape(1, 4 * HID),
              (lstm_bih2 + lstm_bhh2).reshape(1, 4 * HID)]
    ids2d = node_graph_ids.astype(jnp.int32).reshape(N, 1)
    return _s2s(h, ids2d, lstm_wT, lstm_b, W_pred.T, b_pred.reshape(1, 3))

# --- scband reference (transcript-rebuilt; emitter-appended) ---
"""Pipeline reference for scband-ggnn-13486197309968 (READ-ONLY COPY).

The authoritative reference and input builder live on the scoring server;
editing this copy changes nothing except your own understanding.
"""

import jax, jax.numpy as jnp
import numpy as np

N_NODES = 10000
N_EDGES = 320000
IN_FEATS = 128
OUT_FEATS = 128
N_ETYPES = 6
N_STEPS = 5
N_ITERS = 3
BATCH = 64
HID = OUT_FEATS


def setup_inputs(seed: int = 0):
    key = jax.random.key(seed)
    ks = jax.random.split(key, 32)
    s = 0.05
    inp = {}
    inp['feats'] = jax.random.normal(ks[0], (N_NODES, IN_FEATS), dtype=jnp.float32)
    inp['edge_index'] = jax.random.randint(ks[1], (2, N_EDGES), 0, N_NODES)
    inp['etypes'] = jax.random.randint(ks[2], (N_EDGES,), 0, N_ETYPES)
    inp['node_graph_ids'] = jnp.sort(jax.random.randint(ks[3], (N_NODES,), 0, BATCH))
    inp['W_et'] = jax.random.normal(ks[4], (N_ETYPES, OUT_FEATS, OUT_FEATS), dtype=jnp.float32) * s
    inp['b_et'] = jnp.zeros((N_ETYPES, OUT_FEATS), dtype=jnp.float32)
    inp['gru_Wih'] = jax.random.normal(ks[5], (3 * OUT_FEATS, OUT_FEATS), dtype=jnp.float32) * s
    inp['gru_Whh'] = jax.random.normal(ks[6], (3 * OUT_FEATS, OUT_FEATS), dtype=jnp.float32) * s
    inp['gru_bih'] = jnp.zeros((3 * OUT_FEATS,), dtype=jnp.float32)
    inp['gru_bhh'] = jnp.zeros((3 * OUT_FEATS,), dtype=jnp.float32)
    in_sizes = [2 * OUT_FEATS, HID, HID]
    for l in range(3):
        inp['lstm_Wih%d' % l] = jax.random.normal(ks[7 + 2 * l], (4 * HID, in_sizes[l]), dtype=jnp.float32) * s
        inp['lstm_Whh%d' % l] = jax.random.normal(ks[8 + 2 * l], (4 * HID, HID), dtype=jnp.float32) * s
        inp['lstm_bih%d' % l] = jnp.zeros((4 * HID,), dtype=jnp.float32)
        inp['lstm_bhh%d' % l] = jnp.zeros((4 * HID,), dtype=jnp.float32)
    inp['W_pred'] = jax.random.normal(ks[13], (3, 2 * OUT_FEATS), dtype=jnp.float32) * s
    inp['b_pred'] = jnp.zeros((3,), dtype=jnp.float32)
    return inp


def _gated_graph_conv(feats, src, dst, etypes, W_et, b_et, gru_Wih, gru_Whh, gru_bih, gru_bhh):
    h = feats
    if IN_FEATS < OUT_FEATS:
        h = jnp.pad(h, ((0, 0), (0, OUT_FEATS - IN_FEATS)))
    for _ in range(N_STEPS):
        # apply every per-etype linear to all nodes, then gather (src, etype) per edge
        h_all = jnp.einsum('nd,ked->nke', h, W_et) + b_et[None, :, :]
        msg = h_all[src, etypes]
        a = jax.ops.segment_sum(msg, dst, num_segments=N_NODES)
        gi = a @ gru_Wih.T + gru_bih
        gh = h @ gru_Whh.T + gru_bhh
        i_r, i_z, i_n = jnp.split(gi, 3, axis=-1)
        h_r, h_z, h_n = jnp.split(gh, 3, axis=-1)
        r = jax.nn.sigmoid(i_r + h_r)
        z = jax.nn.sigmoid(i_z + h_z)
        n = jnp.tanh(i_n + r * h_n)
        h = (1.0 - z) * n + z * h
    return h


def _set2set(feat, ids, lstm_params):
    hs = [jnp.zeros((BATCH, HID), dtype=feat.dtype) for _ in range(3)]
    cs = [jnp.zeros((BATCH, HID), dtype=feat.dtype) for _ in range(3)]
    q_star = jnp.zeros((BATCH, 2 * HID), dtype=feat.dtype)
    for _ in range(N_ITERS):
        x = q_star
        for l in range(3):
            Wih, Whh, bih, bhh = lstm_params[l]
            gates = x @ Wih.T + bih + hs[l] @ Whh.T + bhh
            gi, gf, gg, go = jnp.split(gates, 4, axis=-1)
            cs[l] = jax.nn.sigmoid(gf) * cs[l] + jax.nn.sigmoid(gi) * jnp.tanh(gg)
            hs[l] = jax.nn.sigmoid(go) * jnp.tanh(cs[l])
            x = hs[l]
        q = x
        e = jnp.sum(feat * q[ids], axis=-1, keepdims=True)
        e_max = jax.ops.segment_max(e, ids, num_segments=BATCH)
        e_exp = jnp.exp(e - e_max[ids])
        denom = jax.ops.segment_sum(e_exp, ids, num_segments=BATCH)
        alpha = e_exp / denom[ids]
        readout = jax.ops.segment_sum(feat * alpha, ids, num_segments=BATCH)
        q_star = jnp.concatenate([q, readout], axis=-1)
    return q_star


def reference(feats, edge_index, etypes, node_graph_ids, W_et, b_et, gru_Wih, gru_Whh, gru_bih, gru_bhh, lstm_Wih0, lstm_Whh0, lstm_bih0, lstm_bhh0, lstm_Wih1, lstm_Whh1, lstm_bih1, lstm_bhh1, lstm_Wih2, lstm_Whh2, lstm_bih2, lstm_bhh2, W_pred, b_pred):
    src = edge_index[0]
    dst = edge_index[1]
    h = _gated_graph_conv(feats, src, dst, etypes, W_et, b_et, gru_Wih, gru_Whh, gru_bih, gru_bhh)
    lstm_params = [(lstm_Wih0, lstm_Whh0, lstm_bih0, lstm_bhh0), (lstm_Wih1, lstm_Whh1, lstm_bih1, lstm_bhh1), (lstm_Wih2, lstm_Whh2, lstm_bih2, lstm_bhh2)]
    q_star = _set2set(h, node_graph_ids, lstm_params)
    out = q_star @ W_pred.T + b_pred
    return out

if __name__ == "__main__":
    import jax
    _d = setup_inputs()
    print(jax.jit(kernel)(*tuple(_d.values())))

</pallas_src>

<mosaic_0001>
#map = affine_map<(d0, d1) -> (0, 0)>
#map1 = affine_map<(d0, d1) -> (0, 0, 0)>
module attributes {stable_mosaic.version = 14 : i64} {
  func.func @_edge_body(%arg0: i32, %arg1: i32, %arg2: memref<60000x128xf32, #tpu.memory_space<hbm>>, %arg3: memref<2500x128xi32, #tpu.memory_space<hbm>>, %arg4: memref<2500x128xi32, #tpu.memory_space<hbm>>, %arg5: memref<632x128xf32, #tpu.memory_space<hbm>>, %arg6: memref<2x10112x128xf32, #tpu.memory_space<hbm>>, %arg7: memref<128xi32, #tpu.memory_space<vmem>>, %arg8: memref<128xi32, #tpu.memory_space<vmem>>, %arg9: memref<128xi32, #tpu.memory_space<vmem>>, %arg10: memref<128xi32, #tpu.memory_space<vmem>>, %arg11: memref<128x128xf32, #tpu.memory_space<vmem>>, %arg12: memref<128x128xf32, #tpu.memory_space<vmem>>, %arg13: memref<!tpu.dma_semaphore, #tpu.memory_space<semaphore_mem>>, %arg14: memref<!tpu.dma_semaphore, #tpu.memory_space<semaphore_mem>>, %arg15: memref<!tpu.dma_semaphore, #tpu.memory_space<semaphore_mem>>, %arg16: memref<!tpu.dma_semaphore, #tpu.memory_space<semaphore_mem>>, %arg17: memref<!tpu.dma_semaphore, #tpu.memory_space<semaphore_mem>>, %arg18: memref<!tpu.dma_semaphore, #tpu.memory_space<semaphore_mem>>, %arg19: memref<!tpu.dma_semaphore, #tpu.memory_space<semaphore_mem>>, %arg20: memref<!tpu.dma_semaphore, #tpu.memory_space<semaphore_mem>>, %arg21: memref<10112x128xf32, #tpu.memory_space<vmem_shared>>) attributes {dimension_semantics = [#tpu.dimension_semantics<core_parallel>, #tpu.dimension_semantics<subcore_parallel>], iteration_bounds = array<i64: 2, 16>, scalar_prefetch = 0 : i64, scratch_operands = 15 : i64, tpu.core_type = #tpu.core_type<sc_vector_subcore>, window_params = [{transform_indices = #map}, {transform_indices = #map}, {transform_indices = #map}, {transform_indices = #map}, {transform_indices = #map1}]} {
    %mul3A = arith.constant 2 : i32
    %mul3A_0 = arith.muli %arg1, %mul3A : i32
    %add3A = arith.addi %mul3A_0, %arg0 : i32
    %dma_start3A = arith.constant 0 : i32
    %dma_start3A_1 = tpu.memref_slice %arg3[%add3A, %dma_start3A] : memref<2500x128xi32, #tpu.memory_space<hbm>> -> memref<1x128xi32, #tpu.memory_space<hbm>>
    %dma_start3A_2 = tpu.memref_squeeze %dma_start3A_1 : memref<1x128xi32, #tpu.memory_space<hbm>> -> memref<128xi32, #tpu.memory_space<hbm>>
    %dma_start3A_3 = arith.constant 0 : i32
    %dma_start3A_4 = tpu.memref_slice %arg3[%add3A, %dma_start3A_3] : memref<2500x128xi32, #tpu.memory_space<hbm>> -> memref<1x128xi32, #tpu.memory_space<hbm>>
    %dma_start3A_5 = tpu.memref_squeeze %dma_start3A_4 : memref<1x128xi32, #tpu.memory_space<hbm>> -> memref<128xi32, #tpu.memory_space<hbm>>
    tpu.enqueue_dma source(%dma_start3A_5 : memref<128xi32, #tpu.memory_space<hbm>>) target(%arg7 : memref<128xi32, #tpu.memory_space<vmem>>) target_semaphore(%arg13 : memref<!tpu.dma_semaphore, #tpu.memory_space<semaphore_mem>>)
    %dma_start3A_6 = arith.constant 0 : i32
    %dma_start3A_7 = tpu.memref_slice %arg4[%add3A, %dma_start3A_6] : memref<2500x128xi32, #tpu.memory_space<hbm>> -> memref<1x128xi32, #tpu.memory_space<hbm>>
    %dma_start3A_8 = tpu.memref_squeeze %dma_start3A_7 : memref<1x128xi32, #tpu.memory_space<hbm>> -> memref<128xi32, #tpu.memory_space<hbm>>
    %dma_start3A_9 = arith.constant 0 : i32
    %dma_start3A_10 = tpu.memref_slice %arg4[%add3A, %dma_start3A_9] : memref<2500x128xi32, #tpu.memory_space<hbm>> -> memref<1x128xi32, #tpu.memory_space<hbm>>
    %dma_start3A_11 = tpu.memref_squeeze %dma_start3A_10 : memref<1x128xi32, #tpu.memory_space<hbm>> -> memref<128xi32, #tpu.memory_space<hbm>>
    tpu.enqueue_dma source(%dma_start3A_11 : memref<128xi32, #tpu.memory_space<hbm>>) target(%arg8 : memref<128xi32, #tpu.memory_space<vmem>>) target_semaphore(%arg14 : memref<!tpu.dma_semaphore, #tpu.memory_space<semaphore_mem>>)
    %add3A_12 = arith.constant 32 : i32
    %add3A_13 = arith.addi %add3A, %add3A_12 : i32
    %dma_start3A_14 = arith.constant 0 : i32
    %dma_start3A_15 = tpu.memref_slice %arg3[%add3A_13, %dma_start3A_14] : memref<2500x128xi32, #tpu.memory_space<hbm>> -> memref<1x128xi32, #tpu.memory_space<hbm>>
    %dma_start3A_16 = tpu.memref_squeeze %dma_start3A_15 : memref<1x128xi32, #tpu.memory_space<hbm>> -> memref<128xi32, #tpu.memory_space<hbm>>
    %dma_start3A_17 = arith.constant 0 : i32
    %dma_start3A_18 = tpu.memref_slice %arg3[%add3A_13, %dma_start3A_17] : memref<2500x128xi32, #tpu.memory_space<hbm>> -> memref<1x128xi32, #tpu.memory_space<hbm>>
    %dma_start3A_19 = tpu.memref_squeeze %dma_start3A_18 : memref<1x128xi32, #tpu.memory_space<hbm>> -> memref<128xi32, #tpu.memory_space<hbm>>
    tpu.enqueue_dma source(%dma_start3A_19 : memref<128xi32, #tpu.memory_space<hbm>>) target(%arg9 : memref<128xi32, #tpu.memory_space<vmem>>) target_semaphore(%arg15 : memref<!tpu.dma_semaphore, #tpu.memory_space<semaphore_mem>>)
    %add3A_20 = arith.constant 32 : i32
    %add3A_21 = arith.addi %add3A, %add3A_20 : i32
    %dma_start3A_22 = arith.constant 0 : i32
    %dma_start3A_23 = tpu.memref_slice %arg4[%add3A_21, %dma_start3A_22] : memref<2500x128xi32, #tpu.memory_space<hbm>> -> memref<1x128xi32, #tpu.memory_space<hbm>>
    %dma_start3A_24 = tpu.memref_squeeze %dma_start3A_23 : memref<1x128xi32, #tpu.memory_space<hbm>> -> memref<128xi32, #tpu.memory_space<hbm>>
    %dma_start3A_25 = arith.constant 0 : i32
    %dma_start3A_26 = tpu.memref_slice %arg4[%add3A_21, %dma_start3A_25] : memref<2500x128xi32, #tpu.memory_space<hbm>> -> memref<1x128xi32, #tpu.memory_space<hbm>>
    %dma_start3A_27 = tpu.memref_squeeze %dma_start3A_26 : memref<1x128xi32, #tpu.memory_space<hbm>> -> memref<128xi32, #tpu.memory_space<hbm>>
    tpu.enqueue_dma source(%dma_start3A_27 : memref<128xi32, #tpu.memory_space<hbm>>) target(%arg10 : memref<128xi32, #tpu.memory_space<vmem>>) target_semaphore(%arg16 : memref<!tpu.dma_semaphore, #tpu.memory_space<semaphore_mem>>)
    %mul3A_28 = arith.constant 632 : i32
    %mul3A_29 = arith.muli %arg1, %mul3A_28 : i32
    %multiple_of3A = tpu.assume_multiple %mul3A_29, 8 : i32
    "tpu.region"() ({
      %run_scoped3A = tpu.sem_alloc : memref<!tpu.dma_semaphore, #tpu.memory_space<semaphore_mem>>
      %dma_start3A_38 = arith.constant 0 : i32
      %dma_start3A_39 = tpu.memref_slice %arg21[%multiple_of3A, %dma_start3A_38] : memref<10112x128xf32, #tpu.memory_space<vmem_shared>> -> memref<632x128xf32, #tpu.memory_space<vmem_shared>>
      tpu.enqueue_dma source(%arg5 : memref<632x128xf32, #tpu.memory_space<hbm>>) target(%dma_start3A_39 : memref<632x128xf32, #tpu.memory_space<vmem_shared>>) target_semaphore(%run_scoped3A : memref<!tpu.dma_semaphore, #tpu.memory_space<semaphore_mem>>)
      %dma_wait3A = arith.constant 0 : i32
      %dma_wait3A_40 = tpu.memref_slice %arg21[%multiple_of3A, %dma_wait3A] : memref<10112x128xf32, #tpu.memory_space<vmem_shared>> -> memref<632x128xf32, #tpu.memory_space<vmem_shared>>
      tpu.wait_dma2 semaphore(%run_scoped3A : memref<!tpu.dma_semaphore, #tpu.memory_space<semaphore_mem>>) src(%arg5 : memref<632x128xf32, #tpu.memory_space<hbm>>) dst(%dma_wait3A_40 : memref<632x128xf32, #tpu.memory_space<vmem_shared>>)
      tpu.yield
    }) : () -> ()
    %barrier3A = arith.constant 0 : index
    tpu.barrier barrier_id(%barrier3A)
    %scan3A = arith.constant 0 : i32
    %scan3A_30 = arith.constant 0 : i32
    %scan3A_31 = arith.constant 39 : i32
    %scan3A_32 = arith.addi %scan3A_30, %scan3A_31 : i32
    %scan3A_33 = arith.constant 1 : i32
    scf.for %scan3A_38 = %scan3A_30 to %scan3A_32 step %scan3A_33  : i32 {
      %dma_wait3A = arith.constant 0 : i32
      %dma_wait3A_39 = arith.constant 0 : i32
      %dma_wait3A_40 = tpu.memref_slice %arg3[%dma_wait3A, %dma_wait3A_39] : memref<2500x128xi32, #tpu.memory_space<hbm>> -> memref<1x128xi32, #tpu.memory_space<hbm>>
      %dma_wait3A_41 = tpu.memref_squeeze %dma_wait3A_40 : memref<1x128xi32, #tpu.memory_space<hbm>> -> memref<128xi32, #tpu.memory_space<hbm>>
      %dma_wait3A_42 = arith.constant 0 : i32
      %dma_wait3A_43 = tpu.memref_slice %arg3[%dma_wait3A, %dma_wait3A_42] : memref<2500x128xi32, #tpu.memory_space<hbm>> -> memref<1x128xi32, #tpu.memory_space<hbm>>
      %dma_wait3A_44 = tpu.memref_squeeze %dma_wait3A_43 : memref<1x128xi32, #tpu.memory_space<hbm>> -> memref<128xi32, #tpu.memory_space<hbm>>
      tpu.wait_dma2 semaphore(%arg13 : memref<!tpu.dma_semaphore, #tpu.memory_space<semaphore_mem>>) src(%dma_wait3A_44 : memref<128xi32, #tpu.memory_space<hbm>>) dst(%arg7 : memref<128xi32, #tpu.memory_space<vmem>>)
      %dma_start3A_45 = arith.constant 0 : i32
      %dma_start3A_46 = arith.constant 0 : i32
      %dma_start3A_47 = tpu.memref_slice %arg2[%dma_start3A_45, %dma_start3A_46] : memref<60000x128xf32, #tpu.memory_space<hbm>> -> memref<60000x128xf32, #tpu.memory_space<hbm>>
      tpu.enqueue_indirect_dma source(%dma_start3A_47 : memref<60000x128xf32, #tpu.memory_space<hbm>>) target(%arg11 : memref<128x128xf32, #tpu.memory_space<vmem>>) offsets(%arg7 : memref<128xi32, #tpu.memory_space<vmem>>) semaphore(%arg17 : memref<!tpu.dma_semaphore, #tpu.memory_space<semaphore_mem>>)
      %dma_wait3A_48 = arith.constant 0 : i32
      %dma_wait3A_49 = arith.constant 0 : i32
      %dma_wait3A_50 = tpu.memref_slice %arg3[%dma_wait3A_48, %dma_wait3A_49] : memref<2500x128xi32, #tpu.memory_space<hbm>> -> memref<1x128xi32, #tpu.memory_space<hbm>>
      %dma_wait3A_51 = tpu.memref_squeeze %dma_wait3A_50 : memref<1x128xi32, #tpu.memory_space<hbm>> -> memref<128xi32, #tpu.memory_space<hbm>>
      %dma_wait3A_52 = arith.constant 0 : i32
      %dma_wait3A_53 = tpu.memref_slice %arg3[%dma_wait3A_48, %dma_wait3A_52] : memref<2500x128xi32, #tpu.memory_space<hbm>> -> memref<1x128xi32, #tpu.memory_space<hbm>>
      %dma_wait3A_54 = tpu.memref_squeeze %dma_wait3A_53 : memref<1x128xi32, #tpu.memory_space<hbm>> -> memref<128xi32, #tpu.memory_space<hbm>>
      tpu.wait_dma2 semaphore(%arg15 : memref<!tpu.dma_semaphore, #tpu.memory_space<semaphore_mem>>) src(%dma_wait3A_54 : memref<128xi32, #tpu.memory_space<hbm>>) dst(%arg9 : memref<128xi32, #tpu.memory_space<vmem>>)
      %dma_start3A_55 = arith.constant 0 : i32
      %dma_start3A_56 = arith.constant 0 : i32
      %dma_start3A_57 = tpu.memref_slice %arg2[%dma_start3A_55, %dma_start3A_56] : memref<60000x128xf32, #tpu.memory_space<hbm>> -> memref<60000x128xf32, #tpu.memory_space<hbm>>
      tpu.enqueue_indirect_dma source(%dma_start3A_57 : memref<60000x128xf32, #tpu.memory_space<hbm>>) target(%arg12 : memref<128x128xf32, #tpu.memory_space<vmem>>) offsets(%arg9 : memref<128xi32, #tpu.memory_space<vmem>>) semaphore(%arg18 : memref<!tpu.dma_semaphore, #tpu.memory_space<semaphore_mem>>)
      %dma_wait3A_58 = arith.constant 0 : i32
      %dma_wait3A_59 = arith.constant 0 : i32
      %dma_wait3A_60 = tpu.memref_slice %arg3[%dma_wait3A_58, %dma_wait3A_59] : memref<2500x128xi32, #tpu.memory_space<hbm>> -> memref<1x128xi32, #tpu.memory_space<hbm>>
      %dma_wait3A_61 = tpu.memref_squeeze %dma_wait3A_60 : memref<1x128xi32, #tpu.memory_space<hbm>> -> memref<128xi32, #tpu.memory_space<hbm>>
      %dma_wait3A_62 = arith.constant 0 : i32
      %dma_wait3A_63 = tpu.memref_slice %arg3[%dma_wait3A_58, %dma_wait3A_62] : memref<2500x128xi32, #tpu.memory_space<hbm>> -> memref<1x128xi32, #tpu.memory_space<hbm>>
      %dma_wait3A_64 = tpu.memref_squeeze %dma_wait3A_63 : memref<1x128xi32, #tpu.memory_space<hbm>> -> memref<128xi32, #tpu.memory_space<hbm>>
      tpu.wait_dma2 semaphore(%arg14 : memref<!tpu.dma_semaphore, #tpu.memory_space<semaphore_mem>>) src(%dma_wait3A_64 : memref<128xi32, #tpu.memory_space<hbm>>) dst(%arg8 : memref<128xi32, #tpu.memory_space<vmem>>)
      %dma_wait3A_65 = arith.constant 0 : i32
      %dma_wait3A_66 = arith.constant 0 : i32
      %dma_wait3A_67 = tpu.memref_slice %arg2[%dma_wait3A_65, %dma_wait3A_66] : memref<60000x128xf32, #tpu.memory_space<hbm>> -> memref<60000x128xf32, #tpu.memory_space<hbm>>
      tpu.wait_indirect_dma semaphore(%arg17 : memref<!tpu.dma_semaphore, #tpu.memory_space<semaphore_mem>>) src(%dma_wait3A_67 : memref<60000x128xf32, #tpu.memory_space<hbm>>) dst(%arg11 : memref<128x128xf32, #tpu.memory_space<vmem>>)
      %dma_start3A_68 = arith.constant 0 : i32
      %dma_start3A_69 = arith.constant 0 : i32
      %dma_start3A_70 = tpu.memref_slice %arg21[%dma_start3A_68, %dma_start3A_69] : memref<10112x128xf32, #tpu.memory_space<vmem_shared>> -> memref<10112x128xf32, #tpu.memory_space<vmem_shared>>
      tpu.enqueue_indirect_dma source(%arg11 : memref<128x128xf32, #tpu.memory_space<vmem>>) target(%dma_start3A_70 : memref<10112x128xf32, #tpu.memory_space<vmem_shared>>) offsets(%arg8 : memref<128xi32, #tpu.memory_space<vmem>>) semaphore(%arg19 : memref<!tpu.dma_semaphore, #tpu.memory_space<semaphore_mem>>) {add = true}
      %dma_wait3A_71 = arith.constant 0 : i32
      %dma_wait3A_72 = arith.constant 0 : i32
      %dma_wait3A_73 = tpu.memref_slice %arg3[%dma_wait3A_71, %dma_wait3A_72] : memref<2500x128xi32, #tpu.memory_space<hbm>> -> memref<1x128xi32, #tpu.memory_space<hbm>>
      %dma_wait3A_74 = tpu.memref_squeeze %dma_wait3A_73 : memref<1x128xi32, #tpu.memory_space<hbm>> -> memref<128xi32, #tpu.memory_space<hbm>>
      %dma_wait3A_75 = arith.constant 0 : i32
      %dma_wait3A_76 = tpu.memref_slice %arg3[%dma_wait3A_71, %dma_wait3A_75] : memref<2500x128xi32, #tpu.memory_space<hbm>> -> memref<1x128xi32, #tpu.memory_space<hbm>>
      %dma_wait3A_77 = tpu.memref_squeeze %dma_wait3A_76 : memref<1x128xi32, #tpu.memory_space<hbm>> -> memref<128xi32, #tpu.memory_space<hbm>>
      tpu.wait_dma2 semaphore(%arg16 : memref<!tpu.dma_semaphore, #tpu.memory_space<semaphore_mem>>) src(%dma_wait3A_77 : memref<128xi32, #tpu.memory_space<hbm>>) dst(%arg10 : memref<128xi32, #tpu.memory_space<vmem>>)
      %dma_wait3A_78 = arith.constant 0 : i32
      %dma_wait3A_79 = arith.constant 0 : i32
      %dma_wait3A_80 = tpu.memref_slice %arg2[%dma_wait3A_78, %dma_wait3A_79] : memref<60000x128xf32, #tpu.memory_space<hbm>> -> memref<60000x128xf32, #tpu.memory_space<hbm>>
      tpu.wait_indirect_dma semaphore(%arg18 : memref<!tpu.dma_semaphore, #tpu.memory_space<semaphore_mem>>) src(%dma_wait3A_80 : memref<60000x128xf32, #tpu.memory_space<hbm>>) dst(%arg12 : memref<128x128xf32, #tpu.memory_space<vmem>>)
      %dma_start3A_81 = arith.constant 0 : i32
      %dma_start3A_82 = arith.constant 0 : i32
      %dma_start3A_83 = tpu.memref_slice %arg21[%dma_start3A_81, %dma_start3A_82] : memref<10112x128xf32, #tpu.memory_space<vmem_shared>> -> memref<10112x128xf32, #tpu.memory_space<vmem_shared>>
      tpu.enqueue_indirect_dma source(%arg12 : memref<128x128xf32, #tpu.memory_space<vmem>>) target(%dma_start3A_83 : memref<10112x128xf32, #tpu.memory_space<vmem_shared>>) offsets(%arg10 : memref<128xi32, #tpu.memory_space<vmem>>) semaphore(%arg20 : memref<!tpu.dma_semaphore, #tpu.memory_space<semaphore_mem>>) {add = true}
      %dma_wait3A_84 = arith.constant 0 : i32
      %dma_wait3A_85 = arith.constant 0 : i32
      %dma_wait3A_86 = tpu.memref_slice %arg21[%dma_wait3A_84, %dma_wait3A_85] : memref<10112x128xf32, #tpu.memory_space<vmem_shared>> -> memref<10112x128xf32, #tpu.memory_space<vmem_shared>>
      tpu.wait_indirect_dma semaphore(%arg19 : memref<!tpu.dma_semaphore, #tpu.memory_space<semaphore_mem>>) src(%arg11 : memref<128x128xf32, #tpu.memory_space<vmem>>) dst(%dma_wait3A_86 : memref<10112x128xf32, #tpu.memory_space<vmem_shared>>)
      %lt3A_87 = arith.constant 38 : i32
      %lt3A_88 = arith.cmpi slt, %scan3A_38, %lt3A_87 : i32
      %convert_element_type3A_89 = arith.extui %lt3A_88 : i1 to i32
      %cond3A_90 = arith.constant 0 : i32
      %cond3A_91 = arith.cmpi ne, %convert_element_type3A_89, %cond3A_90 : i32
      scf.if %cond3A_91 {
        %mul3A_100 = arith.constant 2 : i32
        %mul3A_101 = arith.muli %mul3A_100, %scan3A_38 : i32
        %add3A_102 = arith.constant 2 : i32
        %add3A_103 = arith.addi %mul3A_101, %add3A_102 : i32
        %mul3A_104 = arith.constant 32 : i32
        %mul3A_105 = arith.muli %mul3A_104, %add3A_103 : i32
        %add3A_106 = arith.addi %add3A, %mul3A_105 : i32
        %dma_start3A_107 = arith.constant 0 : i32
        %dma_start3A_108 = tpu.memref_slice %arg3[%add3A_106, %dma_start3A_107] : memref<2500x128xi32, #tpu.memory_space<hbm>> -> memref<1x128xi32, #tpu.memory_space<hbm>>
        %dma_start3A_109 = tpu.memref_squeeze %dma_start3A_108 : memref<1x128xi32, #tpu.memory_space<hbm>> -> memref<128xi32, #tpu.memory_space<hbm>>
        %dma_start3A_110 = arith.constant 0 : i32
        %dma_start3A_111 = tpu.memref_slice %arg3[%add3A_106, %dma_start3A_110] : memref<2500x128xi32, #tpu.memory_space<hbm>> -> memref<1x128xi32, #tpu.memory_space<hbm>>
        %dma_start3A_112 = tpu.memref_squeeze %dma_start3A_111 : memref<1x128xi32, #tpu.memory_space<hbm>> -> memref<128xi32, #tpu.memory_space<hbm>>
        tpu.enqueue_dma source(%dma_start3A_112 : memref<128xi32, #tpu.memory_space<hbm>>) target(%arg7 : memref<128xi32, #tpu.memory_space<vmem>>) target_semaphore(%arg13 : memref<!tpu.dma_semaphore, #tpu.memory_space<semaphore_mem>>)
        %dma_start3A_113 = arith.constant 0 : i32
        %dma_start3A_114 = tpu.memref_slice %arg4[%add3A_106, %dma_start3A_113] : memref<2500x128xi32, #tpu.memory_space<hbm>> -> memref<1x128xi32, #tpu.memory_space<hbm>>
        %dma_start3A_115 = tpu.memref_squeeze %dma_start3A_114 : memref<1x128xi32, #tpu.memory_space<hbm>> -> memref<128xi32, #tpu.memory_space<hbm>>
        %dma_start3A_116 = arith.constant 0 : i32
        %dma_start3A_117 = tpu.memref_slice %arg4[%add3A_106, %dma_start3A_116] : memref<2500x128xi32, #tpu.memory_space<hbm>> -> memref<1x128xi32, #tpu.memory_space<hbm>>
        %dma_start3A_118 = tpu.memref_squeeze %dma_start3A_117 : memref<1x128xi32, #tpu.memory_space<hbm>> -> memref<128xi32, #tpu.memory_space<hbm>>
        tpu.enqueue_dma source(%dma_start3A_118 : memref<128xi32, #tpu.memory_space<hbm>>) target(%arg8 : memref<128xi32, #tpu.memory_space<vmem>>) target_semaphore(%arg14 : memref<!tpu.dma_semaphore, #tpu.memory_space<semaphore_mem>>)
      } else {
      }
      %dma_wait3A_92 = arith.constant 0 : i32
      %dma_wait3A_93 = arith.constant 0 : i32
      %dma_wait3A_94 = tpu.memref_slice %arg21[%dma_wait3A_92, %dma_wait3A_93] : memref<10112x128xf32, #tpu.memory_space<vmem_shared>> -> memref<10112x128xf32, #tpu.memory_space<vmem_shared>>
      tpu.wait_indirect_dma semaphore(%arg20 : memref<!tpu.dma_semaphore, #tpu.memory_space<semaphore_mem>>) src(%arg12 : memref<128x128xf32, #tpu.memory_space<vmem>>) dst(%dma_wait3A_94 : memref<10112x128xf32, #tpu.memory_space<vmem_shared>>)
      %lt3A_95 = arith.constant 38 : i32
      %lt3A_96 = arith.cmpi slt, %scan3A_38, %lt3A_95 : i32
      %convert_element_type3A_97 = arith.extui %lt3A_96 : i1 to i32
      %cond3A_98 = arith.constant 0 : i32
      %cond3A_99 = arith.cmpi ne, %convert_element_type3A_97, %cond3A_98 : i32
      scf.if %cond3A_99 {
        %mul3A_100 = arith.constant 2 : i32
        %mul3A_101 = arith.muli %mul3A_100, %scan3A_38 : i32
        %add3A_102 = arith.constant 3 : i32
        %add3A_103 = arith.addi %mul3A_101, %add3A_102 : i32
        %mul3A_104 = arith.constant 32 : i32
        %mul3A_105 = arith.muli %mul3A_104, %add3A_103 : i32
        %add3A_106 = arith.addi %add3A, %mul3A_105 : i32
        %dma_start3A_107 = arith.constant 0 : i32
        %dma_start3A_108 = tpu.memref_slice %arg3[%add3A_106, %dma_start3A_107] : memref<2500x128xi32, #tpu.memory_space<hbm>> -> memref<1x128xi32, #tpu.memory_space<hbm>>
        %dma_start3A_109 = tpu.memref_squeeze %dma_start3A_108 : memref<1x128xi32, #tpu.memory_space<hbm>> -> memref<128xi32, #tpu.memory_space<hbm>>
        %dma_start3A_110 = arith.constant 0 : i32
        %dma_start3A_111 = tpu.memref_slice %arg3[%add3A_106, %dma_start3A_110] : memref<2500x128xi32, #tpu.memory_space<hbm>> -> memref<1x128xi32, #tpu.memory_space<hbm>>
        %dma_start3A_112 = tpu.memref_squeeze %dma_start3A_111 : memref<1x128xi32, #tpu.memory_space<hbm>> -> memref<128xi32, #tpu.memory_space<hbm>>
        tpu.enqueue_dma source(%dma_start3A_112 : memref<128xi32, #tpu.memory_space<hbm>>) target(%arg9 : memref<128xi32, #tpu.memory_space<vmem>>) target_semaphore(%arg15 : memref<!tpu.dma_semaphore, #tpu.memory_space<semaphore_mem>>)
        %dma_start3A_113 = arith.constant 0 : i32
        %dma_start3A_114 = tpu.memref_slice %arg4[%add3A_106, %dma_start3A_113] : memref<2500x128xi32, #tpu.memory_space<hbm>> -> memref<1x128xi32, #tpu.memory_space<hbm>>
        %dma_start3A_115 = tpu.memref_squeeze %dma_start3A_114 : memref<1x128xi32, #tpu.memory_space<hbm>> -> memref<128xi32, #tpu.memory_space<hbm>>
        %dma_start3A_116 = arith.constant 0 : i32
        %dma_start3A_117 = tpu.memref_slice %arg4[%add3A_106, %dma_start3A_116] : memref<2500x128xi32, #tpu.memory_space<hbm>> -> memref<1x128xi32, #tpu.memory_space<hbm>>
        %dma_start3A_118 = tpu.memref_squeeze %dma_start3A_117 : memref<1x128xi32, #tpu.memory_space<hbm>> -> memref<128xi32, #tpu.memory_space<hbm>>
        tpu.enqueue_dma source(%dma_start3A_118 : memref<128xi32, #tpu.memory_space<hbm>>) target(%arg10 : memref<128xi32, #tpu.memory_space<vmem>>) target_semaphore(%arg16 : memref<!tpu.dma_semaphore, #tpu.memory_space<semaphore_mem>>)
      } else {
      }
    }
    %scan3A_34 = arith.constant 39 : i32
    %lt3A = arith.constant 4 : i32
    %lt3A_35 = arith.cmpi slt, %add3A, %lt3A : i32
    %convert_element_type3A = arith.extui %lt3A_35 : i1 to i32
    %cond3A = arith.constant 0 : i32
    %cond3A_36 = arith.cmpi ne, %convert_element_type3A, %cond3A : i32
    scf.if %cond3A_36 {
      %add3A_38 = arith.constant 2496 : i32
      %add3A_39 = arith.addi %add3A_38, %add3A : i32
      "tpu.region"() ({
        %run_scoped3A = tpu.sem_alloc : memref<!tpu.dma_semaphore, #tpu.memory_space<semaphore_mem>>
        %dma_start3A_45 = arith.constant 0 : i32
        %dma_start3A_46 = tpu.memref_slice %arg3[%add3A_39, %dma_start3A_45] : memref<2500x128xi32, #tpu.memory_space<hbm>> -> memref<1x128xi32, #tpu.memory_space<hbm>>
        %dma_start3A_47 = tpu.memref_squeeze %dma_start3A_46 : memref<1x128xi32, #tpu.memory_space<hbm>> -> memref<128xi32, #tpu.memory_space<hbm>>
        %dma_start3A_48 = arith.constant 0 : i32
        %dma_start3A_49 = tpu.memref_slice %arg3[%add3A_39, %dma_start3A_48] : memref<2500x128xi32, #tpu.memory_space<hbm>> -> memref<1x128xi32, #tpu.memory_space<hbm>>
        %dma_start3A_50 = tpu.memref_squeeze %dma_start3A_49 : memref<1x128xi32, #tpu.memory_space<hbm>> -> memref<128xi32, #tpu.memory_space<hbm>>
        tpu.enqueue_dma source(%dma_start3A_50 : memref<128xi32, #tpu.memory_space<hbm>>) target(%arg7 : memref<128xi32, #tpu.memory_space<vmem>>) target_semaphore(%run_scoped3A : memref<!tpu.dma_semaphore, #tpu.memory_space<semaphore_mem>>)
        %dma_wait3A_51 = arith.constant 0 : i32
        %dma_wait3A_52 = tpu.memref_slice %arg3[%add3A_39, %dma_wait3A_51] : memref<2500x128xi32, #tpu.memory_space<hbm>> -> memref<1x128xi32, #tpu.memory_space<hbm>>
        %dma_wait3A_53 = tpu.memref_squeeze %dma_wait3A_52 : memref<1x128xi32, #tpu.memory_space<hbm>> -> memref<128xi32, #tpu.memory_space<hbm>>
        %dma_wait3A_54 = arith.constant 0 : i32
        %dma_wait3A_55 = tpu.memref_slice %arg3[%add3A_39, %dma_wait3A_54] : memref<2500x128xi32, #tpu.memory_space<hbm>> -> memref<1x128xi32, #tpu.memory_space<hbm>>
        %dma_wait3A_56 = tpu.memref_squeeze %dma_wait3A_55 : memref<1x128xi32, #tpu.memory_space<hbm>> -> memref<128xi32, #tpu.memory_space<hbm>>
        tpu.wait_dma2 semaphore(%run_scoped3A : memref<!tpu.dma_semaphore, #tpu.memory_space<semaphore_mem>>) src(%dma_wait3A_56 : memref<128xi32, #tpu.memory_space<hbm>>) dst(%arg7 : memref<128xi32, #tpu.memory_space<vmem>>)
        tpu.yield
      }) : () -> ()
      "tpu.region"() ({
        %run_scoped3A = tpu.sem_alloc : memref<!tpu.dma_semaphore, #tpu.memory_space<semaphore_mem>>
        %dma_start3A_45 = arith.constant 0 : i32
        %dma_start3A_46 = tpu.memref_slice %arg4[%add3A_39, %dma_start3A_45] : memref<2500x128xi32, #tpu.memory_space<hbm>> -> memref<1x128xi32, #tpu.memory_space<hbm>>
        %dma_start3A_47 = tpu.memref_squeeze %dma_start3A_46 : memref<1x128xi32, #tpu.memory_space<hbm>> -> memref<128xi32, #tpu.memory_space<hbm>>
        %dma_start3A_48 = arith.constant 0 : i32
        %dma_start3A_49 = tpu.memref_slice %arg4[%add3A_39, %dma_start3A_48] : memref<2500x128xi32, #tpu.memory_space<hbm>> -> memref<1x128xi32, #tpu.memory_space<hbm>>
        %dma_start3A_50 = tpu.memref_squeeze %dma_start3A_49 : memref<1x128xi32, #tpu.memory_space<hbm>> -> memref<128xi32, #tpu.memory_space<hbm>>
        tpu.enqueue_dma source(%dma_start3A_50 : memref<128xi32, #tpu.memory_space<hbm>>) target(%arg8 : memref<128xi32, #tpu.memory_space<vmem>>) target_semaphore(%run_scoped3A : memref<!tpu.dma_semaphore, #tpu.memory_space<semaphore_mem>>)
        %dma_wait3A_51 = arith.constant 0 : i32
        %dma_wait3A_52 = tpu.memref_slice %arg4[%add3A_39, %dma_wait3A_51] : memref<2500x128xi32, #tpu.memory_space<hbm>> -> memref<1x128xi32, #tpu.memory_space<hbm>>
        %dma_wait3A_53 = tpu.memref_squeeze %dma_wait3A_52 : memref<1x128xi32, #tpu.memory_space<hbm>> -> memref<128xi32, #tpu.memory_space<hbm>>
        %dma_wait3A_54 = arith.constant 0 : i32
        %dma_wait3A_55 = tpu.memref_slice %arg4[%add3A_39, %dma_wait3A_54] : memref<2500x128xi32, #tpu.memory_space<hbm>> -> memref<1x128xi32, #tpu.memory_space<hbm>>
        %dma_wait3A_56 = tpu.memref_squeeze %dma_wait3A_55 : memref<1x128xi32, #tpu.memory_space<hbm>> -> memref<128xi32, #tpu.memory_space<hbm>>
        tpu.wait_dma2 semaphore(%run_scoped3A : memref<!tpu.dma_semaphore, #tpu.memory_space<semaphore_mem>>) src(%dma_wait3A_56 : memref<128xi32, #tpu.memory_space<hbm>>) dst(%arg8 : memref<128xi32, #tpu.memory_space<vmem>>)
        tpu.yield
      }) : () -> ()
      %dma_start3A_40 = arith.constant 0 : i32
      %dma_start3A_41 = arith.constant 0 : i32
      %dma_start3A_42 = tpu.memref_slice %arg2[%dma_start3A_40, %dma_start3A_41] : memref<60000x128xf32, #tpu.memory_space<hbm>> -> memref<60000x128xf32, #tpu.memory_space<hbm>>
      tpu.enqueue_indirect_dma source(%dma_start3A_42 : memref<60000x128xf32, #tpu.memory_space<hbm>>) target(%arg11 : memref<128x128xf32, #tpu.memory_space<vmem>>) offsets(%arg7 : memref<128xi32, #tpu.memory_space<vmem>>) semaphore(%arg17 : memref<!tpu.dma_semaphore, #tpu.memory_space<semaphore_mem>>)
      %dma_wait3A = arith.constant 0 : i32
      %dma_wait3A_43 = arith.constant 0 : i32
      %dma_wait3A_44 = tpu.memref_slice %arg2[%dma_wait3A, %dma_wait3A_43] : memref<60000x128xf32, #tpu.memory_space<hbm>> -> memref<60000x128xf32, #tpu.memory_space<hbm>>
      tpu.wait_indirect_dma semaphore(%arg17 : memref<!tpu.dma_semaphore, #tpu.memory_space<semaphore_mem>>) src(%dma_wait3A_44 : memref<60000x128xf32, #tpu.memory_space<hbm>>) dst(%arg11 : memref<128x128xf32, #tpu.memory_space<vmem>>)
      "tpu.region"() ({
        %run_scoped3A = tpu.sem_alloc : memref<!tpu.dma_semaphore, #tpu.memory_space<semaphore_mem>>
        %dma_start3A_45 = arith.constant 0 : i32
        %dma_start3A_46 = arith.constant 0 : i32
        %dma_start3A_47 = tpu.memref_slice %arg21[%dma_start3A_45, %dma_start3A_46] : memref<10112x128xf32, #tpu.memory_space<vmem_shared>> -> memref<10112x128xf32, #tpu.memory_space<vmem_shared>>
        tpu.enqueue_indirect_dma source(%arg11 : memref<128x128xf32, #tpu.memory_space<vmem>>) target(%dma_start3A_47 : memref<10112x128xf32, #tpu.memory_space<vmem_shared>>) offsets(%arg8 : memref<128xi32, #tpu.memory_space<vmem>>) semaphore(%run_scoped3A : memref<!tpu.dma_semaphore, #tpu.memory_space<semaphore_mem>>) {add = true}
        %dma_wait3A_48 = arith.constant 0 : i32
        %dma_wait3A_49 = arith.constant 0 : i32
        %dma_wait3A_50 = tpu.memref_slice %arg21[%dma_wait3A_48, %dma_wait3A_49] : memref<10112x128xf32, #tpu.memory_space<vmem_shared>> -> memref<10112x128xf32, #tpu.memory_space<vmem_shared>>
        tpu.wait_indirect_dma semaphore(%run_scoped3A : memref<!tpu.dma_semaphore, #tpu.memory_space<semaphore_mem>>) src(%arg11 : memref<128x128xf32, #tpu.memory_space<vmem>>) dst(%dma_wait3A_50 : memref<10112x128xf32, #tpu.memory_space<vmem_shared>>)
        tpu.yield
      }) : () -> ()
    } else {
    }
    %barrier3A_37 = arith.constant 0 : index
    tpu.barrier barrier_id(%barrier3A_37)
    "tpu.region"() ({
      %run_scoped3A = tpu.sem_alloc : memref<!tpu.dma_semaphore, #tpu.memory_space<semaphore_mem>>
      %dma_start3A_38 = arith.constant 0 : i32
      %dma_start3A_39 = tpu.memref_slice %arg6[%arg0, %multiple_of3A, %dma_start3A_38] : memref<2x10112x128xf32, #tpu.memory_space<hbm>> -> memref<1x632x128xf32, #tpu.memory_space<hbm>>
      %dma_start3A_40 = tpu.memref_squeeze %dma_start3A_39 : memref<1x632x128xf32, #tpu.memory_space<hbm>> -> memref<632x128xf32, #tpu.memory_space<hbm>>
      %dma_start3A_41 = arith.constant 0 : i32
      %dma_start3A_42 = tpu.memref_slice %arg21[%multiple_of3A, %dma_start3A_41] : memref<10112x128xf32, #tpu.memory_space<vmem_shared>> -> memref<632x128xf32, #tpu.memory_space<vmem_shared>>
      tpu.enqueue_dma source(%dma_start3A_42 : memref<632x128xf32, #tpu.memory_space<vmem_shared>>) target(%dma_start3A_40 : memref<632x128xf32, #tpu.memory_space<hbm>>) target_semaphore(%run_scoped3A : memref<!tpu.dma_semaphore, #tpu.memory_space<semaphore_mem>>)
      %dma_wait3A = arith.constant 0 : i32
      %dma_wait3A_43 = tpu.memref_slice %arg6[%arg0, %multiple_of3A, %dma_wait3A] : memref<2x10112x128xf32, #tpu.memory_space<hbm>> -> memref<1x632x128xf32, #tpu.memory_space<hbm>>
      %dma_wait3A_44 = tpu.memref_squeeze %dma_wait3A_43 : memref<1x632x128xf32, #tpu.memory_space<hbm>> -> memref<632x128xf32, #tpu.memory_space<hbm>>
      %dma_wait3A_45 = arith.constant 0 : i32
      %dma_wait3A_46 = tpu.memref_slice %arg21[%multiple_of3A, %dma_wait3A_45] : memref<10112x128xf32, #tpu.memory_space<vmem_shared>> -> memref<632x128xf32, #tpu.memory_space<vmem_shared>>
      tpu.wait_dma2 semaphore(%run_scoped3A : memref<!tpu.dma_semaphore, #tpu.memory_space<semaphore_mem>>) src(%dma_wait3A_46 : memref<632x128xf32, #tpu.memory_space<vmem_shared>>) dst(%dma_wait3A_44 : memref<632x128xf32, #tpu.memory_space<hbm>>)
      tpu.yield
    }) : () -> ()
    return
  }
}

#map = affine_map<(d0, d1) -> (0, 0)>
#map1 = affine_map<(d0, d1) -> (0, 0, 0)>
module attributes {stable_mosaic.version = 14 : i64} {
  func.func @_edge_body(%arg0: i32, %arg1: i32, %arg2: memref<60000x128xf32, #tpu.memory_space<hbm>>, %arg3: memref<2500x128xi32, #tpu.memory_space<hbm>>, %arg4: memref<2500x128xi32, #tpu.memory_space<hbm>>, %arg5: memref<632x128xf32, #tpu.memory_space<hbm>>, %arg6: memref<2x10112x128xf32, #tpu.memory_space<hbm>>, %arg7: memref<128xi32, #tpu.memory_space<vmem>>, %arg8: memref<128xi32, #tpu.memory_space<vmem>>, %arg9: memref<128xi32, #tpu.memory_space<vmem>>, %arg10: memref<128xi32, #tpu.memory_space<vmem>>, %arg11: memref<128x128xf32, #tpu.memory_space<vmem>>, %arg12: memref<128x128xf32, #tpu.memory_space<vmem>>, %arg13: memref<!tpu.dma_semaphore, #tpu.memory_space<semaphore_mem>>, %arg14: memref<!tpu.dma_semaphore, #tpu.memory_space<semaphore_mem>>, %arg15: memref<!tpu.dma_semaphore, #tpu.memory_space<semaphore_mem>>, %arg16: memref<!tpu.dma_semaphore, #tpu.memory_space<semaphore_mem>>, %arg17: memref<!tpu.dma_semaphore, #tpu.memory_space<semaphore_mem>>, %arg18: memref<!tpu.dma_semaphore, #tpu.memory_space<semaphore_mem>>, %arg19: memref<!tpu.dma_semaphore, #tpu.memory_space<semaphore_mem>>, %arg20: memref<!tpu.dma_semaphore, #tpu.memory_space<semaphore_mem>>, %arg21: memref<10112x128xf32, #tpu.memory_space<vmem_shared>>) attributes {dimension_semantics = [#tpu.dimension_semantics<core_parallel>, #tpu.dimension_semantics<subcore_parallel>], iteration_bounds = array<i64: 2, 16>, scalar_prefetch = 0 : i64, scratch_operands = 15 : i64, tpu.core_type = #tpu.core_type<sc_vector_subcore>, window_params = [{transform_indices = #map}, {transform_indices = #map}, {transform_indices = #map}, {transform_indices = #map}, {transform_indices = #map1}]} {
    %mul3A = arith.constant 2 : i32
    %mul3A_0 = arith.muli %arg1, %mul3A : i32
    %add3A = arith.addi %mul3A_0, %arg0 : i32
    %dma_start3A = arith.constant 0 : i32
    %dma_start3A_1 = tpu.memref_slice %arg3[%add3A, %dma_start3A] : memref<2500x128xi32, #tpu.memory_space<hbm>> -> memref<1x128xi32, #tpu.memory_space<hbm>>
    %dma_start3A_2 = tpu.memref_squeeze %dma_start3A_1 : memref<1x128xi32, #tpu.memory_space<hbm>> -> memref<128xi32, #tpu.memory_space<hbm>>
    %dma_start3A_3 = arith.constant 0 : i32
    %dma_start3A_4 = tpu.memref_slice %arg3[%add3A, %dma_start3A_3] : memref<2500x128xi32, #tpu.memory_space<hbm>> -> memref<1x128xi32, #tpu.memory_space<hbm>>
    %dma_start3A_5 = tpu.memref_squeeze %dma_start3A_4 : memref<1x128xi32, #tpu.memory_space<hbm>> -> memref<128xi32, #tpu.memory_space<hbm>>
    tpu.enqueue_dma source(%dma_start3A_5 : memref<128xi32, #tpu.memory_space<hbm>>) target(%arg7 : memref<128xi32, #tpu.memory_space<vmem>>) target_semaphore(%arg13 : memref<!tpu.dma_semaphore, #tpu.memory_space<semaphore_mem>>)
    %dma_start3A_6 = arith.constant 0 : i32
    %dma_start3A_7 = tpu.memref_slice %arg4[%add3A, %dma_start3A_6] : memref<2500x128xi32, #tpu.memory_space<hbm>> -> memref<1x128xi32, #tpu.memory_space<hbm>>
    %dma_start3A_8 = tpu.memref_squeeze %dma_start3A_7 : memref<1x128xi32, #tpu.memory_space<hbm>> -> memref<128xi32, #tpu.memory_space<hbm>>
    %dma_start3A_9 = arith.constant 0 : i32
    %dma_start3A_10 = tpu.memref_slice %arg4[%add3A, %dma_start3A_9] : memref<2500x128xi32, #tpu.memory_space<hbm>> -> memref<1x128xi32, #tpu.memory_space<hbm>>
    %dma_start3A_11 = tpu.memref_squeeze %dma_start3A_10 : memref<1x128xi32, #tpu.memory_space<hbm>> -> memref<128xi32, #tpu.memory_space<hbm>>
    tpu.enqueue_dma source(%dma_start3A_11 : memref<128xi32, #tpu.memory_space<hbm>>) target(%arg8 : memref<128xi32, #tpu.memory_space<vmem>>) target_semaphore(%arg14 : memref<!tpu.dma_semaphore, #tpu.memory_space<semaphore_mem>>)
    %add3A_12 = arith.constant 32 : i32
    %add3A_13 = arith.addi %add3A, %add3A_12 : i32
    %dma_start3A_14 = arith.constant 0 : i32
    %dma_start3A_15 = tpu.memref_slice %arg3[%add3A_13, %dma_start3A_14] : memref<2500x128xi32, #tpu.memory_space<hbm>> -> memref<1x128xi32, #tpu.memory_space<hbm>>
    %dma_start3A_16 = tpu.memref_squeeze %dma_start3A_15 : memref<1x128xi32, #tpu.memory_space<hbm>> -> memref<128xi32, #tpu.memory_space<hbm>>
    %dma_start3A_17 = arith.constant 0 : i32
    %dma_start3A_18 = tpu.memref_slice %arg3[%add3A_13, %dma_start3A_17] : memref<2500x128xi32, #tpu.memory_space<hbm>> -> memref<1x128xi32, #tpu.memory_space<hbm>>
    %dma_start3A_19 = tpu.memref_squeeze %dma_start3A_18 : memref<1x128xi32, #tpu.memory_space<hbm>> -> memref<128xi32, #tpu.memory_space<hbm>>
    tpu.enqueue_dma source(%dma_start3A_19 : memref<128xi32, #tpu.memory_space<hbm>>) target(%arg9 : memref<128xi32, #tpu.memory_space<vmem>>) target_semaphore(%arg15 : memref<!tpu.dma_semaphore, #tpu.memory_space<semaphore_mem>>)
    %add3A_20 = arith.constant 32 : i32
    %add3A_21 = arith.addi %add3A, %add3A_20 : i32
    %dma_start3A_22 = arith.constant 0 : i32
    %dma_start3A_23 = tpu.memref_slice %arg4[%add3A_21, %dma_start3A_22] : memref<2500x128xi32, #tpu.memory_space<hbm>> -> memref<1x128xi32, #tpu.memory_space<hbm>>
    %dma_start3A_24 = tpu.memref_squeeze %dma_start3A_23 : memref<1x128xi32, #tpu.memory_space<hbm>> -> memref<128xi32, #tpu.memory_space<hbm>>
    %dma_start3A_25 = arith.constant 0 : i32
    %dma_start3A_26 = tpu.memref_slice %arg4[%add3A_21, %dma_start3A_25] : memref<2500x128xi32, #tpu.memory_space<hbm>> -> memref<1x128xi32, #tpu.memory_space<hbm>>
    %dma_start3A_27 = tpu.memref_squeeze %dma_start3A_26 : memref<1x128xi32, #tpu.memory_space<hbm>> -> memref<128xi32, #tpu.memory_space<hbm>>
    tpu.enqueue_dma source(%dma_start3A_27 : memref<128xi32, #tpu.memory_space<hbm>>) target(%arg10 : memref<128xi32, #tpu.memory_space<vmem>>) target_semaphore(%arg16 : memref<!tpu.dma_semaphore, #tpu.memory_space<semaphore_mem>>)
    %mul3A_28 = arith.constant 632 : i32
    %mul3A_29 = arith.muli %arg1, %mul3A_28 : i32
    %multiple_of3A = tpu.assume_multiple %mul3A_29, 8 : i32
    "tpu.region"() ({
      %run_scoped3A = tpu.sem_alloc : memref<!tpu.dma_semaphore, #tpu.memory_space<semaphore_mem>>
      %dma_start3A_38 = arith.constant 0 : i32
      %dma_start3A_39 = tpu.memref_slice %arg21[%multiple_of3A, %dma_start3A_38] : memref<10112x128xf32, #tpu.memory_space<vmem_shared>> -> memref<632x128xf32, #tpu.memory_space<vmem_shared>>
      tpu.enqueue_dma source(%arg5 : memref<632x128xf32, #tpu.memory_space<hbm>>) target(%dma_start3A_39 : memref<632x128xf32, #tpu.memory_space<vmem_shared>>) target_semaphore(%run_scoped3A : memref<!tpu.dma_semaphore, #tpu.memory_space<semaphore_mem>>)
      %dma_wait3A = arith.constant 0 : i32
      %dma_wait3A_40 = tpu.memref_slice %arg21[%multiple_of3A, %dma_wait3A] : memref<10112x128xf32, #tpu.memory_space<vmem_shared>> -> memref<632x128xf32, #tpu.memory_space<vmem_shared>>
      tpu.wait_dma2 semaphore(%run_scoped3A : memref<!tpu.dma_semaphore, #tpu.memory_space<semaphore_mem>>) src(%arg5 : memref<632x128xf32, #tpu.memory_space<hbm>>) dst(%dma_wait3A_40 : memref<632x128xf32, #tpu.memory_space<vmem_shared>>)
      tpu.yield
    }) : () -> ()
    %barrier3A = arith.constant 0 : index
    tpu.barrier barrier_id(%barrier3A)
    %scan3A = arith.constant 0 : i32
    %scan3A_30 = arith.constant 0 : i32
    %scan3A_31 = arith.constant 39 : i32
    %scan3A_32 = arith.addi %scan3A_30, %scan3A_31 : i32
    %scan3A_33 = arith.constant 1 : i32
    scf.for %scan3A_38 = %scan3A_30 to %scan3A_32 step %scan3A_33  : i32 {
      %dma_wait3A = arith.constant 0 : i32
      %dma_wait3A_39 = arith.constant 0 : i32
      %dma_wait3A_40 = tpu.memref_slice %arg3[%dma_wait3A, %dma_wait3A_39] : memref<2500x128xi32, #tpu.memory_space<hbm>> -> memref<1x128xi32, #tpu.memory_space<hbm>>
      %dma_wait3A_41 = tpu.memref_squeeze %dma_wait3A_40 : memref<1x128xi32, #tpu.memory_space<hbm>> -> memref<128xi32, #tpu.memory_space<hbm>>
      %dma_wait3A_42 = arith.constant 0 : i32
      %dma_wait3A_43 = tpu.memref_slice %arg3[%dma_wait3A, %dma_wait3A_42] : memref<2500x128xi32, #tpu.memory_space<hbm>> -> memref<1x128xi32, #tpu.memory_space<hbm>>
      %dma_wait3A_44 = tpu.memref_squeeze %dma_wait3A_43 : memref<1x128xi32, #tpu.memory_space<hbm>> -> memref<128xi32, #tpu.memory_space<hbm>>
      tpu.wait_dma2 semaphore(%arg13 : memref<!tpu.dma_semaphore, #tpu.memory_space<semaphore_mem>>) src(%dma_wait3A_44 : memref<128xi32, #tpu.memory_space<hbm>>) dst(%arg7 : memref<128xi32, #tpu.memory_space<vmem>>)
      %dma_start3A_45 = arith.constant 0 : i32
      %dma_start3A_46 = arith.constant 0 : i32
      %dma_start3A_47 = tpu.memref_slice %arg2[%dma_start3A_45, %dma_start3A_46] : memref<60000x128xf32, #tpu.memory_space<hbm>> -> memref<60000x128xf32, #tpu.memory_space<hbm>>
      tpu.enqueue_indirect_dma source(%dma_start3A_47 : memref<60000x128xf32, #tpu.memory_space<hbm>>) target(%arg11 : memref<128x128xf32, #tpu.memory_space<vmem>>) offsets(%arg7 : memref<128xi32, #tpu.memory_space<vmem>>) semaphore(%arg17 : memref<!tpu.dma_semaphore, #tpu.memory_space<semaphore_mem>>)
      %dma_wait3A_48 = arith.constant 0 : i32
      %dma_wait3A_49 = arith.constant 0 : i32
      %dma_wait3A_50 = tpu.memref_slice %arg3[%dma_wait3A_48, %dma_wait3A_49] : memref<2500x128xi32, #tpu.memory_space<hbm>> -> memref<1x128xi32, #tpu.memory_space<hbm>>
      %dma_wait3A_51 = tpu.memref_squeeze %dma_wait3A_50 : memref<1x128xi32, #tpu.memory_space<hbm>> -> memref<128xi32, #tpu.memory_space<hbm>>
      %dma_wait3A_52 = arith.constant 0 : i32
      %dma_wait3A_53 = tpu.memref_slice %arg3[%dma_wait3A_48, %dma_wait3A_52] : memref<2500x128xi32, #tpu.memory_space<hbm>> -> memref<1x128xi32, #tpu.memory_space<hbm>>
      %dma_wait3A_54 = tpu.memref_squeeze %dma_wait3A_53 : memref<1x128xi32, #tpu.memory_space<hbm>> -> memref<128xi32, #tpu.memory_space<hbm>>
      tpu.wait_dma2 semaphore(%arg15 : memref<!tpu.dma_semaphore, #tpu.memory_space<semaphore_mem>>) src(%dma_wait3A_54 : memref<128xi32, #tpu.memory_space<hbm>>) dst(%arg9 : memref<128xi32, #tpu.memory_space<vmem>>)
      %dma_start3A_55 = arith.constant 0 : i32
      %dma_start3A_56 = arith.constant 0 : i32
      %dma_start3A_57 = tpu.memref_slice %arg2[%dma_start3A_55, %dma_start3A_56] : memref<60000x128xf32, #tpu.memory_space<hbm>> -> memref<60000x128xf32, #tpu.memory_space<hbm>>
      tpu.enqueue_indirect_dma source(%dma_start3A_57 : memref<60000x128xf32, #tpu.memory_space<hbm>>) target(%arg12 : memref<128x128xf32, #tpu.memory_space<vmem>>) offsets(%arg9 : memref<128xi32, #tpu.memory_space<vmem>>) semaphore(%arg18 : memref<!tpu.dma_semaphore, #tpu.memory_space<semaphore_mem>>)
      %dma_wait3A_58 = arith.constant 0 : i32
      %dma_wait3A_59 = arith.constant 0 : i32
      %dma_wait3A_60 = tpu.memref_slice %arg3[%dma_wait3A_58, %dma_wait3A_59] : memref<2500x128xi32, #tpu.memory_space<hbm>> -> memref<1x128xi32, #tpu.memory_space<hbm>>
      %dma_wait3A_61 = tpu.memref_squeeze %dma_wait3A_60 : memref<1x128xi32, #tpu.memory_space<hbm>> -> memref<128xi32, #tpu.memory_space<hbm>>
      %dma_wait3A_62 = arith.constant 0 : i32
      %dma_wait3A_63 = tpu.memref_slice %arg3[%dma_wait3A_58, %dma_wait3A_62] : memref<2500x128xi32, #tpu.memory_space<hbm>> -> memref<1x128xi32, #tpu.memory_space<hbm>>
      %dma_wait3A_64 = tpu.memref_squeeze %dma_wait3A_63 : memref<1x128xi32, #tpu.memory_space<hbm>> -> memref<128xi32, #tpu.memory_space<hbm>>
      tpu.wait_dma2 semaphore(%arg14 : memref<!tpu.dma_semaphore, #tpu.memory_space<semaphore_mem>>) src(%dma_wait3A_64 : memref<128xi32, #tpu.memory_space<hbm>>) dst(%arg8 : memref<128xi32, #tpu.memory_space<vmem>>)
      %dma_wait3A_65 = arith.constant 0 : i32
      %dma_wait3A_66 = arith.constant 0 : i32
      %dma_wait3A_67 = tpu.memref_slice %arg2[%dma_wait3A_65, %dma_wait3A_66] : memref<60000x128xf32, #tpu.memory_space<hbm>> -> memref<60000x128xf32, #tpu.memory_space<hbm>>
      tpu.wait_indirect_dma semaphore(%arg17 : memref<!tpu.dma_semaphore, #tpu.memory_space<semaphore_mem>>) src(%dma_wait3A_67 : memref<60000x128xf32, #tpu.memory_space<hbm>>) dst(%arg11 : memref<128x128xf32, #tpu.memory_space<vmem>>)
      %dma_start3A_68 = arith.constant 0 : i32
      %dma_start3A_69 = arith.constant 0 : i32
      %dma_start3A_70 = tpu.memref_slice %arg21[%dma_start3A_68, %dma_start3A_69] : memref<10112x128xf32, #tpu.memory_space<vmem_shared>> -> memref<10112x128xf32, #tpu.memory_space<vmem_shared>>
      tpu.enqueue_indirect_dma source(%arg11 : memref<128x128xf32, #tpu.memory_space<vmem>>) target(%dma_start3A_70 : memref<10112x128xf32, #tpu.memory_space<vmem_shared>>) offsets(%arg8 : memref<128xi32, #tpu.memory_space<vmem>>) semaphore(%arg19 : memref<!tpu.dma_semaphore, #tpu.memory_space<semaphore_mem>>) {add = true}
      %dma_wait3A_71 = arith.constant 0 : i32
      %dma_wait3A_72 = arith.constant 0 : i32
      %dma_wait3A_73 = tpu.memref_slice %arg3[%dma_wait3A_71, %dma_wait3A_72] : memref<2500x128xi32, #tpu.memory_space<hbm>> -> memref<1x128xi32, #tpu.memory_space<hbm>>
      %dma_wait3A_74 = tpu.memref_squeeze %dma_wait3A_73 : memref<1x128xi32, #tpu.memory_space<hbm>> -> memref<128xi32, #tpu.memory_space<hbm>>
      %dma_wait3A_75 = arith.constant 0 : i32
      %dma_wait3A_76 = tpu.memref_slice %arg3[%dma_wait3A_71, %dma_wait3A_75] : memref<2500x128xi32, #tpu.memory_space<hbm>> -> memref<1x128xi32, #tpu.memory_space<hbm>>
      %dma_wait3A_77 = tpu.memref_squeeze %dma_wait3A_76 : memref<1x128xi32, #tpu.memory_space<hbm>> -> memref<128xi32, #tpu.memory_space<hbm>>
      tpu.wait_dma2 semaphore(%arg16 : memref<!tpu.dma_semaphore, #tpu.memory_space<semaphore_mem>>) src(%dma_wait3A_77 : memref<128xi32, #tpu.memory_space<hbm>>) dst(%arg10 : memref<128xi32, #tpu.memory_space<vmem>>)
      %dma_wait3A_78 = arith.constant 0 : i32
      %dma_wait3A_79 = arith.constant 0 : i32
      %dma_wait3A_80 = tpu.memref_slice %arg2[%dma_wait3A_78, %dma_wait3A_79] : memref<60000x128xf32, #tpu.memory_space<hbm>> -> memref<60000x128xf32, #tpu.memory_space<hbm>>
      tpu.wait_indirect_dma semaphore(%arg18 : memref<!tpu.dma_semaphore, #tpu.memory_space<semaphore_mem>>) src(%dma_wait3A_80 : memref<60000x128xf32, #tpu.memory_space<hbm>>) dst(%arg12 : memref<128x128xf32, #tpu.memory_space<vmem>>)
      %dma_start3A_81 = arith.constant 0 : i32
      %dma_start3A_82 = arith.constant 0 : i32
      %dma_start3A_83 = tpu.memref_slice %arg21[%dma_start3A_81, %dma_start3A_82] : memref<10112x128xf32, #tpu.memory_space<vmem_shared>> -> memref<10112x128xf32, #tpu.memory_space<vmem_shared>>
      tpu.enqueue_indirect_dma source(%arg12 : memref<128x128xf32, #tpu.memory_space<vmem>>) target(%dma_start3A_83 : memref<10112x128xf32, #tpu.memory_space<vmem_shared>>) offsets(%arg10 : memref<128xi32, #tpu.memory_space<vmem>>) semaphore(%arg20 : memref<!tpu.dma_semaphore, #tpu.memory_space<semaphore_mem>>) {add = true}
      %dma_wait3A_84 = arith.constant 0 : i32
      %dma_wait3A_85 = arith.constant 0 : i32
      %dma_wait3A_86 = tpu.memref_slice %arg21[%dma_wait3A_84, %dma_wait3A_85] : memref<10112x128xf32, #tpu.memory_space<vmem_shared>> -> memref<10112x128xf32, #tpu.memory_space<vmem_shared>>
      tpu.wait_indirect_dma semaphore(%arg19 : memref<!tpu.dma_semaphore, #tpu.memory_space<semaphore_mem>>) src(%arg11 : memref<128x128xf32, #tpu.memory_space<vmem>>) dst(%dma_wait3A_86 : memref<10112x128xf32, #tpu.memory_space<vmem_shared>>)
      %lt3A_87 = arith.constant 38 : i32
      %lt3A_88 = arith.cmpi slt, %scan3A_38, %lt3A_87 : i32
      %convert_element_type3A_89 = arith.extui %lt3A_88 : i1 to i32
      %cond3A_90 = arith.constant 0 : i32
      %cond3A_91 = arith.cmpi ne, %convert_element_type3A_89, %cond3A_90 : i32
      scf.if %cond3A_91 {
        %mul3A_100 = arith.constant 2 : i32
        %mul3A_101 = arith.muli %mul3A_100, %scan3A_38 : i32
        %add3A_102 = arith.constant 2 : i32
        %add3A_103 = arith.addi %mul3A_101, %add3A_102 : i32
        %mul3A_104 = arith.constant 32 : i32
        %mul3A_105 = arith.muli %mul3A_104, %add3A_103 : i32
        %add3A_106 = arith.addi %add3A, %mul3A_105 : i32
        %dma_start3A_107 = arith.constant 0 : i32
        %dma_start3A_108 = tpu.memref_slice %arg3[%add3A_106, %dma_start3A_107] : memref<2500x128xi32, #tpu.memory_space<hbm>> -> memref<1x128xi32, #tpu.memory_space<hbm>>
        %dma_start3A_109 = tpu.memref_squeeze %dma_start3A_108 : memref<1x128xi32, #tpu.memory_space<hbm>> -> memref<128xi32, #tpu.memory_space<hbm>>
        %dma_start3A_110 = arith.constant 0 : i32
        %dma_start3A_111 = tpu.memref_slice %arg3[%add3A_106, %dma_start3A_110] : memref<2500x128xi32, #tpu.memory_space<hbm>> -> memref<1x128xi32, #tpu.memory_space<hbm>>
        %dma_start3A_112 = tpu.memref_squeeze %dma_start3A_111 : memref<1x128xi32, #tpu.memory_space<hbm>> -> memref<128xi32, #tpu.memory_space<hbm>>
        tpu.enqueue_dma source(%dma_start3A_112 : memref<128xi32, #tpu.memory_space<hbm>>) target(%arg7 : memref<128xi32, #tpu.memory_space<vmem>>) target_semaphore(%arg13 : memref<!tpu.dma_semaphore, #tpu.memory_space<semaphore_mem>>)
        %dma_start3A_113 = arith.constant 0 : i32
        %dma_start3A_114 = tpu.memref_slice %arg4[%add3A_106, %dma_start3A_113] : memref<2500x128xi32, #tpu.memory_space<hbm>> -> memref<1x128xi32, #tpu.memory_space<hbm>>
        %dma_start3A_115 = tpu.memref_squeeze %dma_start3A_114 : memref<1x128xi32, #tpu.memory_space<hbm>> -> memref<128xi32, #tpu.memory_space<hbm>>
        %dma_start3A_116 = arith.constant 0 : i32
        %dma_start3A_117 = tpu.memref_slice %arg4[%add3A_106, %dma_start3A_116] : memref<2500x128xi32, #tpu.memory_space<hbm>> -> memref<1x128xi32, #tpu.memory_space<hbm>>
        %dma_start3A_118 = tpu.memref_squeeze %dma_start3A_117 : memref<1x128xi32, #tpu.memory_space<hbm>> -> memref<128xi32, #tpu.memory_space<hbm>>
        tpu.enqueue_dma source(%dma_start3A_118 : memref<128xi32, #tpu.memory_space<hbm>>) target(%arg8 : memref<128xi32, #tpu.memory_space<vmem>>) target_semaphore(%arg14 : memref<!tpu.dma_semaphore, #tpu.memory_space<semaphore_mem>>)
      } else {
      }
      %dma_wait3A_92 = arith.constant 0 : i32
      %dma_wait3A_93 = arith.constant 0 : i32
      %dma_wait3A_94 = tpu.memref_slice %arg21[%dma_wait3A_92, %dma_wait3A_93] : memref<10112x128xf32, #tpu.memory_space<vmem_shared>> -> memref<10112x128xf32, #tpu.memory_space<vmem_shared>>
      tpu.wait_indirect_dma semaphore(%arg20 : memref<!tpu.dma_semaphore, #tpu.memory_space<semaphore_mem>>) src(%arg12 : memref<128x128xf32, #tpu.memory_space<vmem>>) dst(%dma_wait3A_94 : memref<10112x128xf32, #tpu.memory_space<vmem_shared>>)
      %lt3A_95 = arith.constant 38 : i32
      %lt3A_96 = arith.cmpi slt, %scan3A_38, %lt3A_95 : i32
      %convert_element_type3A_97 = arith.extui %lt3A_96 : i1 to i32
      %cond3A_98 = arith.constant 0 : i32
      %cond3A_99 = arith.cmpi ne, %convert_element_type3A_97, %cond3A_98 : i32
      scf.if %cond3A_99 {
        %mul3A_100 = arith.constant 2 : i32
        %mul3A_101 = arith.muli %mul3A_100, %scan3A_38 : i32
        %add3A_102 = arith.constant 3 : i32
        %add3A_103 = arith.addi %mul3A_101, %add3A_102 : i32
        %mul3A_104 = arith.constant 32 : i32
        %mul3A_105 = arith.muli %mul3A_104, %add3A_103 : i32
        %add3A_106 = arith.addi %add3A, %mul3A_105 : i32
        %dma_start3A_107 = arith.constant 0 : i32
        %dma_start3A_108 = tpu.memref_slice %arg3[%add3A_106, %dma_start3A_107] : memref<2500x128xi32, #tpu.memory_space<hbm>> -> memref<1x128xi32, #tpu.memory_space<hbm>>
        %dma_start3A_109 = tpu.memref_squeeze %dma_start3A_108 : memref<1x128xi32, #tpu.memory_space<hbm>> -> memref<128xi32, #tpu.memory_space<hbm>>
        %dma_start3A_110 = arith.constant 0 : i32
        %dma_start3A_111 = tpu.memref_slice %arg3[%add3A_106, %dma_start3A_110] : memref<2500x128xi32, #tpu.memory_space<hbm>> -> memref<1x128xi32, #tpu.memory_space<hbm>>
        %dma_start3A_112 = tpu.memref_squeeze %dma_start3A_111 : memref<1x128xi32, #tpu.memory_space<hbm>> -> memref<128xi32, #tpu.memory_space<hbm>>
        tpu.enqueue_dma source(%dma_start3A_112 : memref<128xi32, #tpu.memory_space<hbm>>) target(%arg9 : memref<128xi32, #tpu.memory_space<vmem>>) target_semaphore(%arg15 : memref<!tpu.dma_semaphore, #tpu.memory_space<semaphore_mem>>)
        %dma_start3A_113 = arith.constant 0 : i32
        %dma_start3A_114 = tpu.memref_slice %arg4[%add3A_106, %dma_start3A_113] : memref<2500x128xi32, #tpu.memory_space<hbm>> -> memref<1x128xi32, #tpu.memory_space<hbm>>
        %dma_start3A_115 = tpu.memref_squeeze %dma_start3A_114 : memref<1x128xi32, #tpu.memory_space<hbm>> -> memref<128xi32, #tpu.memory_space<hbm>>
        %dma_start3A_116 = arith.constant 0 : i32
        %dma_start3A_117 = tpu.memref_slice %arg4[%add3A_106, %dma_start3A_116] : memref<2500x128xi32, #tpu.memory_space<hbm>> -> memref<1x128xi32, #tpu.memory_space<hbm>>
        %dma_start3A_118 = tpu.memref_squeeze %dma_start3A_117 : memref<1x128xi32, #tpu.memory_space<hbm>> -> memref<128xi32, #tpu.memory_space<hbm>>
        tpu.enqueue_dma source(%dma_start3A_118 : memref<128xi32, #tpu.memory_space<hbm>>) target(%arg10 : memref<128xi32, #tpu.memory_space<vmem>>) target_semaphore(%arg16 : memref<!tpu.dma_semaphore, #tpu.memory_space<semaphore_mem>>)
      } else {
      }
    }
    %scan3A_34 = arith.constant 39 : i32
    %lt3A = arith.constant 4 : i32
    %lt3A_35 = arith.cmpi slt, %add3A, %lt3A : i32
    %convert_element_type3A = arith.extui %lt3A_35 : i1 to i32
    %cond3A = arith.constant 0 : i32
    %cond3A_36 = arith.cmpi ne, %convert_element_type3A, %cond3A : i32
    scf.if %cond3A_36 {
      %add3A_38 = arith.constant 2496 : i32
      %add3A_39 = arith.addi %add3A_38, %add3A : i32
      "tpu.region"() ({
        %run_scoped3A = tpu.sem_alloc : memref<!tpu.dma_semaphore, #tpu.memory_space<semaphore_mem>>
        %dma_start3A_45 = arith.constant 0 : i32
        %dma_start3A_46 = tpu.memref_slice %arg3[%add3A_39, %dma_start3A_45] : memref<2500x128xi32, #tpu.memory_space<hbm>> -> memref<1x128xi32, #tpu.memory_space<hbm>>
        %dma_start3A_47 = tpu.memref_squeeze %dma_start3A_46 : memref<1x128xi32, #tpu.memory_space<hbm>> -> memref<128xi32, #tpu.memory_space<hbm>>
        %dma_start3A_48 = arith.constant 0 : i32
        %dma_start3A_49 = tpu.memref_slice %arg3[%add3A_39, %dma_start3A_48] : memref<2500x128xi32, #tpu.memory_space<hbm>> -> memref<1x128xi32, #tpu.memory_space<hbm>>
        %dma_start3A_50 = tpu.memref_squeeze %dma_start3A_49 : memref<1x128xi32, #tpu.memory_space<hbm>> -> memref<128xi32, #tpu.memory_space<hbm>>
        tpu.enqueue_dma source(%dma_start3A_50 : memref<128xi32, #tpu.memory_space<hbm>>) target(%arg7 : memref<128xi32, #tpu.memory_space<vmem>>) target_semaphore(%run_scoped3A : memref<!tpu.dma_semaphore, #tpu.memory_space<semaphore_mem>>)
        %dma_wait3A_51 = arith.constant 0 : i32
        %dma_wait3A_52 = tpu.memref_slice %arg3[%add3A_39, %dma_wait3A_51] : memref<2500x128xi32, #tpu.memory_space<hbm>> -> memref<1x128xi32, #tpu.memory_space<hbm>>
        %dma_wait3A_53 = tpu.memref_squeeze %dma_wait3A_52 : memref<1x128xi32, #tpu.memory_space<hbm>> -> memref<128xi32, #tpu.memory_space<hbm>>
        %dma_wait3A_54 = arith.constant 0 : i32
        %dma_wait3A_55 = tpu.memref_slice %arg3[%add3A_39, %dma_wait3A_54] : memref<2500x128xi32, #tpu.memory_space<hbm>> -> memref<1x128xi32, #tpu.memory_space<hbm>>
        %dma_wait3A_56 = tpu.memref_squeeze %dma_wait3A_55 : memref<1x128xi32, #tpu.memory_space<hbm>> -> memref<128xi32, #tpu.memory_space<hbm>>
        tpu.wait_dma2 semaphore(%run_scoped3A : memref<!tpu.dma_semaphore, #tpu.memory_space<semaphore_mem>>) src(%dma_wait3A_56 : memref<128xi32, #tpu.memory_space<hbm>>) dst(%arg7 : memref<128xi32, #tpu.memory_space<vmem>>)
        tpu.yield
      }) : () -> ()
      "tpu.region"() ({
        %run_scoped3A = tpu.sem_alloc : memref<!tpu.dma_semaphore, #tpu.memory_space<semaphore_mem>>
        %dma_start3A_45 = arith.constant 0 : i32
        %dma_start3A_46 = tpu.memref_slice %arg4[%add3A_39, %dma_start3A_45] : memref<2500x128xi32, #tpu.memory_space<hbm>> -> memref<1x128xi32, #tpu.memory_space<hbm>>
        %dma_start3A_47 = tpu.memref_squeeze %dma_start3A_46 : memref<1x128xi32, #tpu.memory_space<hbm>> -> memref<128xi32, #tpu.memory_space<hbm>>
        %dma_start3A_48 = arith.constant 0 : i32
        %dma_start3A_49 = tpu.memref_slice %arg4[%add3A_39, %dma_start3A_48] : memref<2500x128xi32, #tpu.memory_space<hbm>> -> memref<1x128xi32, #tpu.memory_space<hbm>>
        %dma_start3A_50 = tpu.memref_squeeze %dma_start3A_49 : memref<1x128xi32, #tpu.memory_space<hbm>> -> memref<128xi32, #tpu.memory_space<hbm>>
        tpu.enqueue_dma source(%dma_start3A_50 : memref<128xi32, #tpu.memory_space<hbm>>) target(%arg8 : memref<128xi32, #tpu.memory_space<vmem>>) target_semaphore(%run_scoped3A : memref<!tpu.dma_semaphore, #tpu.memory_space<semaphore_mem>>)
        %dma_wait3A_51 = arith.constant 0 : i32
        %dma_wait3A_52 = tpu.memref_slice %arg4[%add3A_39, %dma_wait3A_51] : memref<2500x128xi32, #tpu.memory_space<hbm>> -> memref<1x128xi32, #tpu.memory_space<hbm>>
        %dma_wait3A_53 = tpu.memref_squeeze %dma_wait3A_52 : memref<1x128xi32, #tpu.memory_space<hbm>> -> memref<128xi32, #tpu.memory_space<hbm>>
        %dma_wait3A_54 = arith.constant 0 : i32
        %dma_wait3A_55 = tpu.memref_slice %arg4[%add3A_39, %dma_wait3A_54] : memref<2500x128xi32, #tpu.memory_space<hbm>> -> memref<1x128xi32, #tpu.memory_space<hbm>>
        %dma_wait3A_56 = tpu.memref_squeeze %dma_wait3A_55 : memref<1x128xi32, #tpu.memory_space<hbm>> -> memref<128xi32, #tpu.memory_space<hbm>>
        tpu.wait_dma2 semaphore(%run_scoped3A : memref<!tpu.dma_semaphore, #tpu.memory_space<semaphore_mem>>) src(%dma_wait3A_56 : memref<128xi32, #tpu.memory_space<hbm>>) dst(%arg8 : memref<128xi32, #tpu.memory_space<vmem>>)
        tpu.yield
      }) : () -> ()
      %dma_start3A_40 = arith.constant 0 : i32
      %dma_start3A_41 = arith.constant 0 : i32
      %dma_start3A_42 = tpu.memref_slice %arg2[%dma_start3A_40, %dma_start3A_41] : memref<60000x128xf32, #tpu.memory_space<hbm>> -> memref<60000x128xf32, #tpu.memory_space<hbm>>
      tpu.enqueue_indirect_dma source(%dma_start3A_42 : memref<60000x128xf32, #tpu.memory_space<hbm>>) target(%arg11 : memref<128x128xf32, #tpu.memory_space<vmem>>) offsets(%arg7 : memref<128xi32, #tpu.memory_space<vmem>>) semaphore(%arg17 : memref<!tpu.dma_semaphore, #tpu.memory_space<semaphore_mem>>)
      %dma_wait3A = arith.constant 0 : i32
      %dma_wait3A_43 = arith.constant 0 : i32
      %dma_wait3A_44 = tpu.memref_slice %arg2[%dma_wait3A, %dma_wait3A_43] : memref<60000x128xf32, #tpu.memory_space<hbm>> -> memref<60000x128xf32, #tpu.memory_space<hbm>>
      tpu.wait_indirect_dma semaphore(%arg17 : memref<!tpu.dma_semaphore, #tpu.memory_space<semaphore_mem>>) src(%dma_wait3A_44 : memref<60000x128xf32, #tpu.memory_space<hbm>>) dst(%arg11 : memref<128x128xf32, #tpu.memory_space<vmem>>)
      "tpu.region"() ({
        %run_scoped3A = tpu.sem_alloc : memref<!tpu.dma_semaphore, #tpu.memory_space<semaphore_mem>>
        %dma_start3A_45 = arith.constant 0 : i32
        %dma_start3A_46 = arith.constant 0 : i32
        %dma_start3A_47 = tpu.memref_slice %arg21[%dma_start3A_45, %dma_start3A_46] : memref<10112x128xf32, #tpu.memory_space<vmem_shared>> -> memref<10112x128xf32, #tpu.memory_space<vmem_shared>>
        tpu.enqueue_indirect_dma source(%arg11 : memref<128x128xf32, #tpu.memory_space<vmem>>) target(%dma_start3A_47 : memref<10112x128xf32, #tpu.memory_space<vmem_shared>>) offsets(%arg8 : memref<128xi32, #tpu.memory_space<vmem>>) semaphore(%run_scoped3A : memref<!tpu.dma_semaphore, #tpu.memory_space<semaphore_mem>>) {add = true}
        %dma_wait3A_48 = arith.constant 0 : i32
        %dma_wait3A_49 = arith.constant 0 : i32
        %dma_wait3A_50 = tpu.memref_slice %arg21[%dma_wait3A_48, %dma_wait3A_49] : memref<10112x128xf32, #tpu.memory_space<vmem_shared>> -> memref<10112x128xf32, #tpu.memory_space<vmem_shared>>
        tpu.wait_indirect_dma semaphore(%run_scoped3A : memref<!tpu.dma_semaphore, #tpu.memory_space<semaphore_mem>>) src(%arg11 : memref<128x128xf32, #tpu.memory_space<vmem>>) dst(%dma_wait3A_50 : memref<10112x128xf32, #tpu.memory_space<vmem_shared>>)
        tpu.yield
      }) : () -> ()
    } else {
    }
    %barrier3A_37 = arith.constant 0 : index
    tpu.barrier barrier_id(%barrier3A_37)
    "tpu.region"() ({
      %run_scoped3A = tpu.sem_alloc : memref<!tpu.dma_semaphore, #tpu.memory_space<semaphore_mem>>
      %dma_start3A_38 = arith.constant 0 : i32
      %dma_start3A_39 = tpu.memref_slice %arg6[%arg0, %multiple_of3A, %dma_start3A_38] : memref<2x10112x128xf32, #tpu.memory_space<hbm>> -> memref<1x632x128xf32, #tpu.memory_space<hbm>>
      %dma_start3A_40 = tpu.memref_squeeze %dma_start3A_39 : memref<1x632x128xf32, #tpu.memory_space<hbm>> -> memref<632x128xf32, #tpu.memory_space<hbm>>
      %dma_start3A_41 = arith.constant 0 : i32
      %dma_start3A_42 = tpu.memref_slice %arg21[%multiple_of3A, %dma_start3A_41] : memref<10112x128xf32, #tpu.memory_space<vmem_shared>> -> memref<632x128xf32, #tpu.memory_space<vmem_shared>>
      tpu.enqueue_dma source(%dma_start3A_42 : memref<632x128xf32, #tpu.memory_space<vmem_shared>>) target(%dma_start3A_40 : memref<632x128xf32, #tpu.memory_space<hbm>>) target_semaphore(%run_scoped3A : memref<!tpu.dma_semaphore, #tpu.memory_space<semaphore_mem>>)
      %dma_wait3A = arith.constant 0 : i32
      %dma_wait3A_43 = tpu.memref_slice %arg6[%arg0, %multiple_of3A, %dma_wait3A] : memref<2x10112x128xf32, #tpu.memory_space<hbm>> -> memref<1x632x128xf32, #tpu.memory_space<hbm>>
      %dma_wait3A_44 = tpu.memref_squeeze %dma_wait3A_43 : memref<1x632x128xf32, #tpu.memory_space<hbm>> -> memref<632x128xf32, #tpu.memory_space<hbm>>
      %dma_wait3A_45 = arith.constant 0 : i32
      %dma_wait3A_46 = tpu.memref_slice %arg21[%multiple_of3A, %dma_wait3A_45] : memref<10112x128xf32, #tpu.memory_space<vmem_shared>> -> memref<632x128xf32, #tpu.memory_space<vmem_shared>>
      tpu.wait_dma2 semaphore(%run_scoped3A : memref<!tpu.dma_semaphore, #tpu.memory_space<semaphore_mem>>) src(%dma_wait3A_46 : memref<632x128xf32, #tpu.memory_space<vmem_shared>>) dst(%dma_wait3A_44 : memref<632x128xf32, #tpu.memory_space<hbm>>)
      tpu.yield
    }) : () -> ()
    return
  }
}

#map = affine_map<(d0, d1) -> (0, 0)>
#map1 = affine_map<(d0, d1) -> (0, 0, 0)>
module attributes {stable_mosaic.version = 14 : i64} {
  func.func @_edge_body(%arg0: i32, %arg1: i32, %arg2: memref<60000x128xf32, #tpu.memory_space<hbm>>, %arg3: memref<2500x128xi32, #tpu.memory_space<hbm>>, %arg4: memref<2500x128xi32, #tpu.memory_space<hbm>>, %arg5: memref<632x128xf32, #tpu.memory_space<hbm>>, %arg6: memref<2x10112x128xf32, #tpu.memory_space<hbm>>, %arg7: memref<128xi32, #tpu.memory_space<vmem>>, %arg8: memref<128xi32, #tpu.memory_space<vmem>>, %arg9: memref<128xi32, #tpu.memory_space<vmem>>, %arg10: memref<128xi32, #tpu.memory_space<vmem>>, %arg11: memref<128x128xf32, #tpu.memory_space<vmem>>, %arg12: memref<128x128xf32, #tpu.memory_space<vmem>>, %arg13: memref<!tpu.dma_semaphore, #tpu.memory_space<semaphore_mem>>, %arg14: memref<!tpu.dma_semaphore, #tpu.memory_space<semaphore_mem>>, %arg15: memref<!tpu.dma_semaphore, #tpu.memory_space<semaphore_mem>>, %arg16: memref<!tpu.dma_semaphore, #tpu.memory_space<semaphore_mem>>, %arg17: memref<!tpu.dma_semaphore, #tpu.memory_space<semaphore_mem>>, %arg18: memref<!tpu.dma_semaphore, #tpu.memory_space<semaphore_mem>>, %arg19: memref<!tpu.dma_semaphore, #tpu.memory_space<semaphore_mem>>, %arg20: memref<!tpu.dma_semaphore, #tpu.memory_space<semaphore_mem>>, %arg21: memref<10112x128xf32, #tpu.memory_space<vmem_shared>>) attributes {dimension_semantics = [#tpu.dimension_semantics<core_parallel>, #tpu.dimension_semantics<subcore_parallel>], iteration_bounds = array<i64: 2, 16>, scalar_prefetch = 0 : i64, scratch_operands = 15 : i64, tpu.core_type = #tpu.core_type<sc_vector_subcore>, window_params = [{transform_indices = #map}, {transform_indices = #map}, {transform_indices = #map}, {transform_indices = #map}, {transform_indices = #map1}]} {
    %mul3A = arith.constant 2 : i32
    %mul3A_0 = arith.muli %arg1, %mul3A : i32
    %add3A = arith.addi %mul3A_0, %arg0 : i32
    %dma_start3A = arith.constant 0 : i32
    %dma_start3A_1 = tpu.memref_slice %arg3[%add3A, %dma_start3A] : memref<2500x128xi32, #tpu.memory_space<hbm>> -> memref<1x128xi32, #tpu.memory_space<hbm>>
    %dma_start3A_2 = tpu.memref_squeeze %dma_start3A_1 : memref<1x128xi32, #tpu.memory_space<hbm>> -> memref<128xi32, #tpu.memory_space<hbm>>
    %dma_start3A_3 = arith.constant 0 : i32
    %dma_start3A_4 = tpu.memref_slice %arg3[%add3A, %dma_start3A_3] : memref<2500x128xi32, #tpu.memory_space<hbm>> -> memref<1x128xi32, #tpu.memory_space<hbm>>
    %dma_start3A_5 = tpu.memref_squeeze %dma_start3A_4 : memref<1x128xi32, #tpu.memory_space<hbm>> -> memref<128xi32, #tpu.memory_space<hbm>>
    tpu.enqueue_dma source(%dma_start3A_5 : memref<128xi32, #tpu.memory_space<hbm>>) target(%arg7 : memref<128xi32, #tpu.memory_space<vmem>>) target_semaphore(%arg13 : memref<!tpu.dma_semaphore, #tpu.memory_space<semaphore_mem>>)
    %dma_start3A_6 = arith.constant 0 : i32
    %dma_start3A_7 = tpu.memref_slice %arg4[%add3A, %dma_start3A_6] : memref<2500x128xi32, #tpu.memory_space<hbm>> -> memref<1x128xi32, #tpu.memory_space<hbm>>
    %dma_start3A_8 = tpu.memref_squeeze %dma_start3A_7 : memref<1x128xi32, #tpu.memory_space<hbm>> -> memref<128xi32, #tpu.memory_space<hbm>>
    %dma_start3A_9 = arith.constant 0 : i32
    %dma_start3A_10 = tpu.memref_slice %arg4[%add3A, %dma_start3A_9] : memref<2500x128xi32, #tpu.memory_space<hbm>> -> memref<1x128xi32, #tpu.memory_space<hbm>>
    %dma_start3A_11 = tpu.memref_squeeze %dma_start3A_10 : memref<1x128xi32, #tpu.memory_space<hbm>> -> memref<128xi32, #tpu.memory_space<hbm>>
    tpu.enqueue_dma source(%dma_start3A_11 : memref<128xi32, #tpu.memory_space<hbm>>) target(%arg8 : memref<128xi32, #tpu.memory_space<vmem>>) target_semaphore(%arg14 : memref<!tpu.dma_semaphore, #tpu.memory_space<semaphore_mem>>)
    %add3A_12 = arith.constant 32 : i32
    %add3A_13 = arith.addi %add3A, %add3A_12 : i32
    %dma_start3A_14 = arith.constant 0 : i32
    %dma_start3A_15 = tpu.memref_slice %arg3[%add3A_13, %dma_start3A_14] : memref<2500x128xi32, #tpu.memory_space<hbm>> -> memref<1x128xi32, #tpu.memory_space<hbm>>
    %dma_start3A_16 = tpu.memref_squeeze %dma_start3A_15 : memref<1x128xi32, #tpu.memory_space<hbm>> -> memref<128xi32, #tpu.memory_space<hbm>>
    %dma_start3A_17 = arith.constant 0 : i32
    %dma_start3A_18 = tpu.memref_slice %arg3[%add3A_13, %dma_start3A_17] : memref<2500x128xi32, #tpu.memory_space<hbm>> -> memref<1x128xi32, #tpu.memory_space<hbm>>
    %dma_start3A_19 = tpu.memref_squeeze %dma_start3A_18 : memref<1x128xi32, #tpu.memory_space<hbm>> -> memref<128xi32, #tpu.memory_space<hbm>>
    tpu.enqueue_dma source(%dma_start3A_19 : memref<128xi32, #tpu.memory_space<hbm>>) target(%arg9 : memref<128xi32, #tpu.memory_space<vmem>>) target_semaphore(%arg15 : memref<!tpu.dma_semaphore, #tpu.memory_space<semaphore_mem>>)
    %add3A_20 = arith.constant 32 : i32
    %add3A_21 = arith.addi %add3A, %add3A_20 : i32
    %dma_start3A_22 = arith.constant 0 : i32
    %dma_start3A_23 = tpu.memref_slice %arg4[%add3A_21, %dma_start3A_22] : memref<2500x128xi32, #tpu.memory_space<hbm>> -> memref<1x128xi32, #tpu.memory_space<hbm>>
    %dma_start3A_24 = tpu.memref_squeeze %dma_start3A_23 : memref<1x128xi32, #tpu.memory_space<hbm>> -> memref<128xi32, #tpu.memory_space<hbm>>
    %dma_start3A_25 = arith.constant 0 : i32
    %dma_start3A_26 = tpu.memref_slice %arg4[%add3A_21, %dma_start3A_25] : memref<2500x128xi32, #tpu.memory_space<hbm>> -> memref<1x128xi32, #tpu.memory_space<hbm>>
    %dma_start3A_27 = tpu.memref_squeeze %dma_start3A_26 : memref<1x128xi32, #tpu.memory_space<hbm>> -> memref<128xi32, #tpu.memory_space<hbm>>
    tpu.enqueue_dma source(%dma_start3A_27 : memref<128xi32, #tpu.memory_space<hbm>>) target(%arg10 : memref<128xi32, #tpu.memory_space<vmem>>) target_semaphore(%arg16 : memref<!tpu.dma_semaphore, #tpu.memory_space<semaphore_mem>>)
    %mul3A_28 = arith.constant 632 : i32
    %mul3A_29 = arith.muli %arg1, %mul3A_28 : i32
    %multiple_of3A = tpu.assume_multiple %mul3A_29, 8 : i32
    "tpu.region"() ({
      %run_scoped3A = tpu.sem_alloc : memref<!tpu.dma_semaphore, #tpu.memory_space<semaphore_mem>>
      %dma_start3A_38 = arith.constant 0 : i32
      %dma_start3A_39 = tpu.memref_slice %arg21[%multiple_of3A, %dma_start3A_38] : memref<10112x128xf32, #tpu.memory_space<vmem_shared>> -> memref<632x128xf32, #tpu.memory_space<vmem_shared>>
      tpu.enqueue_dma source(%arg5 : memref<632x128xf32, #tpu.memory_space<hbm>>) target(%dma_start3A_39 : memref<632x128xf32, #tpu.memory_space<vmem_shared>>) target_semaphore(%run_scoped3A : memref<!tpu.dma_semaphore, #tpu.memory_space<semaphore_mem>>)
      %dma_wait3A = arith.constant 0 : i32
      %dma_wait3A_40 = tpu.memref_slice %arg21[%multiple_of3A, %dma_wait3A] : memref<10112x128xf32, #tpu.memory_space<vmem_shared>> -> memref<632x128xf32, #tpu.memory_space<vmem_shared>>
      tpu.wait_dma2 semaphore(%run_scoped3A : memref<!tpu.dma_semaphore, #tpu.memory_space<semaphore_mem>>) src(%arg5 : memref<632x128xf32, #tpu.memory_space<hbm>>) dst(%dma_wait3A_40 : memref<632x128xf32, #tpu.memory_space<vmem_shared>>)
      tpu.yield
    }) : () -> ()
    %barrier3A = arith.constant 0 : index
    tpu.barrier barrier_id(%barrier3A)
    %scan3A = arith.constant 0 : i32
    %scan3A_30 = arith.constant 0 : i32
    %scan3A_31 = arith.constant 39 : i32
    %scan3A_32 = arith.addi %scan3A_30, %scan3A_31 : i32
    %scan3A_33 = arith.constant 1 : i32
    scf.for %scan3A_38 = %scan3A_30 to %scan3A_32 step %scan3A_33  : i32 {
      %dma_wait3A = arith.constant 0 : i32
      %dma_wait3A_39 = arith.constant 0 : i32
      %dma_wait3A_40 = tpu.memref_slice %arg3[%dma_wait3A, %dma_wait3A_39] : memref<2500x128xi32, #tpu.memory_space<hbm>> -> memref<1x128xi32, #tpu.memory_space<hbm>>
      %dma_wait3A_41 = tpu.memref_squeeze %dma_wait3A_40 : memref<1x128xi32, #tpu.memory_space<hbm>> -> memref<128xi32, #tpu.memory_space<hbm>>
      %dma_wait3A_42 = arith.constant 0 : i32
      %dma_wait3A_43 = tpu.memref_slice %arg3[%dma_wait3A, %dma_wait3A_42] : memref<2500x128xi32, #tpu.memory_space<hbm>> -> memref<1x128xi32, #tpu.memory_space<hbm>>
      %dma_wait3A_44 = tpu.memref_squeeze %dma_wait3A_43 : memref<1x128xi32, #tpu.memory_space<hbm>> -> memref<128xi32, #tpu.memory_space<hbm>>
      tpu.wait_dma2 semaphore(%arg13 : memref<!tpu.dma_semaphore, #tpu.memory_space<semaphore_mem>>) src(%dma_wait3A_44 : memref<128xi32, #tpu.memory_space<hbm>>) dst(%arg7 : memref<128xi32, #tpu.memory_space<vmem>>)
      %dma_start3A_45 = arith.constant 0 : i32
      %dma_start3A_46 = arith.constant 0 : i32
      %dma_start3A_47 = tpu.memref_slice %arg2[%dma_start3A_45, %dma_start3A_46] : memref<60000x128xf32, #tpu.memory_space<hbm>> -> memref<60000x128xf32, #tpu.memory_space<hbm>>
      tpu.enqueue_indirect_dma source(%dma_start3A_47 : memref<60000x128xf32, #tpu.memory_space<hbm>>) target(%arg11 : memref<128x128xf32, #tpu.memory_space<vmem>>) offsets(%arg7 : memref<128xi32, #tpu.memory_space<vmem>>) semaphore(%arg17 : memref<!tpu.dma_semaphore, #tpu.memory_space<semaphore_mem>>)
      %dma_wait3A_48 = arith.constant 0 : i32
      %dma_wait3A_49 = arith.constant 0 : i32
      %dma_wait3A_50 = tpu.memref_slice %arg3[%dma_wait3A_48, %dma_wait3A_49] : memref<2500x128xi32, #tpu.memory_space<hbm>> -> memref<1x128xi32, #tpu.memory_space<hbm>>
      %dma_wait3A_51 = tpu.memref_squeeze %dma_wait3A_50 : memref<1x128xi32, #tpu.memory_space<hbm>> -> memref<128xi32, #tpu.memory_space<hbm>>
      %dma_wait3A_52 = arith.constant 0 : i32
      %dma_wait3A_53 = tpu.memref_slice %arg3[%dma_wait3A_48, %dma_wait3A_52] : memref<2500x128xi32, #tpu.memory_space<hbm>> -> memref<1x128xi32, #tpu.memory_space<hbm>>
      %dma_wait3A_54 = tpu.memref_squeeze %dma_wait3A_53 : memref<1x128xi32, #tpu.memory_space<hbm>> -> memref<128xi32, #tpu.memory_space<hbm>>
      tpu.wait_dma2 semaphore(%arg15 : memref<!tpu.dma_semaphore, #tpu.memory_space<semaphore_mem>>) src(%dma_wait3A_54 : memref<128xi32, #tpu.memory_space<hbm>>) dst(%arg9 : memref<128xi32, #tpu.memory_space<vmem>>)
      %dma_start3A_55 = arith.constant 0 : i32
      %dma_start3A_56 = arith.constant 0 : i32
      %dma_start3A_57 = tpu.memref_slice %arg2[%dma_start3A_55, %dma_start3A_56] : memref<60000x128xf32, #tpu.memory_space<hbm>> -> memref<60000x128xf32, #tpu.memory_space<hbm>>
      tpu.enqueue_indirect_dma source(%dma_start3A_57 : memref<60000x128xf32, #tpu.memory_space<hbm>>) target(%arg12 : memref<128x128xf32, #tpu.memory_space<vmem>>) offsets(%arg9 : memref<128xi32, #tpu.memory_space<vmem>>) semaphore(%arg18 : memref<!tpu.dma_semaphore, #tpu.memory_space<semaphore_mem>>)
      %dma_wait3A_58 = arith.constant 0 : i32
      %dma_wait3A_59 = arith.constant 0 : i32
      %dma_wait3A_60 = tpu.memref_slice %arg3[%dma_wait3A_58, %dma_wait3A_59] : memref<2500x128xi32, #tpu.memory_space<hbm>> -> memref<1x128xi32, #tpu.memory_space<hbm>>
      %dma_wait3A_61 = tpu.memref_squeeze %dma_wait3A_60 : memref<1x128xi32, #tpu.memory_space<hbm>> -> memref<128xi32, #tpu.memory_space<hbm>>
      %dma_wait3A_62 = arith.constant 0 : i32
      %dma_wait3A_63 = tpu.memref_slice %arg3[%dma_wait3A_58, %dma_wait3A_62] : memref<2500x128xi32, #tpu.memory_space<hbm>> -> memref<1x128xi32, #tpu.memory_space<hbm>>
      %dma_wait3A_64 = tpu.memref_squeeze %dma_wait3A_63 : memref<1x128xi32, #tpu.memory_space<hbm>> -> memref<128xi32, #tpu.memory_space<hbm>>
      tpu.wait_dma2 semaphore(%arg14 : memref<!tpu.dma_semaphore, #tpu.memory_space<semaphore_mem>>) src(%dma_wait3A_64 : memref<128xi32, #tpu.memory_space<hbm>>) dst(%arg8 : memref<128xi32, #tpu.memory_space<vmem>>)
      %dma_wait3A_65 = arith.constant 0 : i32
      %dma_wait3A_66 = arith.constant 0 : i32
      %dma_wait3A_67 = tpu.memref_slice %arg2[%dma_wait3A_65, %dma_wait3A_66] : memref<60000x128xf32, #tpu.memory_space<hbm>> -> memref<60000x128xf32, #tpu.memory_space<hbm>>
      tpu.wait_indirect_dma semaphore(%arg17 : memref<!tpu.dma_semaphore, #tpu.memory_space<semaphore_mem>>) src(%dma_wait3A_67 : memref<60000x128xf32, #tpu.memory_space<hbm>>) dst(%arg11 : memref<128x128xf32, #tpu.memory_space<vmem>>)
      %dma_start3A_68 = arith.constant 0 : i32
      %dma_start3A_69 = arith.constant 0 : i32
      %dma_start3A_70 = tpu.memref_slice %arg21[%dma_start3A_68, %dma_start3A_69] : memref<10112x128xf32, #tpu.memory_space<vmem_shared>> -> memref<10112x128xf32, #tpu.memory_space<vmem_shared>>
      tpu.enqueue_indirect_dma source(%arg11 : memref<128x128xf32, #tpu.memory_space<vmem>>) target(%dma_start3A_70 : memref<10112x128xf32, #tpu.memory_space<vmem_shared>>) offsets(%arg8 : memref<128xi32, #tpu.memory_space<vmem>>) semaphore(%arg19 : memref<!tpu.dma_semaphore, #tpu.memory_space<semaphore_mem>>) {add = true}
      %dma_wait3A_71 = arith.constant 0 : i32
      %dma_wait3A_72 = arith.constant 0 : i32
      %dma_wait3A_73 = tpu.memref_slice %arg3[%dma_wait3A_71, %dma_wait3A_72] : memref<2500x128xi32, #tpu.memory_space<hbm>> -> memref<1x128xi32, #tpu.memory_space<hbm>>
      %dma_wait3A_74 = tpu.memref_squeeze %dma_wait3A_73 : memref<1x128xi32, #tpu.memory_space<hbm>> -> memref<128xi32, #tpu.memory_space<hbm>>
      %dma_wait3A_75 = arith.constant 0 : i32
      %dma_wait3A_76 = tpu.memref_slice %arg3[%dma_wait3A_71, %dma_wait3A_75] : memref<2500x128xi32, #tpu.memory_space<hbm>> -> memref<1x128xi32, #tpu.memory_space<hbm>>
      %dma_wait3A_77 = tpu.memref_squeeze %dma_wait3A_76 : memref<1x128xi32, #tpu.memory_space<hbm>> -> memref<128xi32, #tpu.memory_space<hbm>>
      tpu.wait_dma2 semaphore(%arg16 : memref<!tpu.dma_semaphore, #tpu.memory_space<semaphore_mem>>) src(%dma_wait3A_77 : memref<128xi32, #tpu.memory_space<hbm>>) dst(%arg10 : memref<128xi32, #tpu.memory_space<vmem>>)
      %dma_wait3A_78 = arith.constant 0 : i32
      %dma_wait3A_79 = arith.constant 0 : i32
      %dma_wait3A_80 = tpu.memref_slice %arg2[%dma_wait3A_78, %dma_wait3A_79] : memref<60000x128xf32, #tpu.memory_space<hbm>> -> memref<60000x128xf32, #tpu.memory_space<hbm>>
      tpu.wait_indirect_dma semaphore(%arg18 : memref<!tpu.dma_semaphore, #tpu.memory_space<semaphore_mem>>) src(%dma_wait3A_80 : memref<60000x128xf32, #tpu.memory_space<hbm>>) dst(%arg12 : memref<128x128xf32, #tpu.memory_space<vmem>>)
      %dma_start3A_81 = arith.constant 0 : i32
      %dma_start3A_82 = arith.constant 0 : i32
      %dma_start3A_83 = tpu.memref_slice %arg21[%dma_start3A_81, %dma_start3A_82] : memref<10112x128xf32, #tpu.memory_space<vmem_shared>> -> memref<10112x128xf32, #tpu.memory_space<vmem_shared>>
      tpu.enqueue_indirect_dma source(%arg12 : memref<128x128xf32, #tpu.memory_space<vmem>>) target(%dma_start3A_83 : memref<10112x128xf32, #tpu.memory_space<vmem_shared>>) offsets(%arg10 : memref<128xi32, #tpu.memory_space<vmem>>) semaphore(%arg20 : memref<!tpu.dma_semaphore, #tpu.memory_space<semaphore_mem>>) {add = true}
      %dma_wait3A_84 = arith.constant 0 : i32
      %dma_wait3A_85 = arith.constant 0 : i32
      %dma_wait3A_86 = tpu.memref_slice %arg21[%dma_wait3A_84, %dma_wait3A_85] : memref<10112x128xf32, #tpu.memory_space<vmem_shared>> -> memref<10112x128xf32, #tpu.memory_space<vmem_shared>>
      tpu.wait_indirect_dma semaphore(%arg19 : memref<!tpu.dma_semaphore, #tpu.memory_space<semaphore_mem>>) src(%arg11 : memref<128x128xf32, #tpu.memory_space<vmem>>) dst(%dma_wait3A_86 : memref<10112x128xf32, #tpu.memory_space<vmem_shared>>)
      %lt3A_87 = arith.constant 38 : i32
      %lt3A_88 = arith.cmpi slt, %scan3A_38, %lt3A_87 : i32
      %convert_element_type3A_89 = arith.extui %lt3A_88 : i1 to i32
      %cond3A_90 = arith.constant 0 : i32
      %cond3A_91 = arith.cmpi ne, %convert_element_type3A_89, %cond3A_90 : i32
      scf.if %cond3A_91 {
        %mul3A_100 = arith.constant 2 : i32
        %mul3A_101 = arith.muli %mul3A_100, %scan3A_38 : i32
        %add3A_102 = arith.constant 2 : i32
        %add3A_103 = arith.addi %mul3A_101, %add3A_102 : i32
        %mul3A_104 = arith.constant 32 : i32
        %mul3A_105 = arith.muli %mul3A_104, %add3A_103 : i32
        %add3A_106 = arith.addi %add3A, %mul3A_105 : i32
        %dma_start3A_107 = arith.constant 0 : i32
        %dma_start3A_108 = tpu.memref_slice %arg3[%add3A_106, %dma_start3A_107] : memref<2500x128xi32, #tpu.memory_space<hbm>> -> memref<1x128xi32, #tpu.memory_space<hbm>>
        %dma_start3A_109 = tpu.memref_squeeze %dma_start3A_108 : memref<1x128xi32, #tpu.memory_space<hbm>> -> memref<128xi32, #tpu.memory_space<hbm>>
        %dma_start3A_110 = arith.constant 0 : i32
        %dma_start3A_111 = tpu.memref_slice %arg3[%add3A_106, %dma_start3A_110] : memref<2500x128xi32, #tpu.memory_space<hbm>> -> memref<1x128xi32, #tpu.memory_space<hbm>>
        %dma_start3A_112 = tpu.memref_squeeze %dma_start3A_111 : memref<1x128xi32, #tpu.memory_space<hbm>> -> memref<128xi32, #tpu.memory_space<hbm>>
        tpu.enqueue_dma source(%dma_start3A_112 : memref<128xi32, #tpu.memory_space<hbm>>) target(%arg7 : memref<128xi32, #tpu.memory_space<vmem>>) target_semaphore(%arg13 : memref<!tpu.dma_semaphore, #tpu.memory_space<semaphore_mem>>)
        %dma_start3A_113 = arith.constant 0 : i32
        %dma_start3A_114 = tpu.memref_slice %arg4[%add3A_106, %dma_start3A_113] : memref<2500x128xi32, #tpu.memory_space<hbm>> -> memref<1x128xi32, #tpu.memory_space<hbm>>
        %dma_start3A_115 = tpu.memref_squeeze %dma_start3A_114 : memref<1x128xi32, #tpu.memory_space<hbm>> -> memref<128xi32, #tpu.memory_space<hbm>>
        %dma_start3A_116 = arith.constant 0 : i32
        %dma_start3A_117 = tpu.memref_slice %arg4[%add3A_106, %dma_start3A_116] : memref<2500x128xi32, #tpu.memory_space<hbm>> -> memref<1x128xi32, #tpu.memory_space<hbm>>
        %dma_start3A_118 = tpu.memref_squeeze %dma_start3A_117 : memref<1x128xi32, #tpu.memory_space<hbm>> -> memref<128xi32, #tpu.memory_space<hbm>>
        tpu.enqueue_dma source(%dma_start3A_118 : memref<128xi32, #tpu.memory_space<hbm>>) target(%arg8 : memref<128xi32, #tpu.memory_space<vmem>>) target_semaphore(%arg14 : memref<!tpu.dma_semaphore, #tpu.memory_space<semaphore_mem>>)
      } else {
      }
      %dma_wait3A_92 = arith.constant 0 : i32
      %dma_wait3A_93 = arith.constant 0 : i32
      %dma_wait3A_94 = tpu.memref_slice %arg21[%dma_wait3A_92, %dma_wait3A_93] : memref<10112x128xf32, #tpu.memory_space<vmem_shared>> -> memref<10112x128xf32, #tpu.memory_space<vmem_shared>>
      tpu.wait_indirect_dma semaphore(%arg20 : memref<!tpu.dma_semaphore, #tpu.memory_space<semaphore_mem>>) src(%arg12 : memref<128x128xf32, #tpu.memory_space<vmem>>) dst(%dma_wait3A_94 : memref<10112x128xf32, #tpu.memory_space<vmem_shared>>)
      %lt3A_95 = arith.constant 38 : i32
      %lt3A_96 = arith.cmpi slt, %scan3A_38, %lt3A_95 : i32
      %convert_element_type3A_97 = arith.extui %lt3A_96 : i1 to i32
      %cond3A_98 = arith.constant 0 : i32
      %cond3A_99 = arith.cmpi ne, %convert_element_type3A_97, %cond3A_98 : i32
      scf.if %cond3A_99 {
        %mul3A_100 = arith.constant 2 : i32
        %mul3A_101 = arith.muli %mul3A_100, %scan3A_38 : i32
        %add3A_102 = arith.constant 3 : i32
        %add3A_103 = arith.addi %mul3A_101, %add3A_102 : i32
        %mul3A_104 = arith.constant 32 : i32
        %mul3A_105 = arith.muli %mul3A_104, %add3A_103 : i32
        %add3A_106 = arith.addi %add3A, %mul3A_105 : i32
        %dma_start3A_107 = arith.constant 0 : i32
        %dma_start3A_108 = tpu.memref_slice %arg3[%add3A_106, %dma_start3A_107] : memref<2500x128xi32, #tpu.memory_space<hbm>> -> memref<1x128xi32, #tpu.memory_space<hbm>>
        %dma_start3A_109 = tpu.memref_squeeze %dma_start3A_108 : memref<1x128xi32, #tpu.memory_space<hbm>> -> memref<128xi32, #tpu.memory_space<hbm>>
        %dma_start3A_110 = arith.constant 0 : i32
        %dma_start3A_111 = tpu.memref_slice %arg3[%add3A_106, %dma_start3A_110] : memref<2500x128xi32, #tpu.memory_space<hbm>> -> memref<1x128xi32, #tpu.memory_space<hbm>>
        %dma_start3A_112 = tpu.memref_squeeze %dma_start3A_111 : memref<1x128xi32, #tpu.memory_space<hbm>> -> memref<128xi32, #tpu.memory_space<hbm>>
        tpu.enqueue_dma source(%dma_start3A_112 : memref<128xi32, #tpu.memory_space<hbm>>) target(%arg9 : memref<128xi32, #tpu.memory_space<vmem>>) target_semaphore(%arg15 : memref<!tpu.dma_semaphore, #tpu.memory_space<semaphore_mem>>)
        %dma_start3A_113 = arith.constant 0 : i32
        %dma_start3A_114 = tpu.memref_slice %arg4[%add3A_106, %dma_start3A_113] : memref<2500x128xi32, #tpu.memory_space<hbm>> -> memref<1x128xi32, #tpu.memory_space<hbm>>
        %dma_start3A_115 = tpu.memref_squeeze %dma_start3A_114 : memref<1x128xi32, #tpu.memory_space<hbm>> -> memref<128xi32, #tpu.memory_space<hbm>>
        %dma_start3A_116 = arith.constant 0 : i32
        %dma_start3A_117 = tpu.memref_slice %arg4[%add3A_106, %dma_start3A_116] : memref<2500x128xi32, #tpu.memory_space<hbm>> -> memref<1x128xi32, #tpu.memory_space<hbm>>
        %dma_start3A_118 = tpu.memref_squeeze %dma_start3A_117 : memref<1x128xi32, #tpu.memory_space<hbm>> -> memref<128xi32, #tpu.memory_space<hbm>>
        tpu.enqueue_dma source(%dma_start3A_118 : memref<128xi32, #tpu.memory_space<hbm>>) target(%arg10 : memref<128xi32, #tpu.memory_space<vmem>>) target_semaphore(%arg16 : memref<!tpu.dma_semaphore, #tpu.memory_space<semaphore_mem>>)
      } else {
      }
    }
    %scan3A_34 = arith.constant 39 : i32
    %lt3A = arith.constant 4 : i32
    %lt3A_35 = arith.cmpi slt, %add3A, %lt3A : i32
    %convert_element_type3A = arith.extui %lt3A_35 : i1 to i32
    %cond3A = arith.constant 0 : i32
    %cond3A_36 = arith.cmpi ne, %convert_element_type3A, %cond3A : i32
    scf.if %cond3A_36 {
      %add3A_38 = arith.constant 2496 : i32
      %add3A_39 = arith.addi %add3A_38, %add3A : i32
      "tpu.region"() ({
        %run_scoped3A = tpu.sem_alloc : memref<!tpu.dma_semaphore, #tpu.memory_space<semaphore_mem>>
        %dma_start3A_45 = arith.constant 0 : i32
        %dma_start3A_46 = tpu.memref_slice %arg3[%add3A_39, %dma_start3A_45] : memref<2500x128xi32, #tpu.memory_space<hbm>> -> memref<1x128xi32, #tpu.memory_space<hbm>>
        %dma_start3A_47 = tpu.memref_squeeze %dma_start3A_46 : memref<1x128xi32, #tpu.memory_space<hbm>> -> memref<128xi32, #tpu.memory_space<hbm>>
        %dma_start3A_48 = arith.constant 0 : i32
        %dma_start3A_49 = tpu.memref_slice %arg3[%add3A_39, %dma_start3A_48] : memref<2500x128xi32, #tpu.memory_space<hbm>> -> memref<1x128xi32, #tpu.memory_space<hbm>>
        %dma_start3A_50 = tpu.memref_squeeze %dma_start3A_49 : memref<1x128xi32, #tpu.memory_space<hbm>> -> memref<128xi32, #tpu.memory_space<hbm>>
        tpu.enqueue_dma source(%dma_start3A_50 : memref<128xi32, #tpu.memory_space<hbm>>) target(%arg7 : memref<128xi32, #tpu.memory_space<vmem>>) target_semaphore(%run_scoped3A : memref<!tpu.dma_semaphore, #tpu.memory_space<semaphore_mem>>)
        %dma_wait3A_51 = arith.constant 0 : i32
        %dma_wait3A_52 = tpu.memref_slice %arg3[%add3A_39, %dma_wait3A_51] : memref<2500x128xi32, #tpu.memory_space<hbm>> -> memref<1x128xi32, #tpu.memory_space<hbm>>
        %dma_wait3A_53 = tpu.memref_squeeze %dma_wait3A_52 : memref<1x128xi32, #tpu.memory_space<hbm>> -> memref<128xi32, #tpu.memory_space<hbm>>
        %dma_wait3A_54 = arith.constant 0 : i32
        %dma_wait3A_55 = tpu.memref_slice %arg3[%add3A_39, %dma_wait3A_54] : memref<2500x128xi32, #tpu.memory_space<hbm>> -> memref<1x128xi32, #tpu.memory_space<hbm>>
        %dma_wait3A_56 = tpu.memref_squeeze %dma_wait3A_55 : memref<1x128xi32, #tpu.memory_space<hbm>> -> memref<128xi32, #tpu.memory_space<hbm>>
        tpu.wait_dma2 semaphore(%run_scoped3A : memref<!tpu.dma_semaphore, #tpu.memory_space<semaphore_mem>>) src(%dma_wait3A_56 : memref<128xi32, #tpu.memory_space<hbm>>) dst(%arg7 : memref<128xi32, #tpu.memory_space<vmem>>)
        tpu.yield
      }) : () -> ()
      "tpu.region"() ({
        %run_scoped3A = tpu.sem_alloc : memref<!tpu.dma_semaphore, #tpu.memory_space<semaphore_mem>>
        %dma_start3A_45 = arith.constant 0 : i32
        %dma_start3A_46 = tpu.memref_slice %arg4[%add3A_39, %dma_start3A_45] : memref<2500x128xi32, #tpu.memory_space<hbm>> -> memref<1x128xi32, #tpu.memory_space<hbm>>
        %dma_start3A_47 = tpu.memref_squeeze %dma_start3A_46 : memref<1x128xi32, #tpu.memory_space<hbm>> -> memref<128xi32, #tpu.memory_space<hbm>>
        %dma_start3A_48 = arith.constant 0 : i32
        %dma_start3A_49 = tpu.memref_slice %arg4[%add3A_39, %dma_start3A_48] : memref<2500x128xi32, #tpu.memory_space<hbm>> -> memref<1x128xi32, #tpu.memory_space<hbm>>
        %dma_start3A_50 = tpu.memref_squeeze %dma_start3A_49 : memref<1x128xi32, #tpu.memory_space<hbm>> -> memref<128xi32, #tpu.memory_space<hbm>>
        tpu.enqueue_dma source(%dma_start3A_50 : memref<128xi32, #tpu.memory_space<hbm>>) target(%arg8 : memref<128xi32, #tpu.memory_space<vmem>>) target_semaphore(%run_scoped3A : memref<!tpu.dma_semaphore, #tpu.memory_space<semaphore_mem>>)
        %dma_wait3A_51 = arith.constant 0 : i32
        %dma_wait3A_52 = tpu.memref_slice %arg4[%add3A_39, %dma_wait3A_51] : memref<2500x128xi32, #tpu.memory_space<hbm>> -> memref<1x128xi32, #tpu.memory_space<hbm>>
        %dma_wait3A_53 = tpu.memref_squeeze %dma_wait3A_52 : memref<1x128xi32, #tpu.memory_space<hbm>> -> memref<128xi32, #tpu.memory_space<hbm>>
        %dma_wait3A_54 = arith.constant 0 : i32
        %dma_wait3A_55 = tpu.memref_slice %arg4[%add3A_39, %dma_wait3A_54] : memref<2500x128xi32, #tpu.memory_space<hbm>> -> memref<1x128xi32, #tpu.memory_space<hbm>>
        %dma_wait3A_56 = tpu.memref_squeeze %dma_wait3A_55 : memref<1x128xi32, #tpu.memory_space<hbm>> -> memref<128xi32, #tpu.memory_space<hbm>>
        tpu.wait_dma2 semaphore(%run_scoped3A : memref<!tpu.dma_semaphore, #tpu.memory_space<semaphore_mem>>) src(%dma_wait3A_56 : memref<128xi32, #tpu.memory_space<hbm>>) dst(%arg8 : memref<128xi32, #tpu.memory_space<vmem>>)
        tpu.yield
      }) : () -> ()
      %dma_start3A_40 = arith.constant 0 : i32
      %dma_start3A_41 = arith.constant 0 : i32
      %dma_start3A_42 = tpu.memref_slice %arg2[%dma_start3A_40, %dma_start3A_41] : memref<60000x128xf32, #tpu.memory_space<hbm>> -> memref<60000x128xf32, #tpu.memory_space<hbm>>
      tpu.enqueue_indirect_dma source(%dma_start3A_42 : memref<60000x128xf32, #tpu.memory_space<hbm>>) target(%arg11 : memref<128x128xf32, #tpu.memory_space<vmem>>) offsets(%arg7 : memref<128xi32, #tpu.memory_space<vmem>>) semaphore(%arg17 : memref<!tpu.dma_semaphore, #tpu.memory_space<semaphore_mem>>)
      %dma_wait3A = arith.constant 0 : i32
      %dma_wait3A_43 = arith.constant 0 : i32
      %dma_wait3A_44 = tpu.memref_slice %arg2[%dma_wait3A, %dma_wait3A_43] : memref<60000x128xf32, #tpu.memory_space<hbm>> -> memref<60000x128xf32, #tpu.memory_space<hbm>>
      tpu.wait_indirect_dma semaphore(%arg17 : memref<!tpu.dma_semaphore, #tpu.memory_space<semaphore_mem>>) src(%dma_wait3A_44 : memref<60000x128xf32, #tpu.memory_space<hbm>>) dst(%arg11 : memref<128x128xf32, #tpu.memory_space<vmem>>)
      "tpu.region"() ({
        %run_scoped3A = tpu.sem_alloc : memref<!tpu.dma_semaphore, #tpu.memory_space<semaphore_mem>>
        %dma_start3A_45 = arith.constant 0 : i32
        %dma_start3A_46 = arith.constant 0 : i32
        %dma_start3A_47 = tpu.memref_slice %arg21[%dma_start3A_45, %dma_start3A_46] : memref<10112x128xf32, #tpu.memory_space<vmem_shared>> -> memref<10112x128xf32, #tpu.memory_space<vmem_shared>>
        tpu.enqueue_indirect_dma source(%arg11 : memref<128x128xf32, #tpu.memory_space<vmem>>) target(%dma_start3A_47 : memref<10112x128xf32, #tpu.memory_space<vmem_shared>>) offsets(%arg8 : memref<128xi32, #tpu.memory_space<vmem>>) semaphore(%run_scoped3A : memref<!tpu.dma_semaphore, #tpu.memory_space<semaphore_mem>>) {add = true}
        %dma_wait3A_48 = arith.constant 0 : i32
        %dma_wait3A_49 = arith.constant 0 : i32
        %dma_wait3A_50 = tpu.memref_slice %arg21[%dma_wait3A_48, %dma_wait3A_49] : memref<10112x128xf32, #tpu.memory_space<vmem_shared>> -> memref<10112x128xf32, #tpu.memory_space<vmem_shared>>
        tpu.wait_indirect_dma semaphore(%run_scoped3A : memref<!tpu.dma_semaphore, #tpu.memory_space<semaphore_mem>>) src(%arg11 : memref<128x128xf32, #tpu.memory_space<vmem>>) dst(%dma_wait3A_50 : memref<10112x128xf32, #tpu.memory_space<vmem_shared>>)
        tpu.yield
      }) : () -> ()
    } else {
    }
    %barrier3A_37 = arith.constant 0 : index
    tpu.barrier barrier_id(%barrier3A_37)
    "tpu.region"() ({
      %run_scoped3A = tpu.sem_alloc : memref<!tpu.dma_semaphore, #tpu.memory_space<semaphore_mem>>
      %dma_start3A_38 = arith.constant 0 : i32
      %dma_start3A_39 = tpu.memref_slice %arg6[%arg0, %multiple_of3A, %dma_start3A_38] : memref<2x10112x128xf32, #tpu.memory_space<hbm>> -> memref<1x632x128xf32, #tpu.memory_space<hbm>>
      %dma_start3A_40 = tpu.memref_squeeze %dma_start3A_39 : memref<1x632x128xf32, #tpu.memory_space<hbm>> -> memref<632x128xf32, #tpu.memory_space<hbm>>
      %dma_start3A_41 = arith.constant 0 : i32
      %dma_start3A_42 = tpu.memref_slice %arg21[%multiple_of3A, %dma_start3A_41] : memref<10112x128xf32, #tpu.memory_space<vmem_shared>> -> memref<632x128xf32, #tpu.memory_space<vmem_shared>>
      tpu.enqueue_dma source(%dma_start3A_42 : memref<632x128xf32, #tpu.memory_space<vmem_shared>>) target(%dma_start3A_40 : memref<632x128xf32, #tpu.memory_space<hbm>>) target_semaphore(%run_scoped3A : memref<!tpu.dma_semaphore, #tpu.memory_space<semaphore_mem>>)
      %dma_wait3A = arith.constant 0 : i32
      %dma_wait3A_43 = tpu.memref_slice %arg6[%arg0, %multiple_of3A, %dma_wait3A] : memref<2x10112x128xf32, #tpu.memory_space<hbm>> -> memref<1x632x128xf32, #tpu.memory_space<hbm>>
      %dma_wait3A_44 = tpu.memref_squeeze %dma_wait3A_43 : memref<1x632x128xf32, #tpu.memory_space<hbm>> -> memref<632x128xf32, #tpu.memory_space<hbm>>
      %dma_wait3A_45 = arith.constant 0 : i32
      %dma_wait3A_46 = tpu.memref_slice %arg21[%multiple_of3A, %dma_wait3A_45] : memref<10112x128xf32, #tpu.memory_space<vmem_shared>> -> memref<632x128xf32, #tpu.memory_space<vmem_shared>>
      tpu.wait_dma2 semaphore(%run_scoped3A : memref<!tpu.dma_semaphore, #tpu.memory_space<semaphore_mem>>) src(%dma_wait3A_46 : memref<632x128xf32, #tpu.memory_space<vmem_shared>>) dst(%dma_wait3A_44 : memref<632x128xf32, #tpu.memory_space<hbm>>)
      tpu.yield
    }) : () -> ()
    return
  }
}

#map = affine_map<(d0, d1) -> (0, 0)>
#map1 = affine_map<(d0, d1) -> (0, 0, 0)>
module attributes {stable_mosaic.version = 14 : i64} {
  func.func @_edge_body(%arg0: i32, %arg1: i32, %arg2: memref<60000x128xf32, #tpu.memory_space<hbm>>, %arg3: memref<2500x128xi32, #tpu.memory_space<hbm>>, %arg4: memref<2500x128xi32, #tpu.memory_space<hbm>>, %arg5: memref<632x128xf32, #tpu.memory_space<hbm>>, %arg6: memref<2x10112x128xf32, #tpu.memory_space<hbm>>, %arg7: memref<128xi32, #tpu.memory_space<vmem>>, %arg8: memref<128xi32, #tpu.memory_space<vmem>>, %arg9: memref<128xi32, #tpu.memory_space<vmem>>, %arg10: memref<128xi32, #tpu.memory_space<vmem>>, %arg11: memref<128x128xf32, #tpu.memory_space<vmem>>, %arg12: memref<128x128xf32, #tpu.memory_space<vmem>>, %arg13: memref<!tpu.dma_semaphore, #tpu.memory_space<semaphore_mem>>, %arg14: memref<!tpu.dma_semaphore, #tpu.memory_space<semaphore_mem>>, %arg15: memref<!tpu.dma_semaphore, #tpu.memory_space<semaphore_mem>>, %arg16: memref<!tpu.dma_semaphore, #tpu.memory_space<semaphore_mem>>, %arg17: memref<!tpu.dma_semaphore, #tpu.memory_space<semaphore_mem>>, %arg18: memref<!tpu.dma_semaphore, #tpu.memory_space<semaphore_mem>>, %arg19: memref<!tpu.dma_semaphore, #tpu.memory_space<semaphore_mem>>, %arg20: memref<!tpu.dma_semaphore, #tpu.memory_space<semaphore_mem>>, %arg21: memref<10112x128xf32, #tpu.memory_space<vmem_shared>>) attributes {dimension_semantics = [#tpu.dimension_semantics<core_parallel>, #tpu.dimension_semantics<subcore_parallel>], iteration_bounds = array<i64: 2, 16>, scalar_prefetch = 0 : i64, scratch_operands = 15 : i64, tpu.core_type = #tpu.core_type<sc_vector_subcore>, window_params = [{transform_indices = #map}, {transform_indices = #map}, {transform_indices = #map}, {transform_indices = #map}, {transform_indices = #map1}]} {
    %mul3A = arith.constant 2 : i32
    %mul3A_0 = arith.muli %arg1, %mul3A : i32
    %add3A = arith.addi %mul3A_0, %arg0 : i32
    %dma_start3A = arith.constant 0 : i32
    %dma_start3A_1 = tpu.memref_slice %arg3[%add3A, %dma_start3A] : memref<2500x128xi32, #tpu.memory_space<hbm>> -> memref<1x128xi32, #tpu.memory_space<hbm>>
    %dma_start3A_2 = tpu.memref_squeeze %dma_start3A_1 : memref<1x128xi32, #tpu.memory_space<hbm>> -> memref<128xi32, #tpu.memory_space<hbm>>
    %dma_start3A_3 = arith.constant 0 : i32
    %dma_start3A_4 = tpu.memref_slice %arg3[%add3A, %dma_start3A_3] : memref<2500x128xi32, #tpu.memory_space<hbm>> -> memref<1x128xi32, #tpu.memory_space<hbm>>
    %dma_start3A_5 = tpu.memref_squeeze %dma_start3A_4 : memref<1x128xi32, #tpu.memory_space<hbm>> -> memref<128xi32, #tpu.memory_space<hbm>>
    tpu.enqueue_dma source(%dma_start3A_5 : memref<128xi32, #tpu.memory_space<hbm>>) target(%arg7 : memref<128xi32, #tpu.memory_space<vmem>>) target_semaphore(%arg13 : memref<!tpu.dma_semaphore, #tpu.memory_space<semaphore_mem>>)
    %dma_start3A_6 = arith.constant 0 : i32
    %dma_start3A_7 = tpu.memref_slice %arg4[%add3A, %dma_start3A_6] : memref<2500x128xi32, #tpu.memory_space<hbm>> -> memref<1x128xi32, #tpu.memory_space<hbm>>
    %dma_start3A_8 = tpu.memref_squeeze %dma_start3A_7 : memref<1x128xi32, #tpu.memory_space<hbm>> -> memref<128xi32, #tpu.memory_space<hbm>>
    %dma_start3A_9 = arith.constant 0 : i32
    %dma_start3A_10 = tpu.memref_slice %arg4[%add3A, %dma_start3A_9] : memref<2500x128xi32, #tpu.memory_space<hbm>> -> memref<1x128xi32, #tpu.memory_space<hbm>>
    %dma_start3A_11 = tpu.memref_squeeze %dma_start3A_10 : memref<1x128xi32, #tpu.memory_space<hbm>> -> memref<128xi32, #tpu.memory_space<hbm>>
    tpu.enqueue_dma source(%dma_start3A_11 : memref<128xi32, #tpu.memory_space<hbm>>) target(%arg8 : memref<128xi32, #tpu.memory_space<vmem>>) target_semaphore(%arg14 : memref<!tpu.dma_semaphore, #tpu.memory_space<semaphore_mem>>)
    %add3A_12 = arith.constant 32 : i32
    %add3A_13 = arith.addi %add3A, %add3A_12 : i32
    %dma_start3A_14 = arith.constant 0 : i32
    %dma_start3A_15 = tpu.memref_slice %arg3[%add3A_13, %dma_start3A_14] : memref<2500x128xi32, #tpu.memory_space<hbm>> -> memref<1x128xi32, #tpu.memory_space<hbm>>
    %dma_start3A_16 = tpu.memref_squeeze %dma_start3A_15 : memref<1x128xi32, #tpu.memory_space<hbm>> -> memref<128xi32, #tpu.memory_space<hbm>>
    %dma_start3A_17 = arith.constant 0 : i32
    %dma_start3A_18 = tpu.memref_slice %arg3[%add3A_13, %dma_start3A_17] : memref<2500x128xi32, #tpu.memory_space<hbm>> -> memref<1x128xi32, #tpu.memory_space<hbm>>
    %dma_start3A_19 = tpu.memref_squeeze %dma_start3A_18 : memref<1x128xi32, #tpu.memory_space<hbm>> -> memref<128xi32, #tpu.memory_space<hbm>>
    tpu.enqueue_dma source(%dma_start3A_19 : memref<128xi32, #tpu.memory_space<hbm>>) target(%arg9 : memref<128xi32, #tpu.memory_space<vmem>>) target_semaphore(%arg15 : memref<!tpu.dma_semaphore, #tpu.memory_space<semaphore_mem>>)
    %add3A_20 = arith.constant 32 : i32
    %add3A_21 = arith.addi %add3A, %add3A_20 : i32
    %dma_start3A_22 = arith.constant 0 : i32
    %dma_start3A_23 = tpu.memref_slice %arg4[%add3A_21, %dma_start3A_22] : memref<2500x128xi32, #tpu.memory_space<hbm>> -> memref<1x128xi32, #tpu.memory_space<hbm>>
    %dma_start3A_24 = tpu.memref_squeeze %dma_start3A_23 : memref<1x128xi32, #tpu.memory_space<hbm>> -> memref<128xi32, #tpu.memory_space<hbm>>
    %dma_start3A_25 = arith.constant 0 : i32
    %dma_start3A_26 = tpu.memref_slice %arg4[%add3A_21, %dma_start3A_25] : memref<2500x128xi32, #tpu.memory_space<hbm>> -> memref<1x128xi32, #tpu.memory_space<hbm>>
    %dma_start3A_27 = tpu.memref_squeeze %dma_start3A_26 : memref<1x128xi32, #tpu.memory_space<hbm>> -> memref<128xi32, #tpu.memory_space<hbm>>
    tpu.enqueue_dma source(%dma_start3A_27 : memref<128xi32, #tpu.memory_space<hbm>>) target(%arg10 : memref<128xi32, #tpu.memory_space<vmem>>) target_semaphore(%arg16 : memref<!tpu.dma_semaphore, #tpu.memory_space<semaphore_mem>>)
    %mul3A_28 = arith.constant 632 : i32
    %mul3A_29 = arith.muli %arg1, %mul3A_28 : i32
    %multiple_of3A = tpu.assume_multiple %mul3A_29, 8 : i32
    "tpu.region"() ({
      %run_scoped3A = tpu.sem_alloc : memref<!tpu.dma_semaphore, #tpu.memory_space<semaphore_mem>>
      %dma_start3A_38 = arith.constant 0 : i32
      %dma_start3A_39 = tpu.memref_slice %arg21[%multiple_of3A, %dma_start3A_38] : memref<10112x128xf32, #tpu.memory_space<vmem_shared>> -> memref<632x128xf32, #tpu.memory_space<vmem_shared>>
      tpu.enqueue_dma source(%arg5 : memref<632x128xf32, #tpu.memory_space<hbm>>) target(%dma_start3A_39 : memref<632x128xf32, #tpu.memory_space<vmem_shared>>) target_semaphore(%run_scoped3A : memref<!tpu.dma_semaphore, #tpu.memory_space<semaphore_mem>>)
      %dma_wait3A = arith.constant 0 : i32
      %dma_wait3A_40 = tpu.memref_slice %arg21[%multiple_of3A, %dma_wait3A] : memref<10112x128xf32, #tpu.memory_space<vmem_shared>> -> memref<632x128xf32, #tpu.memory_space<vmem_shared>>
      tpu.wait_dma2 semaphore(%run_scoped3A : memref<!tpu.dma_semaphore, #tpu.memory_space<semaphore_mem>>) src(%arg5 : memref<632x128xf32, #tpu.memory_space<hbm>>) dst(%dma_wait3A_40 : memref<632x128xf32, #tpu.memory_space<vmem_shared>>)
      tpu.yield
    }) : () -> ()
    %barrier3A = arith.constant 0 : index
    tpu.barrier barrier_id(%barrier3A)
    %scan3A = arith.constant 0 : i32
    %scan3A_30 = arith.constant 0 : i32
    %scan3A_31 = arith.constant 39 : i32
    %scan3A_32 = arith.addi %scan3A_30, %scan3A_31 : i32
    %scan3A_33 = arith.constant 1 : i32
    scf.for %scan3A_38 = %scan3A_30 to %scan3A_32 step %scan3A_33  : i32 {
      %dma_wait3A = arith.constant 0 : i32
      %dma_wait3A_39 = arith.constant 0 : i32
      %dma_wait3A_40 = tpu.memref_slice %arg3[%dma_wait3A, %dma_wait3A_39] : memref<2500x128xi32, #tpu.memory_space<hbm>> -> memref<1x128xi32, #tpu.memory_space<hbm>>
      %dma_wait3A_41 = tpu.memref_squeeze %dma_wait3A_40 : memref<1x128xi32, #tpu.memory_space<hbm>> -> memref<128xi32, #tpu.memory_space<hbm>>
      %dma_wait3A_42 = arith.constant 0 : i32
      %dma_wait3A_43 = tpu.memref_slice %arg3[%dma_wait3A, %dma_wait3A_42] : memref<2500x128xi32, #tpu.memory_space<hbm>> -> memref<1x128xi32, #tpu.memory_space<hbm>>
      %dma_wait3A_44 = tpu.memref_squeeze %dma_wait3A_43 : memref<1x128xi32, #tpu.memory_space<hbm>> -> memref<128xi32, #tpu.memory_space<hbm>>
      tpu.wait_dma2 semaphore(%arg13 : memref<!tpu.dma_semaphore, #tpu.memory_space<semaphore_mem>>) src(%dma_wait3A_44 : memref<128xi32, #tpu.memory_space<hbm>>) dst(%arg7 : memref<128xi32, #tpu.memory_space<vmem>>)
      %dma_start3A_45 = arith.constant 0 : i32
      %dma_start3A_46 = arith.constant 0 : i32
      %dma_start3A_47 = tpu.memref_slice %arg2[%dma_start3A_45, %dma_start3A_46] : memref<60000x128xf32, #tpu.memory_space<hbm>> -> memref<60000x128xf32, #tpu.memory_space<hbm>>
      tpu.enqueue_indirect_dma source(%dma_start3A_47 : memref<60000x128xf32, #tpu.memory_space<hbm>>) target(%arg11 : memref<128x128xf32, #tpu.memory_space<vmem>>) offsets(%arg7 : memref<128xi32, #tpu.memory_space<vmem>>) semaphore(%arg17 : memref<!tpu.dma_semaphore, #tpu.memory_space<semaphore_mem>>)
      %dma_wait3A_48 = arith.constant 0 : i32
      %dma_wait3A_49 = arith.constant 0 : i32
      %dma_wait3A_50 = tpu.memref_slice %arg3[%dma_wait3A_48, %dma_wait3A_49] : memref<2500x128xi32, #tpu.memory_space<hbm>> -> memref<1x128xi32, #tpu.memory_space<hbm>>
      %dma_wait3A_51 = tpu.memref_squeeze %dma_wait3A_50 : memref<1x128xi32, #tpu.memory_space<hbm>> -> memref<128xi32, #tpu.memory_space<hbm>>
      %dma_wait3A_52 = arith.constant 0 : i32
      %dma_wait3A_53 = tpu.memref_slice %arg3[%dma_wait3A_48, %dma_wait3A_52] : memref<2500x128xi32, #tpu.memory_space<hbm>> -> memref<1x128xi32, #tpu.memory_space<hbm>>
      %dma_wait3A_54 = tpu.memref_squeeze %dma_wait3A_53 : memref<1x128xi32, #tpu.memory_space<hbm>> -> memref<128xi32, #tpu.memory_space<hbm>>
      tpu.wait_dma2 semaphore(%arg15 : memref<!tpu.dma_semaphore, #tpu.memory_space<semaphore_mem>>) src(%dma_wait3A_54 : memref<128xi32, #tpu.memory_space<hbm>>) dst(%arg9 : memref<128xi32, #tpu.memory_space<vmem>>)
      %dma_start3A_55 = arith.constant 0 : i32
      %dma_start3A_56 = arith.constant 0 : i32
      %dma_start3A_57 = tpu.memref_slice %arg2[%dma_start3A_55, %dma_start3A_56] : memref<60000x128xf32, #tpu.memory_space<hbm>> -> memref<60000x128xf32, #tpu.memory_space<hbm>>
      tpu.enqueue_indirect_dma source(%dma_start3A_57 : memref<60000x128xf32, #tpu.memory_space<hbm>>) target(%arg12 : memref<128x128xf32, #tpu.memory_space<vmem>>) offsets(%arg9 : memref<128xi32, #tpu.memory_space<vmem>>) semaphore(%arg18 : memref<!tpu.dma_semaphore, #tpu.memory_space<semaphore_mem>>)
      %dma_wait3A_58 = arith.constant 0 : i32
      %dma_wait3A_59 = arith.constant 0 : i32
      %dma_wait3A_60 = tpu.memref_slice %arg3[%dma_wait3A_58, %dma_wait3A_59] : memref<2500x128xi32, #tpu.memory_space<hbm>> -> memref<1x128xi32, #tpu.memory_space<hbm>>
      %dma_wait3A_61 = tpu.memref_squeeze %dma_wait3A_60 : memref<1x128xi32, #tpu.memory_space<hbm>> -> memref<128xi32, #tpu.memory_space<hbm>>
      %dma_wait3A_62 = arith.constant 0 : i32
      %dma_wait3A_63 = tpu.memref_slice %arg3[%dma_wait3A_58, %dma_wait3A_62] : memref<2500x128xi32, #tpu.memory_space<hbm>> -> memref<1x128xi32, #tpu.memory_space<hbm>>
      %dma_wait3A_64 = tpu.memref_squeeze %dma_wait3A_63 : memref<1x128xi32, #tpu.memory_space<hbm>> -> memref<128xi32, #tpu.memory_space<hbm>>
      tpu.wait_dma2 semaphore(%arg14 : memref<!tpu.dma_semaphore, #tpu.memory_space<semaphore_mem>>) src(%dma_wait3A_64 : memref<128xi32, #tpu.memory_space<hbm>>) dst(%arg8 : memref<128xi32, #tpu.memory_space<vmem>>)
      %dma_wait3A_65 = arith.constant 0 : i32
      %dma_wait3A_66 = arith.constant 0 : i32
      %dma_wait3A_67 = tpu.memref_slice %arg2[%dma_wait3A_65, %dma_wait3A_66] : memref<60000x128xf32, #tpu.memory_space<hbm>> -> memref<60000x128xf32, #tpu.memory_space<hbm>>
      tpu.wait_indirect_dma semaphore(%arg17 : memref<!tpu.dma_semaphore, #tpu.memory_space<semaphore_mem>>) src(%dma_wait3A_67 : memref<60000x128xf32, #tpu.memory_space<hbm>>) dst(%arg11 : memref<128x128xf32, #tpu.memory_space<vmem>>)
      %dma_start3A_68 = arith.constant 0 : i32
      %dma_start3A_69 = arith.constant 0 : i32
      %dma_start3A_70 = tpu.memref_slice %arg21[%dma_start3A_68, %dma_start3A_69] : memref<10112x128xf32, #tpu.memory_space<vmem_shared>> -> memref<10112x128xf32, #tpu.memory_space<vmem_shared>>
      tpu.enqueue_indirect_dma source(%arg11 : memref<128x128xf32, #tpu.memory_space<vmem>>) target(%dma_start3A_70 : memref<10112x128xf32, #tpu.memory_space<vmem_shared>>) offsets(%arg8 : memref<128xi32, #tpu.memory_space<vmem>>) semaphore(%arg19 : memref<!tpu.dma_semaphore, #tpu.memory_space<semaphore_mem>>) {add = true}
      %dma_wait3A_71 = arith.constant 0 : i32
      %dma_wait3A_72 = arith.constant 0 : i32
      %dma_wait3A_73 = tpu.memref_slice %arg3[%dma_wait3A_71, %dma_wait3A_72] : memref<2500x128xi32, #tpu.memory_space<hbm>> -> memref<1x128xi32, #tpu.memory_space<hbm>>
      %dma_wait3A_74 = tpu.memref_squeeze %dma_wait3A_73 : memref<1x128xi32, #tpu.memory_space<hbm>> -> memref<128xi32, #tpu.memory_space<hbm>>
      %dma_wait3A_75 = arith.constant 0 : i32
      %dma_wait3A_76 = tpu.memref_slice %arg3[%dma_wait3A_71, %dma_wait3A_75] : memref<2500x128xi32, #tpu.memory_space<hbm>> -> memref<1x128xi32, #tpu.memory_space<hbm>>
      %dma_wait3A_77 = tpu.memref_squeeze %dma_wait3A_76 : memref<1x128xi32, #tpu.memory_space<hbm>> -> memref<128xi32, #tpu.memory_space<hbm>>
      tpu.wait_dma2 semaphore(%arg16 : memref<!tpu.dma_semaphore, #tpu.memory_space<semaphore_mem>>) src(%dma_wait3A_77 : memref<128xi32, #tpu.memory_space<hbm>>) dst(%arg10 : memref<128xi32, #tpu.memory_space<vmem>>)
      %dma_wait3A_78 = arith.constant 0 : i32
      %dma_wait3A_79 = arith.constant 0 : i32
      %dma_wait3A_80 = tpu.memref_slice %arg2[%dma_wait3A_78, %dma_wait3A_79] : memref<60000x128xf32, #tpu.memory_space<hbm>> -> memref<60000x128xf32, #tpu.memory_space<hbm>>
      tpu.wait_indirect_dma semaphore(%arg18 : memref<!tpu.dma_semaphore, #tpu.memory_space<semaphore_mem>>) src(%dma_wait3A_80 : memref<60000x128xf32, #tpu.memory_space<hbm>>) dst(%arg12 : memref<128x128xf32, #tpu.memory_space<vmem>>)
      %dma_start3A_81 = arith.constant 0 : i32
      %dma_start3A_82 = arith.constant 0 : i32
      %dma_start3A_83 = tpu.memref_slice %arg21[%dma_start3A_81, %dma_start3A_82] : memref<10112x128xf32, #tpu.memory_space<vmem_shared>> -> memref<10112x128xf32, #tpu.memory_space<vmem_shared>>
      tpu.enqueue_indirect_dma source(%arg12 : memref<128x128xf32, #tpu.memory_space<vmem>>) target(%dma_start3A_83 : memref<10112x128xf32, #tpu.memory_space<vmem_shared>>) offsets(%arg10 : memref<128xi32, #tpu.memory_space<vmem>>) semaphore(%arg20 : memref<!tpu.dma_semaphore, #tpu.memory_space<semaphore_mem>>) {add = true}
      %dma_wait3A_84 = arith.constant 0 : i32
      %dma_wait3A_85 = arith.constant 0 : i32
      %dma_wait3A_86 = tpu.memref_slice %arg21[%dma_wait3A_84, %dma_wait3A_85] : memref<10112x128xf32, #tpu.memory_space<vmem_shared>> -> memref<10112x128xf32, #tpu.memory_space<vmem_shared>>
      tpu.wait_indirect_dma semaphore(%arg19 : memref<!tpu.dma_semaphore, #tpu.memory_space<semaphore_mem>>) src(%arg11 : memref<128x128xf32, #tpu.memory_space<vmem>>) dst(%dma_wait3A_86 : memref<10112x128xf32, #tpu.memory_space<vmem_shared>>)
      %lt3A_87 = arith.constant 38 : i32
      %lt3A_88 = arith.cmpi slt, %scan3A_38, %lt3A_87 : i32
      %convert_element_type3A_89 = arith.extui %lt3A_88 : i1 to i32
      %cond3A_90 = arith.constant 0 : i32
      %cond3A_91 = arith.cmpi ne, %convert_element_type3A_89, %cond3A_90 : i32
      scf.if %cond3A_91 {
        %mul3A_100 = arith.constant 2 : i32
        %mul3A_101 = arith.muli %mul3A_100, %scan3A_38 : i32
        %add3A_102 = arith.constant 2 : i32
        %add3A_103 = arith.addi %mul3A_101, %add3A_102 : i32
        %mul3A_104 = arith.constant 32 : i32
        %mul3A_105 = arith.muli %mul3A_104, %add3A_103 : i32
        %add3A_106 = arith.addi %add3A, %mul3A_105 : i32
        %dma_start3A_107 = arith.constant 0 : i32
        %dma_start3A_108 = tpu.memref_slice %arg3[%add3A_106, %dma_start3A_107] : memref<2500x128xi32, #tpu.memory_space<hbm>> -> memref<1x128xi32, #tpu.memory_space<hbm>>
        %dma_start3A_109 = tpu.memref_squeeze %dma_start3A_108 : memref<1x128xi32, #tpu.memory_space<hbm>> -> memref<128xi32, #tpu.memory_space<hbm>>
        %dma_start3A_110 = arith.constant 0 : i32
        %dma_start3A_111 = tpu.memref_slice %arg3[%add3A_106, %dma_start3A_110] : memref<2500x128xi32, #tpu.memory_space<hbm>> -> memref<1x128xi32, #tpu.memory_space<hbm>>
        %dma_start3A_112 = tpu.memref_squeeze %dma_start3A_111 : memref<1x128xi32, #tpu.memory_space<hbm>> -> memref<128xi32, #tpu.memory_space<hbm>>
        tpu.enqueue_dma source(%dma_start3A_112 : memref<128xi32, #tpu.memory_space<hbm>>) target(%arg7 : memref<128xi32, #tpu.memory_space<vmem>>) target_semaphore(%arg13 : memref<!tpu.dma_semaphore, #tpu.memory_space<semaphore_mem>>)
        %dma_start3A_113 = arith.constant 0 : i32
        %dma_start3A_114 = tpu.memref_slice %arg4[%add3A_106, %dma_start3A_113] : memref<2500x128xi32, #tpu.memory_space<hbm>> -> memref<1x128xi32, #tpu.memory_space<hbm>>
        %dma_start3A_115 = tpu.memref_squeeze %dma_start3A_114 : memref<1x128xi32, #tpu.memory_space<hbm>> -> memref<128xi32, #tpu.memory_space<hbm>>
        %dma_start3A_116 = arith.constant 0 : i32
        %dma_start3A_117 = tpu.memref_slice %arg4[%add3A_106, %dma_start3A_116] : memref<2500x128xi32, #tpu.memory_space<hbm>> -> memref<1x128xi32, #tpu.memory_space<hbm>>
        %dma_start3A_118 = tpu.memref_squeeze %dma_start3A_117 : memref<1x128xi32, #tpu.memory_space<hbm>> -> memref<128xi32, #tpu.memory_space<hbm>>
        tpu.enqueue_dma source(%dma_start3A_118 : memref<128xi32, #tpu.memory_space<hbm>>) target(%arg8 : memref<128xi32, #tpu.memory_space<vmem>>) target_semaphore(%arg14 : memref<!tpu.dma_semaphore, #tpu.memory_space<semaphore_mem>>)
      } else {
      }
      %dma_wait3A_92 = arith.constant 0 : i32
      %dma_wait3A_93 = arith.constant 0 : i32
      %dma_wait3A_94 = tpu.memref_slice %arg21[%dma_wait3A_92, %dma_wait3A_93] : memref<10112x128xf32, #tpu.memory_space<vmem_shared>> -> memref<10112x128xf32, #tpu.memory_space<vmem_shared>>
      tpu.wait_indirect_dma semaphore(%arg20 : memref<!tpu.dma_semaphore, #tpu.memory_space<semaphore_mem>>) src(%arg12 : memref<128x128xf32, #tpu.memory_space<vmem>>) dst(%dma_wait3A_94 : memref<10112x128xf32, #tpu.memory_space<vmem_shared>>)
      %lt3A_95 = arith.constant 38 : i32
      %lt3A_96 = arith.cmpi slt, %scan3A_38, %lt3A_95 : i32
      %convert_element_type3A_97 = arith.extui %lt3A_96 : i1 to i32
      %cond3A_98 = arith.constant 0 : i32
      %cond3A_99 = arith.cmpi ne, %convert_element_type3A_97, %cond3A_98 : i32
      scf.if %cond3A_99 {
        %mul3A_100 = arith.constant 2 : i32
        %mul3A_101 = arith.muli %mul3A_100, %scan3A_38 : i32
        %add3A_102 = arith.constant 3 : i32
        %add3A_103 = arith.addi %mul3A_101, %add3A_102 : i32
        %mul3A_104 = arith.constant 32 : i32
        %mul3A_105 = arith.muli %mul3A_104, %add3A_103 : i32
        %add3A_106 = arith.addi %add3A, %mul3A_105 : i32
        %dma_start3A_107 = arith.constant 0 : i32
        %dma_start3A_108 = tpu.memref_slice %arg3[%add3A_106, %dma_start3A_107] : memref<2500x128xi32, #tpu.memory_space<hbm>> -> memref<1x128xi32, #tpu.memory_space<hbm>>
        %dma_start3A_109 = tpu.memref_squeeze %dma_start3A_108 : memref<1x128xi32, #tpu.memory_space<hbm>> -> memref<128xi32, #tpu.memory_space<hbm>>
        %dma_start3A_110 = arith.constant 0 : i32
        %dma_start3A_111 = tpu.memref_slice %arg3[%add3A_106, %dma_start3A_110] : memref<2500x128xi32, #tpu.memory_space<hbm>> -> memref<1x128xi32, #tpu.memory_space<hbm>>
        %dma_start3A_112 = tpu.memref_squeeze %dma_start3A_111 : memref<1x128xi32, #tpu.memory_space<hbm>> -> memref<128xi32, #tpu.memory_space<hbm>>
        tpu.enqueue_dma source(%dma_start3A_112 : memref<128xi32, #tpu.memory_space<hbm>>) target(%arg9 : memref<128xi32, #tpu.memory_space<vmem>>) target_semaphore(%arg15 : memref<!tpu.dma_semaphore, #tpu.memory_space<semaphore_mem>>)
        %dma_start3A_113 = arith.constant 0 : i32
        %dma_start3A_114 = tpu.memref_slice %arg4[%add3A_106, %dma_start3A_113] : memref<2500x128xi32, #tpu.memory_space<hbm>> -> memref<1x128xi32, #tpu.memory_space<hbm>>
        %dma_start3A_115 = tpu.memref_squeeze %dma_start3A_114 : memref<1x128xi32, #tpu.memory_space<hbm>> -> memref<128xi32, #tpu.memory_space<hbm>>
        %dma_start3A_116 = arith.constant 0 : i32
        %dma_start3A_117 = tpu.memref_slice %arg4[%add3A_106, %dma_start3A_116] : memref<2500x128xi32, #tpu.memory_space<hbm>> -> memref<1x128xi32, #tpu.memory_space<hbm>>
        %dma_start3A_118 = tpu.memref_squeeze %dma_start3A_117 : memref<1x128xi32, #tpu.memory_space<hbm>> -> memref<128xi32, #tpu.memory_space<hbm>>
        tpu.enqueue_dma source(%dma_start3A_118 : memref<128xi32, #tpu.memory_space<hbm>>) target(%arg10 : memref<128xi32, #tpu.memory_space<vmem>>) target_semaphore(%arg16 : memref<!tpu.dma_semaphore, #tpu.memory_space<semaphore_mem>>)
      } else {
      }
    }
    %scan3A_34 = arith.constant 39 : i32
    %lt3A = arith.constant 4 : i32
    %lt3A_35 = arith.cmpi slt, %add3A, %lt3A : i32
    %convert_element_type3A = arith.extui %lt3A_35 : i1 to i32
    %cond3A = arith.constant 0 : i32
    %cond3A_36 = arith.cmpi ne, %convert_element_type3A, %cond3A : i32
    scf.if %cond3A_36 {
      %add3A_38 = arith.constant 2496 : i32
      %add3A_39 = arith.addi %add3A_38, %add3A : i32
      "tpu.region"() ({
        %run_scoped3A = tpu.sem_alloc : memref<!tpu.dma_semaphore, #tpu.memory_space<semaphore_mem>>
        %dma_start3A_45 = arith.constant 0 : i32
        %dma_start3A_46 = tpu.memref_slice %arg3[%add3A_39, %dma_start3A_45] : memref<2500x128xi32, #tpu.memory_space<hbm>> -> memref<1x128xi32, #tpu.memory_space<hbm>>
        %dma_start3A_47 = tpu.memref_squeeze %dma_start3A_46 : memref<1x128xi32, #tpu.memory_space<hbm>> -> memref<128xi32, #tpu.memory_space<hbm>>
        %dma_start3A_48 = arith.constant 0 : i32
        %dma_start3A_49 = tpu.memref_slice %arg3[%add3A_39, %dma_start3A_48] : memref<2500x128xi32, #tpu.memory_space<hbm>> -> memref<1x128xi32, #tpu.memory_space<hbm>>
        %dma_start3A_50 = tpu.memref_squeeze %dma_start3A_49 : memref<1x128xi32, #tpu.memory_space<hbm>> -> memref<128xi32, #tpu.memory_space<hbm>>
        tpu.enqueue_dma source(%dma_start3A_50 : memref<128xi32, #tpu.memory_space<hbm>>) target(%arg7 : memref<128xi32, #tpu.memory_space<vmem>>) target_semaphore(%run_scoped3A : memref<!tpu.dma_semaphore, #tpu.memory_space<semaphore_mem>>)
        %dma_wait3A_51 = arith.constant 0 : i32
        %dma_wait3A_52 = tpu.memref_slice %arg3[%add3A_39, %dma_wait3A_51] : memref<2500x128xi32, #tpu.memory_space<hbm>> -> memref<1x128xi32, #tpu.memory_space<hbm>>
        %dma_wait3A_53 = tpu.memref_squeeze %dma_wait3A_52 : memref<1x128xi32, #tpu.memory_space<hbm>> -> memref<128xi32, #tpu.memory_space<hbm>>
        %dma_wait3A_54 = arith.constant 0 : i32
        %dma_wait3A_55 = tpu.memref_slice %arg3[%add3A_39, %dma_wait3A_54] : memref<2500x128xi32, #tpu.memory_space<hbm>> -> memref<1x128xi32, #tpu.memory_space<hbm>>
        %dma_wait3A_56 = tpu.memref_squeeze %dma_wait3A_55 : memref<1x128xi32, #tpu.memory_space<hbm>> -> memref<128xi32, #tpu.memory_space<hbm>>
        tpu.wait_dma2 semaphore(%run_scoped3A : memref<!tpu.dma_semaphore, #tpu.memory_space<semaphore_mem>>) src(%dma_wait3A_56 : memref<128xi32, #tpu.memory_space<hbm>>) dst(%arg7 : memref<128xi32, #tpu.memory_space<vmem>>)
        tpu.yield
      }) : () -> ()
      "tpu.region"() ({
        %run_scoped3A = tpu.sem_alloc : memref<!tpu.dma_semaphore, #tpu.memory_space<semaphore_mem>>
        %dma_start3A_45 = arith.constant 0 : i32
        %dma_start3A_46 = tpu.memref_slice %arg4[%add3A_39, %dma_start3A_45] : memref<2500x128xi32, #tpu.memory_space<hbm>> -> memref<1x128xi32, #tpu.memory_space<hbm>>
        %dma_start3A_47 = tpu.memref_squeeze %dma_start3A_46 : memref<1x128xi32, #tpu.memory_space<hbm>> -> memref<128xi32, #tpu.memory_space<hbm>>
        %dma_start3A_48 = arith.constant 0 : i32
        %dma_start3A_49 = tpu.memref_slice %arg4[%add3A_39, %dma_start3A_48] : memref<2500x128xi32, #tpu.memory_space<hbm>> -> memref<1x128xi32, #tpu.memory_space<hbm>>
        %dma_start3A_50 = tpu.memref_squeeze %dma_start3A_49 : memref<1x128xi32, #tpu.memory_space<hbm>> -> memref<128xi32, #tpu.memory_space<hbm>>
        tpu.enqueue_dma source(%dma_start3A_50 : memref<128xi32, #tpu.memory_space<hbm>>) target(%arg8 : memref<128xi32, #tpu.memory_space<vmem>>) target_semaphore(%run_scoped3A : memref<!tpu.dma_semaphore, #tpu.memory_space<semaphore_mem>>)
        %dma_wait3A_51 = arith.constant 0 : i32
        %dma_wait3A_52 = tpu.memref_slice %arg4[%add3A_39, %dma_wait3A_51] : memref<2500x128xi32, #tpu.memory_space<hbm>> -> memref<1x128xi32, #tpu.memory_space<hbm>>
        %dma_wait3A_53 = tpu.memref_squeeze %dma_wait3A_52 : memref<1x128xi32, #tpu.memory_space<hbm>> -> memref<128xi32, #tpu.memory_space<hbm>>
        %dma_wait3A_54 = arith.constant 0 : i32
        %dma_wait3A_55 = tpu.memref_slice %arg4[%add3A_39, %dma_wait3A_54] : memref<2500x128xi32, #tpu.memory_space<hbm>> -> memref<1x128xi32, #tpu.memory_space<hbm>>
        %dma_wait3A_56 = tpu.memref_squeeze %dma_wait3A_55 : memref<1x128xi32, #tpu.memory_space<hbm>> -> memref<128xi32, #tpu.memory_space<hbm>>
        tpu.wait_dma2 semaphore(%run_scoped3A : memref<!tpu.dma_semaphore, #tpu.memory_space<semaphore_mem>>) src(%dma_wait3A_56 : memref<128xi32, #tpu.memory_space<hbm>>) dst(%arg8 : memref<128xi32, #tpu.memory_space<vmem>>)
        tpu.yield
      }) : () -> ()
      %dma_start3A_40 = arith.constant 0 : i32
      %dma_start3A_41 = arith.constant 0 : i32
      %dma_start3A_42 = tpu.memref_slice %arg2[%dma_start3A_40, %dma_start3A_41] : memref<60000x128xf32, #tpu.memory_space<hbm>> -> memref<60000x128xf32, #tpu.memory_space<hbm>>
      tpu.enqueue_indirect_dma source(%dma_start3A_42 : memref<60000x128xf32, #tpu.memory_space<hbm>>) target(%arg11 : memref<128x128xf32, #tpu.memory_space<vmem>>) offsets(%arg7 : memref<128xi32, #tpu.memory_space<vmem>>) semaphore(%arg17 : memref<!tpu.dma_semaphore, #tpu.memory_space<semaphore_mem>>)
      %dma_wait3A = arith.constant 0 : i32
      %dma_wait3A_43 = arith.constant 0 : i32
      %dma_wait3A_44 = tpu.memref_slice %arg2[%dma_wait3A, %dma_wait3A_43] : memref<60000x128xf32, #tpu.memory_space<hbm>> -> memref<60000x128xf32, #tpu.memory_space<hbm>>
      tpu.wait_indirect_dma semaphore(%arg17 : memref<!tpu.dma_semaphore, #tpu.memory_space<semaphore_mem>>) src(%dma_wait3A_44 : memref<60000x128xf32, #tpu.memory_space<hbm>>) dst(%arg11 : memref<128x128xf32, #tpu.memory_space<vmem>>)
      "tpu.region"() ({
        %run_scoped3A = tpu.sem_alloc : memref<!tpu.dma_semaphore, #tpu.memory_space<semaphore_mem>>
        %dma_start3A_45 = arith.constant 0 : i32
        %dma_start3A_46 = arith.constant 0 : i32
        %dma_start3A_47 = tpu.memref_slice %arg21[%dma_start3A_45, %dma_start3A_46] : memref<10112x128xf32, #tpu.memory_space<vmem_shared>> -> memref<10112x128xf32, #tpu.memory_space<vmem_shared>>
        tpu.enqueue_indirect_dma source(%arg11 : memref<128x128xf32, #tpu.memory_space<vmem>>) target(%dma_start3A_47 : memref<10112x128xf32, #tpu.memory_space<vmem_shared>>) offsets(%arg8 : memref<128xi32, #tpu.memory_space<vmem>>) semaphore(%run_scoped3A : memref<!tpu.dma_semaphore, #tpu.memory_space<semaphore_mem>>) {add = true}
        %dma_wait3A_48 = arith.constant 0 : i32
        %dma_wait3A_49 = arith.constant 0 : i32
        %dma_wait3A_50 = tpu.memref_slice %arg21[%dma_wait3A_48, %dma_wait3A_49] : memref<10112x128xf32, #tpu.memory_space<vmem_shared>> -> memref<10112x128xf32, #tpu.memory_space<vmem_shared>>
        tpu.wait_indirect_dma semaphore(%run_scoped3A : memref<!tpu.dma_semaphore, #tpu.memory_space<semaphore_mem>>) src(%arg11 : memref<128x128xf32, #tpu.memory_space<vmem>>) dst(%dma_wait3A_50 : memref<10112x128xf32, #tpu.memory_space<vmem_shared>>)
        tpu.yield
      }) : () -> ()
    } else {
    }
    %barrier3A_37 = arith.constant 0 : index
    tpu.barrier barrier_id(%barrier3A_37)
    "tpu.region"() ({
      %run_scoped3A = tpu.sem_alloc : memref<!tpu.dma_semaphore, #tpu.memory_space<semaphore_mem>>
      %dma_start3A_38 = arith.constant 0 : i32
      %dma_start3A_39 = tpu.memref_slice %arg6[%arg0, %multiple_of3A, %dma_start3A_38] : memref<2x10112x128xf32, #tpu.memory_space<hbm>> -> memref<1x632x128xf32, #tpu.memory_space<hbm>>
      %dma_start3A_40 = tpu.memref_squeeze %dma_start3A_39 : memref<1x632x128xf32, #tpu.memory_space<hbm>> -> memref<632x128xf32, #tpu.memory_space<hbm>>
      %dma_start3A_41 = arith.constant 0 : i32
      %dma_start3A_42 = tpu.memref_slice %arg21[%multiple_of3A, %dma_start3A_41] : memref<10112x128xf32, #tpu.memory_space<vmem_shared>> -> memref<632x128xf32, #tpu.memory_space<vmem_shared>>
      tpu.enqueue_dma source(%dma_start3A_42 : memref<632x128xf32, #tpu.memory_space<vmem_shared>>) target(%dma_start3A_40 : memref<632x128xf32, #tpu.memory_space<hbm>>) target_semaphore(%run_scoped3A : memref<!tpu.dma_semaphore, #tpu.memory_space<semaphore_mem>>)
      %dma_wait3A = arith.constant 0 : i32
      %dma_wait3A_43 = tpu.memref_slice %arg6[%arg0, %multiple_of3A, %dma_wait3A] : memref<2x10112x128xf32, #tpu.memory_space<hbm>> -> memref<1x632x128xf32, #tpu.memory_space<hbm>>
      %dma_wait3A_44 = tpu.memref_squeeze %dma_wait3A_43 : memref<1x632x128xf32, #tpu.memory_space<hbm>> -> memref<632x128xf32, #tpu.memory_space<hbm>>
      %dma_wait3A_45 = arith.constant 0 : i32
      %dma_wait3A_46 = tpu.memref_slice %arg21[%multiple_of3A, %dma_wait3A_45] : memref<10112x128xf32, #tpu.memory_space<vmem_shared>> -> memref<632x128xf32, #tpu.memory_space<vmem_shared>>
      tpu.wait_dma2 semaphore(%run_scoped3A : memref<!tpu.dma_semaphore, #tpu.memory_space<semaphore_mem>>) src(%dma_wait3A_46 : memref<632x128xf32, #tpu.memory_space<vmem_shared>>) dst(%dma_wait3A_44 : memref<632x128xf32, #tpu.memory_space<hbm>>)
      tpu.yield
    }) : () -> ()
    return
  }
}

#map = affine_map<(d0, d1) -> (0, 0)>
#map1 = affine_map<(d0, d1) -> (0, 0, 0)>
module attributes {stable_mosaic.version = 14 : i64} {
  func.func @_edge_body(%arg0: i32, %arg1: i32, %arg2: memref<60000x128xf32, #tpu.memory_space<hbm>>, %arg3: memref<2500x128xi32, #tpu.memory_space<hbm>>, %arg4: memref<2500x128xi32, #tpu.memory_space<hbm>>, %arg5: memref<632x128xf32, #tpu.memory_space<hbm>>, %arg6: memref<2x10112x128xf32, #tpu.memory_space<hbm>>, %arg7: memref<128xi32, #tpu.memory_space<vmem>>, %arg8: memref<128xi32, #tpu.memory_space<vmem>>, %arg9: memref<128xi32, #tpu.memory_space<vmem>>, %arg10: memref<128xi32, #tpu.memory_space<vmem>>, %arg11: memref<128x128xf32, #tpu.memory_space<vmem>>, %arg12: memref<128x128xf32, #tpu.memory_space<vmem>>, %arg13: memref<!tpu.dma_semaphore, #tpu.memory_space<semaphore_mem>>, %arg14: memref<!tpu.dma_semaphore, #tpu.memory_space<semaphore_mem>>, %arg15: memref<!tpu.dma_semaphore, #tpu.memory_space<semaphore_mem>>, %arg16: memref<!tpu.dma_semaphore, #tpu.memory_space<semaphore_mem>>, %arg17: memref<!tpu.dma_semaphore, #tpu.memory_space<semaphore_mem>>, %arg18: memref<!tpu.dma_semaphore, #tpu.memory_space<semaphore_mem>>, %arg19: memref<!tpu.dma_semaphore, #tpu.memory_space<semaphore_mem>>, %arg20: memref<!tpu.dma_semaphore, #tpu.memory_space<semaphore_mem>>, %arg21: memref<10112x128xf32, #tpu.memory_space<vmem_shared>>) attributes {dimension_semantics = [#tpu.dimension_semantics<core_parallel>, #tpu.dimension_semantics<subcore_parallel>], iteration_bounds = array<i64: 2, 16>, scalar_prefetch = 0 : i64, scratch_operands = 15 : i64, tpu.core_type = #tpu.core_type<sc_vector_subcore>, window_params = [{transform_indices = #map}, {transform_indices = #map}, {transform_indices = #map}, {transform_indices = #map}, {transform_indices = #map1}]} {
    %mul3A = arith.constant 2 : i32
    %mul3A_0 = arith.muli %arg1, %mul3A : i32
    %add3A = arith.addi %mul3A_0, %arg0 : i32
    %dma_start3A = arith.constant 0 : i32
    %dma_start3A_1 = tpu.memref_slice %arg3[%add3A, %dma_start3A] : memref<2500x128xi32, #tpu.memory_space<hbm>> -> memref<1x128xi32, #tpu.memory_space<hbm>>
    %dma_start3A_2 = tpu.memref_squeeze %dma_start3A_1 : memref<1x128xi32, #tpu.memory_space<hbm>> -> memref<128xi32, #tpu.memory_space<hbm>>
    %dma_start3A_3 = arith.constant 0 : i32
    %dma_start3A_4 = tpu.memref_slice %arg3[%add3A, %dma_start3A_3] : memref<2500x128xi32, #tpu.memory_space<hbm>> -> memref<1x128xi32, #tpu.memory_space<hbm>>
    %dma_start3A_5 = tpu.memref_squeeze %dma_start3A_4 : memref<1x128xi32, #tpu.memory_space<hbm>> -> memref<128xi32, #tpu.memory_space<hbm>>
    tpu.enqueue_dma source(%dma_start3A_5 : memref<128xi32, #tpu.memory_space<hbm>>) target(%arg7 : memref<128xi32, #tpu.memory_space<vmem>>) target_semaphore(%arg13 : memref<!tpu.dma_semaphore, #tpu.memory_space<semaphore_mem>>)
    %dma_start3A_6 = arith.constant 0 : i32
    %dma_start3A_7 = tpu.memref_slice %arg4[%add3A, %dma_start3A_6] : memref<2500x128xi32, #tpu.memory_space<hbm>> -> memref<1x128xi32, #tpu.memory_space<hbm>>
    %dma_start3A_8 = tpu.memref_squeeze %dma_start3A_7 : memref<1x128xi32, #tpu.memory_space<hbm>> -> memref<128xi32, #tpu.memory_space<hbm>>
    %dma_start3A_9 = arith.constant 0 : i32
    %dma_start3A_10 = tpu.memref_slice %arg4[%add3A, %dma_start3A_9] : memref<2500x128xi32, #tpu.memory_space<hbm>> -> memref<1x128xi32, #tpu.memory_space<hbm>>
    %dma_start3A_11 = tpu.memref_squeeze %dma_start3A_10 : memref<1x128xi32, #tpu.memory_space<hbm>> -> memref<128xi32, #tpu.memory_space<hbm>>
    tpu.enqueue_dma source(%dma_start3A_11 : memref<128xi32, #tpu.memory_space<hbm>>) target(%arg8 : memref<128xi32, #tpu.memory_space<vmem>>) target_semaphore(%arg14 : memref<!tpu.dma_semaphore, #tpu.memory_space<semaphore_mem>>)
    %add3A_12 = arith.constant 32 : i32
    %add3A_13 = arith.addi %add3A, %add3A_12 : i32
    %dma_start3A_14 = arith.constant 0 : i32
    %dma_start3A_15 = tpu.memref_slice %arg3[%add3A_13, %dma_start3A_14] : memref<2500x128xi32, #tpu.memory_space<hbm>> -> memref<1x128xi32, #tpu.memory_space<hbm>>
    %dma_start3A_16 = tpu.memref_squeeze %dma_start3A_15 : memref<1x128xi32, #tpu.memory_space<hbm>> -> memref<128xi32, #tpu.memory_space<hbm>>
    %dma_start3A_17 = arith.constant 0 : i32
    %dma_start3A_18 = tpu.memref_slice %arg3[%add3A_13, %dma_start3A_17] : memref<2500x128xi32, #tpu.memory_space<hbm>> -> memref<1x128xi32, #tpu.memory_space<hbm>>
    %dma_start3A_19 = tpu.memref_squeeze %dma_start3A_18 : memref<1x128xi32, #tpu.memory_space<hbm>> -> memref<128xi32, #tpu.memory_space<hbm>>
    tpu.enqueue_dma source(%dma_start3A_19 : memref<128xi32, #tpu.memory_space<hbm>>) target(%arg9 : memref<128xi32, #tpu.memory_space<vmem>>) target_semaphore(%arg15 : memref<!tpu.dma_semaphore, #tpu.memory_space<semaphore_mem>>)
    %add3A_20 = arith.constant 32 : i32
    %add3A_21 = arith.addi %add3A, %add3A_20 : i32
    %dma_start3A_22 = arith.constant 0 : i32
    %dma_start3A_23 = tpu.memref_slice %arg4[%add3A_21, %dma_start3A_22] : memref<2500x128xi32, #tpu.memory_space<hbm>> -> memref<1x128xi32, #tpu.memory_space<hbm>>
    %dma_start3A_24 = tpu.memref_squeeze %dma_start3A_23 : memref<1x128xi32, #tpu.memory_space<hbm>> -> memref<128xi32, #tpu.memory_space<hbm>>
    %dma_start3A_25 = arith.constant 0 : i32
    %dma_start3A_26 = tpu.memref_slice %arg4[%add3A_21, %dma_start3A_25] : memref<2500x128xi32, #tpu.memory_space<hbm>> -> memref<1x128xi32, #tpu.memory_space<hbm>>
    %dma_start3A_27 = tpu.memref_squeeze %dma_start3A_26 : memref<1x128xi32, #tpu.memory_space<hbm>> -> memref<128xi32, #tpu.memory_space<hbm>>
    tpu.enqueue_dma source(%dma_start3A_27 : memref<128xi32, #tpu.memory_space<hbm>>) target(%arg10 : memref<128xi32, #tpu.memory_space<vmem>>) target_semaphore(%arg16 : memref<!tpu.dma_semaphore, #tpu.memory_space<semaphore_mem>>)
    %mul3A_28 = arith.constant 632 : i32
    %mul3A_29 = arith.muli %arg1, %mul3A_28 : i32
    %multiple_of3A = tpu.assume_multiple %mul3A_29, 8 : i32
    "tpu.region"() ({
      %run_scoped3A = tpu.sem_alloc : memref<!tpu.dma_semaphore, #tpu.memory_space<semaphore_mem>>
      %dma_start3A_38 = arith.constant 0 : i32
      %dma_start3A_39 = tpu.memref_slice %arg21[%multiple_of3A, %dma_start3A_38] : memref<10112x128xf32, #tpu.memory_space<vmem_shared>> -> memref<632x128xf32, #tpu.memory_space<vmem_shared>>
      tpu.enqueue_dma source(%arg5 : memref<632x128xf32, #tpu.memory_space<hbm>>) target(%dma_start3A_39 : memref<632x128xf32, #tpu.memory_space<vmem_shared>>) target_semaphore(%run_scoped3A : memref<!tpu.dma_semaphore, #tpu.memory_space<semaphore_mem>>)
      %dma_wait3A = arith.constant 0 : i32
      %dma_wait3A_40 = tpu.memref_slice %arg21[%multiple_of3A, %dma_wait3A] : memref<10112x128xf32, #tpu.memory_space<vmem_shared>> -> memref<632x128xf32, #tpu.memory_space<vmem_shared>>
      tpu.wait_dma2 semaphore(%run_scoped3A : memref<!tpu.dma_semaphore, #tpu.memory_space<semaphore_mem>>) src(%arg5 : memref<632x128xf32, #tpu.memory_space<hbm>>) dst(%dma_wait3A_40 : memref<632x128xf32, #tpu.memory_space<vmem_shared>>)
      tpu.yield
    }) : () -> ()
    %barrier3A = arith.constant 0 : index
    tpu.barrier barrier_id(%barrier3A)
    %scan3A = arith.constant 0 : i32
    %scan3A_30 = arith.constant 0 : i32
    %scan3A_31 = arith.constant 39 : i32
    %scan3A_32 = arith.addi %scan3A_30, %scan3A_31 : i32
    %scan3A_33 = arith.constant 1 : i32
    scf.for %scan3A_38 = %scan3A_30 to %scan3A_32 step %scan3A_33  : i32 {
      %dma_wait3A = arith.constant 0 : i32
      %dma_wait3A_39 = arith.constant 0 : i32
      %dma_wait3A_40 = tpu.memref_slice %arg3[%dma_wait3A, %dma_wait3A_39] : memref<2500x128xi32, #tpu.memory_space<hbm>> -> memref<1x128xi32, #tpu.memory_space<hbm>>
      %dma_wait3A_41 = tpu.memref_squeeze %dma_wait3A_40 : memref<1x128xi32, #tpu.memory_space<hbm>> -> memref<128xi32, #tpu.memory_space<hbm>>
      %dma_wait3A_42 = arith.constant 0 : i32
      %dma_wait3A_43 = tpu.memref_slice %arg3[%dma_wait3A, %dma_wait3A_42] : memref<2500x128xi32, #tpu.memory_space<hbm>> -> memref<1x128xi32, #tpu.memory_space<hbm>>
      %dma_wait3A_44 = tpu.memref_squeeze %dma_wait3A_43 : memref<1x128xi32, #tpu.memory_space<hbm>> -> memref<128xi32, #tpu.memory_space<hbm>>
      tpu.wait_dma2 semaphore(%arg13 : memref<!tpu.dma_semaphore, #tpu.memory_space<semaphore_mem>>) src(%dma_wait3A_44 : memref<128xi32, #tpu.memory_space<hbm>>) dst(%arg7 : memref<128xi32, #tpu.memory_space<vmem>>)
      %dma_start3A_45 = arith.constant 0 : i32
      %dma_start3A_46 = arith.constant 0 : i32
      %dma_start3A_47 = tpu.memref_slice %arg2[%dma_start3A_45, %dma_start3A_46] : memref<60000x128xf32, #tpu.memory_space<hbm>> -> memref<60000x128xf32, #tpu.memory_space<hbm>>
      tpu.enqueue_indirect_dma source(%dma_start3A_47 : memref<60000x128xf32, #tpu.memory_space<hbm>>) target(%arg11 : memref<128x128xf32, #tpu.memory_space<vmem>>) offsets(%arg7 : memref<128xi32, #tpu.memory_space<vmem>>) semaphore(%arg17 : memref<!tpu.dma_semaphore, #tpu.memory_space<semaphore_mem>>)
      %dma_wait3A_48 = arith.constant 0 : i32
      %dma_wait3A_49 = arith.constant 0 : i32
      %dma_wait3A_50 = tpu.memref_slice %arg3[%dma_wait3A_48, %dma_wait3A_49] : memref<2500x128xi32, #tpu.memory_space<hbm>> -> memref<1x128xi32, #tpu.memory_space<hbm>>
      %dma_wait3A_51 = tpu.memref_squeeze %dma_wait3A_50 : memref<1x128xi32, #tpu.memory_space<hbm>> -> memref<128xi32, #tpu.memory_space<hbm>>
      %dma_wait3A_52 = arith.constant 0 : i32
      %dma_wait3A_53 = tpu.memref_slice %arg3[%dma_wait3A_48, %dma_wait3A_52] : memref<2500x128xi32, #tpu.memory_space<hbm>> -> memref<1x128xi32, #tpu.memory_space<hbm>>
      %dma_wait3A_54 = tpu.memref_squeeze %dma_wait3A_53 : memref<1x128xi32, #tpu.memory_space<hbm>> -> memref<128xi32, #tpu.memory_space<hbm>>
      tpu.wait_dma2 semaphore(%arg15 : memref<!tpu.dma_semaphore, #tpu.memory_space<semaphore_mem>>) src(%dma_wait3A_54 : memref<128xi32, #tpu.memory_space<hbm>>) dst(%arg9 : memref<128xi32, #tpu.memory_space<vmem>>)
      %dma_start3A_55 = arith.constant 0 : i32
      %dma_start3A_56 = arith.constant 0 : i32
      %dma_start3A_57 = tpu.memref_slice %arg2[%dma_start3A_55, %dma_start3A_56] : memref<60000x128xf32, #tpu.memory_space<hbm>> -> memref<60000x128xf32, #tpu.memory_space<hbm>>
      tpu.enqueue_indirect_dma source(%dma_start3A_57 : memref<60000x128xf32, #tpu.memory_space<hbm>>) target(%arg12 : memref<128x128xf32, #tpu.memory_space<vmem>>) offsets(%arg9 : memref<128xi32, #tpu.memory_space<vmem>>) semaphore(%arg18 : memref<!tpu.dma_semaphore, #tpu.memory_space<semaphore_mem>>)
      %dma_wait3A_58 = arith.constant 0 : i32
      %dma_wait3A_59 = arith.constant 0 : i32
      %dma_wait3A_60 = tpu.memref_slice %arg3[%dma_wait3A_58, %dma_wait3A_59] : memref<2500x128xi32, #tpu.memory_space<hbm>> -> memref<1x128xi32, #tpu.memory_space<hbm>>
      %dma_wait3A_61 = tpu.memref_squeeze %dma_wait3A_60 : memref<1x128xi32, #tpu.memory_space<hbm>> -> memref<128xi32, #tpu.memory_space<hbm>>
      %dma_wait3A_62 = arith.constant 0 : i32
      %dma_wait3A_63 = tpu.memref_slice %arg3[%dma_wait3A_58, %dma_wait3A_62] : memref<2500x128xi32, #tpu.memory_space<hbm>> -> memref<1x128xi32, #tpu.memory_space<hbm>>
      %dma_wait3A_64 = tpu.memref_squeeze %dma_wait3A_63 : memref<1x128xi32, #tpu.memory_space<hbm>> -> memref<128xi32, #tpu.memory_space<hbm>>
      tpu.wait_dma2 semaphore(%arg14 : memref<!tpu.dma_semaphore, #tpu.memory_space<semaphore_mem>>) src(%dma_wait3A_64 : memref<128xi32, #tpu.memory_space<hbm>>) dst(%arg8 : memref<128xi32, #tpu.memory_space<vmem>>)
      %dma_wait3A_65 = arith.constant 0 : i32
      %dma_wait3A_66 = arith.constant 0 : i32
      %dma_wait3A_67 = tpu.memref_slice %arg2[%dma_wait3A_65, %dma_wait3A_66] : memref<60000x128xf32, #tpu.memory_space<hbm>> -> memref<60000x128xf32, #tpu.memory_space<hbm>>
      tpu.wait_indirect_dma semaphore(%arg17 : memref<!tpu.dma_semaphore, #tpu.memory_space<semaphore_mem>>) src(%dma_wait3A_67 : memref<60000x128xf32, #tpu.memory_space<hbm>>) dst(%arg11 : memref<128x128xf32, #tpu.memory_space<vmem>>)
      %dma_start3A_68 = arith.constant 0 : i32
      %dma_start3A_69 = arith.constant 0 : i32
      %dma_start3A_70 = tpu.memref_slice %arg21[%dma_start3A_68, %dma_start3A_69] : memref<10112x128xf32, #tpu.memory_space<vmem_shared>> -> memref<10112x128xf32, #tpu.memory_space<vmem_shared>>
      tpu.enqueue_indirect_dma source(%arg11 : memref<128x128xf32, #tpu.memory_space<vmem>>) target(%dma_start3A_70 : memref<10112x128xf32, #tpu.memory_space<vmem_shared>>) offsets(%arg8 : memref<128xi32, #tpu.memory_space<vmem>>) semaphore(%arg19 : memref<!tpu.dma_semaphore, #tpu.memory_space<semaphore_mem>>) {add = true}
      %dma_wait3A_71 = arith.constant 0 : i32
      %dma_wait3A_72 = arith.constant 0 : i32
      %dma_wait3A_73 = tpu.memref_slice %arg3[%dma_wait3A_71, %dma_wait3A_72] : memref<2500x128xi32, #tpu.memory_space<hbm>> -> memref<1x128xi32, #tpu.memory_space<hbm>>
      %dma_wait3A_74 = tpu.memref_squeeze %dma_wait3A_73 : memref<1x128xi32, #tpu.memory_space<hbm>> -> memref<128xi32, #tpu.memory_space<hbm>>
      %dma_wait3A_75 = arith.constant 0 : i32
      %dma_wait3A_76 = tpu.memref_slice %arg3[%dma_wait3A_71, %dma_wait3A_75] : memref<2500x128xi32, #tpu.memory_space<hbm>> -> memref<1x128xi32, #tpu.memory_space<hbm>>
      %dma_wait3A_77 = tpu.memref_squeeze %dma_wait3A_76 : memref<1x128xi32, #tpu.memory_space<hbm>> -> memref<128xi32, #tpu.memory_space<hbm>>
      tpu.wait_dma2 semaphore(%arg16 : memref<!tpu.dma_semaphore, #tpu.memory_space<semaphore_mem>>) src(%dma_wait3A_77 : memref<128xi32, #tpu.memory_space<hbm>>) dst(%arg10 : memref<128xi32, #tpu.memory_space<vmem>>)
      %dma_wait3A_78 = arith.constant 0 : i32
      %dma_wait3A_79 = arith.constant 0 : i32
      %dma_wait3A_80 = tpu.memref_slice %arg2[%dma_wait3A_78, %dma_wait3A_79] : memref<60000x128xf32, #tpu.memory_space<hbm>> -> memref<60000x128xf32, #tpu.memory_space<hbm>>
      tpu.wait_indirect_dma semaphore(%arg18 : memref<!tpu.dma_semaphore, #tpu.memory_space<semaphore_mem>>) src(%dma_wait3A_80 : memref<60000x128xf32, #tpu.memory_space<hbm>>) dst(%arg12 : memref<128x128xf32, #tpu.memory_space<vmem>>)
      %dma_start3A_81 = arith.constant 0 : i32
      %dma_start3A_82 = arith.constant 0 : i32
      %dma_start3A_83 = tpu.memref_slice %arg21[%dma_start3A_81, %dma_start3A_82] : memref<10112x128xf32, #tpu.memory_space<vmem_shared>> -> memref<10112x128xf32, #tpu.memory_space<vmem_shared>>
      tpu.enqueue_indirect_dma source(%arg12 : memref<128x128xf32, #tpu.memory_space<vmem>>) target(%dma_start3A_83 : memref<10112x128xf32, #tpu.memory_space<vmem_shared>>) offsets(%arg10 : memref<128xi32, #tpu.memory_space<vmem>>) semaphore(%arg20 : memref<!tpu.dma_semaphore, #tpu.memory_space<semaphore_mem>>) {add = true}
      %dma_wait3A_84 = arith.constant 0 : i32
      %dma_wait3A_85 = arith.constant 0 : i32
      %dma_wait3A_86 = tpu.memref_slice %arg21[%dma_wait3A_84, %dma_wait3A_85] : memref<10112x128xf32, #tpu.memory_space<vmem_shared>> -> memref<10112x128xf32, #tpu.memory_space<vmem_shared>>
      tpu.wait_indirect_dma semaphore(%arg19 : memref<!tpu.dma_semaphore, #tpu.memory_space<semaphore_mem>>) src(%arg11 : memref<128x128xf32, #tpu.memory_space<vmem>>) dst(%dma_wait3A_86 : memref<10112x128xf32, #tpu.memory_space<vmem_shared>>)
      %lt3A_87 = arith.constant 38 : i32
      %lt3A_88 = arith.cmpi slt, %scan3A_38, %lt3A_87 : i32
      %convert_element_type3A_89 = arith.extui %lt3A_88 : i1 to i32
      %cond3A_90 = arith.constant 0 : i32
      %cond3A_91 = arith.cmpi ne, %convert_element_type3A_89, %cond3A_90 : i32
      scf.if %cond3A_91 {
        %mul3A_100 = arith.constant 2 : i32
        %mul3A_101 = arith.muli %mul3A_100, %scan3A_38 : i32
        %add3A_102 = arith.constant 2 : i32
        %add3A_103 = arith.addi %mul3A_101, %add3A_102 : i32
        %mul3A_104 = arith.constant 32 : i32
        %mul3A_105 = arith.muli %mul3A_104, %add3A_103 : i32
        %add3A_106 = arith.addi %add3A, %mul3A_105 : i32
        %dma_start3A_107 = arith.constant 0 : i32
        %dma_start3A_108 = tpu.memref_slice %arg3[%add3A_106, %dma_start3A_107] : memref<2500x128xi32, #tpu.memory_space<hbm>> -> memref<1x128xi32, #tpu.memory_space<hbm>>
        %dma_start3A_109 = tpu.memref_squeeze %dma_start3A_108 : memref<1x128xi32, #tpu.memory_space<hbm>> -> memref<128xi32, #tpu.memory_space<hbm>>
        %dma_start3A_110 = arith.constant 0 : i32
        %dma_start3A_111 = tpu.memref_slice %arg3[%add3A_106, %dma_start3A_110] : memref<2500x128xi32, #tpu.memory_space<hbm>> -> memref<1x128xi32, #tpu.memory_space<hbm>>
        %dma_start3A_112 = tpu.memref_squeeze %dma_start3A_111 : memref<1x128xi32, #tpu.memory_space<hbm>> -> memref<128xi32, #tpu.memory_space<hbm>>
        tpu.enqueue_dma source(%dma_start3A_112 : memref<128xi32, #tpu.memory_space<hbm>>) target(%arg7 : memref<128xi32, #tpu.memory_space<vmem>>) target_semaphore(%arg13 : memref<!tpu.dma_semaphore, #tpu.memory_space<semaphore_mem>>)
        %dma_start3A_113 = arith.constant 0 : i32
        %dma_start3A_114 = tpu.memref_slice %arg4[%add3A_106, %dma_start3A_113] : memref<2500x128xi32, #tpu.memory_space<hbm>> -> memref<1x128xi32, #tpu.memory_space<hbm>>
        %dma_start3A_115 = tpu.memref_squeeze %dma_start3A_114 : memref<1x128xi32, #tpu.memory_space<hbm>> -> memref<128xi32, #tpu.memory_space<hbm>>
        %dma_start3A_116 = arith.constant 0 : i32
        %dma_start3A_117 = tpu.memref_slice %arg4[%add3A_106, %dma_start3A_116] : memref<2500x128xi32, #tpu.memory_space<hbm>> -> memref<1x128xi32, #tpu.memory_space<hbm>>
        %dma_start3A_118 = tpu.memref_squeeze %dma_start3A_117 : memref<1x128xi32, #tpu.memory_space<hbm>> -> memref<128xi32, #tpu.memory_space<hbm>>
        tpu.enqueue_dma source(%dma_start3A_118 : memref<128xi32, #tpu.memory_space<hbm>>) target(%arg8 : memref<128xi32, #tpu.memory_space<vmem>>) target_semaphore(%arg14 : memref<!tpu.dma_semaphore, #tpu.memory_space<semaphore_mem>>)
      } else {
      }
      %dma_wait3A_92 = arith.constant 0 : i32
      %dma_wait3A_93 = arith.constant 0 : i32
      %dma_wait3A_94 = tpu.memref_slice %arg21[%dma_wait3A_92, %dma_wait3A_93] : memref<10112x128xf32, #tpu.memory_space<vmem_shared>> -> memref<10112x128xf32, #tpu.memory_space<vmem_shared>>
      tpu.wait_indirect_dma semaphore(%arg20 : memref<!tpu.dma_semaphore, #tpu.memory_space<semaphore_mem>>) src(%arg12 : memref<128x128xf32, #tpu.memory_space<vmem>>) dst(%dma_wait3A_94 : memref<10112x128xf32, #tpu.memory_space<vmem_shared>>)
      %lt3A_95 = arith.constant 38 : i32
      %lt3A_96 = arith.cmpi slt, %scan3A_38, %lt3A_95 : i32
      %convert_element_type3A_97 = arith.extui %lt3A_96 : i1 to i32
      %cond3A_98 = arith.constant 0 : i32
      %cond3A_99 = arith.cmpi ne, %convert_element_type3A_97, %cond3A_98 : i32
      scf.if %cond3A_99 {
        %mul3A_100 = arith.constant 2 : i32
        %mul3A_101 = arith.muli %mul3A_100, %scan3A_38 : i32
        %add3A_102 = arith.constant 3 : i32
        %add3A_103 = arith.addi %mul3A_101, %add3A_102 : i32
        %mul3A_104 = arith.constant 32 : i32
        %mul3A_105 = arith.muli %mul3A_104, %add3A_103 : i32
        %add3A_106 = arith.addi %add3A, %mul3A_105 : i32
        %dma_start3A_107 = arith.constant 0 : i32
        %dma_start3A_108 = tpu.memref_slice %arg3[%add3A_106, %dma_start3A_107] : memref<2500x128xi32, #tpu.memory_space<hbm>> -> memref<1x128xi32, #tpu.memory_space<hbm>>
        %dma_start3A_109 = tpu.memref_squeeze %dma_start3A_108 : memref<1x128xi32, #tpu.memory_space<hbm>> -> memref<128xi32, #tpu.memory_space<hbm>>
        %dma_start3A_110 = arith.constant 0 : i32
        %dma_start3A_111 = tpu.memref_slice %arg3[%add3A_106, %dma_start3A_110] : memref<2500x128xi32, #tpu.memory_space<hbm>> -> memref<1x128xi32, #tpu.memory_space<hbm>>
        %dma_start3A_112 = tpu.memref_squeeze %dma_start3A_111 : memref<1x128xi32, #tpu.memory_space<hbm>> -> memref<128xi32, #tpu.memory_space<hbm>>
        tpu.enqueue_dma source(%dma_start3A_112 : memref<128xi32, #tpu.memory_space<hbm>>) target(%arg9 : memref<128xi32, #tpu.memory_space<vmem>>) target_semaphore(%arg15 : memref<!tpu.dma_semaphore, #tpu.memory_space<semaphore_mem>>)
        %dma_start3A_113 = arith.constant 0 : i32
        %dma_start3A_114 = tpu.memref_slice %arg4[%add3A_106, %dma_start3A_113] : memref<2500x128xi32, #tpu.memory_space<hbm>> -> memref<1x128xi32, #tpu.memory_space<hbm>>
        %dma_start3A_115 = tpu.memref_squeeze %dma_start3A_114 : memref<1x128xi32, #tpu.memory_space<hbm>> -> memref<128xi32, #tpu.memory_space<hbm>>
        %dma_start3A_116 = arith.constant 0 : i32
        %dma_start3A_117 = tpu.memref_slice %arg4[%add3A_106, %dma_start3A_116] : memref<2500x128xi32, #tpu.memory_space<hbm>> -> memref<1x128xi32, #tpu.memory_space<hbm>>
        %dma_start3A_118 = tpu.memref_squeeze %dma_start3A_117 : memref<1x128xi32, #tpu.memory_space<hbm>> -> memref<128xi32, #tpu.memory_space<hbm>>
        tpu.enqueue_dma source(%dma_start3A_118 : memref<128xi32, #tpu.memory_space<hbm>>) target(%arg10 : memref<128xi32, #tpu.memory_space<vmem>>) target_semaphore(%arg16 : memref<!tpu.dma_semaphore, #tpu.memory_space<semaphore_mem>>)
      } else {
      }
    }
    %scan3A_34 = arith.constant 39 : i32
    %lt3A = arith.constant 4 : i32
    %lt3A_35 = arith.cmpi slt, %add3A, %lt3A : i32
    %convert_element_type3A = arith.extui %lt3A_35 : i1 to i32
    %cond3A = arith.constant 0 : i32
    %cond3A_36 = arith.cmpi ne, %convert_element_type3A, %cond3A : i32
    scf.if %cond3A_36 {
      %add3A_38 = arith.constant 2496 : i32
      %add3A_39 = arith.addi %add3A_38, %add3A : i32
      "tpu.region"() ({
        %run_scoped3A = tpu.sem_alloc : memref<!tpu.dma_semaphore, #tpu.memory_space<semaphore_mem>>
        %dma_start3A_45 = arith.constant 0 : i32
        %dma_start3A_46 = tpu.memref_slice %arg3[%add3A_39, %dma_start3A_45] : memref<2500x128xi32, #tpu.memory_space<hbm>> -> memref<1x128xi32, #tpu.memory_space<hbm>>
        %dma_start3A_47 = tpu.memref_squeeze %dma_start3A_46 : memref<1x128xi32, #tpu.memory_space<hbm>> -> memref<128xi32, #tpu.memory_space<hbm>>
        %dma_start3A_48 = arith.constant 0 : i32
        %dma_start3A_49 = tpu.memref_slice %arg3[%add3A_39, %dma_start3A_48] : memref<2500x128xi32, #tpu.memory_space<hbm>> -> memref<1x128xi32, #tpu.memory_space<hbm>>
        %dma_start3A_50 = tpu.memref_squeeze %dma_start3A_49 : memref<1x128xi32, #tpu.memory_space<hbm>> -> memref<128xi32, #tpu.memory_space<hbm>>
        tpu.enqueue_dma source(%dma_start3A_50 : memref<128xi32, #tpu.memory_space<hbm>>) target(%arg7 : memref<128xi32, #tpu.memory_space<vmem>>) target_semaphore(%run_scoped3A : memref<!tpu.dma_semaphore, #tpu.memory_space<semaphore_mem>>)
        %dma_wait3A_51 = arith.constant 0 : i32
        %dma_wait3A_52 = tpu.memref_slice %arg3[%add3A_39, %dma_wait3A_51] : memref<2500x128xi32, #tpu.memory_space<hbm>> -> memref<1x128xi32, #tpu.memory_space<hbm>>
        %dma_wait3A_53 = tpu.memref_squeeze %dma_wait3A_52 : memref<1x128xi32, #tpu.memory_space<hbm>> -> memref<128xi32, #tpu.memory_space<hbm>>
        %dma_wait3A_54 = arith.constant 0 : i32
        %dma_wait3A_55 = tpu.memref_slice %arg3[%add3A_39, %dma_wait3A_54] : memref<2500x128xi32, #tpu.memory_space<hbm>> -> memref<1x128xi32, #tpu.memory_space<hbm>>
        %dma_wait3A_56 = tpu.memref_squeeze %dma_wait3A_55 : memref<1x128xi32, #tpu.memory_space<hbm>> -> memref<128xi32, #tpu.memory_space<hbm>>
        tpu.wait_dma2 semaphore(%run_scoped3A : memref<!tpu.dma_semaphore, #tpu.memory_space<semaphore_mem>>) src(%dma_wait3A_56 : memref<128xi32, #tpu.memory_space<hbm>>) dst(%arg7 : memref<128xi32, #tpu.memory_space<vmem>>)
        tpu.yield
      }) : () -> ()
      "tpu.region"() ({
        %run_scoped3A = tpu.sem_alloc : memref<!tpu.dma_semaphore, #tpu.memory_space<semaphore_mem>>
        %dma_start3A_45 = arith.constant 0 : i32
        %dma_start3A_46 = tpu.memref_slice %arg4[%add3A_39, %dma_start3A_45] : memref<2500x128xi32, #tpu.memory_space<hbm>> -> memref<1x128xi32, #tpu.memory_space<hbm>>
        %dma_start3A_47 = tpu.memref_squeeze %dma_start3A_46 : memref<1x128xi32, #tpu.memory_space<hbm>> -> memref<128xi32, #tpu.memory_space<hbm>>
        %dma_start3A_48 = arith.constant 0 : i32
        %dma_start3A_49 = tpu.memref_slice %arg4[%add3A_39, %dma_start3A_48] : memref<2500x128xi32, #tpu.memory_space<hbm>> -> memref<1x128xi32, #tpu.memory_space<hbm>>
        %dma_start3A_50 = tpu.memref_squeeze %dma_start3A_49 : memref<1x128xi32, #tpu.memory_space<hbm>> -> memref<128xi32, #tpu.memory_space<hbm>>
        tpu.enqueue_dma source(%dma_start3A_50 : memref<128xi32, #tpu.memory_space<hbm>>) target(%arg8 : memref<128xi32, #tpu.memory_space<vmem>>) target_semaphore(%run_scoped3A : memref<!tpu.dma_semaphore, #tpu.memory_space<semaphore_mem>>)
        %dma_wait3A_51 = arith.constant 0 : i32
        %dma_wait3A_52 = tpu.memref_slice %arg4[%add3A_39, %dma_wait3A_51] : memref<2500x128xi32, #tpu.memory_space<hbm>> -> memref<1x128xi32, #tpu.memory_space<hbm>>
        %dma_wait3A_53 = tpu.memref_squeeze %dma_wait3A_52 : memref<1x128xi32, #tpu.memory_space<hbm>> -> memref<128xi32, #tpu.memory_space<hbm>>
        %dma_wait3A_54 = arith.constant 0 : i32
        %dma_wait3A_55 = tpu.memref_slice %arg4[%add3A_39, %dma_wait3A_54] : memref<2500x128xi32, #tpu.memory_space<hbm>> -> memref<1x128xi32, #tpu.memory_space<hbm>>
        %dma_wait3A_56 = tpu.memref_squeeze %dma_wait3A_55 : memref<1x128xi32, #tpu.memory_space<hbm>> -> memref<128xi32, #tpu.memory_space<hbm>>
        tpu.wait_dma2 semaphore(%run_scoped3A : memref<!tpu.dma_semaphore, #tpu.memory_space<semaphore_mem>>) src(%dma_wait3A_56 : memref<128xi32, #tpu.memory_space<hbm>>) dst(%arg8 : memref<128xi32, #tpu.memory_space<vmem>>)
        tpu.yield
      }) : () -> ()
      %dma_start3A_40 = arith.constant 0 : i32
      %dma_start3A_41 = arith.constant 0 : i32
      %dma_start3A_42 = tpu.memref_slice %arg2[%dma_start3A_40, %dma_start3A_41] : memref<60000x128xf32, #tpu.memory_space<hbm>> -> memref<60000x128xf32, #tpu.memory_space<hbm>>
      tpu.enqueue_indirect_dma source(%dma_start3A_42 : memref<60000x128xf32, #tpu.memory_space<hbm>>) target(%arg11 : memref<128x128xf32, #tpu.memory_space<vmem>>) offsets(%arg7 : memref<128xi32, #tpu.memory_space<vmem>>) semaphore(%arg17 : memref<!tpu.dma_semaphore, #tpu.memory_space<semaphore_mem>>)
      %dma_wait3A = arith.constant 0 : i32
      %dma_wait3A_43 = arith.constant 0 : i32
      %dma_wait3A_44 = tpu.memref_slice %arg2[%dma_wait3A, %dma_wait3A_43] : memref<60000x128xf32, #tpu.memory_space<hbm>> -> memref<60000x128xf32, #tpu.memory_space<hbm>>
      tpu.wait_indirect_dma semaphore(%arg17 : memref<!tpu.dma_semaphore, #tpu.memory_space<semaphore_mem>>) src(%dma_wait3A_44 : memref<60000x128xf32, #tpu.memory_space<hbm>>) dst(%arg11 : memref<128x128xf32, #tpu.memory_space<vmem>>)
      "tpu.region"() ({
        %run_scoped3A = tpu.sem_alloc : memref<!tpu.dma_semaphore, #tpu.memory_space<semaphore_mem>>
        %dma_start3A_45 = arith.constant 0 : i32
        %dma_start3A_46 = arith.constant 0 : i32
        %dma_start3A_47 = tpu.memref_slice %arg21[%dma_start3A_45, %dma_start3A_46] : memref<10112x128xf32, #tpu.memory_space<vmem_shared>> -> memref<10112x128xf32, #tpu.memory_space<vmem_shared>>
        tpu.enqueue_indirect_dma source(%arg11 : memref<128x128xf32, #tpu.memory_space<vmem>>) target(%dma_start3A_47 : memref<10112x128xf32, #tpu.memory_space<vmem_shared>>) offsets(%arg8 : memref<128xi32, #tpu.memory_space<vmem>>) semaphore(%run_scoped3A : memref<!tpu.dma_semaphore, #tpu.memory_space<semaphore_mem>>) {add = true}
        %dma_wait3A_48 = arith.constant 0 : i32
        %dma_wait3A_49 = arith.constant 0 : i32
        %dma_wait3A_50 = tpu.memref_slice %arg21[%dma_wait3A_48, %dma_wait3A_49] : memref<10112x128xf32, #tpu.memory_space<vmem_shared>> -> memref<10112x128xf32, #tpu.memory_space<vmem_shared>>
        tpu.wait_indirect_dma semaphore(%run_scoped3A : memref<!tpu.dma_semaphore, #tpu.memory_space<semaphore_mem>>) src(%arg11 : memref<128x128xf32, #tpu.memory_space<vmem>>) dst(%dma_wait3A_50 : memref<10112x128xf32, #tpu.memory_space<vmem_shared>>)
        tpu.yield
      }) : () -> ()
    } else {
    }
    %barrier3A_37 = arith.constant 0 : index
    tpu.barrier barrier_id(%barrier3A_37)
    "tpu.region"() ({
      %run_scoped3A = tpu.sem_alloc : memref<!tpu.dma_semaphore, #tpu.memory_space<semaphore_mem>>
      %dma_start3A_38 = arith.constant 0 : i32
      %dma_start3A_39 = tpu.memref_slice %arg6[%arg0, %multiple_of3A, %dma_start3A_38] : memref<2x10112x128xf32, #tpu.memory_space<hbm>> -> memref<1x632x128xf32, #tpu.memory_space<hbm>>
      %dma_start3A_40 = tpu.memref_squeeze %dma_start3A_39 : memref<1x632x128xf32, #tpu.memory_space<hbm>> -> memref<632x128xf32, #tpu.memory_space<hbm>>
      %dma_start3A_41 = arith.constant 0 : i32
      %dma_start3A_42 = tpu.memref_slice %arg21[%multiple_of3A, %dma_start3A_41] : memref<10112x128xf32, #tpu.memory_space<vmem_shared>> -> memref<632x128xf32, #tpu.memory_space<vmem_shared>>
      tpu.enqueue_dma source(%dma_start3A_42 : memref<632x128xf32, #tpu.memory_space<vmem_shared>>) target(%dma_start3A_40 : memref<632x128xf32, #tpu.memory_space<hbm>>) target_semaphore(%run_scoped3A : memref<!tpu.dma_semaphore, #tpu.memory_space<semaphore_mem>>)
      %dma_wait3A = arith.constant 0 : i32
      %dma_wait3A_43 = tpu.memref_slice %arg6[%arg0, %multiple_of3A, %dma_wait3A] : memref<2x10112x128xf32, #tpu.memory_space<hbm>> -> memref<1x632x128xf32, #tpu.memory_space<hbm>>
      %dma_wait3A_44 = tpu.memref_squeeze %dma_wait3A_43 : memref<1x632x128xf32, #tpu.memory_space<hbm>> -> memref<632x128xf32, #tpu.memory_space<hbm>>
      %dma_wait3A_45 = arith.constant 0 : i32
      %dma_wait3A_46 = tpu.memref_slice %arg21[%multiple_of3A, %dma_wait3A_45] : memref<10112x128xf32, #tpu.memory_space<vmem_shared>> -> memref<632x128xf32, #tpu.memory_space<vmem_shared>>
      tpu.wait_dma2 semaphore(%run_scoped3A : memref<!tpu.dma_semaphore, #tpu.memory_space<semaphore_mem>>) src(%dma_wait3A_46 : memref<632x128xf32, #tpu.memory_space<vmem_shared>>) dst(%dma_wait3A_44 : memref<632x128xf32, #tpu.memory_space<hbm>>)
      tpu.yield
    }) : () -> ()
    return
  }
}

module attributes {stable_mosaic.version = 14 : i64} {
  func.func @_hall_body(%arg0: i32, %arg1: i32, %arg2: memref<2000x128xf32, #tpu.memory_space<vmem>>, %arg3: memref<1x128x128xf32, #tpu.memory_space<vmem>>, %arg4: memref<1x1x128xf32, #tpu.memory_space<vmem>>, %arg5: memref<2000x128xf32, #tpu.memory_space<vmem>>) attributes {dimension_semantics = [#tpu.dimension_semantics<arbitrary>, #tpu.dimension_semantics<arbitrary>], iteration_bounds = array<i64: 6, 5>, scalar_prefetch = 0 : i64, scratch_operands = 0 : i64, tpu.core_type = #tpu.core_type<tc>, window_params = [{transform_indices = @transform_0, window_bounds = array<i64: 2000, 128>}, {transform_indices = @transform_1, window_bounds = array<i64: 1, 128, 128>}, {transform_indices = @transform_2, window_bounds = array<i64: 1, 1, 128>}, {transform_indices = @transform_3, window_bounds = array<i64: 2000, 128>}]} {
    %get3A = arith.constant 0 : index
    %get3A_0 = arith.constant 0 : index
    %get3A_1 = vector.load %arg2[%get3A, %get3A_0] : memref<2000x128xf32, #tpu.memory_space<vmem>>, vector<2000x128xf32>
    %get3A_2 = arith.constant 0 : index
    %get3A_3 = arith.constant 0 : index
    %get3A_4 = arith.constant 0 : index
    %get3A_5 = vector.load %arg3[%get3A_2, %get3A_3, %get3A_4] : memref<1x128x128xf32, #tpu.memory_space<vmem>>, vector<1x128x128xf32>
    %get3A_6 = vector.shape_cast %get3A_5 : vector<1x128x128xf32> to vector<128x128xf32>
    %dot_general3A = arith.constant dense<0.000000e+00> : vector<2000x128xf32>
    %dot_general3A_7 = tpu.matmul %get3A_1, %get3A_6, %dot_general3A {dimension_numbers = #tpu.dot_dimension_numbers<[1], [0], [0], [1], [0, 0, 1, 1], [], []>, transpose_lhs_hint = false} : vector<2000x128xf32>, vector<128x128xf32>, vector<2000x128xf32> -> vector<2000x128xf32>
    %get3A_8 = arith.constant 0 : index
    %get3A_9 = arith.constant 0 : index
    %get3A_10 = arith.constant 0 : index
    %get3A_11 = vector.load %arg4[%get3A_8, %get3A_9, %get3A_10] : memref<1x1x128xf32, #tpu.memory_space<vmem>>, vector<1x1x128xf32>
    %get3A_12 = vector.shape_cast %get3A_11 : vector<1x1x128xf32> to vector<1x128xf32>
    %add3A = vector.broadcast %get3A_12 : vector<1x128xf32> to vector<2000x128xf32>
    %add3A_13 = arith.addf %dot_general3A_7, %add3A : vector<2000x128xf32>
    %swap3A = arith.constant 0 : index
    %swap3A_14 = arith.constant 0 : index
    %swap3A_15 = vector.load %arg5[%swap3A, %swap3A_14] : memref<2000x128xf32, #tpu.memory_space<vmem>>, vector<2000x128xf32>
    tpu.vector_store %arg5[%swap3A, %swap3A_14], %add3A_13 {strides = array<i32>} : memref<2000x128xf32, #tpu.memory_space<vmem>>, vector<2000x128xf32>,
    return
  }
  func.func @transform_0(%arg0: i32, %arg1: i32) -> (i32, i32) {
    %c0_i32 = arith.constant 0 : i32
    %c0_i32_0 = arith.constant 0 : i32
    return %arg1, %c0_i32 : i32, i32
  }
  func.func @transform_1(%arg0: i32, %arg1: i32) -> (i32, i32, i32) {
    %c0_i32 = arith.constant 0 : i32
    %c0_i32_0 = arith.constant 0 : i32
    %c0_i32_1 = arith.constant 0 : i32
    return %arg0, %c0_i32, %c0_i32_0 : i32, i32, i32
  }
  func.func @transform_2(%arg0: i32, %arg1: i32) -> (i32, i32, i32) {
    %c0_i32 = arith.constant 0 : i32
    %c0_i32_0 = arith.constant 0 : i32
    %c0_i32_1 = arith.constant 0 : i32
    return %arg0, %c0_i32, %c0_i32_0 : i32, i32, i32
  }
  func.func @transform_3(%arg0: i32, %arg1: i32) -> (i32, i32) {
    %mul3A = arith.constant 5 : i32
    %mul3A_0 = arith.muli %arg0, %mul3A : i32
    %add3A = arith.addi %mul3A_0, %arg1 : i32
    %c0_i32 = arith.constant 0 : i32
    %c0_i32_1 = arith.constant 0 : i32
    return %add3A, %c0_i32 : i32, i32
  }
}

module attributes {stable_mosaic.version = 14 : i64} {
  func.func @_step_body(%arg0: i32, %arg1: memref<2x2000x128xf32, #tpu.memory_space<vmem>>, %arg2: memref<2000x128xf32, #tpu.memory_space<vmem>>, %arg3: memref<128x384xf32, #tpu.memory_space<vmem>>, %arg4: memref<128x384xf32, #tpu.memory_space<vmem>>, %arg5: memref<1x384xf32, #tpu.memory_space<vmem>>, %arg6: memref<1x384xf32, #tpu.memory_space<vmem>>, %arg7: memref<6x128x128xf32, #tpu.memory_space<vmem>>, %arg8: memref<6x1x128xf32, #tpu.memory_space<vmem>>, %arg9: memref<2000x128xf32, #tpu.memory_space<vmem>>, %arg10: memref<6x2000x128xf32, #tpu.memory_space<vmem>>) attributes {dimension_semantics = [#tpu.dimension_semantics<arbitrary>], iteration_bounds = array<i64: 5>, scalar_prefetch = 0 : i64, scratch_operands = 0 : i64, tpu.core_type = #tpu.core_type<tc>, window_params = [{transform_indices = @transform_0, window_bounds = array<i64: 2, 2000, 128>}, {transform_indices = @transform_1, window_bounds = array<i64: 2000, 128>}, {pipeline_mode = #tpu.pipeline_mode<synchronous>, transform_indices = @transform_2, window_bounds = array<i64: 128, 384>}, {pipeline_mode = #tpu.pipeline_mode<synchronous>, transform_indices = @transform_3, window_bounds = array<i64: 128, 384>}, {pipeline_mode = #tpu.pipeline_mode<synchronous>, transform_indices = @transform_4, window_bounds = array<i64: 1, 384>}, {pipeline_mode = #tpu.pipeline_mode<synchronous>, transform_indices = @transform_5, window_bounds = array<i64: 1, 384>}, {pipeline_mode = #tpu.pipeline_mode<synchronous>, transform_indices = @transform_6, window_bounds = array<i64: 6, 128, 128>}, {pipeline_mode = #tpu.pipeline_mode<synchronous>, transform_indices = @transform_7, window_bounds = array<i64: 6, 1, 128>}, {transform_indices = @transform_8, window_bounds = array<i64: 2000, 128>}, {transform_indices = @transform_9, window_bounds = array<i64: 6, 2000, 128>}]} {
    %get3A = arith.constant 0 : index
    %get3A_0 = arith.constant 0 : index
    %get3A_1 = arith.constant 0 : index
    %get3A_2 = vector.load %arg1[%get3A, %get3A_0, %get3A_1] : memref<2x2000x128xf32, #tpu.memory_space<vmem>>, vector<1x2000x128xf32>
    %get3A_3 = vector.shape_cast %get3A_2 : vector<1x2000x128xf32> to vector<2000x128xf32>
    %get3A_4 = arith.constant 1 : index
    %get3A_5 = arith.constant 0 : index
    %get3A_6 = arith.constant 0 : index
    %get3A_7 = vector.load %arg1[%get3A_4, %get3A_5, %get3A_6] : memref<2x2000x128xf32, #tpu.memory_space<vmem>>, vector<1x2000x128xf32>
    %get3A_8 = vector.shape_cast %get3A_7 : vector<1x2000x128xf32> to vector<2000x128xf32>
    %add3A = arith.addf %get3A_3, %get3A_8 : vector<2000x128xf32>
    %get3A_9 = arith.constant 0 : index
    %get3A_10 = arith.constant 0 : index
    %get3A_11 = vector.load %arg2[%get3A_9, %get3A_10] : memref<2000x128xf32, #tpu.memory_space<vmem>>, vector<2000x128xf32>
    %get3A_12 = arith.constant 0 : index
    %get3A_13 = arith.constant 0 : index
    %get3A_14 = vector.load %arg3[%get3A_12, %get3A_13] : memref<128x384xf32, #tpu.memory_space<vmem>>, vector<128x384xf32>
    %dot_general3A = arith.constant dense<0.000000e+00> : vector<2000x384xf32>
    %dot_general3A_15 = tpu.matmul %add3A, %get3A_14, %dot_general3A {dimension_numbers = #tpu.dot_dimension_numbers<[1], [0], [0], [1], [0, 0, 1, 1], [], []>, transpose_lhs_hint = false} : vector<2000x128xf32>, vector<128x384xf32>, vector<2000x384xf32> -> vector<2000x384xf32>
    %get3A_16 = arith.constant 0 : index
    %get3A_17 = arith.constant 0 : index
    %get3A_18 = vector.load %arg5[%get3A_16, %get3A_17] : memref<1x384xf32, #tpu.memory_space<vmem>>, vector<1x384xf32>
    %add3A_19 = vector.broadcast %get3A_18 : vector<1x384xf32> to vector<2000x384xf32>
    %add3A_20 = arith.addf %dot_general3A_15, %add3A_19 : vector<2000x384xf32>
    %get3A_21 = arith.constant 0 : index
    %get3A_22 = arith.constant 0 : index
    %get3A_23 = vector.load %arg4[%get3A_21, %get3A_22] : memref<128x384xf32, #tpu.memory_space<vmem>>, vector<128x384xf32>
    %dot_general3A_24 = arith.constant dense<0.000000e+00> : vector<2000x384xf32>
    %dot_general3A_25 = tpu.matmul %get3A_11, %get3A_23, %dot_general3A_24 {dimension_numbers = #tpu.dot_dimension_numbers<[1], [0], [0], [1], [0, 0, 1, 1], [], []>, transpose_lhs_hint = false} : vector<2000x128xf32>, vector<128x384xf32>, vector<2000x384xf32> -> vector<2000x384xf32>
    %get3A_26 = arith.constant 0 : index
    %get3A_27 = arith.constant 0 : index
    %get3A_28 = vector.load %arg6[%get3A_26, %get3A_27] : memref<1x384xf32, #tpu.memory_space<vmem>>, vector<1x384xf32>
    %add3A_29 = vector.broadcast %get3A_28 : vector<1x384xf32> to vector<2000x384xf32>
    %add3A_30 = arith.addf %dot_general3A_25, %add3A_29 : vector<2000x384xf32>
    %slice3A = vector.extract_strided_slice %add3A_20 {offsets = [0, 0], sizes = [2000, 128], strides = [1, 1]} : vector<2000x384xf32> to vector<2000x128xf32>
    %slice3A_31 = vector.extract_strided_slice %add3A_30 {offsets = [0, 0], sizes = [2000, 128], strides = [1, 1]} : vector<2000x384xf32> to vector<2000x128xf32>
    %add3A_32 = arith.addf %slice3A, %slice3A_31 : vector<2000x128xf32>
    %logistic3A = arith.negf %add3A_32 : vector<2000x128xf32>
    %logistic3A_33 = math.exp %logistic3A : vector<2000x128xf32>
    %logistic3A_34 = arith.constant 1.000000e+00 : f32
    %logistic3A_35 = vector.broadcast %logistic3A_34 : f32 to vector<2000x128xf32>
    %logistic3A_36 = arith.addf %logistic3A_35, %logistic3A_33 : vector<2000x128xf32>
    %logistic3A_37 = arith.divf %logistic3A_35, %logistic3A_36 : vector<2000x128xf32>
    %slice3A_38 = vector.extract_strided_slice %add3A_20 {offsets = [0, 128], sizes = [2000, 128], strides = [1, 1]} : vector<2000x384xf32> to vector<2000x128xf32>
    %slice3A_39 = vector.extract_strided_slice %add3A_30 {offsets = [0, 128], sizes = [2000, 128], strides = [1, 1]} : vector<2000x384xf32> to vector<2000x128xf32>
    %add3A_40 = arith.addf %slice3A_38, %slice3A_39 : vector<2000x128xf32>
    %logistic3A_41 = arith.negf %add3A_40 : vector<2000x128xf32>
    %logistic3A_42 = math.exp %logistic3A_41 : vector<2000x128xf32>
    %logistic3A_43 = arith.constant 1.000000e+00 : f32
    %logistic3A_44 = vector.broadcast %logistic3A_43 : f32 to vector<2000x128xf32>
    %logistic3A_45 = arith.addf %logistic3A_44, %logistic3A_42 : vector<2000x128xf32>
    %logistic3A_46 = arith.divf %logistic3A_44, %logistic3A_45 : vector<2000x128xf32>
    %slice3A_47 = vector.extract_strided_slice %add3A_20 {offsets = [0, 256], sizes = [2000, 128], strides = [1, 1]} : vector<2000x384xf32> to vector<2000x128xf32>
    %slice3A_48 = vector.extract_strided_slice %add3A_30 {offsets = [0, 256], sizes = [2000, 128], strides = [1, 1]} : vector<2000x384xf32> to vector<2000x128xf32>
    %mul3A = arith.mulf %logistic3A_37, %slice3A_48 : vector<2000x128xf32>
    %add3A_49 = arith.addf %slice3A_47, %mul3A : vector<2000x128xf32>
    %tanh3A = math.tanh %add3A_49 : vector<2000x128xf32>
    %sub3A = arith.constant 1.000000e+00 : f32
    %sub3A_50 = vector.broadcast %sub3A : f32 to vector<2000x128xf32>
    %sub3A_51 = arith.subf %sub3A_50, %logistic3A_46 : vector<2000x128xf32>
    %mul3A_52 = arith.mulf %sub3A_51, %tanh3A : vector<2000x128xf32>
    %mul3A_53 = arith.mulf %logistic3A_46, %get3A_11 : vector<2000x128xf32>
    %add3A_54 = arith.addf %mul3A_52, %mul3A_53 : vector<2000x128xf32>
    %swap3A = arith.constant 0 : index
    %swap3A_55 = arith.constant 0 : index
    %swap3A_56 = vector.load %arg9[%swap3A, %swap3A_55] : memref<2000x128xf32, #tpu.memory_space<vmem>>, vector<2000x128xf32>
    tpu.vector_store %arg9[%swap3A, %swap3A_55], %add3A_54 {strides = array<i32>} : memref<2000x128xf32, #tpu.memory_space<vmem>>, vector<2000x128xf32>,
    %get3A_57 = arith.constant 0 : index
    %get3A_58 = arith.constant 0 : index
    %get3A_59 = arith.constant 0 : index
    %get3A_60 = vector.load %arg7[%get3A_57, %get3A_58, %get3A_59] : memref<6x128x128xf32, #tpu.memory_space<vmem>>, vector<1x128x128xf32>
    %get3A_61 = vector.shape_cast %get3A_60 : vector<1x128x128xf32> to vector<128x128xf32>
    %dot_general3A_62 = arith.constant dense<0.000000e+00> : vector<2000x128xf32>
    %dot_general3A_63 = tpu.matmul %add3A_54, %get3A_61, %dot_general3A_62 {dimension_numbers = #tpu.dot_dimension_numbers<[1], [0], [0], [1], [0, 0, 1, 1], [], []>, transpose_lhs_hint = false} : vector<2000x128xf32>, vector<128x128xf32>, vector<2000x128xf32> -> vector<2000x128xf32>
    %get3A_64 = arith.constant 0 : index
    %get3A_65 = arith.constant 0 : index
    %get3A_66 = arith.constant 0 : index
    %get3A_67 = vector.load %arg8[%get3A_64, %get3A_65, %get3A_66] : memref<6x1x128xf32, #tpu.memory_space<vmem>>, vector<1x1x128xf32>
    %get3A_68 = vector.shape_cast %get3A_67 : vector<1x1x128xf32> to vector<1x128xf32>
    %add3A_69 = vector.broadcast %get3A_68 : vector<1x128xf32> to vector<2000x128xf32>
    %add3A_70 = arith.addf %dot_general3A_63, %add3A_69 : vector<2000x128xf32>
    %swap3A_71 = arith.constant 0 : index
    %swap3A_72 = arith.constant 0 : index
    %swap3A_73 = arith.constant 0 : index
    %swap3A_74 = vector.load %arg10[%swap3A_71, %swap3A_72, %swap3A_73] : memref<6x2000x128xf32, #tpu.memory_space<vmem>>, vector<1x2000x128xf32>
    %swap3A_75 = vector.shape_cast %swap3A_74 : vector<1x2000x128xf32> to vector<2000x128xf32>
    %swap3A_76 = vector.shape_cast %add3A_70 : vector<2000x128xf32> to vector<1x2000x128xf32>
    tpu.vector_store %arg10[%swap3A_71, %swap3A_72, %swap3A_73], %swap3A_76 {strides = array<i32>} : memref<6x2000x128xf32, #tpu.memory_space<vmem>>, vector<1x2000x128xf32>,
    %get3A_77 = arith.constant 1 : index
    %get3A_78 = arith.constant 0 : index
    %get3A_79 = arith.constant 0 : index
    %get3A_80 = vector.load %arg7[%get3A_77, %get3A_78, %get3A_79] : memref<6x128x128xf32, #tpu.memory_space<vmem>>, vector<1x128x128xf32>
    %get3A_81 = vector.shape_cast %get3A_80 : vector<1x128x128xf32> to vector<128x128xf32>
    %dot_general3A_82 = arith.constant dense<0.000000e+00> : vector<2000x128xf32>
    %dot_general3A_83 = tpu.matmul %add3A_54, %get3A_81, %dot_general3A_82 {dimension_numbers = #tpu.dot_dimension_numbers<[1], [0], [0], [1], [0, 0, 1, 1], [], []>, transpose_lhs_hint = false} : vector<2000x128xf32>, vector<128x128xf32>, vector<2000x128xf32> -> vector<2000x128xf32>
    %get3A_84 = arith.constant 1 : index
    %get3A_85 = arith.constant 0 : index
    %get3A_86 = arith.constant 0 : index
    %get3A_87 = vector.load %arg8[%get3A_84, %get3A_85, %get3A_86] : memref<6x1x128xf32, #tpu.memory_space<vmem>>, vector<1x1x128xf32>
    %get3A_88 = vector.shape_cast %get3A_87 : vector<1x1x128xf32> to vector<1x128xf32>
    %add3A_89 = vector.broadcast %get3A_88 : vector<1x128xf32> to vector<2000x128xf32>
    %add3A_90 = arith.addf %dot_general3A_83, %add3A_89 : vector<2000x128xf32>
    %swap3A_91 = arith.constant 1 : index
    %swap3A_92 = arith.constant 0 : index
    %swap3A_93 = arith.constant 0 : index
    %swap3A_94 = vector.load %arg10[%swap3A_91, %swap3A_92, %swap3A_93] : memref<6x2000x128xf32, #tpu.memory_space<vmem>>, vector<1x2000x128xf32>
    %swap3A_95 = vector.shape_cast %swap3A_94 : vector<1x2000x128xf32> to vector<2000x128xf32>
    %swap3A_96 = vector.shape_cast %add3A_90 : vector<2000x128xf32> to vector<1x2000x128xf32>
    tpu.vector_store %arg10[%swap3A_91, %swap3A_92, %swap3A_93], %swap3A_96 {strides = array<i32>} : memref<6x2000x128xf32, #tpu.memory_space<vmem>>, vector<1x2000x128xf32>,
    %get3A_97 = arith.constant 2 : index
    %get3A_98 = arith.constant 0 : index
    %get3A_99 = arith.constant 0 : index
    %get3A_100 = vector.load %arg7[%get3A_97, %get3A_98, %get3A_99] : memref<6x128x128xf32, #tpu.memory_space<vmem>>, vector<1x128x128xf32>
    %get3A_101 = vector.shape_cast %get3A_100 : vector<1x128x128xf32> to vector<128x128xf32>
    %dot_general3A_102 = arith.constant dense<0.000000e+00> : vector<2000x128xf32>
    %dot_general3A_103 = tpu.matmul %add3A_54, %get3A_101, %dot_general3A_102 {dimension_numbers = #tpu.dot_dimension_numbers<[1], [0], [0], [1], [0, 0, 1, 1], [], []>, transpose_lhs_hint = false} : vector<2000x128xf32>, vector<128x128xf32>, vector<2000x128xf32> -> vector<2000x128xf32>
    %get3A_104 = arith.constant 2 : index
    %get3A_105 = arith.constant 0 : index
    %get3A_106 = arith.constant 0 : index
    %get3A_107 = vector.load %arg8[%get3A_104, %get3A_105, %get3A_106] : memref<6x1x128xf32, #tpu.memory_space<vmem>>, vector<1x1x128xf32>
    %get3A_108 = vector.shape_cast %get3A_107 : vector<1x1x128xf32> to vector<1x128xf32>
    %add3A_109 = vector.broadcast %get3A_108 : vector<1x128xf32> to vector<2000x128xf32>
    %add3A_110 = arith.addf %dot_general3A_103, %add3A_109 : vector<2000x128xf32>
    %swap3A_111 = arith.constant 2 : index
    %swap3A_112 = arith.constant 0 : index
    %swap3A_113 = arith.constant 0 : index
    %swap3A_114 = vector.load %arg10[%swap3A_111, %swap3A_112, %swap3A_113] : memref<6x2000x128xf32, #tpu.memory_space<vmem>>, vector<1x2000x128xf32>
    %swap3A_115 = vector.shape_cast %swap3A_114 : vector<1x2000x128xf32> to vector<2000x128xf32>
    %swap3A_116 = vector.shape_cast %add3A_110 : vector<2000x128xf32> to vector<1x2000x128xf32>
    tpu.vector_store %arg10[%swap3A_111, %swap3A_112, %swap3A_113], %swap3A_116 {strides = array<i32>} : memref<6x2000x128xf32, #tpu.memory_space<vmem>>, vector<1x2000x128xf32>,
    %get3A_117 = arith.constant 3 : index
    %get3A_118 = arith.constant 0 : index
    %get3A_119 = arith.constant 0 : index
    %get3A_120 = vector.load %arg7[%get3A_117, %get3A_118, %get3A_119] : memref<6x128x128xf32, #tpu.memory_space<vmem>>, vector<1x128x128xf32>
    %get3A_121 = vector.shape_cast %get3A_120 : vector<1x128x128xf32> to vector<128x128xf32>
    %dot_general3A_122 = arith.constant dense<0.000000e+00> : vector<2000x128xf32>
    %dot_general3A_123 = tpu.matmul %add3A_54, %get3A_121, %dot_general3A_122 {dimension_numbers = #tpu.dot_dimension_numbers<[1], [0], [0], [1], [0, 0, 1, 1], [], []>, transpose_lhs_hint = false} : vector<2000x128xf32>, vector<128x128xf32>, vector<2000x128xf32> -> vector<2000x128xf32>
    %get3A_124 = arith.constant 3 : index
    %get3A_125 = arith.constant 0 : index
    %get3A_126 = arith.constant 0 : index
    %get3A_127 = vector.load %arg8[%get3A_124, %get3A_125, %get3A_126] : memref<6x1x128xf32, #tpu.memory_space<vmem>>, vector<1x1x128xf32>
    %get3A_128 = vector.shape_cast %get3A_127 : vector<1x1x128xf32> to vector<1x128xf32>
    %add3A_129 = vector.broadcast %get3A_128 : vector<1x128xf32> to vector<2000x128xf32>
    %add3A_130 = arith.addf %dot_general3A_123, %add3A_129 : vector<2000x128xf32>
    %swap3A_131 = arith.constant 3 : index
    %swap3A_132 = arith.constant 0 : index
    %swap3A_133 = arith.constant 0 : index
    %swap3A_134 = vector.load %arg10[%swap3A_131, %swap3A_132, %swap3A_133] : memref<6x2000x128xf32, #tpu.memory_space<vmem>>, vector<1x2000x128xf32>
    %swap3A_135 = vector.shape_cast %swap3A_134 : vector<1x2000x128xf32> to vector<2000x128xf32>
    %swap3A_136 = vector.shape_cast %add3A_130 : vector<2000x128xf32> to vector<1x2000x128xf32>
    tpu.vector_store %arg10[%swap3A_131, %swap3A_132, %swap3A_133], %swap3A_136 {strides = array<i32>} : memref<6x2000x128xf32, #tpu.memory_space<vmem>>, vector<1x2000x128xf32>,
    %get3A_137 = arith.constant 4 : index
    %get3A_138 = arith.constant 0 : index
    %get3A_139 = arith.constant 0 : index
    %get3A_140 = vector.load %arg7[%get3A_137, %get3A_138, %get3A_139] : memref<6x128x128xf32, #tpu.memory_space<vmem>>, vector<1x128x128xf32>
    %get3A_141 = vector.shape_cast %get3A_140 : vector<1x128x128xf32> to vector<128x128xf32>
    %dot_general3A_142 = arith.constant dense<0.000000e+00> : vector<2000x128xf32>
    %dot_general3A_143 = tpu.matmul %add3A_54, %get3A_141, %dot_general3A_142 {dimension_numbers = #tpu.dot_dimension_numbers<[1], [0], [0], [1], [0, 0, 1, 1], [], []>, transpose_lhs_hint = false} : vector<2000x128xf32>, vector<128x128xf32>, vector<2000x128xf32> -> vector<2000x128xf32>
    %get3A_144 = arith.constant 4 : index
    %get3A_145 = arith.constant 0 : index
    %get3A_146 = arith.constant 0 : index
    %get3A_147 = vector.load %arg8[%get3A_144, %get3A_145, %get3A_146] : memref<6x1x128xf32, #tpu.memory_space<vmem>>, vector<1x1x128xf32>
    %get3A_148 = vector.shape_cast %get3A_147 : vector<1x1x128xf32> to vector<1x128xf32>
    %add3A_149 = vector.broadcast %get3A_148 : vector<1x128xf32> to vector<2000x128xf32>
    %add3A_150 = arith.addf %dot_general3A_143, %add3A_149 : vector<2000x128xf32>
    %swap3A_151 = arith.constant 4 : index
    %swap3A_152 = arith.constant 0 : index
    %swap3A_153 = arith.constant 0 : index
    %swap3A_154 = vector.load %arg10[%swap3A_151, %swap3A_152, %swap3A_153] : memref<6x2000x128xf32, #tpu.memory_space<vmem>>, vector<1x2000x128xf32>
    %swap3A_155 = vector.shape_cast %swap3A_154 : vector<1x2000x128xf32> to vector<2000x128xf32>
    %swap3A_156 = vector.shape_cast %add3A_150 : vector<2000x128xf32> to vector<1x2000x128xf32>
    tpu.vector_store %arg10[%swap3A_151, %swap3A_152, %swap3A_153], %swap3A_156 {strides = array<i32>} : memref<6x2000x128xf32, #tpu.memory_space<vmem>>, vector<1x2000x128xf32>,
    %get3A_157 = arith.constant 5 : index
    %get3A_158 = arith.constant 0 : index
    %get3A_159 = arith.constant 0 : index
    %get3A_160 = vector.load %arg7[%get3A_157, %get3A_158, %get3A_159] : memref<6x128x128xf32, #tpu.memory_space<vmem>>, vector<1x128x128xf32>
    %get3A_161 = vector.shape_cast %get3A_160 : vector<1x128x128xf32> to vector<128x128xf32>
    %dot_general3A_162 = arith.constant dense<0.000000e+00> : vector<2000x128xf32>
    %dot_general3A_163 = tpu.matmul %add3A_54, %get3A_161, %dot_general3A_162 {dimension_numbers = #tpu.dot_dimension_numbers<[1], [0], [0], [1], [0, 0, 1, 1], [], []>, transpose_lhs_hint = false} : vector<2000x128xf32>, vector<128x128xf32>, vector<2000x128xf32> -> vector<2000x128xf32>
    %get3A_164 = arith.constant 5 : index
    %get3A_165 = arith.constant 0 : index
    %get3A_166 = arith.constant 0 : index
    %get3A_167 = vector.load %arg8[%get3A_164, %get3A_165, %get3A_166] : memref<6x1x128xf32, #tpu.memory_space<vmem>>, vector<1x1x128xf32>
    %get3A_168 = vector.shape_cast %get3A_167 : vector<1x1x128xf32> to vector<1x128xf32>
    %add3A_169 = vector.broadcast %get3A_168 : vector<1x128xf32> to vector<2000x128xf32>
    %add3A_170 = arith.addf %dot_general3A_163, %add3A_169 : vector<2000x128xf32>
    %swap3A_171 = arith.constant 5 : index
    %swap3A_172 = arith.constant 0 : index
    %swap3A_173 = arith.constant 0 : index
    %swap3A_174 = vector.load %arg10[%swap3A_171, %swap3A_172, %swap3A_173] : memref<6x2000x128xf32, #tpu.memory_space<vmem>>, vector<1x2000x128xf32>
    %swap3A_175 = vector.shape_cast %swap3A_174 : vector<1x2000x128xf32> to vector<2000x128xf32>
    %swap3A_176 = vector.shape_cast %add3A_170 : vector<2000x128xf32> to vector<1x2000x128xf32>
    tpu.vector_store %arg10[%swap3A_171, %swap3A_172, %swap3A_173], %swap3A_176 {strides = array<i32>} : memref<6x2000x128xf32, #tpu.memory_space<vmem>>, vector<1x2000x128xf32>,
    return
  }
  func.func @transform_0(%arg0: i32) -> (i32, i32, i32) {
    %c0_i32 = arith.constant 0 : i32
    %c0_i32_0 = arith.constant 0 : i32
    %c0_i32_1 = arith.constant 0 : i32
    return %c0_i32, %arg0, %c0_i32_0 : i32, i32, i32
  }
  func.func @transform_1(%arg0: i32) -> (i32, i32) {
    %c0_i32 = arith.constant 0 : i32
    %c0_i32_0 = arith.constant 0 : i32
    return %arg0, %c0_i32 : i32, i32
  }
  func.func @transform_2(%arg0: i32) -> (i32, i32) {
    %c0_i32 = arith.constant 0 : i32
    %c0_i32_0 = arith.constant 0 : i32
    %c0_i32_1 = arith.constant 0 : i32
    return %c0_i32, %c0_i32_0 : i32, i32
  }
  func.func @transform_3(%arg0: i32) -> (i32, i32) {
    %c0_i32 = arith.constant 0 : i32
    %c0_i32_0 = arith.constant 0 : i32
    %c0_i32_1 = arith.constant 0 : i32
    return %c0_i32, %c0_i32_0 : i32, i32
  }
  func.func @transform_4(%arg0: i32) -> (i32, i32) {
    %c0_i32 = arith.constant 0 : i32
    %c0_i32_0 = arith.constant 0 : i32
    %c0_i32_1 = arith.constant 0 : i32
    return %c0_i32, %c0_i32_0 : i32, i32
  }
  func.func @transform_5(%arg0: i32) -> (i32, i32) {
    %c0_i32 = arith.constant 0 : i32
    %c0_i32_0 = arith.constant 0 : i32
    %c0_i32_1 = arith.constant 0 : i32
    return %c0_i32, %c0_i32_0 : i32, i32
  }
  func.func @transform_6(%arg0: i32) -> (i32, i32, i32) {
    %c0_i32 = arith.constant 0 : i32
    %c0_i32_0 = arith.constant 0 : i32
    %c0_i32_1 = arith.constant 0 : i32
    %c0_i32_2 = arith.constant 0 : i32
    return %c0_i32, %c0_i32_0, %c0_i32_1 : i32, i32, i32
  }
  func.func @transform_7(%arg0: i32) -> (i32, i32, i32) {
    %c0_i32 = arith.constant 0 : i32
    %c0_i32_0 = arith.constant 0 : i32
    %c0_i32_1 = arith.constant 0 : i32
    %c0_i32_2 = arith.constant 0 : i32
    return %c0_i32, %c0_i32_0, %c0_i32_1 : i32, i32, i32
  }
  func.func @transform_8(%arg0: i32) -> (i32, i32) {
    %c0_i32 = arith.constant 0 : i32
    %c0_i32_0 = arith.constant 0 : i32
    return %arg0, %c0_i32 : i32, i32
  }
  func.func @transform_9(%arg0: i32) -> (i32, i32, i32) {
    %c0_i32 = arith.constant 0 : i32
    %c0_i32_0 = arith.constant 0 : i32
    %c0_i32_1 = arith.constant 0 : i32
    return %c0_i32, %arg0, %c0_i32_0 : i32, i32, i32
  }
}

module attributes {stable_mosaic.version = 14 : i64} {
  func.func @_gru_body(%arg0: i32, %arg1: memref<2x1000x128xf32, #tpu.memory_space<vmem>>, %arg2: memref<1000x128xf32, #tpu.memory_space<vmem>>, %arg3: memref<128x384xf32, #tpu.memory_space<vmem>>, %arg4: memref<128x384xf32, #tpu.memory_space<vmem>>, %arg5: memref<1x384xf32, #tpu.memory_space<vmem>>, %arg6: memref<1x384xf32, #tpu.memory_space<vmem>>, %arg7: memref<1000x128xf32, #tpu.memory_space<vmem>>) attributes {dimension_semantics = [#tpu.dimension_semantics<arbitrary>], iteration_bounds = array<i64: 10>, scalar_prefetch = 0 : i64, scratch_operands = 0 : i64, tpu.core_type = #tpu.core_type<tc>, window_params = [{transform_indices = @transform_0, window_bounds = array<i64: 2, 1000, 128>}, {transform_indices = @transform_1, window_bounds = array<i64: 1000, 128>}, {pipeline_mode = #tpu.pipeline_mode<synchronous>, transform_indices = @transform_2, window_bounds = array<i64: 128, 384>}, {pipeline_mode = #tpu.pipeline_mode<synchronous>, transform_indices = @transform_3, window_bounds = array<i64: 128, 384>}, {pipeline_mode = #tpu.pipeline_mode<synchronous>, transform_indices = @transform_4, window_bounds = array<i64: 1, 384>}, {pipeline_mode = #tpu.pipeline_mode<synchronous>, transform_indices = @transform_5, window_bounds = array<i64: 1, 384>}, {transform_indices = @transform_6, window_bounds = array<i64: 1000, 128>}]} {
    %get3A = arith.constant 0 : index
    %get3A_0 = arith.constant 0 : index
    %get3A_1 = arith.constant 0 : index
    %get3A_2 = vector.load %arg1[%get3A, %get3A_0, %get3A_1] : memref<2x1000x128xf32, #tpu.memory_space<vmem>>, vector<1x1000x128xf32>
    %get3A_3 = vector.shape_cast %get3A_2 : vector<1x1000x128xf32> to vector<1000x128xf32>
    %get3A_4 = arith.constant 1 : index
    %get3A_5 = arith.constant 0 : index
    %get3A_6 = arith.constant 0 : index
    %get3A_7 = vector.load %arg1[%get3A_4, %get3A_5, %get3A_6] : memref<2x1000x128xf32, #tpu.memory_space<vmem>>, vector<1x1000x128xf32>
    %get3A_8 = vector.shape_cast %get3A_7 : vector<1x1000x128xf32> to vector<1000x128xf32>
    %add3A = arith.addf %get3A_3, %get3A_8 : vector<1000x128xf32>
    %get3A_9 = arith.constant 0 : index
    %get3A_10 = arith.constant 0 : index
    %get3A_11 = vector.load %arg2[%get3A_9, %get3A_10] : memref<1000x128xf32, #tpu.memory_space<vmem>>, vector<1000x128xf32>
    %get3A_12 = arith.constant 0 : index
    %get3A_13 = arith.constant 0 : index
    %get3A_14 = vector.load %arg3[%get3A_12, %get3A_13] : memref<128x384xf32, #tpu.memory_space<vmem>>, vector<128x384xf32>
    %dot_general3A = arith.constant dense<0.000000e+00> : vector<1000x384xf32>
    %dot_general3A_15 = tpu.matmul %add3A, %get3A_14, %dot_general3A {dimension_numbers = #tpu.dot_dimension_numbers<[1], [0], [0], [1], [0, 0, 1, 1], [], []>, transpose_lhs_hint = false} : vector<1000x128xf32>, vector<128x384xf32>, vector<1000x384xf32> -> vector<1000x384xf32>
    %get3A_16 = arith.constant 0 : index
    %get3A_17 = arith.constant 0 : index
    %get3A_18 = vector.load %arg5[%get3A_16, %get3A_17] : memref<1x384xf32, #tpu.memory_space<vmem>>, vector<1x384xf32>
    %add3A_19 = vector.broadcast %get3A_18 : vector<1x384xf32> to vector<1000x384xf32>
    %add3A_20 = arith.addf %dot_general3A_15, %add3A_19 : vector<1000x384xf32>
    %get3A_21 = arith.constant 0 : index
    %get3A_22 = arith.constant 0 : index
    %get3A_23 = vector.load %arg4[%get3A_21, %get3A_22] : memref<128x384xf32, #tpu.memory_space<vmem>>, vector<128x384xf32>
    %dot_general3A_24 = arith.constant dense<0.000000e+00> : vector<1000x384xf32>
    %dot_general3A_25 = tpu.matmul %get3A_11, %get3A_23, %dot_general3A_24 {dimension_numbers = #tpu.dot_dimension_numbers<[1], [0], [0], [1], [0, 0, 1, 1], [], []>, transpose_lhs_hint = false} : vector<1000x128xf32>, vector<128x384xf32>, vector<1000x384xf32> -> vector<1000x384xf32>
    %get3A_26 = arith.constant 0 : index
    %get3A_27 = arith.constant 0 : index
    %get3A_28 = vector.load %arg6[%get3A_26, %get3A_27] : memref<1x384xf32, #tpu.memory_space<vmem>>, vector<1x384xf32>
    %add3A_29 = vector.broadcast %get3A_28 : vector<1x384xf32> to vector<1000x384xf32>
    %add3A_30 = arith.addf %dot_general3A_25, %add3A_29 : vector<1000x384xf32>
    %slice3A = vector.extract_strided_slice %add3A_20 {offsets = [0, 0], sizes = [1000, 128], strides = [1, 1]} : vector<1000x384xf32> to vector<1000x128xf32>
    %slice3A_31 = vector.extract_strided_slice %add3A_30 {offsets = [0, 0], sizes = [1000, 128], strides = [1, 1]} : vector<1000x384xf32> to vector<1000x128xf32>
    %add3A_32 = arith.addf %slice3A, %slice3A_31 : vector<1000x128xf32>
    %logistic3A = arith.negf %add3A_32 : vector<1000x128xf32>
    %logistic3A_33 = math.exp %logistic3A : vector<1000x128xf32>
    %logistic3A_34 = arith.constant 1.000000e+00 : f32
    %logistic3A_35 = vector.broadcast %logistic3A_34 : f32 to vector<1000x128xf32>
    %logistic3A_36 = arith.addf %logistic3A_35, %logistic3A_33 : vector<1000x128xf32>
    %logistic3A_37 = arith.divf %logistic3A_35, %logistic3A_36 : vector<1000x128xf32>
    %slice3A_38 = vector.extract_strided_slice %add3A_20 {offsets = [0, 128], sizes = [1000, 128], strides = [1, 1]} : vector<1000x384xf32> to vector<1000x128xf32>
    %slice3A_39 = vector.extract_strided_slice %add3A_30 {offsets = [0, 128], sizes = [1000, 128], strides = [1, 1]} : vector<1000x384xf32> to vector<1000x128xf32>
    %add3A_40 = arith.addf %slice3A_38, %slice3A_39 : vector<1000x128xf32>
    %logistic3A_41 = arith.negf %add3A_40 : vector<1000x128xf32>
    %logistic3A_42 = math.exp %logistic3A_41 : vector<1000x128xf32>
    %logistic3A_43 = arith.constant 1.000000e+00 : f32
    %logistic3A_44 = vector.broadcast %logistic3A_43 : f32 to vector<1000x128xf32>
    %logistic3A_45 = arith.addf %logistic3A_44, %logistic3A_42 : vector<1000x128xf32>
    %logistic3A_46 = arith.divf %logistic3A_44, %logistic3A_45 : vector<1000x128xf32>
    %slice3A_47 = vector.extract_strided_slice %add3A_20 {offsets = [0, 256], sizes = [1000, 128], strides = [1, 1]} : vector<1000x384xf32> to vector<1000x128xf32>
    %slice3A_48 = vector.extract_strided_slice %add3A_30 {offsets = [0, 256], sizes = [1000, 128], strides = [1, 1]} : vector<1000x384xf32> to vector<1000x128xf32>
    %mul3A = arith.mulf %logistic3A_37, %slice3A_48 : vector<1000x128xf32>
    %add3A_49 = arith.addf %slice3A_47, %mul3A : vector<1000x128xf32>
    %tanh3A = math.tanh %add3A_49 : vector<1000x128xf32>
    %sub3A = arith.constant 1.000000e+00 : f32
    %sub3A_50 = vector.broadcast %sub3A : f32 to vector<1000x128xf32>
    %sub3A_51 = arith.subf %sub3A_50, %logistic3A_46 : vector<1000x128xf32>
    %mul3A_52 = arith.mulf %sub3A_51, %tanh3A : vector<1000x128xf32>
    %mul3A_53 = arith.mulf %logistic3A_46, %get3A_11 : vector<1000x128xf32>
    %add3A_54 = arith.addf %mul3A_52, %mul3A_53 : vector<1000x128xf32>
    %swap3A = arith.constant 0 : index
    %swap3A_55 = arith.constant 0 : index
    %swap3A_56 = vector.load %arg7[%swap3A, %swap3A_55] : memref<1000x128xf32, #tpu.memory_space<vmem>>, vector<1000x128xf32>
    tpu.vector_store %arg7[%swap3A, %swap3A_55], %add3A_54 {strides = array<i32>} : memref<1000x128xf32, #tpu.memory_space<vmem>>, vector<1000x128xf32>,
    return
  }
  func.func @transform_0(%arg0: i32) -> (i32, i32, i32) {
    %c0_i32 = arith.constant 0 : i32
    %c0_i32_0 = arith.constant 0 : i32
    %c0_i32_1 = arith.constant 0 : i32
    return %c0_i32, %arg0, %c0_i32_0 : i32, i32, i32
  }
  func.func @transform_1(%arg0: i32) -> (i32, i32) {
    %c0_i32 = arith.constant 0 : i32
    %c0_i32_0 = arith.constant 0 : i32
    return %arg0, %c0_i32 : i32, i32
  }
  func.func @transform_2(%arg0: i32) -> (i32, i32) {
    %c0_i32 = arith.constant 0 : i32
    %c0_i32_0 = arith.constant 0 : i32
    %c0_i32_1 = arith.constant 0 : i32
    return %c0_i32, %c0_i32_0 : i32, i32
  }
  func.func @transform_3(%arg0: i32) -> (i32, i32) {
    %c0_i32 = arith.constant 0 : i32
    %c0_i32_0 = arith.constant 0 : i32
    %c0_i32_1 = arith.constant 0 : i32
    return %c0_i32, %c0_i32_0 : i32, i32
  }
  func.func @transform_4(%arg0: i32) -> (i32, i32) {
    %c0_i32 = arith.constant 0 : i32
    %c0_i32_0 = arith.constant 0 : i32
    %c0_i32_1 = arith.constant 0 : i32
    return %c0_i32, %c0_i32_0 : i32, i32
  }
  func.func @transform_5(%arg0: i32) -> (i32, i32) {
    %c0_i32 = arith.constant 0 : i32
    %c0_i32_0 = arith.constant 0 : i32
    %c0_i32_1 = arith.constant 0 : i32
    return %c0_i32, %c0_i32_0 : i32, i32
  }
  func.func @transform_6(%arg0: i32) -> (i32, i32) {
    %c0_i32 = arith.constant 0 : i32
    %c0_i32_0 = arith.constant 0 : i32
    return %arg0, %c0_i32 : i32, i32
  }
}

module attributes {stable_mosaic.version = 14 : i64} {
  func.func @_s2s_body(%arg0: memref<10000x128xf32, #tpu.memory_space<vmem>>, %arg1: memref<10000x1xi32, #tpu.memory_space<vmem>>, %arg2: memref<256x512xf32, #tpu.memory_space<vmem>>, %arg3: memref<128x512xf32, #tpu.memory_space<vmem>>, %arg4: memref<1x512xf32, #tpu.memory_space<vmem>>, %arg5: memref<128x512xf32, #tpu.memory_space<vmem>>, %arg6: memref<128x512xf32, #tpu.memory_space<vmem>>, %arg7: memref<1x512xf32, #tpu.memory_space<vmem>>, %arg8: memref<128x512xf32, #tpu.memory_space<vmem>>, %arg9: memref<128x512xf32, #tpu.memory_space<vmem>>, %arg10: memref<1x512xf32, #tpu.memory_space<vmem>>, %arg11: memref<256x3xf32, #tpu.memory_space<vmem>>, %arg12: memref<1x3xf32, #tpu.memory_space<vmem>>, %arg13: memref<64x3xf32, #tpu.memory_space<vmem>>) attributes {dimension_semantics = [], scalar_prefetch = 0 : i64, scratch_operands = 0 : i64, tpu.core_type = #tpu.core_type<tc>} {
    %get3A = arith.constant 0 : index
    %get3A_0 = arith.constant 0 : index
    %get3A_1 = vector.load %arg0[%get3A, %get3A_0] : memref<10000x128xf32, #tpu.memory_space<vmem>>, vector<10000x128xf32>
    %get3A_2 = arith.constant 0 : index
    %get3A_3 = arith.constant 0 : index
    %get3A_4 = vector.load %arg1[%get3A_2, %get3A_3] : memref<10000x1xi32, #tpu.memory_space<vmem>>, vector<10000x1xi32>
    %iota3A = tpu.iota {dimensions = array<i32: 1>} : vector<10000x64xi32>
    %eq3A = vector.broadcast %get3A_4 : vector<10000x1xi32> to vector<10000x64xi32>
    %eq3A_5 = arith.cmpi eq, %eq3A, %iota3A : vector<10000x64xi32>
    %convert_element_type3A = arith.extui %eq3A_5 : vector<10000x64xi1> to vector<10000x64xi32>
    %convert_element_type3A_6 = arith.sitofp %convert_element_type3A : vector<10000x64xi32> to vector<10000x64xf32>
    %broadcast_in_dim3A = arith.constant 0.000000e+00 : f32
    %broadcast_in_dim3A_7 = vector.broadcast %broadcast_in_dim3A : f32 to vector<64x128xf32>
    %broadcast_in_dim3A_8 = arith.constant 0.000000e+00 : f32
    %broadcast_in_dim3A_9 = vector.broadcast %broadcast_in_dim3A_8 : f32 to vector<64x128xf32>
    %broadcast_in_dim3A_10 = arith.constant 0.000000e+00 : f32
    %broadcast_in_dim3A_11 = vector.broadcast %broadcast_in_dim3A_10 : f32 to vector<64x128xf32>
    %broadcast_in_dim3A_12 = arith.constant 0.000000e+00 : f32
    %broadcast_in_dim3A_13 = vector.broadcast %broadcast_in_dim3A_12 : f32 to vector<64x128xf32>
    %broadcast_in_dim3A_14 = arith.constant 0.000000e+00 : f32
    %broadcast_in_dim3A_15 = vector.broadcast %broadcast_in_dim3A_14 : f32 to vector<64x128xf32>
    %broadcast_in_dim3A_16 = arith.constant 0.000000e+00 : f32
    %broadcast_in_dim3A_17 = vector.broadcast %broadcast_in_dim3A_16 : f32 to vector<64x128xf32>
    %broadcast_in_dim3A_18 = arith.constant 0.000000e+00 : f32
    %broadcast_in_dim3A_19 = vector.broadcast %broadcast_in_dim3A_18 : f32 to vector<64x256xf32>
    %get3A_20 = arith.constant 0 : index
    %get3A_21 = arith.constant 0 : index
    %get3A_22 = vector.load %arg2[%get3A_20, %get3A_21] : memref<256x512xf32, #tpu.memory_space<vmem>>, vector<256x512xf32>
    %dot_general3A = arith.constant dense<0.000000e+00> : vector<64x512xf32>
    %dot_general3A_23 = tpu.matmul %broadcast_in_dim3A_19, %get3A_22, %dot_general3A {dimension_numbers = #tpu.dot_dimension_numbers<[1], [0], [0], [1], [0, 0, 1, 1], [], []>, transpose_lhs_hint = false} : vector<64x256xf32>, vector<256x512xf32>, vector<64x512xf32> -> vector<64x512xf32>
    %get3A_24 = arith.constant 0 : index
    %get3A_25 = arith.constant 0 : index
    %get3A_26 = vector.load %arg3[%get3A_24, %get3A_25] : memref<128x512xf32, #tpu.memory_space<vmem>>, vector<128x512xf32>
    %dot_general3A_27 = arith.constant dense<0.000000e+00> : vector<64x512xf32>
    %dot_general3A_28 = tpu.matmul %broadcast_in_dim3A_7, %get3A_26, %dot_general3A_27 {dimension_numbers = #tpu.dot_dimension_numbers<[1], [0], [0], [1], [0, 0, 1, 1], [], []>, transpose_lhs_hint = false} : vector<64x128xf32>, vector<128x512xf32>, vector<64x512xf32> -> vector<64x512xf32>
    %add3A = arith.addf %dot_general3A_23, %dot_general3A_28 : vector<64x512xf32>
    %get3A_29 = arith.constant 0 : index
    %get3A_30 = arith.constant 0 : index
    %get3A_31 = vector.load %arg4[%get3A_29, %get3A_30] : memref<1x512xf32, #tpu.memory_space<vmem>>, vector<1x512xf32>
    %add3A_32 = vector.broadcast %get3A_31 : vector<1x512xf32> to vector<64x512xf32>
    %add3A_33 = arith.addf %add3A, %add3A_32 : vector<64x512xf32>
    %slice3A = vector.extract_strided_slice %add3A_33 {offsets = [0, 0], sizes = [64, 128], strides = [1, 1]} : vector<64x512xf32> to vector<64x128xf32>
    %slice3A_34 = vector.extract_strided_slice %add3A_33 {offsets = [0, 128], sizes = [64, 128], strides = [1, 1]} : vector<64x512xf32> to vector<64x128xf32>
    %slice3A_35 = vector.extract_strided_slice %add3A_33 {offsets = [0, 256], sizes = [64, 128], strides = [1, 1]} : vector<64x512xf32> to vector<64x128xf32>
    %slice3A_36 = vector.extract_strided_slice %add3A_33 {offsets = [0, 384], sizes = [64, 128], strides = [1, 1]} : vector<64x512xf32> to vector<64x128xf32>
    %logistic3A = arith.negf %slice3A_34 : vector<64x128xf32>
    %logistic3A_37 = math.exp %logistic3A : vector<64x128xf32>
    %logistic3A_38 = arith.constant 1.000000e+00 : f32
    %logistic3A_39 = vector.broadcast %logistic3A_38 : f32 to vector<64x128xf32>
    %logistic3A_40 = arith.addf %logistic3A_39, %logistic3A_37 : vector<64x128xf32>
    %logistic3A_41 = arith.divf %logistic3A_39, %logistic3A_40 : vector<64x128xf32>
    %mul3A = arith.mulf %logistic3A_41, %broadcast_in_dim3A_13 : vector<64x128xf32>
    %logistic3A_42 = arith.negf %slice3A : vector<64x128xf32>
    %logistic3A_43 = math.exp %logistic3A_42 : vector<64x128xf32>
    %logistic3A_44 = arith.constant 1.000000e+00 : f32
    %logistic3A_45 = vector.broadcast %logistic3A_44 : f32 to vector<64x128xf32>
    %logistic3A_46 = arith.addf %logistic3A_45, %logistic3A_43 : vector<64x128xf32>
    %logistic3A_47 = arith.divf %logistic3A_45, %logistic3A_46 : vector<64x128xf32>
    %tanh3A = math.tanh %slice3A_35 : vector<64x128xf32>
    %mul3A_48 = arith.mulf %logistic3A_47, %tanh3A : vector<64x128xf32>
    %add3A_49 = arith.addf %mul3A, %mul3A_48 : vector<64x128xf32>
    %logistic3A_50 = arith.negf %slice3A_36 : vector<64x128xf32>
    %logistic3A_51 = math.exp %logistic3A_50 : vector<64x128xf32>
    %logistic3A_52 = arith.constant 1.000000e+00 : f32
    %logistic3A_53 = vector.broadcast %logistic3A_52 : f32 to vector<64x128xf32>
    %logistic3A_54 = arith.addf %logistic3A_53, %logistic3A_51 : vector<64x128xf32>
    %logistic3A_55 = arith.divf %logistic3A_53, %logistic3A_54 : vector<64x128xf32>
    %tanh3A_56 = math.tanh %add3A_49 : vector<64x128xf32>
    %mul3A_57 = arith.mulf %logistic3A_55, %tanh3A_56 : vector<64x128xf32>
    %get3A_58 = arith.constant 0 : index
    %get3A_59 = arith.constant 0 : index
    %get3A_60 = vector.load %arg5[%get3A_58, %get3A_59] : memref<128x512xf32, #tpu.memory_space<vmem>>, vector<128x512xf32>
    %dot_general3A_61 = arith.constant dense<0.000000e+00> : vector<64x512xf32>
    %dot_general3A_62 = tpu.matmul %mul3A_57, %get3A_60, %dot_general3A_61 {dimension_numbers = #tpu.dot_dimension_numbers<[1], [0], [0], [1], [0, 0, 1, 1], [], []>, transpose_lhs_hint = false} : vector<64x128xf32>, vector<128x512xf32>, vector<64x512xf32> -> vector<64x512xf32>
    %get3A_63 = arith.constant 0 : index
    %get3A_64 = arith.constant 0 : index
    %get3A_65 = vector.load %arg6[%get3A_63, %get3A_64] : memref<128x512xf32, #tpu.memory_space<vmem>>, vector<128x512xf32>
    %dot_general3A_66 = arith.constant dense<0.000000e+00> : vector<64x512xf32>
    %dot_general3A_67 = tpu.matmul %broadcast_in_dim3A_9, %get3A_65, %dot_general3A_66 {dimension_numbers = #tpu.dot_dimension_numbers<[1], [0], [0], [1], [0, 0, 1, 1], [], []>, transpose_lhs_hint = false} : vector<64x128xf32>, vector<128x512xf32>, vector<64x512xf32> -> vector<64x512xf32>
    %add3A_68 = arith.addf %dot_general3A_62, %dot_general3A_67 : vector<64x512xf32>
    %get3A_69 = arith.constant 0 : index
    %get3A_70 = arith.constant 0 : index
    %get3A_71 = vector.load %arg7[%get3A_69, %get3A_70] : memref<1x512xf32, #tpu.memory_space<vmem>>, vector<1x512xf32>
    %add3A_72 = vector.broadcast %get3A_71 : vector<1x512xf32> to vector<64x512xf32>
    %add3A_73 = arith.addf %add3A_68, %add3A_72 : vector<64x512xf32>
    %slice3A_74 = vector.extract_strided_slice %add3A_73 {offsets = [0, 0], sizes = [64, 128], strides = [1, 1]} : vector<64x512xf32> to vector<64x128xf32>
    %slice3A_75 = vector.extract_strided_slice %add3A_73 {offsets = [0, 128], sizes = [64, 128], strides = [1, 1]} : vector<64x512xf32> to vector<64x128xf32>
    %slice3A_76 = vector.extract_strided_slice %add3A_73 {offsets = [0, 256], sizes = [64, 128], strides = [1, 1]} : vector<64x512xf32> to vector<64x128xf32>
    %slice3A_77 = vector.extract_strided_slice %add3A_73 {offsets = [0, 384], sizes = [64, 128], strides = [1, 1]} : vector<64x512xf32> to vector<64x128xf32>
    %logistic3A_78 = arith.negf %slice3A_75 : vector<64x128xf32>
    %logistic3A_79 = math.exp %logistic3A_78 : vector<64x128xf32>
    %logistic3A_80 = arith.constant 1.000000e+00 : f32
    %logistic3A_81 = vector.broadcast %logistic3A_80 : f32 to vector<64x128xf32>
    %logistic3A_82 = arith.addf %logistic3A_81, %logistic3A_79 : vector<64x128xf32>
    %logistic3A_83 = arith.divf %logistic3A_81, %logistic3A_82 : vector<64x128xf32>
    %mul3A_84 = arith.mulf %logistic3A_83, %broadcast_in_dim3A_15 : vector<64x128xf32>
    %logistic3A_85 = arith.negf %slice3A_74 : vector<64x128xf32>
    %logistic3A_86 = math.exp %logistic3A_85 : vector<64x128xf32>
    %logistic3A_87 = arith.constant 1.000000e+00 : f32
    %logistic3A_88 = vector.broadcast %logistic3A_87 : f32 to vector<64x128xf32>
    %logistic3A_89 = arith.addf %logistic3A_88, %logistic3A_86 : vector<64x128xf32>
    %logistic3A_90 = arith.divf %logistic3A_88, %logistic3A_89 : vector<64x128xf32>
    %tanh3A_91 = math.tanh %slice3A_76 : vector<64x128xf32>
    %mul3A_92 = arith.mulf %logistic3A_90, %tanh3A_91 : vector<64x128xf32>
    %add3A_93 = arith.addf %mul3A_84, %mul3A_92 : vector<64x128xf32>
    %logistic3A_94 = arith.negf %slice3A_77 : vector<64x128xf32>
    %logistic3A_95 = math.exp %logistic3A_94 : vector<64x128xf32>
    %logistic3A_96 = arith.constant 1.000000e+00 : f32
    %logistic3A_97 = vector.broadcast %logistic3A_96 : f32 to vector<64x128xf32>
    %logistic3A_98 = arith.addf %logistic3A_97, %logistic3A_95 : vector<64x128xf32>
    %logistic3A_99 = arith.divf %logistic3A_97, %logistic3A_98 : vector<64x128xf32>
    %tanh3A_100 = math.tanh %add3A_93 : vector<64x128xf32>
    %mul3A_101 = arith.mulf %logistic3A_99, %tanh3A_100 : vector<64x128xf32>
    %get3A_102 = arith.constant 0 : index
    %get3A_103 = arith.constant 0 : index
    %get3A_104 = vector.load %arg8[%get3A_102, %get3A_103] : memref<128x512xf32, #tpu.memory_space<vmem>>, vector<128x512xf32>
    %dot_general3A_105 = arith.constant dense<0.000000e+00> : vector<64x512xf32>
    %dot_general3A_106 = tpu.matmul %mul3A_101, %get3A_104, %dot_general3A_105 {dimension_numbers = #tpu.dot_dimension_numbers<[1], [0], [0], [1], [0, 0, 1, 1], [], []>, transpose_lhs_hint = false} : vector<64x128xf32>, vector<128x512xf32>, vector<64x512xf32> -> vector<64x512xf32>
    %get3A_107 = arith.constant 0 : index
    %get3A_108 = arith.constant 0 : index
    %get3A_109 = vector.load %arg9[%get3A_107, %get3A_108] : memref<128x512xf32, #tpu.memory_space<vmem>>, vector<128x512xf32>
    %dot_general3A_110 = arith.constant dense<0.000000e+00> : vector<64x512xf32>
    %dot_general3A_111 = tpu.matmul %broadcast_in_dim3A_11, %get3A_109, %dot_general3A_110 {dimension_numbers = #tpu.dot_dimension_numbers<[1], [0], [0], [1], [0, 0, 1, 1], [], []>, transpose_lhs_hint = false} : vector<64x128xf32>, vector<128x512xf32>, vector<64x512xf32> -> vector<64x512xf32>
    %add3A_112 = arith.addf %dot_general3A_106, %dot_general3A_111 : vector<64x512xf32>
    %get3A_113 = arith.constant 0 : index
    %get3A_114 = arith.constant 0 : index
    %get3A_115 = vector.load %arg10[%get3A_113, %get3A_114] : memref<1x512xf32, #tpu.memory_space<vmem>>, vector<1x512xf32>
    %add3A_116 = vector.broadcast %get3A_115 : vector<1x512xf32> to vector<64x512xf32>
    %add3A_117 = arith.addf %add3A_112, %add3A_116 : vector<64x512xf32>
    %slice3A_118 = vector.extract_strided_slice %add3A_117 {offsets = [0, 0], sizes = [64, 128], strides = [1, 1]} : vector<64x512xf32> to vector<64x128xf32>
    %slice3A_119 = vector.extract_strided_slice %add3A_117 {offsets = [0, 128], sizes = [64, 128], strides = [1, 1]} : vector<64x512xf32> to vector<64x128xf32>
    %slice3A_120 = vector.extract_strided_slice %add3A_117 {offsets = [0, 256], sizes = [64, 128], strides = [1, 1]} : vector<64x512xf32> to vector<64x128xf32>
    %slice3A_121 = vector.extract_strided_slice %add3A_117 {offsets = [0, 384], sizes = [64, 128], strides = [1, 1]} : vector<64x512xf32> to vector<64x128xf32>
    %logistic3A_122 = arith.negf %slice3A_119 : vector<64x128xf32>
    %logistic3A_123 = math.exp %logistic3A_122 : vector<64x128xf32>
    %logistic3A_124 = arith.constant 1.000000e+00 : f32
    %logistic3A_125 = vector.broadcast %logistic3A_124 : f32 to vector<64x128xf32>
    %logistic3A_126 = arith.addf %logistic3A_125, %logistic3A_123 : vector<64x128xf32>
    %logistic3A_127 = arith.divf %logistic3A_125, %logistic3A_126 : vector<64x128xf32>
    %mul3A_128 = arith.mulf %logistic3A_127, %broadcast_in_dim3A_17 : vector<64x128xf32>
    %logistic3A_129 = arith.negf %slice3A_118 : vector<64x128xf32>
    %logistic3A_130 = math.exp %logistic3A_129 : vector<64x128xf32>
    %logistic3A_131 = arith.constant 1.000000e+00 : f32
    %logistic3A_132 = vector.broadcast %logistic3A_131 : f32 to vector<64x128xf32>
    %logistic3A_133 = arith.addf %logistic3A_132, %logistic3A_130 : vector<64x128xf32>
    %logistic3A_134 = arith.divf %logistic3A_132, %logistic3A_133 : vector<64x128xf32>
    %tanh3A_135 = math.tanh %slice3A_120 : vector<64x128xf32>
    %mul3A_136 = arith.mulf %logistic3A_134, %tanh3A_135 : vector<64x128xf32>
    %add3A_137 = arith.addf %mul3A_128, %mul3A_136 : vector<64x128xf32>
    %logistic3A_138 = arith.negf %slice3A_121 : vector<64x128xf32>
    %logistic3A_139 = math.exp %logistic3A_138 : vector<64x128xf32>
    %logistic3A_140 = arith.constant 1.000000e+00 : f32
    %logistic3A_141 = vector.broadcast %logistic3A_140 : f32 to vector<64x128xf32>
    %logistic3A_142 = arith.addf %logistic3A_141, %logistic3A_139 : vector<64x128xf32>
    %logistic3A_143 = arith.divf %logistic3A_141, %logistic3A_142 : vector<64x128xf32>
    %tanh3A_144 = math.tanh %add3A_137 : vector<64x128xf32>
    %mul3A_145 = arith.mulf %logistic3A_143, %tanh3A_144 : vector<64x128xf32>
    %dot_general3A_146 = arith.constant dense<0.000000e+00> : vector<10000x128xf32>
    %dot_general3A_147 = tpu.matmul %convert_element_type3A_6, %mul3A_145, %dot_general3A_146 {dimension_numbers = #tpu.dot_dimension_numbers<[1], [0], [0], [1], [0, 0, 1, 1], [], []>, transpose_lhs_hint = false} : vector<10000x64xf32>, vector<64x128xf32>, vector<10000x128xf32> -> vector<10000x128xf32>
    %mul3A_148 = arith.mulf %get3A_1, %dot_general3A_147 : vector<10000x128xf32>
    %reduce_sum3A = arith.constant dense<0.000000e+00> : vector<10000xf32>
    %reduce_sum3A_149 = vector.multi_reduction <add>, %mul3A_148, %reduce_sum3A [1] : vector<10000x128xf32> to vector<10000xf32>
    %broadcast_in_dim3A_150 = vector.shape_cast %reduce_sum3A_149 : vector<10000xf32> to vector<10000x1xf32>
    %jit3A = arith.constant -1.000000e+30 : f32
    %broadcast_in_dim3A_151 = vector.shape_cast %broadcast_in_dim3A_150 : vector<10000x1xf32> to vector<10000x1xf32>
    %broadcast_in_dim3A_152 = vector.broadcast %broadcast_in_dim3A_151 : vector<10000x1xf32> to vector<10000x64xf32>
    %broadcast_in_dim3A_153 = vector.broadcast %jit3A : f32 to vector<10000x64xf32>
    %select_n3A = arith.select %eq3A_5, %broadcast_in_dim3A_152, %broadcast_in_dim3A_153 : vector<10000x64xi1>, vector<10000x64xf32>
    %reduce_max3A = arith.constant dense<0xFF800000> : vector<64xf32>
    %reduce_max3A_154 = vector.multi_reduction <maximumf>, %select_n3A, %reduce_max3A [0] : vector<10000x64xf32> to vector<64xf32>
    %broadcast_in_dim3A_155 = vector.shape_cast %reduce_max3A_154 : vector<64xf32> to vector<1x64xf32>
    %dot_general3A_156 = arith.constant dense<0.000000e+00> : vector<10000x1xf32>
    %dot_general3A_157 = tpu.matmul %convert_element_type3A_6, %broadcast_in_dim3A_155, %dot_general3A_156 {dimension_numbers = #tpu.dot_dimension_numbers<[1], [1], [0], [0], [0, 0, 1, 0], [], []>, transpose_lhs_hint = false} : vector<10000x64xf32>, vector<1x64xf32>, vector<10000x1xf32> -> vector<10000x1xf32>
    %sub3A = arith.subf %broadcast_in_dim3A_150, %dot_general3A_157 : vector<10000x1xf32>
    %exp3A = math.exp %sub3A : vector<10000x1xf32>
    %dot_general3A_158 = arith.constant dense<0.000000e+00> : vector<1x64xf32>
    %dot_general3A_159 = tpu.matmul %exp3A, %convert_element_type3A_6, %dot_general3A_158 {dimension_numbers = #tpu.dot_dimension_numbers<[0], [0], [1], [1], [0, 1, 1, 1], [], []>, transpose_lhs_hint = false} : vector<10000x1xf32>, vector<10000x64xf32>, vector<1x64xf32> -> vector<1x64xf32>
    %dot_general3A_160 = arith.constant dense<0.000000e+00> : vector<10000x1xf32>
    %dot_general3A_161 = tpu.matmul %convert_element_type3A_6, %dot_general3A_159, %dot_general3A_160 {dimension_numbers = #tpu.dot_dimension_numbers<[1], [1], [0], [0], [0, 0, 1, 0], [], []>, transpose_lhs_hint = false} : vector<10000x64xf32>, vector<1x64xf32>, vector<10000x1xf32> -> vector<10000x1xf32>
    %div3A = arith.divf %exp3A, %dot_general3A_161 : vector<10000x1xf32>
    %mul3A_162 = vector.broadcast %div3A : vector<10000x1xf32> to vector<10000x128xf32>
    %mul3A_163 = arith.mulf %get3A_1, %mul3A_162 : vector<10000x128xf32>
    %dot_general3A_164 = arith.constant dense<0.000000e+00> : vector<64x128xf32>
    %dot_general3A_165 = tpu.matmul %convert_element_type3A_6, %mul3A_163, %dot_general3A_164 {dimension_numbers = #tpu.dot_dimension_numbers<[0], [0], [1], [1], [0, 1, 1, 1], [], []>, transpose_lhs_hint = false} : vector<10000x64xf32>, vector<10000x128xf32>, vector<64x128xf32> -> vector<64x128xf32>
    %concatenate3A = tpu.concatenate %mul3A_145, %dot_general3A_165 in 1 : vector<64x128xf32>, vector<64x128xf32> -> vector<64x256xf32>
    %get3A_166 = arith.constant 0 : index
    %get3A_167 = arith.constant 0 : index
    %get3A_168 = vector.load %arg2[%get3A_166, %get3A_167] : memref<256x512xf32, #tpu.memory_space<vmem>>, vector<256x512xf32>
    %dot_general3A_169 = arith.constant dense<0.000000e+00> : vector<64x512xf32>
    %dot_general3A_170 = tpu.matmul %concatenate3A, %get3A_168, %dot_general3A_169 {dimension_numbers = #tpu.dot_dimension_numbers<[1], [0], [0], [1], [0, 0, 1, 1], [], []>, transpose_lhs_hint = false} : vector<64x256xf32>, vector<256x512xf32>, vector<64x512xf32> -> vector<64x512xf32>
    %get3A_171 = arith.constant 0 : index
    %get3A_172 = arith.constant 0 : index
    %get3A_173 = vector.load %arg3[%get3A_171, %get3A_172] : memref<128x512xf32, #tpu.memory_space<vmem>>, vector<128x512xf32>
    %dot_general3A_174 = arith.constant dense<0.000000e+00> : vector<64x512xf32>
    %dot_general3A_175 = tpu.matmul %mul3A_57, %get3A_173, %dot_general3A_174 {dimension_numbers = #tpu.dot_dimension_numbers<[1], [0], [0], [1], [0, 0, 1, 1], [], []>, transpose_lhs_hint = false} : vector<64x128xf32>, vector<128x512xf32>, vector<64x512xf32> -> vector<64x512xf32>
    %add3A_176 = arith.addf %dot_general3A_170, %dot_general3A_175 : vector<64x512xf32>
    %get3A_177 = arith.constant 0 : index
    %get3A_178 = arith.constant 0 : index
    %get3A_179 = vector.load %arg4[%get3A_177, %get3A_178] : memref<1x512xf32, #tpu.memory_space<vmem>>, vector<1x512xf32>
    %add3A_180 = vector.broadcast %get3A_179 : vector<1x512xf32> to vector<64x512xf32>
    %add3A_181 = arith.addf %add3A_176, %add3A_180 : vector<64x512xf32>
    %slice3A_182 = vector.extract_strided_slice %add3A_181 {offsets = [0, 0], sizes = [64, 128], strides = [1, 1]} : vector<64x512xf32> to vector<64x128xf32>
    %slice3A_183 = vector.extract_strided_slice %add3A_181 {offsets = [0, 128], sizes = [64, 128], strides = [1, 1]} : vector<64x512xf32> to vector<64x128xf32>
    %slice3A_184 = vector.extract_strided_slice %add3A_181 {offsets = [0, 256], sizes = [64, 128], strides = [1, 1]} : vector<64x512xf32> to vector<64x128xf32>
    %slice3A_185 = vector.extract_strided_slice %add3A_181 {offsets = [0, 384], sizes = [64, 128], strides = [1, 1]} : vector<64x512xf32> to vector<64x128xf32>
    %logistic3A_186 = arith.negf %slice3A_183 : vector<64x128xf32>
    %logistic3A_187 = math.exp %logistic3A_186 : vector<64x128xf32>
    %logistic3A_188 = arith.constant 1.000000e+00 : f32
    %logistic3A_189 = vector.broadcast %logistic3A_188 : f32 to vector<64x128xf32>
    %logistic3A_190 = arith.addf %logistic3A_189, %logistic3A_187 : vector<64x128xf32>
    %logistic3A_191 = arith.divf %logistic3A_189, %logistic3A_190 : vector<64x128xf32>
    %mul3A_192 = arith.mulf %logistic3A_191, %add3A_49 : vector<64x128xf32>
    %logistic3A_193 = arith.negf %slice3A_182 : vector<64x128xf32>
    %logistic3A_194 = math.exp %logistic3A_193 : vector<64x128xf32>
    %logistic3A_195 = arith.constant 1.000000e+00 : f32
    %logistic3A_196 = vector.broadcast %logistic3A_195 : f32 to vector<64x128xf32>
    %logistic3A_197 = arith.addf %logistic3A_196, %logistic3A_194 : vector<64x128xf32>
    %logistic3A_198 = arith.divf %logistic3A_196, %logistic3A_197 : vector<64x128xf32>
    %tanh3A_199 = math.tanh %slice3A_184 : vector<64x128xf32>
    %mul3A_200 = arith.mulf %logistic3A_198, %tanh3A_199 : vector<64x128xf32>
    %add3A_201 = arith.addf %mul3A_192, %mul3A_200 : vector<64x128xf32>
    %logistic3A_202 = arith.negf %slice3A_185 : vector<64x128xf32>
    %logistic3A_203 = math.exp %logistic3A_202 : vector<64x128xf32>
    %logistic3A_204 = arith.constant 1.000000e+00 : f32
    %logistic3A_205 = vector.broadcast %logistic3A_204 : f32 to vector<64x128xf32>
    %logistic3A_206 = arith.addf %logistic3A_205, %logistic3A_203 : vector<64x128xf32>
    %logistic3A_207 = arith.divf %logistic3A_205, %logistic3A_206 : vector<64x128xf32>
    %tanh3A_208 = math.tanh %add3A_201 : vector<64x128xf32>
    %mul3A_209 = arith.mulf %logistic3A_207, %tanh3A_208 : vector<64x128xf32>
    %get3A_210 = arith.constant 0 : index
    %get3A_211 = arith.constant 0 : index
    %get3A_212 = vector.load %arg5[%get3A_210, %get3A_211] : memref<128x512xf32, #tpu.memory_space<vmem>>, vector<128x512xf32>
    %dot_general3A_213 = arith.constant dense<0.000000e+00> : vector<64x512xf32>
    %dot_general3A_214 = tpu.matmul %mul3A_209, %get3A_212, %dot_general3A_213 {dimension_numbers = #tpu.dot_dimension_numbers<[1], [0], [0], [1], [0, 0, 1, 1], [], []>, transpose_lhs_hint = false} : vector<64x128xf32>, vector<128x512xf32>, vector<64x512xf32> -> vector<64x512xf32>
    %get3A_215 = arith.constant 0 : index
    %get3A_216 = arith.constant 0 : index
    %get3A_217 = vector.load %arg6[%get3A_215, %get3A_216] : memref<128x512xf32, #tpu.memory_space<vmem>>, vector<128x512xf32>
    %dot_general3A_218 = arith.constant dense<0.000000e+00> : vector<64x512xf32>
    %dot_general3A_219 = tpu.matmul %mul3A_101, %get3A_217, %dot_general3A_218 {dimension_numbers = #tpu.dot_dimension_numbers<[1], [0], [0], [1], [0, 0, 1, 1], [], []>, transpose_lhs_hint = false} : vector<64x128xf32>, vector<128x512xf32>, vector<64x512xf32> -> vector<64x512xf32>
    %add3A_220 = arith.addf %dot_general3A_214, %dot_general3A_219 : vector<64x512xf32>
    %get3A_221 = arith.constant 0 : index
    %get3A_222 = arith.constant 0 : index
    %get3A_223 = vector.load %arg7[%get3A_221, %get3A_222] : memref<1x512xf32, #tpu.memory_space<vmem>>, vector<1x512xf32>
    %add3A_224 = vector.broadcast %get3A_223 : vector<1x512xf32> to vector<64x512xf32>
    %add3A_225 = arith.addf %add3A_220, %add3A_224 : vector<64x512xf32>
    %slice3A_226 = vector.extract_strided_slice %add3A_225 {offsets = [0, 0], sizes = [64, 128], strides = [1, 1]} : vector<64x512xf32> to vector<64x128xf32>
    %slice3A_227 = vector.extract_strided_slice %add3A_225 {offsets = [0, 128], sizes = [64, 128], strides = [1, 1]} : vector<64x512xf32> to vector<64x128xf32>
    %slice3A_228 = vector.extract_strided_slice %add3A_225 {offsets = [0, 256], sizes = [64, 128], strides = [1, 1]} : vector<64x512xf32> to vector<64x128xf32>
    %slice3A_229 = vector.extract_strided_slice %add3A_225 {offsets = [0, 384], sizes = [64, 128], strides = [1, 1]} : vector<64x512xf32> to vector<64x128xf32>
    %logistic3A_230 = arith.negf %slice3A_227 : vector<64x128xf32>
    %logistic3A_231 = math.exp %logistic3A_230 : vector<64x128xf32>
    %logistic3A_232 = arith.constant 1.000000e+00 : f32
    %logistic3A_233 = vector.broadcast %logistic3A_232 : f32 to vector<64x128xf32>
    %logistic3A_234 = arith.addf %logistic3A_233, %logistic3A_231 : vector<64x128xf32>
    %logistic3A_235 = arith.divf %logistic3A_233, %logistic3A_234 : vector<64x128xf32>
    %mul3A_236 = arith.mulf %logistic3A_235, %add3A_93 : vector<64x128xf32>
    %logistic3A_237 = arith.negf %slice3A_226 : vector<64x128xf32>
    %logistic3A_238 = math.exp %logistic3A_237 : vector<64x128xf32>
    %logistic3A_239 = arith.constant 1.000000e+00 : f32
    %logistic3A_240 = vector.broadcast %logistic3A_239 : f32 to vector<64x128xf32>
    %logistic3A_241 = arith.addf %logistic3A_240, %logistic3A_238 : vector<64x128xf32>
    %logistic3A_242 = arith.divf %logistic3A_240, %logistic3A_241 : vector<64x128xf32>
    %tanh3A_243 = math.tanh %slice3A_228 : vector<64x128xf32>
    %mul3A_244 = arith.mulf %logistic3A_242, %tanh3A_243 : vector<64x128xf32>
    %add3A_245 = arith.addf %mul3A_236, %mul3A_244 : vector<64x128xf32>
    %logistic3A_246 = arith.negf %slice3A_229 : vector<64x128xf32>
    %logistic3A_247 = math.exp %logistic3A_246 : vector<64x128xf32>
    %logistic3A_248 = arith.constant 1.000000e+00 : f32
    %logistic3A_249 = vector.broadcast %logistic3A_248 : f32 to vector<64x128xf32>
    %logistic3A_250 = arith.addf %logistic3A_249, %logistic3A_247 : vector<64x128xf32>
    %logistic3A_251 = arith.divf %logistic3A_249, %logistic3A_250 : vector<64x128xf32>
    %tanh3A_252 = math.tanh %add3A_245 : vector<64x128xf32>
    %mul3A_253 = arith.mulf %logistic3A_251, %tanh3A_252 : vector<64x128xf32>
    %get3A_254 = arith.constant 0 : index
    %get3A_255 = arith.constant 0 : index
    %get3A_256 = vector.load %arg8[%get3A_254, %get3A_255] : memref<128x512xf32, #tpu.memory_space<vmem>>, vector<128x512xf32>
    %dot_general3A_257 = arith.constant dense<0.000000e+00> : vector<64x512xf32>
    %dot_general3A_258 = tpu.matmul %mul3A_253, %get3A_256, %dot_general3A_257 {dimension_numbers = #tpu.dot_dimension_numbers<[1], [0], [0], [1], [0, 0, 1, 1], [], []>, transpose_lhs_hint = false} : vector<64x128xf32>, vector<128x512xf32>, vector<64x512xf32> -> vector<64x512xf32>
    %get3A_259 = arith.constant 0 : index
    %get3A_260 = arith.constant 0 : index
    %get3A_261 = vector.load %arg9[%get3A_259, %get3A_260] : memref<128x512xf32, #tpu.memory_space<vmem>>, vector<128x512xf32>
    %dot_general3A_262 = arith.constant dense<0.000000e+00> : vector<64x512xf32>
    %dot_general3A_263 = tpu.matmul %mul3A_145, %get3A_261, %dot_general3A_262 {dimension_numbers = #tpu.dot_dimension_numbers<[1], [0], [0], [1], [0, 0, 1, 1], [], []>, transpose_lhs_hint = false} : vector<64x128xf32>, vector<128x512xf32>, vector<64x512xf32> -> vector<64x512xf32>
    %add3A_264 = arith.addf %dot_general3A_258, %dot_general3A_263 : vector<64x512xf32>
    %get3A_265 = arith.constant 0 : index
    %get3A_266 = arith.constant 0 : index
    %get3A_267 = vector.load %arg10[%get3A_265, %get3A_266] : memref<1x512xf32, #tpu.memory_space<vmem>>, vector<1x512xf32>
    %add3A_268 = vector.broadcast %get3A_267 : vector<1x512xf32> to vector<64x512xf32>
    %add3A_269 = arith.addf %add3A_264, %add3A_268 : vector<64x512xf32>
    %slice3A_270 = vector.extract_strided_slice %add3A_269 {offsets = [0, 0], sizes = [64, 128], strides = [1, 1]} : vector<64x512xf32> to vector<64x128xf32>
    %slice3A_271 = vector.extract_strided_slice %add3A_269 {offsets = [0, 128], sizes = [64, 128], strides = [1, 1]} : vector<64x512xf32> to vector<64x128xf32>
    %slice3A_272 = vector.extract_strided_slice %add3A_269 {offsets = [0, 256], sizes = [64, 128], strides = [1, 1]} : vector<64x512xf32> to vector<64x128xf32>
    %slice3A_273 = vector.extract_strided_slice %add3A_269 {offsets = [0, 384], sizes = [64, 128], strides = [1, 1]} : vector<64x512xf32> to vector<64x128xf32>
    %logistic3A_274 = arith.negf %slice3A_271 : vector<64x128xf32>
    %logistic3A_275 = math.exp %logistic3A_274 : vector<64x128xf32>
    %logistic3A_276 = arith.constant 1.000000e+00 : f32
    %logistic3A_277 = vector.broadcast %logistic3A_276 : f32 to vector<64x128xf32>
    %logistic3A_278 = arith.addf %logistic3A_277, %logistic3A_275 : vector<64x128xf32>
    %logistic3A_279 = arith.divf %logistic3A_277, %logistic3A_278 : vector<64x128xf32>
    %mul3A_280 = arith.mulf %logistic3A_279, %add3A_137 : vector<64x128xf32>
    %logistic3A_281 = arith.negf %slice3A_270 : vector<64x128xf32>
    %logistic3A_282 = math.exp %logistic3A_281 : vector<64x128xf32>
    %logistic3A_283 = arith.constant 1.000000e+00 : f32
    %logistic3A_284 = vector.broadcast %logistic3A_283 : f32 to vector<64x128xf32>
    %logistic3A_285 = arith.addf %logistic3A_284, %logistic3A_282 : vector<64x128xf32>
    %logistic3A_286 = arith.divf %logistic3A_284, %logistic3A_285 : vector<64x128xf32>
    %tanh3A_287 = math.tanh %slice3A_272 : vector<64x128xf32>
    %mul3A_288 = arith.mulf %logistic3A_286, %tanh3A_287 : vector<64x128xf32>
    %add3A_289 = arith.addf %mul3A_280, %mul3A_288 : vector<64x128xf32>
    %logistic3A_290 = arith.negf %slice3A_273 : vector<64x128xf32>
    %logistic3A_291 = math.exp %logistic3A_290 : vector<64x128xf32>
    %logistic3A_292 = arith.constant 1.000000e+00 : f32
    %logistic3A_293 = vector.broadcast %logistic3A_292 : f32 to vector<64x128xf32>
    %logistic3A_294 = arith.addf %logistic3A_293, %logistic3A_291 : vector<64x128xf32>
    %logistic3A_295 = arith.divf %logistic3A_293, %logistic3A_294 : vector<64x128xf32>
    %tanh3A_296 = math.tanh %add3A_289 : vector<64x128xf32>
    %mul3A_297 = arith.mulf %logistic3A_295, %tanh3A_296 : vector<64x128xf32>
    %dot_general3A_298 = arith.constant dense<0.000000e+00> : vector<10000x128xf32>
    %dot_general3A_299 = tpu.matmul %convert_element_type3A_6, %mul3A_297, %dot_general3A_298 {dimension_numbers = #tpu.dot_dimension_numbers<[1], [0], [0], [1], [0, 0, 1, 1], [], []>, transpose_lhs_hint = false} : vector<10000x64xf32>, vector<64x128xf32>, vector<10000x128xf32> -> vector<10000x128xf32>
    %mul3A_300 = arith.mulf %get3A_1, %dot_general3A_299 : vector<10000x128xf32>
    %reduce_sum3A_301 = arith.constant dense<0.000000e+00> : vector<10000xf32>
    %reduce_sum3A_302 = vector.multi_reduction <add>, %mul3A_300, %reduce_sum3A_301 [1] : vector<10000x128xf32> to vector<10000xf32>
    %broadcast_in_dim3A_303 = vector.shape_cast %reduce_sum3A_302 : vector<10000xf32> to vector<10000x1xf32>
    %jit3A_304 = arith.constant -1.000000e+30 : f32
    %broadcast_in_dim3A_305 = vector.shape_cast %broadcast_in_dim3A_303 : vector<10000x1xf32> to vector<10000x1xf32>
    %broadcast_in_dim3A_306 = vector.broadcast %broadcast_in_dim3A_305 : vector<10000x1xf32> to vector<10000x64xf32>
    %broadcast_in_dim3A_307 = vector.broadcast %jit3A_304 : f32 to vector<10000x64xf32>
    %select_n3A_308 = arith.select %eq3A_5, %broadcast_in_dim3A_306, %broadcast_in_dim3A_307 : vector<10000x64xi1>, vector<10000x64xf32>
    %reduce_max3A_309 = arith.constant dense<0xFF800000> : vector<64xf32>
    %reduce_max3A_310 = vector.multi_reduction <maximumf>, %select_n3A_308, %reduce_max3A_309 [0] : vector<10000x64xf32> to vector<64xf32>
    %broadcast_in_dim3A_311 = vector.shape_cast %reduce_max3A_310 : vector<64xf32> to vector<1x64xf32>
    %dot_general3A_312 = arith.constant dense<0.000000e+00> : vector<10000x1xf32>
    %dot_general3A_313 = tpu.matmul %convert_element_type3A_6, %broadcast_in_dim3A_311, %dot_general3A_312 {dimension_numbers = #tpu.dot_dimension_numbers<[1], [1], [0], [0], [0, 0, 1, 0], [], []>, transpose_lhs_hint = false} : vector<10000x64xf32>, vector<1x64xf32>, vector<10000x1xf32> -> vector<10000x1xf32>
    %sub3A_314 = arith.subf %broadcast_in_dim3A_303, %dot_general3A_313 : vector<10000x1xf32>
    %exp3A_315 = math.exp %sub3A_314 : vector<10000x1xf32>
    %dot_general3A_316 = arith.constant dense<0.000000e+00> : vector<1x64xf32>
    %dot_general3A_317 = tpu.matmul %exp3A_315, %convert_element_type3A_6, %dot_general3A_316 {dimension_numbers = #tpu.dot_dimension_numbers<[0], [0], [1], [1], [0, 1, 1, 1], [], []>, transpose_lhs_hint = false} : vector<10000x1xf32>, vector<10000x64xf32>, vector<1x64xf32> -> vector<1x64xf32>
    %dot_general3A_318 = arith.constant dense<0.000000e+00> : vector<10000x1xf32>
    %dot_general3A_319 = tpu.matmul %convert_element_type3A_6, %dot_general3A_317, %dot_general3A_318 {dimension_numbers = #tpu.dot_dimension_numbers<[1], [1], [0], [0], [0, 0, 1, 0], [], []>, transpose_lhs_hint = false} : vector<10000x64xf32>, vector<1x64xf32>, vector<10000x1xf32> -> vector<10000x1xf32>
    %div3A_320 = arith.divf %exp3A_315, %dot_general3A_319 : vector<10000x1xf32>
    %mul3A_321 = vector.broadcast %div3A_320 : vector<10000x1xf32> to vector<10000x128xf32>
    %mul3A_322 = arith.mulf %get3A_1, %mul3A_321 : vector<10000x128xf32>
    %dot_general3A_323 = arith.constant dense<0.000000e+00> : vector<64x128xf32>
    %dot_general3A_324 = tpu.matmul %convert_element_type3A_6, %mul3A_322, %dot_general3A_323 {dimension_numbers = #tpu.dot_dimension_numbers<[0], [0], [1], [1], [0, 1, 1, 1], [], []>, transpose_lhs_hint = false} : vector<10000x64xf32>, vector<10000x128xf32>, vector<64x128xf32> -> vector<64x128xf32>
    %concatenate3A_325 = tpu.concatenate %mul3A_297, %dot_general3A_324 in 1 : vector<64x128xf32>, vector<64x128xf32> -> vector<64x256xf32>
    %get3A_326 = arith.constant 0 : index
    %get3A_327 = arith.constant 0 : index
    %get3A_328 = vector.load %arg2[%get3A_326, %get3A_327] : memref<256x512xf32, #tpu.memory_space<vmem>>, vector<256x512xf32>
    %dot_general3A_329 = arith.constant dense<0.000000e+00> : vector<64x512xf32>
    %dot_general3A_330 = tpu.matmul %concatenate3A_325, %get3A_328, %dot_general3A_329 {dimension_numbers = #tpu.dot_dimension_numbers<[1], [0], [0], [1], [0, 0, 1, 1], [], []>, transpose_lhs_hint = false} : vector<64x256xf32>, vector<256x512xf32>, vector<64x512xf32> -> vector<64x512xf32>
    %get3A_331 = arith.constant 0 : index
    %get3A_332 = arith.constant 0 : index
    %get3A_333 = vector.load %arg3[%get3A_331, %get3A_332] : memref<128x512xf32, #tpu.memory_space<vmem>>, vector<128x512xf32>
    %dot_general3A_334 = arith.constant dense<0.000000e+00> : vector<64x512xf32>
    %dot_general3A_335 = tpu.matmul %mul3A_209, %get3A_333, %dot_general3A_334 {dimension_numbers = #tpu.dot_dimension_numbers<[1], [0], [0], [1], [0, 0, 1, 1], [], []>, transpose_lhs_hint = false} : vector<64x128xf32>, vector<128x512xf32>, vector<64x512xf32> -> vector<64x512xf32>
    %add3A_336 = arith.addf %dot_general3A_330, %dot_general3A_335 : vector<64x512xf32>
    %get3A_337 = arith.constant 0 : index
    %get3A_338 = arith.constant 0 : index
    %get3A_339 = vector.load %arg4[%get3A_337, %get3A_338] : memref<1x512xf32, #tpu.memory_space<vmem>>, vector<1x512xf32>
    %add3A_340 = vector.broadcast %get3A_339 : vector<1x512xf32> to vector<64x512xf32>
    %add3A_341 = arith.addf %add3A_336, %add3A_340 : vector<64x512xf32>
    %slice3A_342 = vector.extract_strided_slice %add3A_341 {offsets = [0, 0], sizes = [64, 128], strides = [1, 1]} : vector<64x512xf32> to vector<64x128xf32>
    %slice3A_343 = vector.extract_strided_slice %add3A_341 {offsets = [0, 128], sizes = [64, 128], strides = [1, 1]} : vector<64x512xf32> to vector<64x128xf32>
    %slice3A_344 = vector.extract_strided_slice %add3A_341 {offsets = [0, 256], sizes = [64, 128], strides = [1, 1]} : vector<64x512xf32> to vector<64x128xf32>
    %slice3A_345 = vector.extract_strided_slice %add3A_341 {offsets = [0, 384], sizes = [64, 128], strides = [1, 1]} : vector<64x512xf32> to vector<64x128xf32>
    %logistic3A_346 = arith.negf %slice3A_343 : vector<64x128xf32>
    %logistic3A_347 = math.exp %logistic3A_346 : vector<64x128xf32>
    %logistic3A_348 = arith.constant 1.000000e+00 : f32
    %logistic3A_349 = vector.broadcast %logistic3A_348 : f32 to vector<64x128xf32>
    %logistic3A_350 = arith.addf %logistic3A_349, %logistic3A_347 : vector<64x128xf32>
    %logistic3A_351 = arith.divf %logistic3A_349, %logistic3A_350 : vector<64x128xf32>
    %mul3A_352 = arith.mulf %logistic3A_351, %add3A_201 : vector<64x128xf32>
    %logistic3A_353 = arith.negf %slice3A_342 : vector<64x128xf32>
    %logistic3A_354 = math.exp %logistic3A_353 : vector<64x128xf32>
    %logistic3A_355 = arith.constant 1.000000e+00 : f32
    %logistic3A_356 = vector.broadcast %logistic3A_355 : f32 to vector<64x128xf32>
    %logistic3A_357 = arith.addf %logistic3A_356, %logistic3A_354 : vector<64x128xf32>
    %logistic3A_358 = arith.divf %logistic3A_356, %logistic3A_357 : vector<64x128xf32>
    %tanh3A_359 = math.tanh %slice3A_344 : vector<64x128xf32>
    %mul3A_360 = arith.mulf %logistic3A_358, %tanh3A_359 : vector<64x128xf32>
    %add3A_361 = arith.addf %mul3A_352, %mul3A_360 : vector<64x128xf32>
    %logistic3A_362 = arith.negf %slice3A_345 : vector<64x128xf32>
    %logistic3A_363 = math.exp %logistic3A_362 : vector<64x128xf32>
    %logistic3A_364 = arith.constant 1.000000e+00 : f32
    %logistic3A_365 = vector.broadcast %logistic3A_364 : f32 to vector<64x128xf32>
    %logistic3A_366 = arith.addf %logistic3A_365, %logistic3A_363 : vector<64x128xf32>
    %logistic3A_367 = arith.divf %logistic3A_365, %logistic3A_366 : vector<64x128xf32>
    %tanh3A_368 = math.tanh %add3A_361 : vector<64x128xf32>
    %mul3A_369 = arith.mulf %logistic3A_367, %tanh3A_368 : vector<64x128xf32>
    %get3A_370 = arith.constant 0 : index
    %get3A_371 = arith.constant 0 : index
    %get3A_372 = vector.load %arg5[%get3A_370, %get3A_371] : memref<128x512xf32, #tpu.memory_space<vmem>>, vector<128x512xf32>
    %dot_general3A_373 = arith.constant dense<0.000000e+00> : vector<64x512xf32>
    %dot_general3A_374 = tpu.matmul %mul3A_369, %get3A_372, %dot_general3A_373 {dimension_numbers = #tpu.dot_dimension_numbers<[1], [0], [0], [1], [0, 0, 1, 1], [], []>, transpose_lhs_hint = false} : vector<64x128xf32>, vector<128x512xf32>, vector<64x512xf32> -> vector<64x512xf32>
    %get3A_375 = arith.constant 0 : index
    %get3A_376 = arith.constant 0 : index
    %get3A_377 = vector.load %arg6[%get3A_375, %get3A_376] : memref<128x512xf32, #tpu.memory_space<vmem>>, vector<128x512xf32>
    %dot_general3A_378 = arith.constant dense<0.000000e+00> : vector<64x512xf32>
    %dot_general3A_379 = tpu.matmul %mul3A_253, %get3A_377, %dot_general3A_378 {dimension_numbers = #tpu.dot_dimension_numbers<[1], [0], [0], [1], [0, 0, 1, 1], [], []>, transpose_lhs_hint = false} : vector<64x128xf32>, vector<128x512xf32>, vector<64x512xf32> -> vector<64x512xf32>
    %add3A_380 = arith.addf %dot_general3A_374, %dot_general3A_379 : vector<64x512xf32>
    %get3A_381 = arith.constant 0 : index
    %get3A_382 = arith.constant 0 : index
    %get3A_383 = vector.load %arg7[%get3A_381, %get3A_382] : memref<1x512xf32, #tpu.memory_space<vmem>>, vector<1x512xf32>
    %add3A_384 = vector.broadcast %get3A_383 : vector<1x512xf32> to vector<64x512xf32>
    %add3A_385 = arith.addf %add3A_380, %add3A_384 : vector<64x512xf32>
    %slice3A_386 = vector.extract_strided_slice %add3A_385 {offsets = [0, 0], sizes = [64, 128], strides = [1, 1]} : vector<64x512xf32> to vector<64x128xf32>
    %slice3A_387 = vector.extract_strided_slice %add3A_385 {offsets = [0, 128], sizes = [64, 128], strides = [1, 1]} : vector<64x512xf32> to vector<64x128xf32>
    %slice3A_388 = vector.extract_strided_slice %add3A_385 {offsets = [0, 256], sizes = [64, 128], strides = [1, 1]} : vector<64x512xf32> to vector<64x128xf32>
    %slice3A_389 = vector.extract_strided_slice %add3A_385 {offsets = [0, 384], sizes = [64, 128], strides = [1, 1]} : vector<64x512xf32> to vector<64x128xf32>
    %logistic3A_390 = arith.negf %slice3A_387 : vector<64x128xf32>
    %logistic3A_391 = math.exp %logistic3A_390 : vector<64x128xf32>
    %logistic3A_392 = arith.constant 1.000000e+00 : f32
    %logistic3A_393 = vector.broadcast %logistic3A_392 : f32 to vector<64x128xf32>
    %logistic3A_394 = arith.addf %logistic3A_393, %logistic3A_391 : vector<64x128xf32>
    %logistic3A_395 = arith.divf %logistic3A_393, %logistic3A_394 : vector<64x128xf32>
    %mul3A_396 = arith.mulf %logistic3A_395, %add3A_245 : vector<64x128xf32>
    %logistic3A_397 = arith.negf %slice3A_386 : vector<64x128xf32>
    %logistic3A_398 = math.exp %logistic3A_397 : vector<64x128xf32>
    %logistic3A_399 = arith.constant 1.000000e+00 : f32
    %logistic3A_400 = vector.broadcast %logistic3A_399 : f32 to vector<64x128xf32>
    %logistic3A_401 = arith.addf %logistic3A_400, %logistic3A_398 : vector<64x128xf32>
    %logistic3A_402 = arith.divf %logistic3A_400, %logistic3A_401 : vector<64x128xf32>
    %tanh3A_403 = math.tanh %slice3A_388 : vector<64x128xf32>
    %mul3A_404 = arith.mulf %logistic3A_402, %tanh3A_403 : vector<64x128xf32>
    %add3A_405 = arith.addf %mul3A_396, %mul3A_404 : vector<64x128xf32>
    %logistic3A_406 = arith.negf %slice3A_389 : vector<64x128xf32>
    %logistic3A_407 = math.exp %logistic3A_406 : vector<64x128xf32>
    %logistic3A_408 = arith.constant 1.000000e+00 : f32
    %logistic3A_409 = vector.broadcast %logistic3A_408 : f32 to vector<64x128xf32>
    %logistic3A_410 = arith.addf %logistic3A_409, %logistic3A_407 : vector<64x128xf32>
    %logistic3A_411 = arith.divf %logistic3A_409, %logistic3A_410 : vector<64x128xf32>
    %tanh3A_412 = math.tanh %add3A_405 : vector<64x128xf32>
    %mul3A_413 = arith.mulf %logistic3A_411, %tanh3A_412 : vector<64x128xf32>
    %get3A_414 = arith.constant 0 : index
    %get3A_415 = arith.constant 0 : index
    %get3A_416 = vector.load %arg8[%get3A_414, %get3A_415] : memref<128x512xf32, #tpu.memory_space<vmem>>, vector<128x512xf32>
    %dot_general3A_417 = arith.constant dense<0.000000e+00> : vector<64x512xf32>
    %dot_general3A_418 = tpu.matmul %mul3A_413, %get3A_416, %dot_general3A_417 {dimension_numbers = #tpu.dot_dimension_numbers<[1], [0], [0], [1], [0, 0, 1, 1], [], []>, transpose_lhs_hint = false} : vector<64x128xf32>, vector<128x512xf32>, vector<64x512xf32> -> vector<64x512xf32>
    %get3A_419 = arith.constant 0 : index
    %get3A_420 = arith.constant 0 : index
    %get3A_421 = vector.load %arg9[%get3A_419, %get3A_420] : memref<128x512xf32, #tpu.memory_space<vmem>>, vector<128x512xf32>
    %dot_general3A_422 = arith.constant dense<0.000000e+00> : vector<64x512xf32>
    %dot_general3A_423 = tpu.matmul %mul3A_297, %get3A_421, %dot_general3A_422 {dimension_numbers = #tpu.dot_dimension_numbers<[1], [0], [0], [1], [0, 0, 1, 1], [], []>, transpose_lhs_hint = false} : vector<64x128xf32>, vector<128x512xf32>, vector<64x512xf32> -> vector<64x512xf32>
    %add3A_424 = arith.addf %dot_general3A_418, %dot_general3A_423 : vector<64x512xf32>
    %get3A_425 = arith.constant 0 : index
    %get3A_426 = arith.constant 0 : index
    %get3A_427 = vector.load %arg10[%get3A_425, %get3A_426] : memref<1x512xf32, #tpu.memory_space<vmem>>, vector<1x512xf32>
    %add3A_428 = vector.broadcast %get3A_427 : vector<1x512xf32> to vector<64x512xf32>
    %add3A_429 = arith.addf %add3A_424, %add3A_428 : vector<64x512xf32>
    %slice3A_430 = vector.extract_strided_slice %add3A_429 {offsets = [0, 0], sizes = [64, 128], strides = [1, 1]} : vector<64x512xf32> to vector<64x128xf32>
    %slice3A_431 = vector.extract_strided_slice %add3A_429 {offsets = [0, 128], sizes = [64, 128], strides = [1, 1]} : vector<64x512xf32> to vector<64x128xf32>
    %slice3A_432 = vector.extract_strided_slice %add3A_429 {offsets = [0, 256], sizes = [64, 128], strides = [1, 1]} : vector<64x512xf32> to vector<64x128xf32>
    %slice3A_433 = vector.extract_strided_slice %add3A_429 {offsets = [0, 384], sizes = [64, 128], strides = [1, 1]} : vector<64x512xf32> to vector<64x128xf32>
    %logistic3A_434 = arith.negf %slice3A_431 : vector<64x128xf32>
    %logistic3A_435 = math.exp %logistic3A_434 : vector<64x128xf32>
    %logistic3A_436 = arith.constant 1.000000e+00 : f32
    %logistic3A_437 = vector.broadcast %logistic3A_436 : f32 to vector<64x128xf32>
    %logistic3A_438 = arith.addf %logistic3A_437, %logistic3A_435 : vector<64x128xf32>
    %logistic3A_439 = arith.divf %logistic3A_437, %logistic3A_438 : vector<64x128xf32>
    %mul3A_440 = arith.mulf %logistic3A_439, %add3A_289 : vector<64x128xf32>
    %logistic3A_441 = arith.negf %slice3A_430 : vector<64x128xf32>
    %logistic3A_442 = math.exp %logistic3A_441 : vector<64x128xf32>
    %logistic3A_443 = arith.constant 1.000000e+00 : f32
    %logistic3A_444 = vector.broadcast %logistic3A_443 : f32 to vector<64x128xf32>
    %logistic3A_445 = arith.addf %logistic3A_444, %logistic3A_442 : vector<64x128xf32>
    %logistic3A_446 = arith.divf %logistic3A_444, %logistic3A_445 : vector<64x128xf32>
    %tanh3A_447 = math.tanh %slice3A_432 : vector<64x128xf32>
    %mul3A_448 = arith.mulf %logistic3A_446, %tanh3A_447 : vector<64x128xf32>
    %add3A_449 = arith.addf %mul3A_440, %mul3A_448 : vector<64x128xf32>
    %logistic3A_450 = arith.negf %slice3A_433 : vector<64x128xf32>
    %logistic3A_451 = math.exp %logistic3A_450 : vector<64x128xf32>
    %logistic3A_452 = arith.constant 1.000000e+00 : f32
    %logistic3A_453 = vector.broadcast %logistic3A_452 : f32 to vector<64x128xf32>
    %logistic3A_454 = arith.addf %logistic3A_453, %logistic3A_451 : vector<64x128xf32>
    %logistic3A_455 = arith.divf %logistic3A_453, %logistic3A_454 : vector<64x128xf32>
    %tanh3A_456 = math.tanh %add3A_449 : vector<64x128xf32>
    %mul3A_457 = arith.mulf %logistic3A_455, %tanh3A_456 : vector<64x128xf32>
    %dot_general3A_458 = arith.constant dense<0.000000e+00> : vector<10000x128xf32>
    %dot_general3A_459 = tpu.matmul %convert_element_type3A_6, %mul3A_457, %dot_general3A_458 {dimension_numbers = #tpu.dot_dimension_numbers<[1], [0], [0], [1], [0, 0, 1, 1], [], []>, transpose_lhs_hint = false} : vector<10000x64xf32>, vector<64x128xf32>, vector<10000x128xf32> -> vector<10000x128xf32>
    %mul3A_460 = arith.mulf %get3A_1, %dot_general3A_459 : vector<10000x128xf32>
    %reduce_sum3A_461 = arith.constant dense<0.000000e+00> : vector<10000xf32>
    %reduce_sum3A_462 = vector.multi_reduction <add>, %mul3A_460, %reduce_sum3A_461 [1] : vector<10000x128xf32> to vector<10000xf32>
    %broadcast_in_dim3A_463 = vector.shape_cast %reduce_sum3A_462 : vector<10000xf32> to vector<10000x1xf32>
    %jit3A_464 = arith.constant -1.000000e+30 : f32
    %broadcast_in_dim3A_465 = vector.shape_cast %broadcast_in_dim3A_463 : vector<10000x1xf32> to vector<10000x1xf32>
    %broadcast_in_dim3A_466 = vector.broadcast %broadcast_in_dim3A_465 : vector<10000x1xf32> to vector<10000x64xf32>
    %broadcast_in_dim3A_467 = vector.broadcast %jit3A_464 : f32 to vector<10000x64xf32>
    %select_n3A_468 = arith.select %eq3A_5, %broadcast_in_dim3A_466, %broadcast_in_dim3A_467 : vector<10000x64xi1>, vector<10000x64xf32>
    %reduce_max3A_469 = arith.constant dense<0xFF800000> : vector<64xf32>
    %reduce_max3A_470 = vector.multi_reduction <maximumf>, %select_n3A_468, %reduce_max3A_469 [0] : vector<10000x64xf32> to vector<64xf32>
    %broadcast_in_dim3A_471 = vector.shape_cast %reduce_max3A_470 : vector<64xf32> to vector<1x64xf32>
    %dot_general3A_472 = arith.constant dense<0.000000e+00> : vector<10000x1xf32>
    %dot_general3A_473 = tpu.matmul %convert_element_type3A_6, %broadcast_in_dim3A_471, %dot_general3A_472 {dimension_numbers = #tpu.dot_dimension_numbers<[1], [1], [0], [0], [0, 0, 1, 0], [], []>, transpose_lhs_hint = false} : vector<10000x64xf32>, vector<1x64xf32>, vector<10000x1xf32> -> vector<10000x1xf32>
    %sub3A_474 = arith.subf %broadcast_in_dim3A_463, %dot_general3A_473 : vector<10000x1xf32>
    %exp3A_475 = math.exp %sub3A_474 : vector<10000x1xf32>
    %dot_general3A_476 = arith.constant dense<0.000000e+00> : vector<1x64xf32>
    %dot_general3A_477 = tpu.matmul %exp3A_475, %convert_element_type3A_6, %dot_general3A_476 {dimension_numbers = #tpu.dot_dimension_numbers<[0], [0], [1], [1], [0, 1, 1, 1], [], []>, transpose_lhs_hint = false} : vector<10000x1xf32>, vector<10000x64xf32>, vector<1x64xf32> -> vector<1x64xf32>
    %dot_general3A_478 = arith.constant dense<0.000000e+00> : vector<10000x1xf32>
    %dot_general3A_479 = tpu.matmul %convert_element_type3A_6, %dot_general3A_477, %dot_general3A_478 {dimension_numbers = #tpu.dot_dimension_numbers<[1], [1], [0], [0], [0, 0, 1, 0], [], []>, transpose_lhs_hint = false} : vector<10000x64xf32>, vector<1x64xf32>, vector<10000x1xf32> -> vector<10000x1xf32>
    %div3A_480 = arith.divf %exp3A_475, %dot_general3A_479 : vector<10000x1xf32>
    %mul3A_481 = vector.broadcast %div3A_480 : vector<10000x1xf32> to vector<10000x128xf32>
    %mul3A_482 = arith.mulf %get3A_1, %mul3A_481 : vector<10000x128xf32>
    %dot_general3A_483 = arith.constant dense<0.000000e+00> : vector<64x128xf32>
    %dot_general3A_484 = tpu.matmul %convert_element_type3A_6, %mul3A_482, %dot_general3A_483 {dimension_numbers = #tpu.dot_dimension_numbers<[0], [0], [1], [1], [0, 1, 1, 1], [], []>, transpose_lhs_hint = false} : vector<10000x64xf32>, vector<10000x128xf32>, vector<64x128xf32> -> vector<64x128xf32>
    %concatenate3A_485 = tpu.concatenate %mul3A_457, %dot_general3A_484 in 1 : vector<64x128xf32>, vector<64x128xf32> -> vector<64x256xf32>
    %get3A_486 = arith.constant 0 : index
    %get3A_487 = arith.constant 0 : index
    %get3A_488 = vector.load %arg11[%get3A_486, %get3A_487] : memref<256x3xf32, #tpu.memory_space<vmem>>, vector<256x3xf32>
    %dot_general3A_489 = arith.constant dense<0.000000e+00> : vector<64x3xf32>
    %dot_general3A_490 = tpu.matmul %concatenate3A_485, %get3A_488, %dot_general3A_489 {dimension_numbers = #tpu.dot_dimension_numbers<[1], [0], [0], [1], [0, 0, 1, 1], [], []>, transpose_lhs_hint = false} : vector<64x256xf32>, vector<256x3xf32>, vector<64x3xf32> -> vector<64x3xf32>
    %get3A_491 = arith.constant 0 : index
    %get3A_492 = arith.constant 0 : index
    %get3A_493 = vector.load %arg12[%get3A_491, %get3A_492] : memref<1x3xf32, #tpu.memory_space<vmem>>, vector<1x3xf32>
    %add3A_494 = vector.broadcast %get3A_493 : vector<1x3xf32> to vector<64x3xf32>
    %add3A_495 = arith.addf %dot_general3A_490, %add3A_494 : vector<64x3xf32>
    %swap3A = arith.constant 0 : index
    %swap3A_496 = arith.constant 0 : index
    %swap3A_497 = vector.load %arg13[%swap3A, %swap3A_496] : memref<64x3xf32, #tpu.memory_space<vmem>>, vector<64x3xf32>
    tpu.vector_store %arg13[%swap3A, %swap3A_496], %add3A_495 {strides = array<i32>} : memref<64x3xf32, #tpu.memory_space<vmem>>, vector<64x3xf32>,
    return
  }
}

</mosaic_0001>

<sc_bundles>
// kernel: kernel.14.cloned.1.call-start
scs
__scs_entry_jumppad:
0x0: {  	(pc) =	sbr.rel $0x88, $3  }
0x1: {  	(tag) =	ssettag $0x0;
	lr =	simm.s32 $0x1  }
0x2: {  	[smem:$0x3F89] =	sst lr;
	_ =	strace $0xD0000000  }
0x3: {  	_ = 	snop  }
0x4: {  	_ = 	snop  }
0x5: {  	_ = 	snop  }
0x6: {  	_ = 	snop  }
0x7: {  	_ = 	snop  }
__scs_overlays_trampoline_lowered:
0x8: {  	[smem:$0x3F98] =	sst s0  }
0x9: {  	[smem:$0x3F99] =	sst s1  }
0xa: {  	[smem:$0x3F9A] =	sst s2  }
0xb: {  	[smem:$0x3F9B] =	sst s3  }
0xc: {  	[smem:$0x3F9C] =	sst s4  }
0xd: {  	[smem:$0x3F9D] =	sst s5  }
0xe: {  	[smem:$0x3F9E] =	sst s6  }
0xf: {  	[smem:$0x3F9F] =	sst s7  }
0x10: {  	[smem:$0x3FA0] =	sst s8  }
0x11: {  	[smem:$0x3FA1] =	sst s9;
	s0 =	simm.s32 @!p0 $0x0  }
0x12: {  	s1 =	sld [smem:$0x3F87];
	s0 =	simm.s32 @p0 $0x1  }
0x13: {  	[smem:$0x3FA2] =	sst s0;
	s0 =	simm.s32 @!p1 $0x0  }
0x14: {  	s2 =	sld [smem:$0x3F86];
	s0 =	simm.s32 @p1 $0x1  }
0x15: {  	[smem:$0x3FA3] =	sst s0;
	s0 =	simm.s32 @!p2 $0x0  }
0x16: {  	s3 =	sld [smem:$0x3FDB];
	s0 =	simm.s32 @p2 $0x1  }
0x17: {  	s4 =	simm.s32 $0x1BF5;
	[smem:$0x3FA5] =	sst s0  }
0x18: {  	s0 =	sld [smem:$0x3F88];
	_ =	swait.ge [sflag:s4], $0x0  }
0x19: {  	s7 =	sld [smem:$0x3F89]  }
0x1a: {  	s8 =	sadd.s32 $0xFFFFE003, lr  }
0x1b: {  	s9 =	sadd.s32 $0xFFFFFEF7, lr;
	s5 =	simm.s32 $0xFFFFFFFF;
	p2 =	slt.u32 s8, $0xFFFFF086  }
0x1c: {  	p1 =	slt.u32 s9, $0xF7A;
	s5 =	simm.s32 @!p2 $0x0  }
0x1d: {  	s5 =	simm.s32 @p1 $0x1;
	p0 =	seq.s32 s7, s2  }
0x1e: {  	s7 =	smul.u32 @!p0 $0xF7A, s2;
	p2 =	seq.s32 @!p0 s5, $0x0  }
0x1f: {  	s9 =	smul.u32 $0xF7A, s1;
	s8 =	simm.s32 @!p0 $0x1BF5;
	p2 =	por !p2, p0  }
0x20: {  	[sflag:s8] =	ssyncset.s32 @!p0 $0xFFFFF086;
	s6 =	sadd.s32 @!p0 s3, s7;
	s7 =	simm.s32 @!p0 $0x108  }
0x21: {  	s3 =	sadd.s32 s3, s9;
	s6 =	sadd.s32 @!p0 $0x88, s6;
	s7 =	simm.s32 @p2 $0x1082  }
0x22: {  	[simem:s7], [sflag:s8] =	dma.local @!p0 [hbm:s6], $0xF7A  }
0x23: {  	s9 =	sor.u32 $0xD0000000, s2;
	s6 =	simm.s32 $0x108;
	_ =	swait.ge @!p0 [sflag:s8], $0x0  }
0x24: {  	s3 =	sadd.s32 $0x88, s3;
	s6 =	simm.s32 @!p1 $0x1082;
	[sflag:s4] =	ssyncset.s32 $0xFFFFF086  }
0x25: {  	[simem:s6], [sflag:s4] =	dma.local [hbm:s3], $0xF7A  }
0x26: {  	[smem:$0x3F89] =	sst s1;
	(tag) =	ssettag s2;
	_ =	strace s9  }
0x27: {  	s1 =	sld [smem:$0x3F99]  }
0x28: {  	s2 =	sld [smem:$0x3F9A]  }
0x29: {  	s4 =	sld [smem:$0x3F9C]  }
0x2a: {  	p0 =	seq.s32 s5, $0x0;
	s5 =	sld [smem:$0x3F9D]  }
0x2b: {  	s6 =	sld [smem:$0x3F9E]  }
0x2c: {  	s7 =	sld [smem:$0x3F9F]  }
0x2d: {  	s3 =	simm.s32 $0x108;
	s8 =	sld [smem:$0x3FA0]  }
0x2e: {  	s3 =	simm.s32 @!p0 $0x1082;
	s9 =	sld [smem:$0x3FA1]  }
0x2f: {  	lr =	sadd.s32 s0, s3;
	s0 =	sld [smem:$0x3F98]  }
0x30: {  	s3 =	sld [smem:$0x3F9B]  }
0x31: {  	[smem:$0x3FA4] =	sst s10  }
0x32: {  	s10 =	sld [smem:$0x3FA2];
	_ =	sdelay $0x3  }
0x33: {  	p0 =	seq.s32 s10, $0x1;
	s10 =	sld [smem:$0x3FA4];
	_ =	sdelay $0x3  }
0x34: {  	[smem:$0x3FA4] =	sst s10  }
0x35: {  	s10 =	sld [smem:$0x3FA3];
	_ =	sdelay $0x3  }
0x36: {  	p1 =	seq.s32 s10, $0x1;
	s10 =	sld [smem:$0x3FA4];
	_ =	sdelay $0x3  }
0x37: {  	[smem:$0x3FA4] =	sst s10  }
0x38: {  	s10 =	sld [smem:$0x3FA5]  }
0x39: {  	_ = 	snop;
	(pc) =	sbr.ind lr, $3  }
0x3a: {  	_ = 	snop  }
0x3b: {  	_ = 	snop  }
0x3c: {  	p2 =	seq.s32 s10, $0x1;
	s10 =	sld [smem:$0x3FA4]  }
0x3d: {  	_ =	shalt  }
0x3e: {  	_ =	shalt  }
0x3f: {  	_ =	shalt  }
0x40: {  	_ =	shalt  }
0x41: {  	_ =	shalt  }
0x42: {  	_ =	shalt  }
0x43: {  	_ =	shalt  }
0x44: {  	_ =	shalt  }
0x45: {  	_ =	shalt  }
0x46: {  	_ =	shalt  }
0x47: {  	_ =	shalt  }
0x48: {  	_ =	shalt  }
0x49: {  	_ =	shalt  }
0x4a: {  	_ =	shalt  }
0x4b: {  	_ =	shalt  }
0x4c: {  	_ =	shalt  }
0x4d: {  	_ =	shalt  }
0x4e: {  	_ =	shalt  }
0x4f: {  	_ =	shalt  }
0x50: {  	_ =	shalt  }
0x51: {  	_ =	shalt  }
0x52: {  	_ =	shalt  }
0x53: {  	_ =	shalt  }
0x54: {  	_ =	shalt  }
0x55: {  	_ =	shalt  }
0x56: {  	_ =	shalt  }
0x57: {  	_ =	shalt  }
0x58: {  	_ =	shalt  }
0x59: {  	_ =	shalt  }
0x5a: {  	_ =	shalt  }
0x5b: {  	_ =	shalt  }
0x5c: {  	_ =	shalt  }
0x5d: {  	_ =	shalt  }
0x5e: {  	_ =	shalt  }
0x5f: {  	_ =	shalt  }
0x60: {  	_ =	shalt  }
0x61: {  	_ =	shalt  }
0x62: {  	_ =	shalt  }
0x63: {  	_ =	shalt  }
0x64: {  	_ =	shalt  }
0x65: {  	_ =	shalt  }
0x66: {  	_ =	shalt  }
0x67: {  	_ =	shalt  }
0x68: {  	_ =	shalt  }
0x69: {  	_ =	shalt  }
0x6a: {  	_ =	shalt  }
0x6b: {  	_ =	shalt  }
0x6c: {  	_ =	shalt  }
0x6d: {  	_ =	shalt  }
0x6e: {  	_ =	shalt  }
0x6f: {  	_ =	shalt  }
0x70: {  	_ =	shalt  }
0x71: {  	_ =	shalt  }
0x72: {  	_ =	shalt  }
0x73: {  	_ =	shalt  }
0x74: {  	_ =	shalt  }
0x75: {  	_ =	shalt  }
0x76: {  	_ =	shalt  }
0x77: {  	_ =	shalt  }
0x78: {  	_ =	shalt  }
0x79: {  	_ =	shalt  }
0x7a: {  	_ =	shalt  }
0x7b: {  	_ =	shalt  }
0x7c: {  	_ =	shalt  }
0x7d: {  	_ =	shalt  }
0x7e: {  	_ =	shalt  }
0x7f: {  	_ =	shalt  }
0x80: {  	_ =	shalt  }
0x81: {  	_ =	shalt  }
0x82: {  	_ =	shalt  }
0x83: {  	_ =	shalt  }
0x84: {  	_ =	shalt  }
0x85: {  	_ =	shalt  }
0x86: {  	_ =	shalt  }
0x87: {  	_ =	shalt  }
.Lfunc_end0:
.L_simem_size_0:
called_computation_lowered:
.L_overlay_start_0:
0x88: {  	s2 =	sld [smem:$0x3FD9]  }
0x89: {  	s3 =	sld [smem:$0x3FFE];
	_ =	sdelay $0x1  }
0x8a: {  	s1 =	srdreg.scid  }
0x8b: {  	s0 =	sand.u32 $0x1, s1  }
0x8c: {  	s16 =	sshll.u32 s0, $0xA;
	s2 =	sadd.s32 s3, s2  }
0x8d: {  	s2 =	sadd.s32 s2, s16  }
0x8e: {  	[smem:$0x3FB0] =	sst s2  }
0x8f: {  	_ = 	snop  }
0x90: {  	(tm) =	ssettm $0x1  }
0x91: {  	s17 =	sld [smem:$0x3FFB];
	_ =	sdelay $0x3  }
0x92: {  	_ =	strace s17  }
0x93: {  	s2 =	sld [smem:$0x3FFC];
	_ =	sdelay $0x3  }
0x94: {  	_ =	strace s2  }
0x95: {  	s2 =	sld [smem:$0x3FFD];
	_ =	sdelay $0x3  }
0x96: {  	_ =	strace s2  }
0x97: {  	_ =	strace $0x8FFFFFFF  }
0x98: {  	s18 =	sld [smem:$0x3FDB];
	_ =	sdelay $0x1  }
0x99: {  	s19 =	simm.s32 $_scs_section_size  }
0x9a: {  	s4 =	simm.s32 $_size__tile_overlayer_lowered;
	s5 =	simm.s32 $_tile_overlayer_lowered  }
0x9b: {  	s22 =	simm.s32 $0x1BFF;
	s21 =	sshll.u32 s5, $0x1;
	s2 =	sadd.s32 s19, s18  }
0x9c: {  	s6 =	simm.s32 $0x0;
	s20 =	sshll.u32 s4, $0x1;
	s4 =	sadd.s32 s21, s2  }
0x9d: {  	[timem:s6], [sflag:s22] =	dma.local [hbm:s4], s20  }
0x9e: {  	_ =	swait.ge [sflag:s22], s20  }
0x9f: {  	s3 =	ssub.s32 $0x0, s20;
	[sflag:s22] =	ssyncset.done $0x0  }
0xa0: {  	[sflag:s22] =	ssyncadd.s32 s3;
	_ =	sdelay $0x1  }
0xa1: {  	s23 =	simm.s32 $0x1B8B  }
0xa2: {  	_ =	swait.ge [sflag:s23], $0x1  }
0xa3: {  	[sflag:s23] =	ssyncset.done $0x0  }
0xa4: {  	s25 =	simm.s32 $0x1B8E;
	s24 =	sld [smem:$0x3FFE];
	[sflag:s23] =	ssyncadd.s32 $0xFFFFFFFF  }
0xa5: {  	s26 =	simm.s32 $execute0_lowered;
	[smem:$0x3FD2] =	sst s25  }
0xa6: {  	s4 =	sshll.u32 s26, $0x1;
	_ =	strace $0x80000046;
	[dreg:$0x1] =	wrdreg $0xFFFFFFFF  }
0xa7: {  	s28 =	simm.s32 $_size_execute0_lowered;
	s2 =	sadd.s32 s2, s4;
	[dreg:$0x0] =	wrdreg $0x0  }
0xa8: {  	s4 =	sshll.u32 s28, $0x1;
	[dreg:$0x2] =	wrdreg s2  }
0xa9: {  	[dreg:$0x3] =	wrdreg s4  }
0xaa: {  	[dreg:$0x4] =	wrdreg $0xC0  }
0xab: {  	_ =	task [dreg:s6], $0x5FFFF  }
0xac: {  	[dreg:$0x1] =	wrdreg $0xFFFFFFFF  }
0xad: {  	[dreg:$0x0] =	wrdreg $0x60  }
0xae: {  	[dreg:$0x2] =	wrdreg s24  }
0xaf: {  	[dreg:$0x3] =	wrdreg $0x82000  }
0xb0: {  	[dreg:$0x4] =	wrdreg $0x9  }
0xb1: {  	_ =	task.clear_ibuf [dreg:s6], $0x5FFFF;
	_ =	strace $0x90000046  }
0xb2: {  	s29 =	simm.s32 $0x9;
	_ =	strace $0x80000048  }
0xb3: {  	_ =	swait.ge [sflag:s29], $0x1  }
0xb4: {  	[sflag:s29] =	ssyncadd.s32 $0xFFFFFFFF  }
0xb5: {  	_ =	strace $0x90000048  }
0xb6: {  	_ =	sfence  }
0xb7: {  	s30 =	sld [smem:$0x0];
	_ =	sdelay $0x2  }
0xb8: {  	s31 =	sshll.u32 s1, $0xD;
	s1 =	sshrl.u32 s1, $0x2  }
0xb9: {  	s3 =	sand.u32 $0x4000, s31;
	s1 =	sadd.s32 s1, s30  }
0xba: {  	s0 =	sor.u32 s3, s0;
	s1 =	sshll.u32 s1, $0x11  }
0xbb: {  	s0 =	sor.u32 s1, s0  }
0xbc: {  	s0 =	sadd.s32 $0x8F2B, s0  }
0xbd: {  	[sflag:s0] =	ssyncadd.remote.s32 $0x1  }
0xbe: {  	_ =	sfence.sel $0xFFFF  }
0xbf: {  	[dreg:$0x0] =	wrdreg $0xFFFFFFFF;
	(pc) =	sbr.abs _section_cstart, $3  }
0xc0: {  	[dreg:$0x1] =	wrdreg $0xFFFFFFFF  }
0xc1: {  	_ =	task.clear_ibuf [dreg:s6], $0x2FFFF;
	_ =	strace $0x9FFFFFFF  }
0xc2: {  	(tm) =	ssettm $0x7FFFFFFF  }
0xc3: {  	_ =	shalt  }
tec
execute0_lowered:
.L_overlay_start_1:
0x0: {  	(tag) =	ssettag $0x1  }
0x1: {  	s0 =	rddreg [dreg:$0x0]  }
0x2: {  	s1 =	rddreg [dreg:$0x1]  }
0x3: {  	s2 =	srdreg.scid;
	s3 =	simm.s32 $0x0;
	s12 =	stileid.u32  }
0x4: {  	s28 =	simm.s32 $0x4200;
	s29 =	simm.s32 $0x2;
	s30 =	simm.s32 $0x5  }
0x5: {  	s31 =	simm.s32 $0x4;
	s2 =	sand.u32 $0x1, s2;
	[smem:$0x7FF] =	sst s3  }
0x6: {  	s6 =	smul.u32 $0x13C00, s12;
	s4 =	sadd.s32 $0x18A00, s0;
	s7 =	sadd.s32 $0xEC00, s0  }
0x7: {  	s8 =	sadd.s32 $0x103000, s0;
	s9 =	sshll.u32 s12, $0x5;
	s10 =	smul.u32 $0x4F000, s12  }
0x8: {  	s18 =	sshll.u32 s12, $0x6;
	p0 =	sgt.u32 s12, $0x1;
	s5 =	smul.u32 $0x13C000, s2  }
0x9: {  	_ =	strace $0x80000047;
	[dreg:$0x3] =	wrdreg s8;
	s11 =	ssub.s32 $0x2, s2  }
0xa: {  	s2 =	sshll.u32 s2, $0x4;
	s21 =	sor.u32 $0x600, s9;
	s24 =	sor.u32 $0x400, s9  }
0xb: {  	s13 =	sshrl.u32 s11, $0x1;
	s2 =	sor.u32 s2, s9;
	s17 =	sshrl.u32 s10, $0x2  }
0xc: {  	s22 =	sand.u32 $0x780, s21;
	s25 =	sand.u32 $0x580, s24;
	s21 =	simm.s32 $0x100  }
0xd: {  	s24 =	simm.s32 $0x1;
	s5 =	sadd.s32 s6, s5;
	s6 =	sadd.s32 $0x4E00, s0  }
0xe: {  	s14 =	sor.u32 $0x200, s2;
	s19 =	sor.u32 $0x9C00, s2;
	s23 =	sadd.s32 s22, s7  }
0xf: {  	s26 =	sadd.s32 s25, s7;
	s5 =	sshrl.u32 s5, $0x3;
	s15 =	sadd.s32 s6, s2  }
0x10: {  	s16 =	sadd.s32 s7, s14;
	s8 =	sadd.s32 s6, s14;
	[dreg:$0x5] =	wrdreg s15  }
0x11: {  	s20 =	sadd.s32 s7, s19;
	s0 =	sadd.s32 s5, s0;
	[dreg:$0x6] =	wrdreg s16  }
0x12: {  	s5 =	ssub.s32 s11, s13;
	s11 =	sadd.s32 s7, s2;
	[dreg:$0x7] =	wrdreg s8  }
0x13: {  	s8 =	sadd.s32 s17, s1;
	[dreg:$0x9] =	wrdreg s20;
	s13 =	sadd.s32 s6, s19  }
0x14: {  	s2 =	sand.u32 $0x70, s2;
	s20 =	simm.s32 $0x80;
	[dreg:$0x4] =	wrdreg s11  }
0x15: {  	[dreg:$0x8] =	wrdreg s8;
	s11 =	sor.u32 $0x1C09, s18;
	s14 =	sadd.s32 $0x105800, s0  }
0x16: {  	s15 =	smax.u32 s5, $0x1;
	s16 =	sadd.s32 s2, s23;
	s0 =	sadd.s32 s22, s6  }
0x17: {  	s5 =	sadd.s32 s25, s6;
	s18 =	sadd.s32 s2, s26;
	s22 =	simm.s32 $0x180  }
0x18: {  	s23 =	simm.s32 $0x9;
	s25 =	simm.s32 $0x200;
	s26 =	simm.s32 $0x3  }
0x19: {  	s6 =	simm.s32 $0x0;
	s17 =	sadd.s32 s2, s0;
	s19 =	sadd.s32 s2, s5  }
0x1a: {  	s0 =	simm.s32 $0x6;
	s2 =	simm.s32 $0x7;
	s5 =	simm.s32 $0x8  }
.LBB2_1:
0x1b: {  	s7 =	rddreg [dreg:$0x4]  }
0x1c: {  	s9 =	rddreg [dreg:$0x5]  }
0x1d: {  	s10 =	rddreg [dreg:$0x6]  }
0x1e: {  	[tilespmem:s3], [sflag:$0x1] =	stream.linear.gather [hbm4b:s7+s3], $0x80, $0x38;
	[tilespmem:$0x1BE00] =	vst v63  }
0x1f: {  	s12 =	rddreg [dreg:$0x7]  }
0x20: {  	[tilespmem:s20], [sflag:$0x2] =	stream.linear.gather [hbm4b:s9+s3], $0x80, $0x38;
	[tilespmem:$0x1BE00] =	vst v63  }
0x21: {  	s8 =	rddreg [dreg:$0x8]  }
0x22: {  	[tilespmem:s21], [sflag:$0x3] =	stream.linear.gather [hbm4b:s10+s3], $0x80, $0x38;
	[tilespmem:$0x1BE00] =	vst v63  }
0x23: {  	s7 =	sshrl.u32 s8, $0x3;
	s8 =	rddreg [dreg:$0x3]  }
0x24: {  	[tilespmem:s22], [sflag:$0x4] =	stream.linear.gather [hbm4b:s12+s3], $0x80, $0x38;
	[tilespmem:$0x1BE00] =	vst v63  }
0x25: {  	[spmem:s7], [sflag:s11] =	dma.local [hbm:s8], $0x2780  }
0x26: {  	_ =	swait.ge [sflag:s23], $0x2780  }
0x27: {  	[sflag:s23] =	ssyncset.done $0x0  }
0x28: {  	[sflag:s23] =	ssyncadd.s32 $0xFFFFD880  }
0x29: {  	[bflag:$0x0] =	sbarrier.arrive $0xFFFF  }
0x2a: {  	_ =	swait.ge [sflag:s24], $0x80  }
0x2b: {  	[sflag:s24] =	ssyncset.done $0x0  }
0x2c: {  	[sflag:s24] =	ssyncadd.s32 $0xFFFFFF80  }
0x2d: {  	[tilespmem:s25], [sflag:$0x5] =	stream.indirect.gather [hbm4b:s4+s20], $0x80, s3, s20, $0xb8;
	[tilespmem:$0x1BE00] =	vst v63  }
0x2e: {  	_ =	swait.ge [sflag:s26], $0x80  }
0x2f: {  	[sflag:s26] =	ssyncset.done $0x0  }
0x30: {  	[sflag:s26] =	ssyncadd.s32 $0xFFFFFF80  }
0x31: {  	[tilespmem:s28], [sflag:$0x6] =	stream.indirect.gather [hbm4b:s4+s20], $0x80, s21, s20, $0xb8;
	[tilespmem:$0x1BE00] =	vst v63  }
0x32: {  	_ =	swait.ge [sflag:s29], $0x80  }
0x33: {  	[sflag:s29] =	ssyncset.done $0x0  }
0x34: {  	[sflag:s29] =	ssyncadd.s32 $0xFFFFFF80  }
0x35: {  	_ =	swait.ge [sflag:s30], $0x4000  }
0x36: {  	[sflag:s30] =	ssyncset.done $0x0  }
0x37: {  	[sflag:s30] =	ssyncadd.s32 $0xFFFFC000  }
0x38: {  	[spmem:s1] =	stream.indirect.scatter.add.f32 [tilespmem:s25], [sflag:$0x7], $0x80, s20, s20, $0xb8;
	[tilespmem:$0x1BE00] =	vst v63  }
0x39: {  	_ =	swait.ge [sflag:s31], $0x80  }
0x3a: {  	[sflag:s31] =	ssyncset.done $0x0  }
0x3b: {  	[sflag:s31] =	ssyncadd.s32 $0xFFFFFF80  }
0x3c: {  	_ =	swait.ge [sflag:s0], $0x4000  }
0x3d: {  	[sflag:s0] =	ssyncset.done $0x0  }
0x3e: {  	[sflag:s0] =	ssyncadd.s32 $0xFFFFC000  }
0x3f: {  	[spmem:s1] =	stream.indirect.scatter.add.f32 [tilespmem:s28], [sflag:$0x8], $0x80, s22, s20, $0xb8;
	[tilespmem:$0x1BE00] =	vst v63  }
0x40: {  	_ =	swait.ge [sflag:s2], $0x4000  }
0x41: {  	[sflag:s2] =	ssyncset.done $0x0  }
0x42: {  	s9 =	sadd.s32 $0x0, s18;
	[sflag:s2] =	ssyncadd.s32 $0xFFFFC000  }
0x43: {  	[tilespmem:s3], [sflag:$0x1] =	stream.linear.gather [hbm4b:s9+s3], $0x80, $0x38;
	[tilespmem:$0x1BE00] =	vst v63  }
0x44: {  	s10 =	sadd.s32 $0x0, s19  }
0x45: {  	[tilespmem:s20], [sflag:$0x2] =	stream.linear.gather [hbm4b:s10+s3], $0x80, $0x38;
	[tilespmem:$0x1BE00] =	vst v63  }
0x46: {  	_ =	swait.ge [sflag:s5], $0x4000  }
0x47: {  	s12 =	sadd.s32 $0x0, s16;
	[sflag:s5] =	ssyncset.done $0x0  }
0x48: {  	s8 =	simm.s32 $0x400;
	s9 =	sadd.s32 $0x0, s17;
	[sflag:s5] =	ssyncadd.s32 $0xFFFFC000  }
0x49: {  	[tilespmem:s21], [sflag:$0x3] =	stream.linear.gather [hbm4b:s12+s3], $0x80, $0x38;
	[tilespmem:$0x1BE00] =	vst v63  }
.LBB2_2:
0x4a: {  	[tilespmem:s22], [sflag:$0x4] =	stream.linear.gather [hbm4b:s9+s3], $0x80, $0x38;
	[tilespmem:$0x1BE00] =	vst v63  }
0x4b: {  	s9 =	smov.u32 s8  }
0x4c: {  	p1 =	sne.s32 s8, $0x9400;
	s8 =	sadd.s32 $0x400, s8;
	_ =	swait.ge [sflag:s24], $0x80  }
0x4d: {  	[sflag:s24] =	ssyncset.done $0x0  }
0x4e: {  	[sflag:s24] =	ssyncadd.s32 $0xFFFFFF80  }
0x4f: {  	[tilespmem:s25], [sflag:$0x5] =	stream.indirect.gather [hbm4b:s4+s20], $0x80, s3, s20, $0xb8;
	[tilespmem:$0x1BE00] =	vst v63  }
0x50: {  	_ =	swait.ge [sflag:s26], $0x80  }
0x51: {  	[sflag:s26] =	ssyncset.done $0x0  }
0x52: {  	[sflag:s26] =	ssyncadd.s32 $0xFFFFFF80  }
0x53: {  	[tilespmem:s28], [sflag:$0x6] =	stream.indirect.gather [hbm4b:s4+s20], $0x80, s21, s20, $0xb8;
	[tilespmem:$0x1BE00] =	vst v63  }
0x54: {  	_ =	swait.ge [sflag:s29], $0x80  }
0x55: {  	[sflag:s29] =	ssyncset.done $0x0  }
0x56: {  	[sflag:s29] =	ssyncadd.s32 $0xFFFFFF80  }
0x57: {  	_ =	swait.ge [sflag:s30], $0x4000  }
0x58: {  	[sflag:s30] =	ssyncset.done $0x0  }
0x59: {  	[sflag:s30] =	ssyncadd.s32 $0xFFFFC000  }
0x5a: {  	[spmem:s1] =	stream.indirect.scatter.add.f32 [tilespmem:s25], [sflag:$0x7], $0x80, s20, s20, $0xb8;
	[tilespmem:$0x1BE00] =	vst v63  }
0x5b: {  	_ =	swait.ge [sflag:s31], $0x80  }
0x5c: {  	[sflag:s31] =	ssyncset.done $0x0  }
0x5d: {  	[sflag:s31] =	ssyncadd.s32 $0xFFFFFF80  }
0x5e: {  	_ =	swait.ge [sflag:s0], $0x4000  }
0x5f: {  	[sflag:s0] =	ssyncset.done $0x0  }
0x60: {  	[sflag:s0] =	ssyncadd.s32 $0xFFFFC000  }
0x61: {  	[spmem:s1] =	stream.indirect.scatter.add.f32 [tilespmem:s28], [sflag:$0x8], $0x80, s22, s20, $0xb8;
	[tilespmem:$0x1BE00] =	vst v63  }
0x62: {  	_ =	swait.ge [sflag:s2], $0x4000  }
0x63: {  	[sflag:s2] =	ssyncset.done $0x0  }
0x64: {  	s10 =	sadd.s32 s9, s18;
	[sflag:s2] =	ssyncadd.s32 $0xFFFFC000  }
0x65: {  	[tilespmem:s3], [sflag:$0x1] =	stream.linear.gather [hbm4b:s10+s3], $0x80, $0x38;
	[tilespmem:$0x1BE00] =	vst v63  }
0x66: {  	s10 =	sadd.s32 s9, s19  }
0x67: {  	[tilespmem:s20], [sflag:$0x2] =	stream.linear.gather [hbm4b:s10+s3], $0x80, $0x38;
	[tilespmem:$0x1BE00] =	vst v63  }
.Ltmp0:
0x68: {  	_ =	swait.ge [sflag:s5], $0x4000;
	(pc) =	sbr.rel @p1 .LBB2_2-.Ltmp0, $4  }
0x69: {  	[sflag:s5] =	ssyncset.done $0x0  }
0x6a: {  	s10 =	sadd.s32 s9, s16;
	[sflag:s5] =	ssyncadd.s32 $0xFFFFC000  }
0x6b: {  	[tilespmem:s21], [sflag:$0x3] =	stream.linear.gather [hbm4b:s10+s3], $0x80, $0x38;
	[tilespmem:$0x1BE00] =	vst v63  }
0x6c: {  	s9 =	sadd.s32 s9, s17  }
0x6d: {  	[tilespmem:s22], [sflag:$0x4] =	stream.linear.gather [hbm4b:s9+s3], $0x80, $0x38;
	[tilespmem:$0x1BE00] =	vst v63  }
0x6e: {  	_ =	swait.ge [sflag:s24], $0x80  }
0x6f: {  	[sflag:s24] =	ssyncset.done $0x0  }
0x70: {  	[sflag:s24] =	ssyncadd.s32 $0xFFFFFF80  }
0x71: {  	[tilespmem:s25], [sflag:$0x5] =	stream.indirect.gather [hbm4b:s4+s20], $0x80, s3, s20, $0xb8;
	[tilespmem:$0x1BE00] =	vst v63  }
0x72: {  	_ =	swait.ge [sflag:s26], $0x80  }
0x73: {  	[sflag:s26] =	ssyncset.done $0x0  }
0x74: {  	[sflag:s26] =	ssyncadd.s32 $0xFFFFFF80  }
0x75: {  	[tilespmem:s28], [sflag:$0x6] =	stream.indirect.gather [hbm4b:s4+s20], $0x80, s21, s20, $0xb8;
	[tilespmem:$0x1BE00] =	vst v63  }
0x76: {  	_ =	swait.ge [sflag:s29], $0x80  }
0x77: {  	[sflag:s29] =	ssyncset.done $0x0  }
0x78: {  	[sflag:s29] =	ssyncadd.s32 $0xFFFFFF80  }
0x79: {  	_ =	swait.ge [sflag:s30], $0x4000  }
0x7a: {  	[sflag:s30] =	ssyncset.done $0x0  }
0x7b: {  	[sflag:s30] =	ssyncadd.s32 $0xFFFFC000  }
0x7c: {  	[spmem:s1] =	stream.indirect.scatter.add.f32 [tilespmem:s25], [sflag:$0x7], $0x80, s20, s20, $0xb8;
	[tilespmem:$0x1BE00] =	vst v63  }
0x7d: {  	_ =	swait.ge [sflag:s31], $0x80  }
0x7e: {  	[sflag:s31] =	ssyncset.done $0x0  }
0x7f: {  	[sflag:s31] =	ssyncadd.s32 $0xFFFFFF80  }
0x80: {  	_ =	swait.ge [sflag:s0], $0x4000  }
0x81: {  	[sflag:s0] =	ssyncset.done $0x0  }
0x82: {  	[sflag:s0] =	ssyncadd.s32 $0xFFFFC000  }
0x83: {  	[spmem:s1] =	stream.indirect.scatter.add.f32 [tilespmem:s28], [sflag:$0x8], $0x80, s22, s20, $0xb8;
	[tilespmem:$0x1BE00] =	vst v63  }
0x84: {  	_ =	swait.ge [sflag:s2], $0x4000  }
0x85: {  	[sflag:s2] =	ssyncset.done $0x0  }
0x86: {  	[sflag:s2] =	ssyncadd.s32 $0xFFFFC000  }
0x87: {  	_ =	swait.ge [sflag:s5], $0x4000  }
0x88: {  	[sflag:s5] =	ssyncset.done $0x0  }
0x89: {  	s8 =	simm.s32 @!p0 $0x0;
	s9 =	rddreg [dreg:$0x9];
	[sflag:s5] =	ssyncadd.s32 $0xFFFFC000  }
0x8a: {  	[tilespmem:s8], [sflag:$0x9] =	stream.linear.gather @!p0 [hbm4b:s9+s8], $0x80, $0x38;
	[tilespmem:$0x1BE00] =	vst v63  }
0x8b: {  	s9 =	simm.s32 @!p0 $0x9  }
0x8c: {  	_ =	swait.ge @!p0 [sflag:s9], $0x80  }
0x8d: {  	[sflag:s9] =	ssyncset.done @!p0 $0x0  }
0x8e: {  	s10 =	simm.s32 @!p0 $0x80;
	[sflag:s9] =	ssyncadd.s32 @!p0 $0xFFFFFF80  }
0x8f: {  	[tilespmem:s10], [sflag:$0x9] =	stream.linear.gather @!p0 [hbm4b:s13+s8], $0x80, $0x38;
	[tilespmem:$0x1BE00] =	vst v63  }
0x90: {  	_ =	swait.ge @!p0 [sflag:s9], $0x80  }
0x91: {  	[sflag:s9] =	ssyncset.done @!p0 $0x0  }
0x92: {  	s12 =	simm.s32 @!p0 $0x200;
	[sflag:s9] =	ssyncadd.s32 @!p0 $0xFFFFFF80  }
0x93: {  	[tilespmem:s12], [sflag:$0x5] =	stream.indirect.gather @!p0 [hbm4b:s4+s10], $0x80, s8, s10, $0xb8;
	[tilespmem:$0x1BE00] =	vst v63  }
0x94: {  	s8 =	simm.s32 @!p0 $0x5  }
0x95: {  	_ =	swait.ge @!p0 [sflag:s8], $0x4000  }
0x96: {  	[sflag:s8] =	ssyncset.done @!p0 $0x0  }
0x97: {  	[sflag:s8] =	ssyncadd.s32 @!p0 $0xFFFFC000  }
0x98: {  	[spmem:s1] =	stream.indirect.scatter.add.f32 @!p0 [tilespmem:s12], [sflag:$0x9], $0x80, s10, s10, $0xb8;
	[tilespmem:$0x1BE00] =	vst v63  }
0x99: {  	_ =	swait.ge @!p0 [sflag:s9], $0x4000  }
0x9a: {  	s6 =	sadd.s32 $0x1, s6;
	[sflag:s9] =	ssyncset.done @!p0 $0x0  }
0x9b: {  	p1 =	sne.s32 s6, s15;
	[sflag:s9] =	ssyncadd.s32 @!p0 $0xFFFFC000  }
.Ltmp1:
0x9c: {  	[bflag:$0x0] =	sbarrier.arrive $0xFFFF;
	(pc) =	sbr.rel @p1 .LBB2_1-.Ltmp1, $4  }
0x9d: {  	[hbm:s14], [sflag:s11] =	dma.local [spmem:s7], $0x2780  }
0x9e: {  	_ =	swait.ge [sflag:s23], $0x2780  }
0x9f: {  	[sflag:s23] =	ssyncset.done $0x0  }
0xa0: {  	[sflag:s23] =	ssyncadd.s32 $0xFFFFD880  }
0xa1: {  	_ =	sfence.sel $0x180000  }
0xa2: {  	[bflag:$0x0] =	sbarrier.arrive $0xFFFF  }
0xa3: {  	_ =	strace $0x90000047  }
0xa4: {  	s0 =	stileid.u32;
	[bflag:$0x2] =	sbarrier.arrive $0xFFFF  }
0xa5: {  	p0 =	sne.s32 s0, $0x0;
	s0 =	rddreg [dreg:$0x2]  }
0xa6: {  	s0 =	sadd.s32 @!p0 $0x100000, s0  }
0xa7: {  	[sflag:s0] =	ssyncadd.tile.s32 @!p0 $0x1;
	_ =	shalt  }
.Lfunc_end2:
_tile_overlayer_lowered:
.L_overlay_start_2:
0xa8: {  	(tag) =	ssettag $0x2  }
0xa9: {  	s0 =	rddreg [dreg:$0x0];
	s2 =	stileid.u32  }
0xaa: {  	s1 =	rddreg [dreg:$0x1];
	p0 =	sne.s32 s2, $0x0  }
0xab: {  	s3 =	rddreg [dreg:$0x2];
	[bflag:$0x3] =	sbarrier.arrive $0xFFFF;
	s2 =	simm.s32 @!p0 $0x1C09  }
0xac: {  	[timem:s3], [sflag:s2] =	dma.local @!p0 [hbm:s0], s1  }
0xad: {  	s0 =	simm.s32 @!p0 $0x9  }
0xae: {  	_ =	swait.ge @!p0 [sflag:s0], s1  }
0xaf: {  	s1 =	ssub.s32 @!p0 $0x0, s1;
	[sflag:s0] =	ssyncset.done @!p0 $0x0  }
0xb0: {  	[sflag:s0] =	ssyncadd.s32 @!p0 s1  }
0xb1: {  	[bflag:$0x3] =	sbarrier.arrive $0xFFFF  }
0xb2: {  	_ =	shalt  }

// kernel: kernel.17.cloned.1.call-start
scs
__scs_entry_jumppad:
0x0: {  	(pc) =	sbr.rel $0x88, $3  }
0x1: {  	(tag) =	ssettag $0x0;
	lr =	simm.s32 $0x1  }
0x2: {  	[smem:$0x3F89] =	sst lr;
	_ =	strace $0xD0000000  }
0x3: {  	_ = 	snop  }
0x4: {  	_ = 	snop  }
0x5: {  	_ = 	snop  }
0x6: {  	_ = 	snop  }
0x7: {  	_ = 	snop  }
__scs_overlays_trampoline_lowered:
0x8: {  	[smem:$0x3F98] =	sst s0  }
0x9: {  	[smem:$0x3F99] =	sst s1  }
0xa: {  	[smem:$0x3F9A] =	sst s2  }
0xb: {  	[smem:$0x3F9B] =	sst s3  }
0xc: {  	[smem:$0x3F9C] =	sst s4  }
0xd: {  	[smem:$0x3F9D] =	sst s5  }
0xe: {  	[smem:$0x3F9E] =	sst s6  }
0xf: {  	[smem:$0x3F9F] =	sst s7  }
0x10: {  	[smem:$0x3FA0] =	sst s8  }
0x11: {  	[smem:$0x3FA1] =	sst s9;
	s0 =	simm.s32 @!p0 $0x0  }
0x12: {  	s1 =	sld [smem:$0x3F87];
	s0 =	simm.s32 @p0 $0x1  }
0x13: {  	[smem:$0x3FA2] =	sst s0;
	s0 =	simm.s32 @!p1 $0x0  }
0x14: {  	s2 =	sld [smem:$0x3F86];
	s0 =	simm.s32 @p1 $0x1  }
0x15: {  	[smem:$0x3FA3] =	sst s0;
	s0 =	simm.s32 @!p2 $0x0  }
0x16: {  	s3 =	sld [smem:$0x3FDB];
	s0 =	simm.s32 @p2 $0x1  }
0x17: {  	s4 =	simm.s32 $0x1BF5;
	[smem:$0x3FA5] =	sst s0  }
0x18: {  	s0 =	sld [smem:$0x3F88];
	_ =	swait.ge [sflag:s4], $0x0  }
0x19: {  	s7 =	sld [smem:$0x3F89]  }
0x1a: {  	s8 =	sadd.s32 $0xFFFFE003, lr  }
0x1b: {  	s9 =	sadd.s32 $0xFFFFFEF7, lr;
	s5 =	simm.s32 $0xFFFFFFFF;
	p2 =	slt.u32 s8, $0xFFFFF086  }
0x1c: {  	p1 =	slt.u32 s9, $0xF7A;
	s5 =	simm.s32 @!p2 $0x0  }
0x1d: {  	s5 =	simm.s32 @p1 $0x1;
	p0 =	seq.s32 s7, s2  }
0x1e: {  	s7 =	smul.u32 @!p0 $0xF7A, s2;
	p2 =	seq.s32 @!p0 s5, $0x0  }
0x1f: {  	s9 =	smul.u32 $0xF7A, s1;
	s8 =	simm.s32 @!p0 $0x1BF5;
	p2 =	por !p2, p0  }
0x20: {  	[sflag:s8] =	ssyncset.s32 @!p0 $0xFFFFF086;
	s6 =	sadd.s32 @!p0 s3, s7;
	s7 =	simm.s32 @!p0 $0x108  }
0x21: {  	s3 =	sadd.s32 s3, s9;
	s6 =	sadd.s32 @!p0 $0x88, s6;
	s7 =	simm.s32 @p2 $0x1082  }
0x22: {  	[simem:s7], [sflag:s8] =	dma.local @!p0 [hbm:s6], $0xF7A  }
0x23: {  	s9 =	sor.u32 $0xD0000000, s2;
	s6 =	simm.s32 $0x108;
	_ =	swait.ge @!p0 [sflag:s8], $0x0  }
0x24: {  	s3 =	sadd.s32 $0x88, s3;
	s6 =	simm.s32 @!p1 $0x1082;
	[sflag:s4] =	ssyncset.s32 $0xFFFFF086  }
0x25: {  	[simem:s6], [sflag:s4] =	dma.local [hbm:s3], $0xF7A  }
0x26: {  	[smem:$0x3F89] =	sst s1;
	(tag) =	ssettag s2;
	_ =	strace s9  }
0x27: {  	s1 =	sld [smem:$0x3F99]  }
0x28: {  	s2 =	sld [smem:$0x3F9A]  }
0x29: {  	s4 =	sld [smem:$0x3F9C]  }
0x2a: {  	p0 =	seq.s32 s5, $0x0;
	s5 =	sld [smem:$0x3F9D]  }
0x2b: {  	s6 =	sld [smem:$0x3F9E]  }
0x2c: {  	s7 =	sld [smem:$0x3F9F]  }
0x2d: {  	s3 =	simm.s32 $0x108;
	s8 =	sld [smem:$0x3FA0]  }
0x2e: {  	s3 =	simm.s32 @!p0 $0x1082;
	s9 =	sld [smem:$0x3FA1]  }
0x2f: {  	lr =	sadd.s32 s0, s3;
	s0 =	sld [smem:$0x3F98]  }
0x30: {  	s3 =	sld [smem:$0x3F9B]  }
0x31: {  	[smem:$0x3FA4] =	sst s10  }
0x32: {  	s10 =	sld [smem:$0x3FA2];
	_ =	sdelay $0x3  }
0x33: {  	p0 =	seq.s32 s10, $0x1;
	s10 =	sld [smem:$0x3FA4];
	_ =	sdelay $0x3  }
0x34: {  	[smem:$0x3FA4] =	sst s10  }
0x35: {  	s10 =	sld [smem:$0x3FA3];
	_ =	sdelay $0x3  }
0x36: {  	p1 =	seq.s32 s10, $0x1;
	s10 =	sld [smem:$0x3FA4];
	_ =	sdelay $0x3  }
0x37: {  	[smem:$0x3FA4] =	sst s10  }
0x38: {  	s10 =	sld [smem:$0x3FA5]  }
0x39: {  	_ = 	snop;
	(pc) =	sbr.ind lr, $3  }
0x3a: {  	_ = 	snop  }
0x3b: {  	_ = 	snop  }
0x3c: {  	p2 =	seq.s32 s10, $0x1;
	s10 =	sld [smem:$0x3FA4]  }
0x3d: {  	_ =	shalt  }
0x3e: {  	_ =	shalt  }
0x3f: {  	_ =	shalt  }
0x40: {  	_ =	shalt  }
0x41: {  	_ =	shalt  }
0x42: {  	_ =	shalt  }
0x43: {  	_ =	shalt  }
0x44: {  	_ =	shalt  }
0x45: {  	_ =	shalt  }
0x46: {  	_ =	shalt  }
0x47: {  	_ =	shalt  }
0x48: {  	_ =	shalt  }
0x49: {  	_ =	shalt  }
0x4a: {  	_ =	shalt  }
0x4b: {  	_ =	shalt  }
0x4c: {  	_ =	shalt  }
0x4d: {  	_ =	shalt  }
0x4e: {  	_ =	shalt  }
0x4f: {  	_ =	shalt  }
0x50: {  	_ =	shalt  }
0x51: {  	_ =	shalt  }
0x52: {  	_ =	shalt  }
0x53: {  	_ =	shalt  }
0x54: {  	_ =	shalt  }
0x55: {  	_ =	shalt  }
0x56: {  	_ =	shalt  }
0x57: {  	_ =	shalt  }
0x58: {  	_ =	shalt  }
0x59: {  	_ =	shalt  }
0x5a: {  	_ =	shalt  }
0x5b: {  	_ =	shalt  }
0x5c: {  	_ =	shalt  }
0x5d: {  	_ =	shalt  }
0x5e: {  	_ =	shalt  }
0x5f: {  	_ =	shalt  }
0x60: {  	_ =	shalt  }
0x61: {  	_ =	shalt  }
0x62: {  	_ =	shalt  }
0x63: {  	_ =	shalt  }
0x64: {  	_ =	shalt  }
0x65: {  	_ =	shalt  }
0x66: {  	_ =	shalt  }
0x67: {  	_ =	shalt  }
0x68: {  	_ =	shalt  }
0x69: {  	_ =	shalt  }
0x6a: {  	_ =	shalt  }
0x6b: {  	_ =	shalt  }
0x6c: {  	_ =	shalt  }
0x6d: {  	_ =	shalt  }
0x6e: {  	_ =	shalt  }
0x6f: {  	_ =	shalt  }
0x70: {  	_ =	shalt  }
0x71: {  	_ =	shalt  }
0x72: {  	_ =	shalt  }
0x73: {  	_ =	shalt  }
0x74: {  	_ =	shalt  }
0x75: {  	_ =	shalt  }
0x76: {  	_ =	shalt  }
0x77: {  	_ =	shalt  }
0x78: {  	_ =	shalt  }
0x79: {  	_ =	shalt  }
0x7a: {  	_ =	shalt  }
0x7b: {  	_ =	shalt  }
0x7c: {  	_ =	shalt  }
0x7d: {  	_ =	shalt  }
0x7e: {  	_ =	shalt  }
0x7f: {  	_ =	shalt  }
0x80: {  	_ =	shalt  }
0x81: {  	_ =	shalt  }
0x82: {  	_ =	shalt  }
0x83: {  	_ =	shalt  }
0x84: {  	_ =	shalt  }
0x85: {  	_ =	shalt  }
0x86: {  	_ =	shalt  }
0x87: {  	_ =	shalt  }
.Lfunc_end0:
.L_simem_size_0:
called_computation.1_lowered:
.L_overlay_start_0:
0x88: {  	s2 =	sld [smem:$0x3FD9]  }
0x89: {  	s3 =	sld [smem:$0x3FFE];
	_ =	sdelay $0x1  }
0x8a: {  	s1 =	srdreg.scid  }
0x8b: {  	s0 =	sand.u32 $0x1, s1  }
0x8c: {  	s16 =	sshll.u32 s0, $0xA;
	s2 =	sadd.s32 s3, s2  }
0x8d: {  	s2 =	sadd.s32 s2, s16  }
0x8e: {  	[smem:$0x3FB0] =	sst s2  }
0x8f: {  	_ = 	snop  }
0x90: {  	(tm) =	ssettm $0x1  }
0x91: {  	s17 =	sld [smem:$0x3FFB];
	_ =	sdelay $0x3  }
0x92: {  	_ =	strace s17  }
0x93: {  	s2 =	sld [smem:$0x3FFC];
	_ =	sdelay $0x3  }
0x94: {  	_ =	strace s2  }
0x95: {  	s2 =	sld [smem:$0x3FFD];
	_ =	sdelay $0x3  }
0x96: {  	_ =	strace s2  }
0x97: {  	_ =	strace $0x8FFFFFFF  }
0x98: {  	s18 =	sld [smem:$0x3FDB];
	_ =	sdelay $0x1  }
0x99: {  	s19 =	simm.s32 $_scs_section_size  }
0x9a: {  	s4 =	simm.s32 $_size__tile_overlayer_lowered;
	s5 =	simm.s32 $_tile_overlayer_lowered  }
0x9b: {  	s22 =	simm.s32 $0x1BFF;
	s21 =	sshll.u32 s5, $0x1;
	s2 =	sadd.s32 s19, s18  }
0x9c: {  	s6 =	simm.s32 $0x0;
	s20 =	sshll.u32 s4, $0x1;
	s4 =	sadd.s32 s21, s2  }
0x9d: {  	[timem:s6], [sflag:s22] =	dma.local [hbm:s4], s20  }
0x9e: {  	_ =	swait.ge [sflag:s22], s20  }
0x9f: {  	s3 =	ssub.s32 $0x0, s20;
	[sflag:s22] =	ssyncset.done $0x0  }
0xa0: {  	[sflag:s22] =	ssyncadd.s32 s3;
	_ =	sdelay $0x1  }
0xa1: {  	s23 =	simm.s32 $0x1B8B  }
0xa2: {  	_ =	swait.ge [sflag:s23], $0x1  }
0xa3: {  	[sflag:s23] =	ssyncset.done $0x0  }
0xa4: {  	s25 =	simm.s32 $0x1B8E;
	s24 =	sld [smem:$0x3FFE];
	[sflag:s23] =	ssyncadd.s32 $0xFFFFFFFF  }
0xa5: {  	s26 =	simm.s32 $execute0_lowered;
	[smem:$0x3FD2] =	sst s25  }
0xa6: {  	s4 =	sshll.u32 s26, $0x1;
	_ =	strace $0x80000049;
	[dreg:$0x1] =	wrdreg $0xFFFFFFFF  }
0xa7: {  	s28 =	simm.s32 $_size_execute0_lowered;
	s2 =	sadd.s32 s2, s4;
	[dreg:$0x0] =	wrdreg $0x0  }
0xa8: {  	s4 =	sshll.u32 s28, $0x1;
	[dreg:$0x2] =	wrdreg s2  }
0xa9: {  	[dreg:$0x3] =	wrdreg s4  }
0xaa: {  	[dreg:$0x4] =	wrdreg $0xC0  }
0xab: {  	_ =	task [dreg:s6], $0x5FFFF  }
0xac: {  	[dreg:$0x1] =	wrdreg $0xFFFFFFFF  }
0xad: {  	[dreg:$0x0] =	wrdreg $0x60  }
0xae: {  	[dreg:$0x2] =	wrdreg s24  }
0xaf: {  	[dreg:$0x3] =	wrdreg $0x82000  }
0xb0: {  	[dreg:$0x4] =	wrdreg $0x9  }
0xb1: {  	_ =	task.clear_ibuf [dreg:s6], $0x5FFFF;
	_ =	strace $0x90000049  }
0xb2: {  	s29 =	simm.s32 $0x9;
	_ =	strace $0x8000004B  }
0xb3: {  	_ =	swait.ge [sflag:s29], $0x1  }
0xb4: {  	[sflag:s29] =	ssyncadd.s32 $0xFFFFFFFF  }
0xb5: {  	_ =	strace $0x9000004B  }
0xb6: {  	_ =	sfence  }
0xb7: {  	s30 =	sld [smem:$0x0];
	_ =	sdelay $0x2  }
0xb8: {  	s31 =	sshll.u32 s1, $0xD;
	s1 =	sshrl.u32 s1, $0x2  }
0xb9: {  	s3 =	sand.u32 $0x4000, s31;
	s1 =	sadd.s32 s1, s30  }
0xba: {  	s0 =	sor.u32 s3, s0;
	s1 =	sshll.u32 s1, $0x11  }
0xbb: {  	s0 =	sor.u32 s1, s0  }
0xbc: {  	s0 =	sadd.s32 $0x8F2B, s0  }
0xbd: {  	[sflag:s0] =	ssyncadd.remote.s32 $0x1  }
0xbe: {  	_ =	sfence.sel $0xFFFF  }
0xbf: {  	[dreg:$0x0] =	wrdreg $0xFFFFFFFF;
	(pc) =	sbr.abs _section_cstart, $3  }
0xc0: {  	[dreg:$0x1] =	wrdreg $0xFFFFFFFF  }
0xc1: {  	_ =	task.clear_ibuf [dreg:s6], $0x2FFFF;
	_ =	strace $0x9FFFFFFF  }
0xc2: {  	(tm) =	ssettm $0x7FFFFFFF  }
0xc3: {  	_ =	shalt  }
tec
execute0_lowered:
.L_overlay_start_1:
0x0: {  	(tag) =	ssettag $0x1  }
0x1: {  	s0 =	rddreg [dreg:$0x0]  }
0x2: {  	s1 =	rddreg [dreg:$0x1]  }
0x3: {  	s2 =	srdreg.scid;
	s3 =	simm.s32 $0x0;
	s12 =	stileid.u32  }
0x4: {  	s28 =	simm.s32 $0x4200;
	s29 =	simm.s32 $0x2;
	s30 =	simm.s32 $0x5  }
0x5: {  	s31 =	simm.s32 $0x4;
	s2 =	sand.u32 $0x1, s2;
	[smem:$0x7FF] =	sst s3  }
0x6: {  	s6 =	smul.u32 $0x13C00, s12;
	s4 =	sadd.s32 $0x18A00, s0;
	s7 =	sadd.s32 $0xEC00, s0  }
0x7: {  	s8 =	sadd.s32 $0x103000, s0;
	s9 =	sshll.u32 s12, $0x5;
	s10 =	smul.u32 $0x4F000, s12  }
0x8: {  	s18 =	sshll.u32 s12, $0x6;
	p0 =	sgt.u32 s12, $0x1;
	s5 =	smul.u32 $0x13C000, s2  }
0x9: {  	_ =	strace $0x8000004A;
	[dreg:$0x3] =	wrdreg s8;
	s11 =	ssub.s32 $0x2, s2  }
0xa: {  	s2 =	sshll.u32 s2, $0x4;
	s21 =	sor.u32 $0x600, s9;
	s24 =	sor.u32 $0x400, s9  }
0xb: {  	s13 =	sshrl.u32 s11, $0x1;
	s2 =	sor.u32 s2, s9;
	s17 =	sshrl.u32 s10, $0x2  }
0xc: {  	s22 =	sand.u32 $0x780, s21;
	s25 =	sand.u32 $0x580, s24;
	s21 =	simm.s32 $0x100  }
0xd: {  	s24 =	simm.s32 $0x1;
	s5 =	sadd.s32 s6, s5;
	s6 =	sadd.s32 $0x4E00, s0  }
0xe: {  	s14 =	sor.u32 $0x200, s2;
	s19 =	sor.u32 $0x9C00, s2;
	s23 =	sadd.s32 s22, s7  }
0xf: {  	s26 =	sadd.s32 s25, s7;
	s5 =	sshrl.u32 s5, $0x3;
	s15 =	sadd.s32 s6, s2  }
0x10: {  	s16 =	sadd.s32 s7, s14;
	s8 =	sadd.s32 s6, s14;
	[dreg:$0x5] =	wrdreg s15  }
0x11: {  	s20 =	sadd.s32 s7, s19;
	s0 =	sadd.s32 s5, s0;
	[dreg:$0x6] =	wrdreg s16  }
0x12: {  	s5 =	ssub.s32 s11, s13;
	s11 =	sadd.s32 s7, s2;
	[dreg:$0x7] =	wrdreg s8  }
0x13: {  	s8 =	sadd.s32 s17, s1;
	[dreg:$0x9] =	wrdreg s20;
	s13 =	sadd.s32 s6, s19  }
0x14: {  	s2 =	sand.u32 $0x70, s2;
	s20 =	simm.s32 $0x80;
	[dreg:$0x4] =	wrdreg s11  }
0x15: {  	[dreg:$0x8] =	wrdreg s8;
	s11 =	sor.u32 $0x1C09, s18;
	s14 =	sadd.s32 $0x105800, s0  }
0x16: {  	s15 =	smax.u32 s5, $0x1;
	s16 =	sadd.s32 s2, s23;
	s0 =	sadd.s32 s22, s6  }
0x17: {  	s5 =	sadd.s32 s25, s6;
	s18 =	sadd.s32 s2, s26;
	s22 =	simm.s32 $0x180  }
0x18: {  	s23 =	simm.s32 $0x9;
	s25 =	simm.s32 $0x200;
	s26 =	simm.s32 $0x3  }
0x19: {  	s6 =	simm.s32 $0x0;
	s17 =	sadd.s32 s2, s0;
	s19 =	sadd.s32 s2, s5  }
0x1a: {  	s0 =	simm.s32 $0x6;
	s2 =	simm.s32 $0x7;
	s5 =	simm.s32 $0x8  }
.LBB2_1:
0x1b: {  	s7 =	rddreg [dreg:$0x4]  }
0x1c: {  	s9 =	rddreg [dreg:$0x5]  }
0x1d: {  	s10 =	rddreg [dreg:$0x6]  }
0x1e: {  	[tilespmem:s3], [sflag:$0x1] =	stream.linear.gather [hbm4b:s7+s3], $0x80, $0x38;
	[tilespmem:$0x1BE00] =	vst v63  }
0x1f: {  	s12 =	rddreg [dreg:$0x7]  }
0x20: {  	[tilespmem:s20], [sflag:$0x2] =	stream.linear.gather [hbm4b:s9+s3], $0x80, $0x38;
	[tilespmem:$0x1BE00] =	vst v63  }
0x21: {  	s8 =	rddreg [dreg:$0x8]  }
0x22: {  	[tilespmem:s21], [sflag:$0x3] =	stream.linear.gather [hbm4b:s10+s3], $0x80, $0x38;
	[tilespmem:$0x1BE00] =	vst v63  }
0x23: {  	s7 =	sshrl.u32 s8, $0x3;
	s8 =	rddreg [dreg:$0x3]  }
0x24: {  	[tilespmem:s22], [sflag:$0x4] =	stream.linear.gather [hbm4b:s12+s3], $0x80, $0x38;
	[tilespmem:$0x1BE00] =	vst v63  }
0x25: {  	[spmem:s7], [sflag:s11] =	dma.local [hbm:s8], $0x2780  }
0x26: {  	_ =	swait.ge [sflag:s23], $0x2780  }
0x27: {  	[sflag:s23] =	ssyncset.done $0x0  }
0x28: {  	[sflag:s23] =	ssyncadd.s32 $0xFFFFD880  }
0x29: {  	[bflag:$0x0] =	sbarrier.arrive $0xFFFF  }
0x2a: {  	_ =	swait.ge [sflag:s24], $0x80  }
0x2b: {  	[sflag:s24] =	ssyncset.done $0x0  }
0x2c: {  	[sflag:s24] =	ssyncadd.s32 $0xFFFFFF80  }
0x2d: {  	[tilespmem:s25], [sflag:$0x5] =	stream.indirect.gather [hbm4b:s4+s20], $0x80, s3, s20, $0xb8;
	[tilespmem:$0x1BE00] =	vst v63  }
0x2e: {  	_ =	swait.ge [sflag:s26], $0x80  }
0x2f: {  	[sflag:s26] =	ssyncset.done $0x0  }
0x30: {  	[sflag:s26] =	ssyncadd.s32 $0xFFFFFF80  }
0x31: {  	[tilespmem:s28], [sflag:$0x6] =	stream.indirect.gather [hbm4b:s4+s20], $0x80, s21, s20, $0xb8;
	[tilespmem:$0x1BE00] =	vst v63  }
0x32: {  	_ =	swait.ge [sflag:s29], $0x80  }
0x33: {  	[sflag:s29] =	ssyncset.done $0x0  }
0x34: {  	[sflag:s29] =	ssyncadd.s32 $0xFFFFFF80  }
0x35: {  	_ =	swait.ge [sflag:s30], $0x4000  }
0x36: {  	[sflag:s30] =	ssyncset.done $0x0  }
0x37: {  	[sflag:s30] =	ssyncadd.s32 $0xFFFFC000  }
0x38: {  	[spmem:s1] =	stream.indirect.scatter.add.f32 [tilespmem:s25], [sflag:$0x7], $0x80, s20, s20, $0xb8;
	[tilespmem:$0x1BE00] =	vst v63  }
0x39: {  	_ =	swait.ge [sflag:s31], $0x80  }
0x3a: {  	[sflag:s31] =	ssyncset.done $0x0  }
0x3b: {  	[sflag:s31] =	ssyncadd.s32 $0xFFFFFF80  }
0x3c: {  	_ =	swait.ge [sflag:s0], $0x4000  }
0x3d: {  	[sflag:s0] =	ssyncset.done $0x0  }
0x3e: {  	[sflag:s0] =	ssyncadd.s32 $0xFFFFC000  }
0x3f: {  	[spmem:s1] =	stream.indirect.scatter.add.f32 [tilespmem:s28], [sflag:$0x8], $0x80, s22, s20, $0xb8;
	[tilespmem:$0x1BE00] =	vst v63  }
0x40: {  	_ =	swait.ge [sflag:s2], $0x4000  }
0x41: {  	[sflag:s2] =	ssyncset.done $0x0  }
0x42: {  	s9 =	sadd.s32 $0x0, s18;
	[sflag:s2] =	ssyncadd.s32 $0xFFFFC000  }
0x43: {  	[tilespmem:s3], [sflag:$0x1] =	stream.linear.gather [hbm4b:s9+s3], $0x80, $0x38;
	[tilespmem:$0x1BE00] =	vst v63  }
0x44: {  	s10 =	sadd.s32 $0x0, s19  }
0x45: {  	[tilespmem:s20], [sflag:$0x2] =	stream.linear.gather [hbm4b:s10+s3], $0x80, $0x38;
	[tilespmem:$0x1BE00] =	vst v63  }
0x46: {  	_ =	swait.ge [sflag:s5], $0x4000  }
0x47: {  	s12 =	sadd.s32 $0x0, s16;
	[sflag:s5] =	ssyncset.done $0x0  }
0x48: {  	s8 =	simm.s32 $0x400;
	s9 =	sadd.s32 $0x0, s17;
	[sflag:s5] =	ssyncadd.s32 $0xFFFFC000  }
0x49: {  	[tilespmem:s21], [sflag:$0x3] =	stream.linear.gather [hbm4b:s12+s3], $0x80, $0x38;
	[tilespmem:$0x1BE00] =	vst v63  }
.LBB2_2:
0x4a: {  	[tilespmem:s22], [sflag:$0x4] =	stream.linear.gather [hbm4b:s9+s3], $0x80, $0x38;
	[tilespmem:$0x1BE00] =	vst v63  }
0x4b: {  	s9 =	smov.u32 s8  }
0x4c: {  	p1 =	sne.s32 s8, $0x9400;
	s8 =	sadd.s32 $0x400, s8;
	_ =	swait.ge [sflag:s24], $0x80  }
0x4d: {  	[sflag:s24] =	ssyncset.done $0x0  }
0x4e: {  	[sflag:s24] =	ssyncadd.s32 $0xFFFFFF80  }
0x4f: {  	[tilespmem:s25], [sflag:$0x5] =	stream.indirect.gather [hbm4b:s4+s20], $0x80, s3, s20, $0xb8;
	[tilespmem:$0x1BE00] =	vst v63  }
0x50: {  	_ =	swait.ge [sflag:s26], $0x80  }
0x51: {  	[sflag:s26] =	ssyncset.done $0x0  }
0x52: {  	[sflag:s26] =	ssyncadd.s32 $0xFFFFFF80  }
0x53: {  	[tilespmem:s28], [sflag:$0x6] =	stream.indirect.gather [hbm4b:s4+s20], $0x80, s21, s20, $0xb8;
	[tilespmem:$0x1BE00] =	vst v63  }
0x54: {  	_ =	swait.ge [sflag:s29], $0x80  }
0x55: {  	[sflag:s29] =	ssyncset.done $0x0  }
0x56: {  	[sflag:s29] =	ssyncadd.s32 $0xFFFFFF80  }
0x57: {  	_ =	swait.ge [sflag:s30], $0x4000  }
0x58: {  	[sflag:s30] =	ssyncset.done $0x0  }
0x59: {  	[sflag:s30] =	ssyncadd.s32 $0xFFFFC000  }
0x5a: {  	[spmem:s1] =	stream.indirect.scatter.add.f32 [tilespmem:s25], [sflag:$0x7], $0x80, s20, s20, $0xb8;
	[tilespmem:$0x1BE00] =	vst v63  }
0x5b: {  	_ =	swait.ge [sflag:s31], $0x80  }
0x5c: {  	[sflag:s31] =	ssyncset.done $0x0  }
0x5d: {  	[sflag:s31] =	ssyncadd.s32 $0xFFFFFF80  }
0x5e: {  	_ =	swait.ge [sflag:s0], $0x4000  }
0x5f: {  	[sflag:s0] =	ssyncset.done $0x0  }
0x60: {  	[sflag:s0] =	ssyncadd.s32 $0xFFFFC000  }
0x61: {  	[spmem:s1] =	stream.indirect.scatter.add.f32 [tilespmem:s28], [sflag:$0x8], $0x80, s22, s20, $0xb8;
	[tilespmem:$0x1BE00] =	vst v63  }
0x62: {  	_ =	swait.ge [sflag:s2], $0x4000  }
0x63: {  	[sflag:s2] =	ssyncset.done $0x0  }
0x64: {  	s10 =	sadd.s32 s9, s18;
	[sflag:s2] =	ssyncadd.s32 $0xFFFFC000  }
0x65: {  	[tilespmem:s3], [sflag:$0x1] =	stream.linear.gather [hbm4b:s10+s3], $0x80, $0x38;
	[tilespmem:$0x1BE00] =	vst v63  }
0x66: {  	s10 =	sadd.s32 s9, s19  }
0x67: {  	[tilespmem:s20], [sflag:$0x2] =	stream.linear.gather [hbm4b:s10+s3], $0x80, $0x38;
	[tilespmem:$0x1BE00] =	vst v63  }
.Ltmp0:
0x68: {  	_ =	swait.ge [sflag:s5], $0x4000;
	(pc) =	sbr.rel @p1 .LBB2_2-.Ltmp0, $4  }
0x69: {  	[sflag:s5] =	ssyncset.done $0x0  }
0x6a: {  	s10 =	sadd.s32 s9, s16;
	[sflag:s5] =	ssyncadd.s32 $0xFFFFC000  }
0x6b: {  	[tilespmem:s21], [sflag:$0x3] =	stream.linear.gather [hbm4b:s10+s3], $0x80, $0x38;
	[tilespmem:$0x1BE00] =	vst v63  }
0x6c: {  	s9 =	sadd.s32 s9, s17  }
0x6d: {  	[tilespmem:s22], [sflag:$0x4] =	stream.linear.gather [hbm4b:s9+s3], $0x80, $0x38;
	[tilespmem:$0x1BE00] =	vst v63  }
0x6e: {  	_ =	swait.ge [sflag:s24], $0x80  }
0x6f: {  	[sflag:s24] =	ssyncset.done $0x0  }
0x70: {  	[sflag:s24] =	ssyncadd.s32 $0xFFFFFF80  }
0x71: {  	[tilespmem:s25], [sflag:$0x5] =	stream.indirect.gather [hbm4b:s4+s20], $0x80, s3, s20, $0xb8;
	[tilespmem:$0x1BE00] =	vst v63  }
0x72: {  	_ =	swait.ge [sflag:s26], $0x80  }
0x73: {  	[sflag:s26] =	ssyncset.done $0x0  }
0x74: {  	[sflag:s26] =	ssyncadd.s32 $0xFFFFFF80  }
0x75: {  	[tilespmem:s28], [sflag:$0x6] =	stream.indirect.gather [hbm4b:s4+s20], $0x80, s21, s20, $0xb8;
	[tilespmem:$0x1BE00] =	vst v63  }
0x76: {  	_ =	swait.ge [sflag:s29], $0x80  }
0x77: {  	[sflag:s29] =	ssyncset.done $0x0  }
0x78: {  	[sflag:s29] =	ssyncadd.s32 $0xFFFFFF80  }
0x79: {  	_ =	swait.ge [sflag:s30], $0x4000  }
0x7a: {  	[sflag:s30] =	ssyncset.done $0x0  }
0x7b: {  	[sflag:s30] =	ssyncadd.s32 $0xFFFFC000  }
0x7c: {  	[spmem:s1] =	stream.indirect.scatter.add.f32 [tilespmem:s25], [sflag:$0x7], $0x80, s20, s20, $0xb8;
	[tilespmem:$0x1BE00] =	vst v63  }
0x7d: {  	_ =	swait.ge [sflag:s31], $0x80  }
0x7e: {  	[sflag:s31] =	ssyncset.done $0x0  }
0x7f: {  	[sflag:s31] =	ssyncadd.s32 $0xFFFFFF80  }
0x80: {  	_ =	swait.ge [sflag:s0], $0x4000  }
0x81: {  	[sflag:s0] =	ssyncset.done $0x0  }
0x82: {  	[sflag:s0] =	ssyncadd.s32 $0xFFFFC000  }
0x83: {  	[spmem:s1] =	stream.indirect.scatter.add.f32 [tilespmem:s28], [sflag:$0x8], $0x80, s22, s20, $0xb8;
	[tilespmem:$0x1BE00] =	vst v63  }
0x84: {  	_ =	swait.ge [sflag:s2], $0x4000  }
0x85: {  	[sflag:s2] =	ssyncset.done $0x0  }
0x86: {  	[sflag:s2] =	ssyncadd.s32 $0xFFFFC000  }
0x87: {  	_ =	swait.ge [sflag:s5], $0x4000  }
0x88: {  	[sflag:s5] =	ssyncset.done $0x0  }
0x89: {  	s8 =	simm.s32 @!p0 $0x0;
	s9 =	rddreg [dreg:$0x9];
	[sflag:s5] =	ssyncadd.s32 $0xFFFFC000  }
0x8a: {  	[tilespmem:s8], [sflag:$0x9] =	stream.linear.gather @!p0 [hbm4b:s9+s8], $0x80, $0x38;
	[tilespmem:$0x1BE00] =	vst v63  }
0x8b: {  	s9 =	simm.s32 @!p0 $0x9  }
0x8c: {  	_ =	swait.ge @!p0 [sflag:s9], $0x80  }
0x8d: {  	[sflag:s9] =	ssyncset.done @!p0 $0x0  }
0x8e: {  	s10 =	simm.s32 @!p0 $0x80;
	[sflag:s9] =	ssyncadd.s32 @!p0 $0xFFFFFF80  }
0x8f: {  	[tilespmem:s10], [sflag:$0x9] =	stream.linear.gather @!p0 [hbm4b:s13+s8], $0x80, $0x38;
	[tilespmem:$0x1BE00] =	vst v63  }
0x90: {  	_ =	swait.ge @!p0 [sflag:s9], $0x80  }
0x91: {  	[sflag:s9] =	ssyncset.done @!p0 $0x0  }
0x92: {  	s12 =	simm.s32 @!p0 $0x200;
	[sflag:s9] =	ssyncadd.s32 @!p0 $0xFFFFFF80  }
0x93: {  	[tilespmem:s12], [sflag:$0x5] =	stream.indirect.gather @!p0 [hbm4b:s4+s10], $0x80, s8, s10, $0xb8;
	[tilespmem:$0x1BE00] =	vst v63  }
0x94: {  	s8 =	simm.s32 @!p0 $0x5  }
0x95: {  	_ =	swait.ge @!p0 [sflag:s8], $0x4000  }
0x96: {  	[sflag:s8] =	ssyncset.done @!p0 $0x0  }
0x97: {  	[sflag:s8] =	ssyncadd.s32 @!p0 $0xFFFFC000  }
0x98: {  	[spmem:s1] =	stream.indirect.scatter.add.f32 @!p0 [tilespmem:s12], [sflag:$0x9], $0x80, s10, s10, $0xb8;
	[tilespmem:$0x1BE00] =	vst v63  }
0x99: {  	_ =	swait.ge @!p0 [sflag:s9], $0x4000  }
0x9a: {  	s6 =	sadd.s32 $0x1, s6;
	[sflag:s9] =	ssyncset.done @!p0 $0x0  }
0x9b: {  	p1 =	sne.s32 s6, s15;
	[sflag:s9] =	ssyncadd.s32 @!p0 $0xFFFFC000  }
.Ltmp1:
0x9c: {  	[bflag:$0x0] =	sbarrier.arrive $0xFFFF;
	(pc) =	sbr.rel @p1 .LBB2_1-.Ltmp1, $4  }
0x9d: {  	[hbm:s14], [sflag:s11] =	dma.local [spmem:s7], $0x2780  }
0x9e: {  	_ =	swait.ge [sflag:s23], $0x2780  }
0x9f: {  	[sflag:s23] =	ssyncset.done $0x0  }
0xa0: {  	[sflag:s23] =	ssyncadd.s32 $0xFFFFD880  }
0xa1: {  	_ =	sfence.sel $0x180000  }
0xa2: {  	[bflag:$0x0] =	sbarrier.arrive $0xFFFF  }
0xa3: {  	_ =	strace $0x9000004A  }
0xa4: {  	s0 =	stileid.u32;
	[bflag:$0x2] =	sbarrier.arrive $0xFFFF  }
0xa5: {  	p0 =	sne.s32 s0, $0x0;
	s0 =	rddreg [dreg:$0x2]  }
0xa6: {  	s0 =	sadd.s32 @!p0 $0x100000, s0  }
0xa7: {  	[sflag:s0] =	ssyncadd.tile.s32 @!p0 $0x1;
	_ =	shalt  }
.Lfunc_end2:
_tile_overlayer_lowered:
.L_overlay_start_2:
0xa8: {  	(tag) =	ssettag $0x2  }
0xa9: {  	s0 =	rddreg [dreg:$0x0];
	s2 =	stileid.u32  }
0xaa: {  	s1 =	rddreg [dreg:$0x1];
	p0 =	sne.s32 s2, $0x0  }
0xab: {  	s3 =	rddreg [dreg:$0x2];
	[bflag:$0x3] =	sbarrier.arrive $0xFFFF;
	s2 =	simm.s32 @!p0 $0x1C09  }
0xac: {  	[timem:s3], [sflag:s2] =	dma.local @!p0 [hbm:s0], s1  }
0xad: {  	s0 =	simm.s32 @!p0 $0x9  }
0xae: {  	_ =	swait.ge @!p0 [sflag:s0], s1  }
0xaf: {  	s1 =	ssub.s32 @!p0 $0x0, s1;
	[sflag:s0] =	ssyncset.done @!p0 $0x0  }
0xb0: {  	[sflag:s0] =	ssyncadd.s32 @!p0 s1  }
0xb1: {  	[bflag:$0x3] =	sbarrier.arrive $0xFFFF  }
0xb2: {  	_ =	shalt  }

// kernel: kernel.20.cloned.1.call-start
scs
__scs_entry_jumppad:
0x0: {  	(pc) =	sbr.rel $0x88, $3  }
0x1: {  	(tag) =	ssettag $0x0;
	lr =	simm.s32 $0x1  }
0x2: {  	[smem:$0x3F89] =	sst lr;
	_ =	strace $0xD0000000  }
0x3: {  	_ = 	snop  }
0x4: {  	_ = 	snop  }
0x5: {  	_ = 	snop  }
0x6: {  	_ = 	snop  }
0x7: {  	_ = 	snop  }
__scs_overlays_trampoline_lowered:
0x8: {  	[smem:$0x3F98] =	sst s0  }
0x9: {  	[smem:$0x3F99] =	sst s1  }
0xa: {  	[smem:$0x3F9A] =	sst s2  }
0xb: {  	[smem:$0x3F9B] =	sst s3  }
0xc: {  	[smem:$0x3F9C] =	sst s4  }
0xd: {  	[smem:$0x3F9D] =	sst s5  }
0xe: {  	[smem:$0x3F9E] =	sst s6  }
0xf: {  	[smem:$0x3F9F] =	sst s7  }
0x10: {  	[smem:$0x3FA0] =	sst s8  }
0x11: {  	[smem:$0x3FA1] =	sst s9;
	s0 =	simm.s32 @!p0 $0x0  }
0x12: {  	s1 =	sld [smem:$0x3F87];
	s0 =	simm.s32 @p0 $0x1  }
0x13: {  	[smem:$0x3FA2] =	sst s0;
	s0 =	simm.s32 @!p1 $0x0  }
0x14: {  	s2 =	sld [smem:$0x3F86];
	s0 =	simm.s32 @p1 $0x1  }
0x15: {  	[smem:$0x3FA3] =	sst s0;
	s0 =	simm.s32 @!p2 $0x0  }
0x16: {  	s3 =	sld [smem:$0x3FDB];
	s0 =	simm.s32 @p2 $0x1  }
0x17: {  	s4 =	simm.s32 $0x1BF5;
	[smem:$0x3FA5] =	sst s0  }
0x18: {  	s0 =	sld [smem:$0x3F88];
	_ =	swait.ge [sflag:s4], $0x0  }
0x19: {  	s7 =	sld [smem:$0x3F89]  }
0x1a: {  	s8 =	sadd.s32 $0xFFFFE003, lr  }
0x1b: {  	s9 =	sadd.s32 $0xFFFFFEF7, lr;
	s5 =	simm.s32 $0xFFFFFFFF;
	p2 =	slt.u32 s8, $0xFFFFF086  }
0x1c: {  	p1 =	slt.u32 s9, $0xF7A;
	s5 =	simm.s32 @!p2 $0x0  }
0x1d: {  	s5 =	simm.s32 @p1 $0x1;
	p0 =	seq.s32 s7, s2  }
0x1e: {  	s7 =	smul.u32 @!p0 $0xF7A, s2;
	p2 =	seq.s32 @!p0 s5, $0x0  }
0x1f: {  	s9 =	smul.u32 $0xF7A, s1;
	s8 =	simm.s32 @!p0 $0x1BF5;
	p2 =	por !p2, p0  }
0x20: {  	[sflag:s8] =	ssyncset.s32 @!p0 $0xFFFFF086;
	s6 =	sadd.s32 @!p0 s3, s7;
	s7 =	simm.s32 @!p0 $0x108  }
0x21: {  	s3 =	sadd.s32 s3, s9;
	s6 =	sadd.s32 @!p0 $0x88, s6;
	s7 =	simm.s32 @p2 $0x1082  }
0x22: {  	[simem:s7], [sflag:s8] =	dma.local @!p0 [hbm:s6], $0xF7A  }
0x23: {  	s9 =	sor.u32 $0xD0000000, s2;
	s6 =	simm.s32 $0x108;
	_ =	swait.ge @!p0 [sflag:s8], $0x0  }
0x24: {  	s3 =	sadd.s32 $0x88, s3;
	s6 =	simm.s32 @!p1 $0x1082;
	[sflag:s4] =	ssyncset.s32 $0xFFFFF086  }
0x25: {  	[simem:s6], [sflag:s4] =	dma.local [hbm:s3], $0xF7A  }
0x26: {  	[smem:$0x3F89] =	sst s1;
	(tag) =	ssettag s2;
	_ =	strace s9  }
0x27: {  	s1 =	sld [smem:$0x3F99]  }
0x28: {  	s2 =	sld [smem:$0x3F9A]  }
0x29: {  	s4 =	sld [smem:$0x3F9C]  }
0x2a: {  	p0 =	seq.s32 s5, $0x0;
	s5 =	sld [smem:$0x3F9D]  }
0x2b: {  	s6 =	sld [smem:$0x3F9E]  }
0x2c: {  	s7 =	sld [smem:$0x3F9F]  }
0x2d: {  	s3 =	simm.s32 $0x108;
	s8 =	sld [smem:$0x3FA0]  }
0x2e: {  	s3 =	simm.s32 @!p0 $0x1082;
	s9 =	sld [smem:$0x3FA1]  }
0x2f: {  	lr =	sadd.s32 s0, s3;
	s0 =	sld [smem:$0x3F98]  }
0x30: {  	s3 =	sld [smem:$0x3F9B]  }
0x31: {  	[smem:$0x3FA4] =	sst s10  }
0x32: {  	s10 =	sld [smem:$0x3FA2];
	_ =	sdelay $0x3  }
0x33: {  	p0 =	seq.s32 s10, $0x1;
	s10 =	sld [smem:$0x3FA4];
	_ =	sdelay $0x3  }
0x34: {  	[smem:$0x3FA4] =	sst s10  }
0x35: {  	s10 =	sld [smem:$0x3FA3];
	_ =	sdelay $0x3  }
0x36: {  	p1 =	seq.s32 s10, $0x1;
	s10 =	sld [smem:$0x3FA4];
	_ =	sdelay $0x3  }
0x37: {  	[smem:$0x3FA4] =	sst s10  }
0x38: {  	s10 =	sld [smem:$0x3FA5]  }
0x39: {  	_ = 	snop;
	(pc) =	sbr.ind lr, $3  }
0x3a: {  	_ = 	snop  }
0x3b: {  	_ = 	snop  }
0x3c: {  	p2 =	seq.s32 s10, $0x1;
	s10 =	sld [smem:$0x3FA4]  }
0x3d: {  	_ =	shalt  }
0x3e: {  	_ =	shalt  }
0x3f: {  	_ =	shalt  }
0x40: {  	_ =	shalt  }
0x41: {  	_ =	shalt  }
0x42: {  	_ =	shalt  }
0x43: {  	_ =	shalt  }
0x44: {  	_ =	shalt  }
0x45: {  	_ =	shalt  }
0x46: {  	_ =	shalt  }
0x47: {  	_ =	shalt  }
0x48: {  	_ =	shalt  }
0x49: {  	_ =	shalt  }
0x4a: {  	_ =	shalt  }
0x4b: {  	_ =	shalt  }
0x4c: {  	_ =	shalt  }
0x4d: {  	_ =	shalt  }
0x4e: {  	_ =	shalt  }
0x4f: {  	_ =	shalt  }
0x50: {  	_ =	shalt  }
0x51: {  	_ =	shalt  }
0x52: {  	_ =	shalt  }
0x53: {  	_ =	shalt  }
0x54: {  	_ =	shalt  }
0x55: {  	_ =	shalt  }
0x56: {  	_ =	shalt  }
0x57: {  	_ =	shalt  }
0x58: {  	_ =	shalt  }
0x59: {  	_ =	shalt  }
0x5a: {  	_ =	shalt  }
0x5b: {  	_ =	shalt  }
0x5c: {  	_ =	shalt  }
0x5d: {  	_ =	shalt  }
0x5e: {  	_ =	shalt  }
0x5f: {  	_ =	shalt  }
0x60: {  	_ =	shalt  }
0x61: {  	_ =	shalt  }
0x62: {  	_ =	shalt  }
0x63: {  	_ =	shalt  }
0x64: {  	_ =	shalt  }
0x65: {  	_ =	shalt  }
0x66: {  	_ =	shalt  }
0x67: {  	_ =	shalt  }
0x68: {  	_ =	shalt  }
0x69: {  	_ =	shalt  }
0x6a: {  	_ =	shalt  }
0x6b: {  	_ =	shalt  }
0x6c: {  	_ =	shalt  }
0x6d: {  	_ =	shalt  }
0x6e: {  	_ =	shalt  }
0x6f: {  	_ =	shalt  }
0x70: {  	_ =	shalt  }
0x71: {  	_ =	shalt  }
0x72: {  	_ =	shalt  }
0x73: {  	_ =	shalt  }
0x74: {  	_ =	shalt  }
0x75: {  	_ =	shalt  }
0x76: {  	_ =	shalt  }
0x77: {  	_ =	shalt  }
0x78: {  	_ =	shalt  }
0x79: {  	_ =	shalt  }
0x7a: {  	_ =	shalt  }
0x7b: {  	_ =	shalt  }
0x7c: {  	_ =	shalt  }
0x7d: {  	_ =	shalt  }
0x7e: {  	_ =	shalt  }
0x7f: {  	_ =	shalt  }
0x80: {  	_ =	shalt  }
0x81: {  	_ =	shalt  }
0x82: {  	_ =	shalt  }
0x83: {  	_ =	shalt  }
0x84: {  	_ =	shalt  }
0x85: {  	_ =	shalt  }
0x86: {  	_ =	shalt  }
0x87: {  	_ =	shalt  }
.Lfunc_end0:
.L_simem_size_0:
called_computation.2_lowered:
.L_overlay_start_0:
0x88: {  	s2 =	sld [smem:$0x3FD9]  }
0x89: {  	s3 =	sld [smem:$0x3FFE];
	_ =	sdelay $0x1  }
0x8a: {  	s1 =	srdreg.scid  }
0x8b: {  	s0 =	sand.u32 $0x1, s1  }
0x8c: {  	s16 =	sshll.u32 s0, $0xA;
	s2 =	sadd.s32 s3, s2  }
0x8d: {  	s2 =	sadd.s32 s2, s16  }
0x8e: {  	[smem:$0x3FB0] =	sst s2  }
0x8f: {  	_ = 	snop  }
0x90: {  	(tm) =	ssettm $0x1  }
0x91: {  	s17 =	sld [smem:$0x3FFB];
	_ =	sdelay $0x3  }
0x92: {  	_ =	strace s17  }
0x93: {  	s2 =	sld [smem:$0x3FFC];
	_ =	sdelay $0x3  }
0x94: {  	_ =	strace s2  }
0x95: {  	s2 =	sld [smem:$0x3FFD];
	_ =	sdelay $0x3  }
0x96: {  	_ =	strace s2  }
0x97: {  	_ =	strace $0x8FFFFFFF  }
0x98: {  	s18 =	sld [smem:$0x3FDB];
	_ =	sdelay $0x1  }
0x99: {  	s19 =	simm.s32 $_scs_section_size  }
0x9a: {  	s4 =	simm.s32 $_size__tile_overlayer_lowered;
	s5 =	simm.s32 $_tile_overlayer_lowered  }
0x9b: {  	s22 =	simm.s32 $0x1BFF;
	s21 =	sshll.u32 s5, $0x1;
	s2 =	sadd.s32 s19, s18  }
0x9c: {  	s6 =	simm.s32 $0x0;
	s20 =	sshll.u32 s4, $0x1;
	s4 =	sadd.s32 s21, s2  }
0x9d: {  	[timem:s6], [sflag:s22] =	dma.local [hbm:s4], s20  }
0x9e: {  	_ =	swait.ge [sflag:s22], s20  }
0x9f: {  	s3 =	ssub.s32 $0x0, s20;
	[sflag:s22] =	ssyncset.done $0x0  }
0xa0: {  	[sflag:s22] =	ssyncadd.s32 s3;
	_ =	sdelay $0x1  }
0xa1: {  	s23 =	simm.s32 $0x1B8B  }
0xa2: {  	_ =	swait.ge [sflag:s23], $0x1  }
0xa3: {  	[sflag:s23] =	ssyncset.done $0x0  }
0xa4: {  	s25 =	simm.s32 $0x1B8E;
	s24 =	sld [smem:$0x3FFE];
	[sflag:s23] =	ssyncadd.s32 $0xFFFFFFFF  }
0xa5: {  	s26 =	simm.s32 $execute0_lowered;
	[smem:$0x3FD2] =	sst s25  }
0xa6: {  	s4 =	sshll.u32 s26, $0x1;
	_ =	strace $0x8000004C;
	[dreg:$0x1] =	wrdreg $0xFFFFFFFF  }
0xa7: {  	s28 =	simm.s32 $_size_execute0_lowered;
	s2 =	sadd.s32 s2, s4;
	[dreg:$0x0] =	wrdreg $0x0  }
0xa8: {  	s4 =	sshll.u32 s28, $0x1;
	[dreg:$0x2] =	wrdreg s2  }
0xa9: {  	[dreg:$0x3] =	wrdreg s4  }
0xaa: {  	[dreg:$0x4] =	wrdreg $0xC0  }
0xab: {  	_ =	task [dreg:s6], $0x5FFFF  }
0xac: {  	[dreg:$0x1] =	wrdreg $0xFFFFFFFF  }
0xad: {  	[dreg:$0x0] =	wrdreg $0x60  }
0xae: {  	[dreg:$0x2] =	wrdreg s24  }
0xaf: {  	[dreg:$0x3] =	wrdreg $0x82000  }
0xb0: {  	[dreg:$0x4] =	wrdreg $0x9  }
0xb1: {  	_ =	task.clear_ibuf [dreg:s6], $0x5FFFF;
	_ =	strace $0x9000004C  }
0xb2: {  	s29 =	simm.s32 $0x9;
	_ =	strace $0x8000004E  }
0xb3: {  	_ =	swait.ge [sflag:s29], $0x1  }
0xb4: {  	[sflag:s29] =	ssyncadd.s32 $0xFFFFFFFF  }
0xb5: {  	_ =	strace $0x9000004E  }
0xb6: {  	_ =	sfence  }
0xb7: {  	s30 =	sld [smem:$0x0];
	_ =	sdelay $0x2  }
0xb8: {  	s31 =	sshll.u32 s1, $0xD;
	s1 =	sshrl.u32 s1, $0x2  }
0xb9: {  	s3 =	sand.u32 $0x4000, s31;
	s1 =	sadd.s32 s1, s30  }
0xba: {  	s0 =	sor.u32 s3, s0;
	s1 =	sshll.u32 s1, $0x11  }
0xbb: {  	s0 =	sor.u32 s1, s0  }
0xbc: {  	s0 =	sadd.s32 $0x8F2B, s0  }
0xbd: {  	[sflag:s0] =	ssyncadd.remote.s32 $0x1  }
0xbe: {  	_ =	sfence.sel $0xFFFF  }
0xbf: {  	[dreg:$0x0] =	wrdreg $0xFFFFFFFF;
	(pc) =	sbr.abs _section_cstart, $3  }
0xc0: {  	[dreg:$0x1] =	wrdreg $0xFFFFFFFF  }
0xc1: {  	_ =	task.clear_ibuf [dreg:s6], $0x2FFFF;
	_ =	strace $0x9FFFFFFF  }
0xc2: {  	(tm) =	ssettm $0x7FFFFFFF  }
0xc3: {  	_ =	shalt  }
tec
execute0_lowered:
.L_overlay_start_1:
0x0: {  	(tag) =	ssettag $0x1  }
0x1: {  	s0 =	rddreg [dreg:$0x0]  }
0x2: {  	s1 =	rddreg [dreg:$0x1]  }
0x3: {  	s2 =	srdreg.scid;
	s3 =	simm.s32 $0x0;
	s12 =	stileid.u32  }
0x4: {  	s28 =	simm.s32 $0x4200;
	s29 =	simm.s32 $0x2;
	s30 =	simm.s32 $0x5  }
0x5: {  	s31 =	simm.s32 $0x4;
	s2 =	sand.u32 $0x1, s2;
	[smem:$0x7FF] =	sst s3  }
0x6: {  	s6 =	smul.u32 $0x13C00, s12;
	s4 =	sadd.s32 $0x18A00, s0;
	s7 =	sadd.s32 $0xEC00, s0  }
0x7: {  	s8 =	sadd.s32 $0x103000, s0;
	s9 =	sshll.u32 s12, $0x5;
	s10 =	smul.u32 $0x4F000, s12  }
0x8: {  	s18 =	sshll.u32 s12, $0x6;
	p0 =	sgt.u32 s12, $0x1;
	s5 =	smul.u32 $0x13C000, s2  }
0x9: {  	_ =	strace $0x8000004D;
	[dreg:$0x3] =	wrdreg s8;
	s11 =	ssub.s32 $0x2, s2  }
0xa: {  	s2 =	sshll.u32 s2, $0x4;
	s21 =	sor.u32 $0x600, s9;
	s24 =	sor.u32 $0x400, s9  }
0xb: {  	s13 =	sshrl.u32 s11, $0x1;
	s2 =	sor.u32 s2, s9;
	s17 =	sshrl.u32 s10, $0x2  }
0xc: {  	s22 =	sand.u32 $0x780, s21;
	s25 =	sand.u32 $0x580, s24;
	s21 =	simm.s32 $0x100  }
0xd: {  	s24 =	simm.s32 $0x1;
	s5 =	sadd.s32 s6, s5;
	s6 =	sadd.s32 $0x4E00, s0  }
0xe: {  	s14 =	sor.u32 $0x200, s2;
	s19 =	sor.u32 $0x9C00, s2;
	s23 =	sadd.s32 s22, s7  }
0xf: {  	s26 =	sadd.s32 s25, s7;
	s5 =	sshrl.u32 s5, $0x3;
	s15 =	sadd.s32 s6, s2  }
0x10: {  	s16 =	sadd.s32 s7, s14;
	s8 =	sadd.s32 s6, s14;
	[dreg:$0x5] =	wrdreg s15  }
0x11: {  	s20 =	sadd.s32 s7, s19;
	s0 =	sadd.s32 s5, s0;
	[dreg:$0x6] =	wrdreg s16  }
0x12: {  	s5 =	ssub.s32 s11, s13;
	s11 =	sadd.s32 s7, s2;
	[dreg:$0x7] =	wrdreg s8  }
0x13: {  	s8 =	sadd.s32 s17, s1;
	[dreg:$0x9] =	wrdreg s20;
	s13 =	sadd.s32 s6, s19  }
0x14: {  	s2 =	sand.u32 $0x70, s2;
	s20 =	simm.s32 $0x80;
	[dreg:$0x4] =	wrdreg s11  }
0x15: {  	[dreg:$0x8] =	wrdreg s8;
	s11 =	sor.u32 $0x1C09, s18;
	s14 =	sadd.s32 $0x105800, s0  }
0x16: {  	s15 =	smax.u32 s5, $0x1;
	s16 =	sadd.s32 s2, s23;
	s0 =	sadd.s32 s22, s6  }
0x17: {  	s5 =	sadd.s32 s25, s6;
	s18 =	sadd.s32 s2, s26;
	s22 =	simm.s32 $0x180  }
0x18: {  	s23 =	simm.s32 $0x9;
	s25 =	simm.s32 $0x200;
	s26 =	simm.s32 $0x3  }
0x19: {  	s6 =	simm.s32 $0x0;
	s17 =	sadd.s32 s2, s0;
	s19 =	sadd.s32 s2, s5  }
0x1a: {  	s0 =	simm.s32 $0x6;
	s2 =	simm.s32 $0x7;
	s5 =	simm.s32 $0x8  }
.LBB2_1:
0x1b: {  	s7 =	rddreg [dreg:$0x4]  }
0x1c: {  	s9 =	rddreg [dreg:$0x5]  }
0x1d: {  	s10 =	rddreg [dreg:$0x6]  }
0x1e: {  	[tilespmem:s3], [sflag:$0x1] =	stream.linear.gather [hbm4b:s7+s3], $0x80, $0x38;
	[tilespmem:$0x1BE00] =	vst v63  }
0x1f: {  	s12 =	rddreg [dreg:$0x7]  }
0x20: {  	[tilespmem:s20], [sflag:$0x2] =	stream.linear.gather [hbm4b:s9+s3], $0x80, $0x38;
	[tilespmem:$0x1BE00] =	vst v63  }
0x21: {  	s8 =	rddreg [dreg:$0x8]  }
0x22: {  	[tilespmem:s21], [sflag:$0x3] =	stream.linear.gather [hbm4b:s10+s3], $0x80, $0x38;
	[tilespmem:$0x1BE00] =	vst v63  }
0x23: {  	s7 =	sshrl.u32 s8, $0x3;
	s8 =	rddreg [dreg:$0x3]  }
0x24: {  	[tilespmem:s22], [sflag:$0x4] =	stream.linear.gather [hbm4b:s12+s3], $0x80, $0x38;
	[tilespmem:$0x1BE00] =	vst v63  }
0x25: {  	[spmem:s7], [sflag:s11] =	dma.local [hbm:s8], $0x2780  }
0x26: {  	_ =	swait.ge [sflag:s23], $0x2780  }
0x27: {  	[sflag:s23] =	ssyncset.done $0x0  }
0x28: {  	[sflag:s23] =	ssyncadd.s32 $0xFFFFD880  }
0x29: {  	[bflag:$0x0] =	sbarrier.arrive $0xFFFF  }
0x2a: {  	_ =	swait.ge [sflag:s24], $0x80  }
0x2b: {  	[sflag:s24] =	ssyncset.done $0x0  }
0x2c: {  	[sflag:s24] =	ssyncadd.s32 $0xFFFFFF80  }
0x2d: {  	[tilespmem:s25], [sflag:$0x5] =	stream.indirect.gather [hbm4b:s4+s20], $0x80, s3, s20, $0xb8;
	[tilespmem:$0x1BE00] =	vst v63  }
0x2e: {  	_ =	swait.ge [sflag:s26], $0x80  }
0x2f: {  	[sflag:s26] =	ssyncset.done $0x0  }
0x30: {  	[sflag:s26] =	ssyncadd.s32 $0xFFFFFF80  }
0x31: {  	[tilespmem:s28], [sflag:$0x6] =	stream.indirect.gather [hbm4b:s4+s20], $0x80, s21, s20, $0xb8;
	[tilespmem:$0x1BE00] =	vst v63  }
0x32: {  	_ =	swait.ge [sflag:s29], $0x80  }
0x33: {  	[sflag:s29] =	ssyncset.done $0x0  }
0x34: {  	[sflag:s29] =	ssyncadd.s32 $0xFFFFFF80  }
0x35: {  	_ =	swait.ge [sflag:s30], $0x4000  }
0x36: {  	[sflag:s30] =	ssyncset.done $0x0  }
0x37: {  	[sflag:s30] =	ssyncadd.s32 $0xFFFFC000  }
0x38: {  	[spmem:s1] =	stream.indirect.scatter.add.f32 [tilespmem:s25], [sflag:$0x7], $0x80, s20, s20, $0xb8;
	[tilespmem:$0x1BE00] =	vst v63  }
0x39: {  	_ =	swait.ge [sflag:s31], $0x80  }
0x3a: {  	[sflag:s31] =	ssyncset.done $0x0  }
0x3b: {  	[sflag:s31] =	ssyncadd.s32 $0xFFFFFF80  }
0x3c: {  	_ =	swait.ge [sflag:s0], $0x4000  }
0x3d: {  	[sflag:s0] =	ssyncset.done $0x0  }
0x3e: {  	[sflag:s0] =	ssyncadd.s32 $0xFFFFC000  }
0x3f: {  	[spmem:s1] =	stream.indirect.scatter.add.f32 [tilespmem:s28], [sflag:$0x8], $0x80, s22, s20, $0xb8;
	[tilespmem:$0x1BE00] =	vst v63  }
0x40: {  	_ =	swait.ge [sflag:s2], $0x4000  }
0x41: {  	[sflag:s2] =	ssyncset.done $0x0  }
0x42: {  	s9 =	sadd.s32 $0x0, s18;
	[sflag:s2] =	ssyncadd.s32 $0xFFFFC000  }
0x43: {  	[tilespmem:s3], [sflag:$0x1] =	stream.linear.gather [hbm4b:s9+s3], $0x80, $0x38;
	[tilespmem:$0x1BE00] =	vst v63  }
0x44: {  	s10 =	sadd.s32 $0x0, s19  }
0x45: {  	[tilespmem:s20], [sflag:$0x2] =	stream.linear.gather [hbm4b:s10+s3], $0x80, $0x38;
	[tilespmem:$0x1BE00] =	vst v63  }
0x46: {  	_ =	swait.ge [sflag:s5], $0x4000  }
0x47: {  	s12 =	sadd.s32 $0x0, s16;
	[sflag:s5] =	ssyncset.done $0x0  }
0x48: {  	s8 =	simm.s32 $0x400;
	s9 =	sadd.s32 $0x0, s17;
	[sflag:s5] =	ssyncadd.s32 $0xFFFFC000  }
0x49: {  	[tilespmem:s21], [sflag:$0x3] =	stream.linear.gather [hbm4b:s12+s3], $0x80, $0x38;
	[tilespmem:$0x1BE00] =	vst v63  }
.LBB2_2:
0x4a: {  	[tilespmem:s22], [sflag:$0x4] =	stream.linear.gather [hbm4b:s9+s3], $0x80, $0x38;
	[tilespmem:$0x1BE00] =	vst v63  }
0x4b: {  	s9 =	smov.u32 s8  }
0x4c: {  	p1 =	sne.s32 s8, $0x9400;
	s8 =	sadd.s32 $0x400, s8;
	_ =	swait.ge [sflag:s24], $0x80  }
0x4d: {  	[sflag:s24] =	ssyncset.done $0x0  }
0x4e: {  	[sflag:s24] =	ssyncadd.s32 $0xFFFFFF80  }
0x4f: {  	[tilespmem:s25], [sflag:$0x5] =	stream.indirect.gather [hbm4b:s4+s20], $0x80, s3, s20, $0xb8;
	[tilespmem:$0x1BE00] =	vst v63  }
0x50: {  	_ =	swait.ge [sflag:s26], $0x80  }
0x51: {  	[sflag:s26] =	ssyncset.done $0x0  }
0x52: {  	[sflag:s26] =	ssyncadd.s32 $0xFFFFFF80  }
0x53: {  	[tilespmem:s28], [sflag:$0x6] =	stream.indirect.gather [hbm4b:s4+s20], $0x80, s21, s20, $0xb8;
	[tilespmem:$0x1BE00] =	vst v63  }
0x54: {  	_ =	swait.ge [sflag:s29], $0x80  }
0x55: {  	[sflag:s29] =	ssyncset.done $0x0  }
0x56: {  	[sflag:s29] =	ssyncadd.s32 $0xFFFFFF80  }
0x57: {  	_ =	swait.ge [sflag:s30], $0x4000  }
0x58: {  	[sflag:s30] =	ssyncset.done $0x0  }
0x59: {  	[sflag:s30] =	ssyncadd.s32 $0xFFFFC000  }
0x5a: {  	[spmem:s1] =	stream.indirect.scatter.add.f32 [tilespmem:s25], [sflag:$0x7], $0x80, s20, s20, $0xb8;
	[tilespmem:$0x1BE00] =	vst v63  }
0x5b: {  	_ =	swait.ge [sflag:s31], $0x80  }
0x5c: {  	[sflag:s31] =	ssyncset.done $0x0  }
0x5d: {  	[sflag:s31] =	ssyncadd.s32 $0xFFFFFF80  }
0x5e: {  	_ =	swait.ge [sflag:s0], $0x4000  }
0x5f: {  	[sflag:s0] =	ssyncset.done $0x0  }
0x60: {  	[sflag:s0] =	ssyncadd.s32 $0xFFFFC000  }
0x61: {  	[spmem:s1] =	stream.indirect.scatter.add.f32 [tilespmem:s28], [sflag:$0x8], $0x80, s22, s20, $0xb8;
	[tilespmem:$0x1BE00] =	vst v63  }
0x62: {  	_ =	swait.ge [sflag:s2], $0x4000  }
0x63: {  	[sflag:s2] =	ssyncset.done $0x0  }
0x64: {  	s10 =	sadd.s32 s9, s18;
	[sflag:s2] =	ssyncadd.s32 $0xFFFFC000  }
0x65: {  	[tilespmem:s3], [sflag:$0x1] =	stream.linear.gather [hbm4b:s10+s3], $0x80, $0x38;
	[tilespmem:$0x1BE00] =	vst v63  }
0x66: {  	s10 =	sadd.s32 s9, s19  }
0x67: {  	[tilespmem:s20], [sflag:$0x2] =	stream.linear.gather [hbm4b:s10+s3], $0x80, $0x38;
	[tilespmem:$0x1BE00] =	vst v63  }
.Ltmp0:
0x68: {  	_ =	swait.ge [sflag:s5], $0x4000;
	(pc) =	sbr.rel @p1 .LBB2_2-.Ltmp0, $4  }
0x69: {  	[sflag:s5] =	ssyncset.done $0x0  }
0x6a: {  	s10 =	sadd.s32 s9, s16;
	[sflag:s5] =	ssyncadd.s32 $0xFFFFC000  }
0x6b: {  	[tilespmem:s21], [sflag:$0x3] =	stream.linear.gather [hbm4b:s10+s3], $0x80, $0x38;
	[tilespmem:$0x1BE00] =	vst v63  }
0x6c: {  	s9 =	sadd.s32 s9, s17  }
0x6d: {  	[tilespmem:s22], [sflag:$0x4] =	stream.linear.gather [hbm4b:s9+s3], $0x80, $0x38;
	[tilespmem:$0x1BE00] =	vst v63  }
0x6e: {  	_ =	swait.ge [sflag:s24], $0x80  }
0x6f: {  	[sflag:s24] =	ssyncset.done $0x0  }
0x70: {  	[sflag:s24] =	ssyncadd.s32 $0xFFFFFF80  }
0x71: {  	[tilespmem:s25], [sflag:$0x5] =	stream.indirect.gather [hbm4b:s4+s20], $0x80, s3, s20, $0xb8;
	[tilespmem:$0x1BE00] =	vst v63  }
0x72: {  	_ =	swait.ge [sflag:s26], $0x80  }
0x73: {  	[sflag:s26] =	ssyncset.done $0x0  }
0x74: {  	[sflag:s26] =	ssyncadd.s32 $0xFFFFFF80  }
0x75: {  	[tilespmem:s28], [sflag:$0x6] =	stream.indirect.gather [hbm4b:s4+s20], $0x80, s21, s20, $0xb8;
	[tilespmem:$0x1BE00] =	vst v63  }
0x76: {  	_ =	swait.ge [sflag:s29], $0x80  }
0x77: {  	[sflag:s29] =	ssyncset.done $0x0  }
0x78: {  	[sflag:s29] =	ssyncadd.s32 $0xFFFFFF80  }
0x79: {  	_ =	swait.ge [sflag:s30], $0x4000  }
0x7a: {  	[sflag:s30] =	ssyncset.done $0x0  }
0x7b: {  	[sflag:s30] =	ssyncadd.s32 $0xFFFFC000  }
0x7c: {  	[spmem:s1] =	stream.indirect.scatter.add.f32 [tilespmem:s25], [sflag:$0x7], $0x80, s20, s20, $0xb8;
	[tilespmem:$0x1BE00] =	vst v63  }
0x7d: {  	_ =	swait.ge [sflag:s31], $0x80  }
0x7e: {  	[sflag:s31] =	ssyncset.done $0x0  }
0x7f: {  	[sflag:s31] =	ssyncadd.s32 $0xFFFFFF80  }
0x80: {  	_ =	swait.ge [sflag:s0], $0x4000  }
0x81: {  	[sflag:s0] =	ssyncset.done $0x0  }
0x82: {  	[sflag:s0] =	ssyncadd.s32 $0xFFFFC000  }
0x83: {  	[spmem:s1] =	stream.indirect.scatter.add.f32 [tilespmem:s28], [sflag:$0x8], $0x80, s22, s20, $0xb8;
	[tilespmem:$0x1BE00] =	vst v63  }
0x84: {  	_ =	swait.ge [sflag:s2], $0x4000  }
0x85: {  	[sflag:s2] =	ssyncset.done $0x0  }
0x86: {  	[sflag:s2] =	ssyncadd.s32 $0xFFFFC000  }
0x87: {  	_ =	swait.ge [sflag:s5], $0x4000  }
0x88: {  	[sflag:s5] =	ssyncset.done $0x0  }
0x89: {  	s8 =	simm.s32 @!p0 $0x0;
	s9 =	rddreg [dreg:$0x9];
	[sflag:s5] =	ssyncadd.s32 $0xFFFFC000  }
0x8a: {  	[tilespmem:s8], [sflag:$0x9] =	stream.linear.gather @!p0 [hbm4b:s9+s8], $0x80, $0x38;
	[tilespmem:$0x1BE00] =	vst v63  }
0x8b: {  	s9 =	simm.s32 @!p0 $0x9  }
0x8c: {  	_ =	swait.ge @!p0 [sflag:s9], $0x80  }
0x8d: {  	[sflag:s9] =	ssyncset.done @!p0 $0x0  }
0x8e: {  	s10 =	simm.s32 @!p0 $0x80;
	[sflag:s9] =	ssyncadd.s32 @!p0 $0xFFFFFF80  }
0x8f: {  	[tilespmem:s10], [sflag:$0x9] =	stream.linear.gather @!p0 [hbm4b:s13+s8], $0x80, $0x38;
	[tilespmem:$0x1BE00] =	vst v63  }
0x90: {  	_ =	swait.ge @!p0 [sflag:s9], $0x80  }
0x91: {  	[sflag:s9] =	ssyncset.done @!p0 $0x0  }
0x92: {  	s12 =	simm.s32 @!p0 $0x200;
	[sflag:s9] =	ssyncadd.s32 @!p0 $0xFFFFFF80  }
0x93: {  	[tilespmem:s12], [sflag:$0x5] =	stream.indirect.gather @!p0 [hbm4b:s4+s10], $0x80, s8, s10, $0xb8;
	[tilespmem:$0x1BE00] =	vst v63  }
0x94: {  	s8 =	simm.s32 @!p0 $0x5  }
0x95: {  	_ =	swait.ge @!p0 [sflag:s8], $0x4000  }
0x96: {  	[sflag:s8] =	ssyncset.done @!p0 $0x0  }
0x97: {  	[sflag:s8] =	ssyncadd.s32 @!p0 $0xFFFFC000  }
0x98: {  	[spmem:s1] =	stream.indirect.scatter.add.f32 @!p0 [tilespmem:s12], [sflag:$0x9], $0x80, s10, s10, $0xb8;
	[tilespmem:$0x1BE00] =	vst v63  }
0x99: {  	_ =	swait.ge @!p0 [sflag:s9], $0x4000  }
0x9a: {  	s6 =	sadd.s32 $0x1, s6;
	[sflag:s9] =	ssyncset.done @!p0 $0x0  }
0x9b: {  	p1 =	sne.s32 s6, s15;
	[sflag:s9] =	ssyncadd.s32 @!p0 $0xFFFFC000  }
.Ltmp1:
0x9c: {  	[bflag:$0x0] =	sbarrier.arrive $0xFFFF;
	(pc) =	sbr.rel @p1 .LBB2_1-.Ltmp1, $4  }
0x9d: {  	[hbm:s14], [sflag:s11] =	dma.local [spmem:s7], $0x2780  }
0x9e: {  	_ =	swait.ge [sflag:s23], $0x2780  }
0x9f: {  	[sflag:s23] =	ssyncset.done $0x0  }
0xa0: {  	[sflag:s23] =	ssyncadd.s32 $0xFFFFD880  }
0xa1: {  	_ =	sfence.sel $0x180000  }
0xa2: {  	[bflag:$0x0] =	sbarrier.arrive $0xFFFF  }
0xa3: {  	_ =	strace $0x9000004D  }
0xa4: {  	s0 =	stileid.u32;
	[bflag:$0x2] =	sbarrier.arrive $0xFFFF  }
0xa5: {  	p0 =	sne.s32 s0, $0x0;
	s0 =	rddreg [dreg:$0x2]  }
0xa6: {  	s0 =	sadd.s32 @!p0 $0x100000, s0  }
0xa7: {  	[sflag:s0] =	ssyncadd.tile.s32 @!p0 $0x1;
	_ =	shalt  }
.Lfunc_end2:
_tile_overlayer_lowered:
.L_overlay_start_2:
0xa8: {  	(tag) =	ssettag $0x2  }
0xa9: {  	s0 =	rddreg [dreg:$0x0];
	s2 =	stileid.u32  }
0xaa: {  	s1 =	rddreg [dreg:$0x1];
	p0 =	sne.s32 s2, $0x0  }
0xab: {  	s3 =	rddreg [dreg:$0x2];
	[bflag:$0x3] =	sbarrier.arrive $0xFFFF;
	s2 =	simm.s32 @!p0 $0x1C09  }
0xac: {  	[timem:s3], [sflag:s2] =	dma.local @!p0 [hbm:s0], s1  }
0xad: {  	s0 =	simm.s32 @!p0 $0x9  }
0xae: {  	_ =	swait.ge @!p0 [sflag:s0], s1  }
0xaf: {  	s1 =	ssub.s32 @!p0 $0x0, s1;
	[sflag:s0] =	ssyncset.done @!p0 $0x0  }
0xb0: {  	[sflag:s0] =	ssyncadd.s32 @!p0 s1  }
0xb1: {  	[bflag:$0x3] =	sbarrier.arrive $0xFFFF  }
0xb2: {  	_ =	shalt  }

// kernel: kernel.23.cloned.1.call-start
scs
__scs_entry_jumppad:
0x0: {  	(pc) =	sbr.rel $0x88, $3  }
0x1: {  	(tag) =	ssettag $0x0;
	lr =	simm.s32 $0x1  }
0x2: {  	[smem:$0x3F89] =	sst lr;
	_ =	strace $0xD0000000  }
0x3: {  	_ = 	snop  }
0x4: {  	_ = 	snop  }
0x5: {  	_ = 	snop  }
0x6: {  	_ = 	snop  }
0x7: {  	_ = 	snop  }
__scs_overlays_trampoline_lowered:
0x8: {  	[smem:$0x3F98] =	sst s0  }
0x9: {  	[smem:$0x3F99] =	sst s1  }
0xa: {  	[smem:$0x3F9A] =	sst s2  }
0xb: {  	[smem:$0x3F9B] =	sst s3  }
0xc: {  	[smem:$0x3F9C] =	sst s4  }
0xd: {  	[smem:$0x3F9D] =	sst s5  }
0xe: {  	[smem:$0x3F9E] =	sst s6  }
0xf: {  	[smem:$0x3F9F] =	sst s7  }
0x10: {  	[smem:$0x3FA0] =	sst s8  }
0x11: {  	[smem:$0x3FA1] =	sst s9;
	s0 =	simm.s32 @!p0 $0x0  }
0x12: {  	s1 =	sld [smem:$0x3F87];
	s0 =	simm.s32 @p0 $0x1  }
0x13: {  	[smem:$0x3FA2] =	sst s0;
	s0 =	simm.s32 @!p1 $0x0  }
0x14: {  	s2 =	sld [smem:$0x3F86];
	s0 =	simm.s32 @p1 $0x1  }
0x15: {  	[smem:$0x3FA3] =	sst s0;
	s0 =	simm.s32 @!p2 $0x0  }
0x16: {  	s3 =	sld [smem:$0x3FDB];
	s0 =	simm.s32 @p2 $0x1  }
0x17: {  	s4 =	simm.s32 $0x1BF5;
	[smem:$0x3FA5] =	sst s0  }
0x18: {  	s0 =	sld [smem:$0x3F88];
	_ =	swait.ge [sflag:s4], $0x0  }
0x19: {  	s7 =	sld [smem:$0x3F89]  }
0x1a: {  	s8 =	sadd.s32 $0xFFFFE003, lr  }
0x1b: {  	s9 =	sadd.s32 $0xFFFFFEF7, lr;
	s5 =	simm.s32 $0xFFFFFFFF;
	p2 =	slt.u32 s8, $0xFFFFF086  }
0x1c: {  	p1 =	slt.u32 s9, $0xF7A;
	s5 =	simm.s32 @!p2 $0x0  }
0x1d: {  	s5 =	simm.s32 @p1 $0x1;
	p0 =	seq.s32 s7, s2  }
0x1e: {  	s7 =	smul.u32 @!p0 $0xF7A, s2;
	p2 =	seq.s32 @!p0 s5, $0x0  }
0x1f: {  	s9 =	smul.u32 $0xF7A, s1;
	s8 =	simm.s32 @!p0 $0x1BF5;
	p2 =	por !p2, p0  }
0x20: {  	[sflag:s8] =	ssyncset.s32 @!p0 $0xFFFFF086;
	s6 =	sadd.s32 @!p0 s3, s7;
	s7 =	simm.s32 @!p0 $0x108  }
0x21: {  	s3 =	sadd.s32 s3, s9;
	s6 =	sadd.s32 @!p0 $0x88, s6;
	s7 =	simm.s32 @p2 $0x1082  }
0x22: {  	[simem:s7], [sflag:s8] =	dma.local @!p0 [hbm:s6], $0xF7A  }
0x23: {  	s9 =	sor.u32 $0xD0000000, s2;
	s6 =	simm.s32 $0x108;
	_ =	swait.ge @!p0 [sflag:s8], $0x0  }
0x24: {  	s3 =	sadd.s32 $0x88, s3;
	s6 =	simm.s32 @!p1 $0x1082;
	[sflag:s4] =	ssyncset.s32 $0xFFFFF086  }
0x25: {  	[simem:s6], [sflag:s4] =	dma.local [hbm:s3], $0xF7A  }
0x26: {  	[smem:$0x3F89] =	sst s1;
	(tag) =	ssettag s2;
	_ =	strace s9  }
0x27: {  	s1 =	sld [smem:$0x3F99]  }
0x28: {  	s2 =	sld [smem:$0x3F9A]  }
0x29: {  	s4 =	sld [smem:$0x3F9C]  }
0x2a: {  	p0 =	seq.s32 s5, $0x0;
	s5 =	sld [smem:$0x3F9D]  }
0x2b: {  	s6 =	sld [smem:$0x3F9E]  }
0x2c: {  	s7 =	sld [smem:$0x3F9F]  }
0x2d: {  	s3 =	simm.s32 $0x108;
	s8 =	sld [smem:$0x3FA0]  }
0x2e: {  	s3 =	simm.s32 @!p0 $0x1082;
	s9 =	sld [smem:$0x3FA1]  }
0x2f: {  	lr =	sadd.s32 s0, s3;
	s0 =	sld [smem:$0x3F98]  }
0x30: {  	s3 =	sld [smem:$0x3F9B]  }
0x31: {  	[smem:$0x3FA4] =	sst s10  }
0x32: {  	s10 =	sld [smem:$0x3FA2];
	_ =	sdelay $0x3  }
0x33: {  	p0 =	seq.s32 s10, $0x1;
	s10 =	sld [smem:$0x3FA4];
	_ =	sdelay $0x3  }
0x34: {  	[smem:$0x3FA4] =	sst s10  }
0x35: {  	s10 =	sld [smem:$0x3FA3];
	_ =	sdelay $0x3  }
0x36: {  	p1 =	seq.s32 s10, $0x1;
	s10 =	sld [smem:$0x3FA4];
	_ =	sdelay $0x3  }
0x37: {  	[smem:$0x3FA4] =	sst s10  }
0x38: {  	s10 =	sld [smem:$0x3FA5]  }
0x39: {  	_ = 	snop;
	(pc) =	sbr.ind lr, $3  }
0x3a: {  	_ = 	snop  }
0x3b: {  	_ = 	snop  }
0x3c: {  	p2 =	seq.s32 s10, $0x1;
	s10 =	sld [smem:$0x3FA4]  }
0x3d: {  	_ =	shalt  }
0x3e: {  	_ =	shalt  }
0x3f: {  	_ =	shalt  }
0x40: {  	_ =	shalt  }
0x41: {  	_ =	shalt  }
0x42: {  	_ =	shalt  }
0x43: {  	_ =	shalt  }
0x44: {  	_ =	shalt  }
0x45: {  	_ =	shalt  }
0x46: {  	_ =	shalt  }
0x47: {  	_ =	shalt  }
0x48: {  	_ =	shalt  }
0x49: {  	_ =	shalt  }
0x4a: {  	_ =	shalt  }
0x4b: {  	_ =	shalt  }
0x4c: {  	_ =	shalt  }
0x4d: {  	_ =	shalt  }
0x4e: {  	_ =	shalt  }
0x4f: {  	_ =	shalt  }
0x50: {  	_ =	shalt  }
0x51: {  	_ =	shalt  }
0x52: {  	_ =	shalt  }
0x53: {  	_ =	shalt  }
0x54: {  	_ =	shalt  }
0x55: {  	_ =	shalt  }
0x56: {  	_ =	shalt  }
0x57: {  	_ =	shalt  }
0x58: {  	_ =	shalt  }
0x59: {  	_ =	shalt  }
0x5a: {  	_ =	shalt  }
0x5b: {  	_ =	shalt  }
0x5c: {  	_ =	shalt  }
0x5d: {  	_ =	shalt  }
0x5e: {  	_ =	shalt  }
0x5f: {  	_ =	shalt  }
0x60: {  	_ =	shalt  }
0x61: {  	_ =	shalt  }
0x62: {  	_ =	shalt  }
0x63: {  	_ =	shalt  }
0x64: {  	_ =	shalt  }
0x65: {  	_ =	shalt  }
0x66: {  	_ =	shalt  }
0x67: {  	_ =	shalt  }
0x68: {  	_ =	shalt  }
0x69: {  	_ =	shalt  }
0x6a: {  	_ =	shalt  }
0x6b: {  	_ =	shalt  }
0x6c: {  	_ =	shalt  }
0x6d: {  	_ =	shalt  }
0x6e: {  	_ =	shalt  }
0x6f: {  	_ =	shalt  }
0x70: {  	_ =	shalt  }
0x71: {  	_ =	shalt  }
0x72: {  	_ =	shalt  }
0x73: {  	_ =	shalt  }
0x74: {  	_ =	shalt  }
0x75: {  	_ =	shalt  }
0x76: {  	_ =	shalt  }
0x77: {  	_ =	shalt  }
0x78: {  	_ =	shalt  }
0x79: {  	_ =	shalt  }
0x7a: {  	_ =	shalt  }
0x7b: {  	_ =	shalt  }
0x7c: {  	_ =	shalt  }
0x7d: {  	_ =	shalt  }
0x7e: {  	_ =	shalt  }
0x7f: {  	_ =	shalt  }
0x80: {  	_ =	shalt  }
0x81: {  	_ =	shalt  }
0x82: {  	_ =	shalt  }
0x83: {  	_ =	shalt  }
0x84: {  	_ =	shalt  }
0x85: {  	_ =	shalt  }
0x86: {  	_ =	shalt  }
0x87: {  	_ =	shalt  }
.Lfunc_end0:
.L_simem_size_0:
called_computation.3_lowered:
.L_overlay_start_0:
0x88: {  	s2 =	sld [smem:$0x3FD9]  }
0x89: {  	s3 =	sld [smem:$0x3FFE];
	_ =	sdelay $0x1  }
0x8a: {  	s1 =	srdreg.scid  }
0x8b: {  	s0 =	sand.u32 $0x1, s1  }
0x8c: {  	s16 =	sshll.u32 s0, $0xA;
	s2 =	sadd.s32 s3, s2  }
0x8d: {  	s2 =	sadd.s32 s2, s16  }
0x8e: {  	[smem:$0x3FB0] =	sst s2  }
0x8f: {  	_ = 	snop  }
0x90: {  	(tm) =	ssettm $0x1  }
0x91: {  	s17 =	sld [smem:$0x3FFB];
	_ =	sdelay $0x3  }
0x92: {  	_ =	strace s17  }
0x93: {  	s2 =	sld [smem:$0x3FFC];
	_ =	sdelay $0x3  }
0x94: {  	_ =	strace s2  }
0x95: {  	s2 =	sld [smem:$0x3FFD];
	_ =	sdelay $0x3  }
0x96: {  	_ =	strace s2  }
0x97: {  	_ =	strace $0x8FFFFFFF  }
0x98: {  	s18 =	sld [smem:$0x3FDB];
	_ =	sdelay $0x1  }
0x99: {  	s19 =	simm.s32 $_scs_section_size  }
0x9a: {  	s4 =	simm.s32 $_size__tile_overlayer_lowered;
	s5 =	simm.s32 $_tile_overlayer_lowered  }
0x9b: {  	s22 =	simm.s32 $0x1BFF;
	s21 =	sshll.u32 s5, $0x1;
	s2 =	sadd.s32 s19, s18  }
0x9c: {  	s6 =	simm.s32 $0x0;
	s20 =	sshll.u32 s4, $0x1;
	s4 =	sadd.s32 s21, s2  }
0x9d: {  	[timem:s6], [sflag:s22] =	dma.local [hbm:s4], s20  }
0x9e: {  	_ =	swait.ge [sflag:s22], s20  }
0x9f: {  	s3 =	ssub.s32 $0x0, s20;
	[sflag:s22] =	ssyncset.done $0x0  }
0xa0: {  	[sflag:s22] =	ssyncadd.s32 s3;
	_ =	sdelay $0x1  }
0xa1: {  	s23 =	simm.s32 $0x1B8B  }
0xa2: {  	_ =	swait.ge [sflag:s23], $0x1  }
0xa3: {  	[sflag:s23] =	ssyncset.done $0x0  }
0xa4: {  	s25 =	simm.s32 $0x1B8E;
	s24 =	sld [smem:$0x3FFE];
	[sflag:s23] =	ssyncadd.s32 $0xFFFFFFFF  }
0xa5: {  	s26 =	simm.s32 $execute0_lowered;
	[smem:$0x3FD2] =	sst s25  }
0xa6: {  	s4 =	sshll.u32 s26, $0x1;
	_ =	strace $0x8000004F;
	[dreg:$0x1] =	wrdreg $0xFFFFFFFF  }
0xa7: {  	s28 =	simm.s32 $_size_execute0_lowered;
	s2 =	sadd.s32 s2, s4;
	[dreg:$0x0] =	wrdreg $0x0  }
0xa8: {  	s4 =	sshll.u32 s28, $0x1;
	[dreg:$0x2] =	wrdreg s2  }
0xa9: {  	[dreg:$0x3] =	wrdreg s4  }
0xaa: {  	[dreg:$0x4] =	wrdreg $0xC0  }
0xab: {  	_ =	task [dreg:s6], $0x5FFFF  }
0xac: {  	[dreg:$0x1] =	wrdreg $0xFFFFFFFF  }
0xad: {  	[dreg:$0x0] =	wrdreg $0x60  }
0xae: {  	[dreg:$0x2] =	wrdreg s24  }
0xaf: {  	[dreg:$0x3] =	wrdreg $0x82000  }
0xb0: {  	[dreg:$0x4] =	wrdreg $0x9  }
0xb1: {  	_ =	task.clear_ibuf [dreg:s6], $0x5FFFF;
	_ =	strace $0x9000004F  }
0xb2: {  	s29 =	simm.s32 $0x9;
	_ =	strace $0x80000051  }
0xb3: {  	_ =	swait.ge [sflag:s29], $0x1  }
0xb4: {  	[sflag:s29] =	ssyncadd.s32 $0xFFFFFFFF  }
0xb5: {  	_ =	strace $0x90000051  }
0xb6: {  	_ =	sfence  }
0xb7: {  	s30 =	sld [smem:$0x0];
	_ =	sdelay $0x2  }
0xb8: {  	s31 =	sshll.u32 s1, $0xD;
	s1 =	sshrl.u32 s1, $0x2  }
0xb9: {  	s3 =	sand.u32 $0x4000, s31;
	s1 =	sadd.s32 s1, s30  }
0xba: {  	s0 =	sor.u32 s3, s0;
	s1 =	sshll.u32 s1, $0x11  }
0xbb: {  	s0 =	sor.u32 s1, s0  }
0xbc: {  	s0 =	sadd.s32 $0x8F2B, s0  }
0xbd: {  	[sflag:s0] =	ssyncadd.remote.s32 $0x1  }
0xbe: {  	_ =	sfence.sel $0xFFFF  }
0xbf: {  	[dreg:$0x0] =	wrdreg $0xFFFFFFFF;
	(pc) =	sbr.abs _section_cstart, $3  }
0xc0: {  	[dreg:$0x1] =	wrdreg $0xFFFFFFFF  }
0xc1: {  	_ =	task.clear_ibuf [dreg:s6], $0x2FFFF;
	_ =	strace $0x9FFFFFFF  }
0xc2: {  	(tm) =	ssettm $0x7FFFFFFF  }
0xc3: {  	_ =	shalt  }
tec
execute0_lowered:
.L_overlay_start_1:
0x0: {  	(tag) =	ssettag $0x1  }
0x1: {  	s0 =	rddreg [dreg:$0x0]  }
0x2: {  	s1 =	rddreg [dreg:$0x1]  }
0x3: {  	s2 =	srdreg.scid;
	s3 =	simm.s32 $0x0;
	s12 =	stileid.u32  }
0x4: {  	s28 =	simm.s32 $0x4200;
	s29 =	simm.s32 $0x2;
	s30 =	simm.s32 $0x5  }
0x5: {  	s31 =	simm.s32 $0x4;
	s2 =	sand.u32 $0x1, s2;
	[smem:$0x7FF] =	sst s3  }
0x6: {  	s6 =	smul.u32 $0x13C00, s12;
	s4 =	sadd.s32 $0x18A00, s0;
	s7 =	sadd.s32 $0xEC00, s0  }
0x7: {  	s8 =	sadd.s32 $0x103000, s0;
	s9 =	sshll.u32 s12, $0x5;
	s10 =	smul.u32 $0x4F000, s12  }
0x8: {  	s18 =	sshll.u32 s12, $0x6;
	p0 =	sgt.u32 s12, $0x1;
	s5 =	smul.u32 $0x13C000, s2  }
0x9: {  	_ =	strace $0x80000050;
	[dreg:$0x3] =	wrdreg s8;
	s11 =	ssub.s32 $0x2, s2  }
0xa: {  	s2 =	sshll.u32 s2, $0x4;
	s21 =	sor.u32 $0x600, s9;
	s24 =	sor.u32 $0x400, s9  }
0xb: {  	s13 =	sshrl.u32 s11, $0x1;
	s2 =	sor.u32 s2, s9;
	s17 =	sshrl.u32 s10, $0x2  }
0xc: {  	s22 =	sand.u32 $0x780, s21;
	s25 =	sand.u32 $0x580, s24;
	s21 =	simm.s32 $0x100  }
0xd: {  	s24 =	simm.s32 $0x1;
	s5 =	sadd.s32 s6, s5;
	s6 =	sadd.s32 $0x4E00, s0  }
0xe: {  	s14 =	sor.u32 $0x200, s2;
	s19 =	sor.u32 $0x9C00, s2;
	s23 =	sadd.s32 s22, s7  }
0xf: {  	s26 =	sadd.s32 s25, s7;
	s5 =	sshrl.u32 s5, $0x3;
	s15 =	sadd.s32 s6, s2  }
0x10: {  	s16 =	sadd.s32 s7, s14;
	s8 =	sadd.s32 s6, s14;
	[dreg:$0x5] =	wrdreg s15  }
0x11: {  	s20 =	sadd.s32 s7, s19;
	s0 =	sadd.s32 s5, s0;
	[dreg:$0x6] =	wrdreg s16  }
0x12: {  	s5 =	ssub.s32 s11, s13;
	s11 =	sadd.s32 s7, s2;
	[dreg:$0x7] =	wrdreg s8  }
0x13: {  	s8 =	sadd.s32 s17, s1;
	[dreg:$0x9] =	wrdreg s20;
	s13 =	sadd.s32 s6, s19  }
0x14: {  	s2 =	sand.u32 $0x70, s2;
	s20 =	simm.s32 $0x80;
	[dreg:$0x4] =	wrdreg s11  }
0x15: {  	[dreg:$0x8] =	wrdreg s8;
	s11 =	sor.u32 $0x1C09, s18;
	s14 =	sadd.s32 $0x105800, s0  }
0x16: {  	s15 =	smax.u32 s5, $0x1;
	s16 =	sadd.s32 s2, s23;
	s0 =	sadd.s32 s22, s6  }
0x17: {  	s5 =	sadd.s32 s25, s6;
	s18 =	sadd.s32 s2, s26;
	s22 =	simm.s32 $0x180  }
0x18: {  	s23 =	simm.s32 $0x9;
	s25 =	simm.s32 $0x200;
	s26 =	simm.s32 $0x3  }
0x19: {  	s6 =	simm.s32 $0x0;
	s17 =	sadd.s32 s2, s0;
	s19 =	sadd.s32 s2, s5  }
0x1a: {  	s0 =	simm.s32 $0x6;
	s2 =	simm.s32 $0x7;
	s5 =	simm.s32 $0x8  }
.LBB2_1:
0x1b: {  	s7 =	rddreg [dreg:$0x4]  }
0x1c: {  	s9 =	rddreg [dreg:$0x5]  }
0x1d: {  	s10 =	rddreg [dreg:$0x6]  }
0x1e: {  	[tilespmem:s3], [sflag:$0x1] =	stream.linear.gather [hbm4b:s7+s3], $0x80, $0x38;
	[tilespmem:$0x1BE00] =	vst v63  }
0x1f: {  	s12 =	rddreg [dreg:$0x7]  }
0x20: {  	[tilespmem:s20], [sflag:$0x2] =	stream.linear.gather [hbm4b:s9+s3], $0x80, $0x38;
	[tilespmem:$0x1BE00] =	vst v63  }
0x21: {  	s8 =	rddreg [dreg:$0x8]  }
0x22: {  	[tilespmem:s21], [sflag:$0x3] =	stream.linear.gather [hbm4b:s10+s3], $0x80, $0x38;
	[tilespmem:$0x1BE00] =	vst v63  }
0x23: {  	s7 =	sshrl.u32 s8, $0x3;
	s8 =	rddreg [dreg:$0x3]  }
0x24: {  	[tilespmem:s22], [sflag:$0x4] =	stream.linear.gather [hbm4b:s12+s3], $0x80, $0x38;
	[tilespmem:$0x1BE00] =	vst v63  }
0x25: {  	[spmem:s7], [sflag:s11] =	dma.local [hbm:s8], $0x2780  }
0x26: {  	_ =	swait.ge [sflag:s23], $0x2780  }
0x27: {  	[sflag:s23] =	ssyncset.done $0x0  }
0x28: {  	[sflag:s23] =	ssyncadd.s32 $0xFFFFD880  }
0x29: {  	[bflag:$0x0] =	sbarrier.arrive $0xFFFF  }
0x2a: {  	_ =	swait.ge [sflag:s24], $0x80  }
0x2b: {  	[sflag:s24] =	ssyncset.done $0x0  }
0x2c: {  	[sflag:s24] =	ssyncadd.s32 $0xFFFFFF80  }
0x2d: {  	[tilespmem:s25], [sflag:$0x5] =	stream.indirect.gather [hbm4b:s4+s20], $0x80, s3, s20, $0xb8;
	[tilespmem:$0x1BE00] =	vst v63  }
0x2e: {  	_ =	swait.ge [sflag:s26], $0x80  }
0x2f: {  	[sflag:s26] =	ssyncset.done $0x0  }
0x30: {  	[sflag:s26] =	ssyncadd.s32 $0xFFFFFF80  }
0x31: {  	[tilespmem:s28], [sflag:$0x6] =	stream.indirect.gather [hbm4b:s4+s20], $0x80, s21, s20, $0xb8;
	[tilespmem:$0x1BE00] =	vst v63  }
0x32: {  	_ =	swait.ge [sflag:s29], $0x80  }
0x33: {  	[sflag:s29] =	ssyncset.done $0x0  }
0x34: {  	[sflag:s29] =	ssyncadd.s32 $0xFFFFFF80  }
0x35: {  	_ =	swait.ge [sflag:s30], $0x4000  }
0x36: {  	[sflag:s30] =	ssyncset.done $0x0  }
0x37: {  	[sflag:s30] =	ssyncadd.s32 $0xFFFFC000  }
0x38: {  	[spmem:s1] =	stream.indirect.scatter.add.f32 [tilespmem:s25], [sflag:$0x7], $0x80, s20, s20, $0xb8;
	[tilespmem:$0x1BE00] =	vst v63  }
0x39: {  	_ =	swait.ge [sflag:s31], $0x80  }
0x3a: {  	[sflag:s31] =	ssyncset.done $0x0  }
0x3b: {  	[sflag:s31] =	ssyncadd.s32 $0xFFFFFF80  }
0x3c: {  	_ =	swait.ge [sflag:s0], $0x4000  }
0x3d: {  	[sflag:s0] =	ssyncset.done $0x0  }
0x3e: {  	[sflag:s0] =	ssyncadd.s32 $0xFFFFC000  }
0x3f: {  	[spmem:s1] =	stream.indirect.scatter.add.f32 [tilespmem:s28], [sflag:$0x8], $0x80, s22, s20, $0xb8;
	[tilespmem:$0x1BE00] =	vst v63  }
0x40: {  	_ =	swait.ge [sflag:s2], $0x4000  }
0x41: {  	[sflag:s2] =	ssyncset.done $0x0  }
0x42: {  	s9 =	sadd.s32 $0x0, s18;
	[sflag:s2] =	ssyncadd.s32 $0xFFFFC000  }
0x43: {  	[tilespmem:s3], [sflag:$0x1] =	stream.linear.gather [hbm4b:s9+s3], $0x80, $0x38;
	[tilespmem:$0x1BE00] =	vst v63  }
0x44: {  	s10 =	sadd.s32 $0x0, s19  }
0x45: {  	[tilespmem:s20], [sflag:$0x2] =	stream.linear.gather [hbm4b:s10+s3], $0x80, $0x38;
	[tilespmem:$0x1BE00] =	vst v63  }
0x46: {  	_ =	swait.ge [sflag:s5], $0x4000  }
0x47: {  	s12 =	sadd.s32 $0x0, s16;
	[sflag:s5] =	ssyncset.done $0x0  }
0x48: {  	s8 =	simm.s32 $0x400;
	s9 =	sadd.s32 $0x0, s17;
	[sflag:s5] =	ssyncadd.s32 $0xFFFFC000  }
0x49: {  	[tilespmem:s21], [sflag:$0x3] =	stream.linear.gather [hbm4b:s12+s3], $0x80, $0x38;
	[tilespmem:$0x1BE00] =	vst v63  }
.LBB2_2:
0x4a: {  	[tilespmem:s22], [sflag:$0x4] =	stream.linear.gather [hbm4b:s9+s3], $0x80, $0x38;
	[tilespmem:$0x1BE00] =	vst v63  }
0x4b: {  	s9 =	smov.u32 s8  }
0x4c: {  	p1 =	sne.s32 s8, $0x9400;
	s8 =	sadd.s32 $0x400, s8;
	_ =	swait.ge [sflag:s24], $0x80  }
0x4d: {  	[sflag:s24] =	ssyncset.done $0x0  }
0x4e: {  	[sflag:s24] =	ssyncadd.s32 $0xFFFFFF80  }
0x4f: {  	[tilespmem:s25], [sflag:$0x5] =	stream.indirect.gather [hbm4b:s4+s20], $0x80, s3, s20, $0xb8;
	[tilespmem:$0x1BE00] =	vst v63  }
0x50: {  	_ =	swait.ge [sflag:s26], $0x80  }
0x51: {  	[sflag:s26] =	ssyncset.done $0x0  }
0x52: {  	[sflag:s26] =	ssyncadd.s32 $0xFFFFFF80  }
0x53: {  	[tilespmem:s28], [sflag:$0x6] =	stream.indirect.gather [hbm4b:s4+s20], $0x80, s21, s20, $0xb8;
	[tilespmem:$0x1BE00] =	vst v63  }
0x54: {  	_ =	swait.ge [sflag:s29], $0x80  }
0x55: {  	[sflag:s29] =	ssyncset.done $0x0  }
0x56: {  	[sflag:s29] =	ssyncadd.s32 $0xFFFFFF80  }
0x57: {  	_ =	swait.ge [sflag:s30], $0x4000  }
0x58: {  	[sflag:s30] =	ssyncset.done $0x0  }
0x59: {  	[sflag:s30] =	ssyncadd.s32 $0xFFFFC000  }
0x5a: {  	[spmem:s1] =	stream.indirect.scatter.add.f32 [tilespmem:s25], [sflag:$0x7], $0x80, s20, s20, $0xb8;
	[tilespmem:$0x1BE00] =	vst v63  }
0x5b: {  	_ =	swait.ge [sflag:s31], $0x80  }
0x5c: {  	[sflag:s31] =	ssyncset.done $0x0  }
0x5d: {  	[sflag:s31] =	ssyncadd.s32 $0xFFFFFF80  }
0x5e: {  	_ =	swait.ge [sflag:s0], $0x4000  }
0x5f: {  	[sflag:s0] =	ssyncset.done $0x0  }
0x60: {  	[sflag:s0] =	ssyncadd.s32 $0xFFFFC000  }
0x61: {  	[spmem:s1] =	stream.indirect.scatter.add.f32 [tilespmem:s28], [sflag:$0x8], $0x80, s22, s20, $0xb8;
	[tilespmem:$0x1BE00] =	vst v63  }
0x62: {  	_ =	swait.ge [sflag:s2], $0x4000  }
0x63: {  	[sflag:s2] =	ssyncset.done $0x0  }
0x64: {  	s10 =	sadd.s32 s9, s18;
	[sflag:s2] =	ssyncadd.s32 $0xFFFFC000  }
0x65: {  	[tilespmem:s3], [sflag:$0x1] =	stream.linear.gather [hbm4b:s10+s3], $0x80, $0x38;
	[tilespmem:$0x1BE00] =	vst v63  }
0x66: {  	s10 =	sadd.s32 s9, s19  }
0x67: {  	[tilespmem:s20], [sflag:$0x2] =	stream.linear.gather [hbm4b:s10+s3], $0x80, $0x38;
	[tilespmem:$0x1BE00] =	vst v63  }
.Ltmp0:
0x68: {  	_ =	swait.ge [sflag:s5], $0x4000;
	(pc) =	sbr.rel @p1 .LBB2_2-.Ltmp0, $4  }
0x69: {  	[sflag:s5] =	ssyncset.done $0x0  }
0x6a: {  	s10 =	sadd.s32 s9, s16;
	[sflag:s5] =	ssyncadd.s32 $0xFFFFC000  }
0x6b: {  	[tilespmem:s21], [sflag:$0x3] =	stream.linear.gather [hbm4b:s10+s3], $0x80, $0x38;
	[tilespmem:$0x1BE00] =	vst v63  }
0x6c: {  	s9 =	sadd.s32 s9, s17  }
0x6d: {  	[tilespmem:s22], [sflag:$0x4] =	stream.linear.gather [hbm4b:s9+s3], $0x80, $0x38;
	[tilespmem:$0x1BE00] =	vst v63  }
0x6e: {  	_ =	swait.ge [sflag:s24], $0x80  }
0x6f: {  	[sflag:s24] =	ssyncset.done $0x0  }
0x70: {  	[sflag:s24] =	ssyncadd.s32 $0xFFFFFF80  }
0x71: {  	[tilespmem:s25], [sflag:$0x5] =	stream.indirect.gather [hbm4b:s4+s20], $0x80, s3, s20, $0xb8;
	[tilespmem:$0x1BE00] =	vst v63  }
0x72: {  	_ =	swait.ge [sflag:s26], $0x80  }
0x73: {  	[sflag:s26] =	ssyncset.done $0x0  }
0x74: {  	[sflag:s26] =	ssyncadd.s32 $0xFFFFFF80  }
0x75: {  	[tilespmem:s28], [sflag:$0x6] =	stream.indirect.gather [hbm4b:s4+s20], $0x80, s21, s20, $0xb8;
	[tilespmem:$0x1BE00] =	vst v63  }
0x76: {  	_ =	swait.ge [sflag:s29], $0x80  }
0x77: {  	[sflag:s29] =	ssyncset.done $0x0  }
0x78: {  	[sflag:s29] =	ssyncadd.s32 $0xFFFFFF80  }
0x79: {  	_ =	swait.ge [sflag:s30], $0x4000  }
0x7a: {  	[sflag:s30] =	ssyncset.done $0x0  }
0x7b: {  	[sflag:s30] =	ssyncadd.s32 $0xFFFFC000  }
0x7c: {  	[spmem:s1] =	stream.indirect.scatter.add.f32 [tilespmem:s25], [sflag:$0x7], $0x80, s20, s20, $0xb8;
	[tilespmem:$0x1BE00] =	vst v63  }
0x7d: {  	_ =	swait.ge [sflag:s31], $0x80  }
0x7e: {  	[sflag:s31] =	ssyncset.done $0x0  }
0x7f: {  	[sflag:s31] =	ssyncadd.s32 $0xFFFFFF80  }
0x80: {  	_ =	swait.ge [sflag:s0], $0x4000  }
0x81: {  	[sflag:s0] =	ssyncset.done $0x0  }
0x82: {  	[sflag:s0] =	ssyncadd.s32 $0xFFFFC000  }
0x83: {  	[spmem:s1] =	stream.indirect.scatter.add.f32 [tilespmem:s28], [sflag:$0x8], $0x80, s22, s20, $0xb8;
	[tilespmem:$0x1BE00] =	vst v63  }
0x84: {  	_ =	swait.ge [sflag:s2], $0x4000  }
0x85: {  	[sflag:s2] =	ssyncset.done $0x0  }
0x86: {  	[sflag:s2] =	ssyncadd.s32 $0xFFFFC000  }
0x87: {  	_ =	swait.ge [sflag:s5], $0x4000  }
0x88: {  	[sflag:s5] =	ssyncset.done $0x0  }
0x89: {  	s8 =	simm.s32 @!p0 $0x0;
	s9 =	rddreg [dreg:$0x9];
	[sflag:s5] =	ssyncadd.s32 $0xFFFFC000  }
0x8a: {  	[tilespmem:s8], [sflag:$0x9] =	stream.linear.gather @!p0 [hbm4b:s9+s8], $0x80, $0x38;
	[tilespmem:$0x1BE00] =	vst v63  }
0x8b: {  	s9 =	simm.s32 @!p0 $0x9  }
0x8c: {  	_ =	swait.ge @!p0 [sflag:s9], $0x80  }
0x8d: {  	[sflag:s9] =	ssyncset.done @!p0 $0x0  }
0x8e: {  	s10 =	simm.s32 @!p0 $0x80;
	[sflag:s9] =	ssyncadd.s32 @!p0 $0xFFFFFF80  }
0x8f: {  	[tilespmem:s10], [sflag:$0x9] =	stream.linear.gather @!p0 [hbm4b:s13+s8], $0x80, $0x38;
	[tilespmem:$0x1BE00] =	vst v63  }
0x90: {  	_ =	swait.ge @!p0 [sflag:s9], $0x80  }
0x91: {  	[sflag:s9] =	ssyncset.done @!p0 $0x0  }
0x92: {  	s12 =	simm.s32 @!p0 $0x200;
	[sflag:s9] =	ssyncadd.s32 @!p0 $0xFFFFFF80  }
0x93: {  	[tilespmem:s12], [sflag:$0x5] =	stream.indirect.gather @!p0 [hbm4b:s4+s10], $0x80, s8, s10, $0xb8;
	[tilespmem:$0x1BE00] =	vst v63  }
0x94: {  	s8 =	simm.s32 @!p0 $0x5  }
0x95: {  	_ =	swait.ge @!p0 [sflag:s8], $0x4000  }
0x96: {  	[sflag:s8] =	ssyncset.done @!p0 $0x0  }
0x97: {  	[sflag:s8] =	ssyncadd.s32 @!p0 $0xFFFFC000  }
0x98: {  	[spmem:s1] =	stream.indirect.scatter.add.f32 @!p0 [tilespmem:s12], [sflag:$0x9], $0x80, s10, s10, $0xb8;
	[tilespmem:$0x1BE00] =	vst v63  }
0x99: {  	_ =	swait.ge @!p0 [sflag:s9], $0x4000  }
0x9a: {  	s6 =	sadd.s32 $0x1, s6;
	[sflag:s9] =	ssyncset.done @!p0 $0x0  }
0x9b: {  	p1 =	sne.s32 s6, s15;
	[sflag:s9] =	ssyncadd.s32 @!p0 $0xFFFFC000  }
.Ltmp1:
0x9c: {  	[bflag:$0x0] =	sbarrier.arrive $0xFFFF;
	(pc) =	sbr.rel @p1 .LBB2_1-.Ltmp1, $4  }
0x9d: {  	[hbm:s14], [sflag:s11] =	dma.local [spmem:s7], $0x2780  }
0x9e: {  	_ =	swait.ge [sflag:s23], $0x2780  }
0x9f: {  	[sflag:s23] =	ssyncset.done $0x0  }
0xa0: {  	[sflag:s23] =	ssyncadd.s32 $0xFFFFD880  }
0xa1: {  	_ =	sfence.sel $0x180000  }
0xa2: {  	[bflag:$0x0] =	sbarrier.arrive $0xFFFF  }
0xa3: {  	_ =	strace $0x90000050  }
0xa4: {  	s0 =	stileid.u32;
	[bflag:$0x2] =	sbarrier.arrive $0xFFFF  }
0xa5: {  	p0 =	sne.s32 s0, $0x0;
	s0 =	rddreg [dreg:$0x2]  }
0xa6: {  	s0 =	sadd.s32 @!p0 $0x100000, s0  }
0xa7: {  	[sflag:s0] =	ssyncadd.tile.s32 @!p0 $0x1;
	_ =	shalt  }
.Lfunc_end2:
_tile_overlayer_lowered:
.L_overlay_start_2:
0xa8: {  	(tag) =	ssettag $0x2  }
0xa9: {  	s0 =	rddreg [dreg:$0x0];
	s2 =	stileid.u32  }
0xaa: {  	s1 =	rddreg [dreg:$0x1];
	p0 =	sne.s32 s2, $0x0  }
0xab: {  	s3 =	rddreg [dreg:$0x2];
	[bflag:$0x3] =	sbarrier.arrive $0xFFFF;
	s2 =	simm.s32 @!p0 $0x1C09  }
0xac: {  	[timem:s3], [sflag:s2] =	dma.local @!p0 [hbm:s0], s1  }
0xad: {  	s0 =	simm.s32 @!p0 $0x9  }
0xae: {  	_ =	swait.ge @!p0 [sflag:s0], s1  }
0xaf: {  	s1 =	ssub.s32 @!p0 $0x0, s1;
	[sflag:s0] =	ssyncset.done @!p0 $0x0  }
0xb0: {  	[sflag:s0] =	ssyncadd.s32 @!p0 s1  }
0xb1: {  	[bflag:$0x3] =	sbarrier.arrive $0xFFFF  }
0xb2: {  	_ =	shalt  }

// kernel: kernel.26.cloned.1.call-start
scs
__scs_entry_jumppad:
0x0: {  	(pc) =	sbr.rel $0x88, $3  }
0x1: {  	(tag) =	ssettag $0x0;
	lr =	simm.s32 $0x1  }
0x2: {  	[smem:$0x3F89] =	sst lr;
	_ =	strace $0xD0000000  }
0x3: {  	_ = 	snop  }
0x4: {  	_ = 	snop  }
0x5: {  	_ = 	snop  }
0x6: {  	_ = 	snop  }
0x7: {  	_ = 	snop  }
__scs_overlays_trampoline_lowered:
0x8: {  	[smem:$0x3F98] =	sst s0  }
0x9: {  	[smem:$0x3F99] =	sst s1  }
0xa: {  	[smem:$0x3F9A] =	sst s2  }
0xb: {  	[smem:$0x3F9B] =	sst s3  }
0xc: {  	[smem:$0x3F9C] =	sst s4  }
0xd: {  	[smem:$0x3F9D] =	sst s5  }
0xe: {  	[smem:$0x3F9E] =	sst s6  }
0xf: {  	[smem:$0x3F9F] =	sst s7  }
0x10: {  	[smem:$0x3FA0] =	sst s8  }
0x11: {  	[smem:$0x3FA1] =	sst s9;
	s0 =	simm.s32 @!p0 $0x0  }
0x12: {  	s1 =	sld [smem:$0x3F87];
	s0 =	simm.s32 @p0 $0x1  }
0x13: {  	[smem:$0x3FA2] =	sst s0;
	s0 =	simm.s32 @!p1 $0x0  }
0x14: {  	s2 =	sld [smem:$0x3F86];
	s0 =	simm.s32 @p1 $0x1  }
0x15: {  	[smem:$0x3FA3] =	sst s0;
	s0 =	simm.s32 @!p2 $0x0  }
0x16: {  	s3 =	sld [smem:$0x3FDB];
	s0 =	simm.s32 @p2 $0x1  }
0x17: {  	s4 =	simm.s32 $0x1BF5;
	[smem:$0x3FA5] =	sst s0  }
0x18: {  	s0 =	sld [smem:$0x3F88];
	_ =	swait.ge [sflag:s4], $0x0  }
0x19: {  	s7 =	sld [smem:$0x3F89]  }
0x1a: {  	s8 =	sadd.s32 $0xFFFFE003, lr  }
0x1b: {  	s9 =	sadd.s32 $0xFFFFFEF7, lr;
	s5 =	simm.s32 $0xFFFFFFFF;
	p2 =	slt.u32 s8, $0xFFFFF086  }
0x1c: {  	p1 =	slt.u32 s9, $0xF7A;
	s5 =	simm.s32 @!p2 $0x0  }
0x1d: {  	s5 =	simm.s32 @p1 $0x1;
	p0 =	seq.s32 s7, s2  }
0x1e: {  	s7 =	smul.u32 @!p0 $0xF7A, s2;
	p2 =	seq.s32 @!p0 s5, $0x0  }
0x1f: {  	s9 =	smul.u32 $0xF7A, s1;
	s8 =	simm.s32 @!p0 $0x1BF5;
	p2 =	por !p2, p0  }
0x20: {  	[sflag:s8] =	ssyncset.s32 @!p0 $0xFFFFF086;
	s6 =	sadd.s32 @!p0 s3, s7;
	s7 =	simm.s32 @!p0 $0x108  }
0x21: {  	s3 =	sadd.s32 s3, s9;
	s6 =	sadd.s32 @!p0 $0x88, s6;
	s7 =	simm.s32 @p2 $0x1082  }
0x22: {  	[simem:s7], [sflag:s8] =	dma.local @!p0 [hbm:s6], $0xF7A  }
0x23: {  	s9 =	sor.u32 $0xD0000000, s2;
	s6 =	simm.s32 $0x108;
	_ =	swait.ge @!p0 [sflag:s8], $0x0  }
0x24: {  	s3 =	sadd.s32 $0x88, s3;
	s6 =	simm.s32 @!p1 $0x1082;
	[sflag:s4] =	ssyncset.s32 $0xFFFFF086  }
0x25: {  	[simem:s6], [sflag:s4] =	dma.local [hbm:s3], $0xF7A  }
0x26: {  	[smem:$0x3F89] =	sst s1;
	(tag) =	ssettag s2;
	_ =	strace s9  }
0x27: {  	s1 =	sld [smem:$0x3F99]  }
0x28: {  	s2 =	sld [smem:$0x3F9A]  }
0x29: {  	s4 =	sld [smem:$0x3F9C]  }
0x2a: {  	p0 =	seq.s32 s5, $0x0;
	s5 =	sld [smem:$0x3F9D]  }
0x2b: {  	s6 =	sld [smem:$0x3F9E]  }
0x2c: {  	s7 =	sld [smem:$0x3F9F]  }
0x2d: {  	s3 =	simm.s32 $0x108;
	s8 =	sld [smem:$0x3FA0]  }
0x2e: {  	s3 =	simm.s32 @!p0 $0x1082;
	s9 =	sld [smem:$0x3FA1]  }
0x2f: {  	lr =	sadd.s32 s0, s3;
	s0 =	sld [smem:$0x3F98]  }
0x30: {  	s3 =	sld [smem:$0x3F9B]  }
0x31: {  	[smem:$0x3FA4] =	sst s10  }
0x32: {  	s10 =	sld [smem:$0x3FA2];
	_ =	sdelay $0x3  }
0x33: {  	p0 =	seq.s32 s10, $0x1;
	s10 =	sld [smem:$0x3FA4];
	_ =	sdelay $0x3  }
0x34: {  	[smem:$0x3FA4] =	sst s10  }
0x35: {  	s10 =	sld [smem:$0x3FA3];
	_ =	sdelay $0x3  }
0x36: {  	p1 =	seq.s32 s10, $0x1;
	s10 =	sld [smem:$0x3FA4];
	_ =	sdelay $0x3  }
0x37: {  	[smem:$0x3FA4] =	sst s10  }
0x38: {  	s10 =	sld [smem:$0x3FA5]  }
0x39: {  	_ = 	snop;
	(pc) =	sbr.ind lr, $3  }
0x3a: {  	_ = 	snop  }
0x3b: {  	_ = 	snop  }
0x3c: {  	p2 =	seq.s32 s10, $0x1;
	s10 =	sld [smem:$0x3FA4]  }
0x3d: {  	_ =	shalt  }
0x3e: {  	_ =	shalt  }
0x3f: {  	_ =	shalt  }
0x40: {  	_ =	shalt  }
0x41: {  	_ =	shalt  }
0x42: {  	_ =	shalt  }
0x43: {  	_ =	shalt  }
0x44: {  	_ =	shalt  }
0x45: {  	_ =	shalt  }
0x46: {  	_ =	shalt  }
0x47: {  	_ =	shalt  }
0x48: {  	_ =	shalt  }
0x49: {  	_ =	shalt  }
0x4a: {  	_ =	shalt  }
0x4b: {  	_ =	shalt  }
0x4c: {  	_ =	shalt  }
0x4d: {  	_ =	shalt  }
0x4e: {  	_ =	shalt  }
0x4f: {  	_ =	shalt  }
0x50: {  	_ =	shalt  }
0x51: {  	_ =	shalt  }
0x52: {  	_ =	shalt  }
0x53: {  	_ =	shalt  }
0x54: {  	_ =	shalt  }
0x55: {  	_ =	shalt  }
0x56: {  	_ =	shalt  }
0x57: {  	_ =	shalt  }
0x58: {  	_ =	shalt  }
0x59: {  	_ =	shalt  }
0x5a: {  	_ =	shalt  }
0x5b: {  	_ =	shalt  }
0x5c: {  	_ =	shalt  }
0x5d: {  	_ =	shalt  }
0x5e: {  	_ =	shalt  }
0x5f: {  	_ =	shalt  }
0x60: {  	_ =	shalt  }
0x61: {  	_ =	shalt  }
0x62: {  	_ =	shalt  }
0x63: {  	_ =	shalt  }
0x64: {  	_ =	shalt  }
0x65: {  	_ =	shalt  }
0x66: {  	_ =	shalt  }
0x67: {  	_ =	shalt  }
0x68: {  	_ =	shalt  }
0x69: {  	_ =	shalt  }
0x6a: {  	_ =	shalt  }
0x6b: {  	_ =	shalt  }
0x6c: {  	_ =	shalt  }
0x6d: {  	_ =	shalt  }
0x6e: {  	_ =	shalt  }
0x6f: {  	_ =	shalt  }
0x70: {  	_ =	shalt  }
0x71: {  	_ =	shalt  }
0x72: {  	_ =	shalt  }
0x73: {  	_ =	shalt  }
0x74: {  	_ =	shalt  }
0x75: {  	_ =	shalt  }
0x76: {  	_ =	shalt  }
0x77: {  	_ =	shalt  }
0x78: {  	_ =	shalt  }
0x79: {  	_ =	shalt  }
0x7a: {  	_ =	shalt  }
0x7b: {  	_ =	shalt  }
0x7c: {  	_ =	shalt  }
0x7d: {  	_ =	shalt  }
0x7e: {  	_ =	shalt  }
0x7f: {  	_ =	shalt  }
0x80: {  	_ =	shalt  }
0x81: {  	_ =	shalt  }
0x82: {  	_ =	shalt  }
0x83: {  	_ =	shalt  }
0x84: {  	_ =	shalt  }
0x85: {  	_ =	shalt  }
0x86: {  	_ =	shalt  }
0x87: {  	_ =	shalt  }
.Lfunc_end0:
.L_simem_size_0:
called_computation.4_lowered:
.L_overlay_start_0:
0x88: {  	s2 =	sld [smem:$0x3FD9]  }
0x89: {  	s3 =	sld [smem:$0x3FFE];
	_ =	sdelay $0x1  }
0x8a: {  	s1 =	srdreg.scid  }
0x8b: {  	s0 =	sand.u32 $0x1, s1  }
0x8c: {  	s16 =	sshll.u32 s0, $0xA;
	s2 =	sadd.s32 s3, s2  }
0x8d: {  	s2 =	sadd.s32 s2, s16  }
0x8e: {  	[smem:$0x3FB0] =	sst s2  }
0x8f: {  	_ = 	snop  }
0x90: {  	(tm) =	ssettm $0x1  }
0x91: {  	s17 =	sld [smem:$0x3FFB];
	_ =	sdelay $0x3  }
0x92: {  	_ =	strace s17  }
0x93: {  	s2 =	sld [smem:$0x3FFC];
	_ =	sdelay $0x3  }
0x94: {  	_ =	strace s2  }
0x95: {  	s2 =	sld [smem:$0x3FFD];
	_ =	sdelay $0x3  }
0x96: {  	_ =	strace s2  }
0x97: {  	_ =	strace $0x8FFFFFFF  }
0x98: {  	s18 =	sld [smem:$0x3FDB];
	_ =	sdelay $0x1  }
0x99: {  	s19 =	simm.s32 $_scs_section_size  }
0x9a: {  	s4 =	simm.s32 $_size__tile_overlayer_lowered;
	s5 =	simm.s32 $_tile_overlayer_lowered  }
0x9b: {  	s22 =	simm.s32 $0x1BFF;
	s21 =	sshll.u32 s5, $0x1;
	s2 =	sadd.s32 s19, s18  }
0x9c: {  	s6 =	simm.s32 $0x0;
	s20 =	sshll.u32 s4, $0x1;
	s4 =	sadd.s32 s21, s2  }
0x9d: {  	[timem:s6], [sflag:s22] =	dma.local [hbm:s4], s20  }
0x9e: {  	_ =	swait.ge [sflag:s22], s20  }
0x9f: {  	s3 =	ssub.s32 $0x0, s20;
	[sflag:s22] =	ssyncset.done $0x0  }
0xa0: {  	[sflag:s22] =	ssyncadd.s32 s3;
	_ =	sdelay $0x1  }
0xa1: {  	s23 =	simm.s32 $0x1B8B  }
0xa2: {  	_ =	swait.ge [sflag:s23], $0x1  }
0xa3: {  	[sflag:s23] =	ssyncset.done $0x0  }
0xa4: {  	s25 =	simm.s32 $0x1B8E;
	s24 =	sld [smem:$0x3FFE];
	[sflag:s23] =	ssyncadd.s32 $0xFFFFFFFF  }
0xa5: {  	s26 =	simm.s32 $execute0_lowered;
	[smem:$0x3FD2] =	sst s25  }
0xa6: {  	s4 =	sshll.u32 s26, $0x1;
	_ =	strace $0x80000052;
	[dreg:$0x1] =	wrdreg $0xFFFFFFFF  }
0xa7: {  	s28 =	simm.s32 $_size_execute0_lowered;
	s2 =	sadd.s32 s2, s4;
	[dreg:$0x0] =	wrdreg $0x0  }
0xa8: {  	s4 =	sshll.u32 s28, $0x1;
	[dreg:$0x2] =	wrdreg s2  }
0xa9: {  	[dreg:$0x3] =	wrdreg s4  }
0xaa: {  	[dreg:$0x4] =	wrdreg $0xC0  }
0xab: {  	_ =	task [dreg:s6], $0x5FFFF  }
0xac: {  	[dreg:$0x1] =	wrdreg $0xFFFFFFFF  }
0xad: {  	[dreg:$0x0] =	wrdreg $0x60  }
0xae: {  	[dreg:$0x2] =	wrdreg s24  }
0xaf: {  	[dreg:$0x3] =	wrdreg $0x82000  }
0xb0: {  	[dreg:$0x4] =	wrdreg $0x9  }
0xb1: {  	_ =	task.clear_ibuf [dreg:s6], $0x5FFFF;
	_ =	strace $0x90000052  }
0xb2: {  	s29 =	simm.s32 $0x9;
	_ =	strace $0x80000054  }
0xb3: {  	_ =	swait.ge [sflag:s29], $0x1  }
0xb4: {  	[sflag:s29] =	ssyncadd.s32 $0xFFFFFFFF  }
0xb5: {  	_ =	strace $0x90000054  }
0xb6: {  	_ =	sfence  }
0xb7: {  	s30 =	sld [smem:$0x0];
	_ =	sdelay $0x2  }
0xb8: {  	s31 =	sshll.u32 s1, $0xD;
	s1 =	sshrl.u32 s1, $0x2  }
0xb9: {  	s3 =	sand.u32 $0x4000, s31;
	s1 =	sadd.s32 s1, s30  }
0xba: {  	s0 =	sor.u32 s3, s0;
	s1 =	sshll.u32 s1, $0x11  }
0xbb: {  	s0 =	sor.u32 s1, s0  }
0xbc: {  	s0 =	sadd.s32 $0x8F2B, s0  }
0xbd: {  	[sflag:s0] =	ssyncadd.remote.s32 $0x1  }
0xbe: {  	_ =	sfence.sel $0xFFFF  }
0xbf: {  	[dreg:$0x0] =	wrdreg $0xFFFFFFFF;
	(pc) =	sbr.abs _section_cstart, $3  }
0xc0: {  	[dreg:$0x1] =	wrdreg $0xFFFFFFFF  }
0xc1: {  	_ =	task.clear_ibuf [dreg:s6], $0x2FFFF;
	_ =	strace $0x9FFFFFFF  }
0xc2: {  	(tm) =	ssettm $0x7FFFFFFF  }
0xc3: {  	_ =	shalt  }
tec
execute0_lowered:
.L_overlay_start_1:
0x0: {  	(tag) =	ssettag $0x1  }
0x1: {  	s0 =	rddreg [dreg:$0x0]  }
0x2: {  	s1 =	rddreg [dreg:$0x1]  }
0x3: {  	s2 =	srdreg.scid;
	s3 =	simm.s32 $0x0;
	s12 =	stileid.u32  }
0x4: {  	s28 =	simm.s32 $0x4200;
	s29 =	simm.s32 $0x2;
	s30 =	simm.s32 $0x5  }
0x5: {  	s31 =	simm.s32 $0x4;
	s2 =	sand.u32 $0x1, s2;
	[smem:$0x7FF] =	sst s3  }
0x6: {  	s6 =	smul.u32 $0x13C00, s12;
	s4 =	sadd.s32 $0x18A00, s0;
	s7 =	sadd.s32 $0xEC00, s0  }
0x7: {  	s8 =	sadd.s32 $0x103000, s0;
	s9 =	sshll.u32 s12, $0x5;
	s10 =	smul.u32 $0x4F000, s12  }
0x8: {  	s18 =	sshll.u32 s12, $0x6;
	p0 =	sgt.u32 s12, $0x1;
	s5 =	smul.u32 $0x13C000, s2  }
0x9: {  	_ =	strace $0x80000053;
	[dreg:$0x3] =	wrdreg s8;
	s11 =	ssub.s32 $0x2, s2  }
0xa: {  	s2 =	sshll.u32 s2, $0x4;
	s21 =	sor.u32 $0x600, s9;
	s24 =	sor.u32 $0x400, s9  }
0xb: {  	s13 =	sshrl.u32 s11, $0x1;
	s2 =	sor.u32 s2, s9;
	s17 =	sshrl.u32 s10, $0x2  }
0xc: {  	s22 =	sand.u32 $0x780, s21;
	s25 =	sand.u32 $0x580, s24;
	s21 =	simm.s32 $0x100  }
0xd: {  	s24 =	simm.s32 $0x1;
	s5 =	sadd.s32 s6, s5;
	s6 =	sadd.s32 $0x4E00, s0  }
0xe: {  	s14 =	sor.u32 $0x200, s2;
	s19 =	sor.u32 $0x9C00, s2;
	s23 =	sadd.s32 s22, s7  }
0xf: {  	s26 =	sadd.s32 s25, s7;
	s5 =	sshrl.u32 s5, $0x3;
	s15 =	sadd.s32 s6, s2  }
0x10: {  	s16 =	sadd.s32 s7, s14;
	s8 =	sadd.s32 s6, s14;
	[dreg:$0x5] =	wrdreg s15  }
0x11: {  	s20 =	sadd.s32 s7, s19;
	s0 =	sadd.s32 s5, s0;
	[dreg:$0x6] =	wrdreg s16  }
0x12: {  	s5 =	ssub.s32 s11, s13;
	s11 =	sadd.s32 s7, s2;
	[dreg:$0x7] =	wrdreg s8  }
0x13: {  	s8 =	sadd.s32 s17, s1;
	[dreg:$0x9] =	wrdreg s20;
	s13 =	sadd.s32 s6, s19  }
0x14: {  	s2 =	sand.u32 $0x70, s2;
	s20 =	simm.s32 $0x80;
	[dreg:$0x4] =	wrdreg s11  }
0x15: {  	[dreg:$0x8] =	wrdreg s8;
	s11 =	sor.u32 $0x1C09, s18;
	s14 =	sadd.s32 $0x105800, s0  }
0x16: {  	s15 =	smax.u32 s5, $0x1;
	s16 =	sadd.s32 s2, s23;
	s0 =	sadd.s32 s22, s6  }
0x17: {  	s5 =	sadd.s32 s25, s6;
	s18 =	sadd.s32 s2, s26;
	s22 =	simm.s32 $0x180  }
0x18: {  	s23 =	simm.s32 $0x9;
	s25 =	simm.s32 $0x200;
	s26 =	simm.s32 $0x3  }
0x19: {  	s6 =	simm.s32 $0x0;
	s17 =	sadd.s32 s2, s0;
	s19 =	sadd.s32 s2, s5  }
0x1a: {  	s0 =	simm.s32 $0x6;
	s2 =	simm.s32 $0x7;
	s5 =	simm.s32 $0x8  }
.LBB2_1:
0x1b: {  	s7 =	rddreg [dreg:$0x4]  }
0x1c: {  	s9 =	rddreg [dreg:$0x5]  }
0x1d: {  	s10 =	rddreg [dreg:$0x6]  }
0x1e: {  	[tilespmem:s3], [sflag:$0x1] =	stream.linear.gather [hbm4b:s7+s3], $0x80, $0x38;
	[tilespmem:$0x1BE00] =	vst v63  }
0x1f: {  	s12 =	rddreg [dreg:$0x7]  }
0x20: {  	[tilespmem:s20], [sflag:$0x2] =	stream.linear.gather [hbm4b:s9+s3], $0x80, $0x38;
	[tilespmem:$0x1BE00] =	vst v63  }
0x21: {  	s8 =	rddreg [dreg:$0x8]  }
0x22: {  	[tilespmem:s21], [sflag:$0x3] =	stream.linear.gather [hbm4b:s10+s3], $0x80, $0x38;
	[tilespmem:$0x1BE00] =	vst v63  }
0x23: {  	s7 =	sshrl.u32 s8, $0x3;
	s8 =	rddreg [dreg:$0x3]  }
0x24: {  	[tilespmem:s22], [sflag:$0x4] =	stream.linear.gather [hbm4b:s12+s3], $0x80, $0x38;
	[tilespmem:$0x1BE00] =	vst v63  }
0x25: {  	[spmem:s7], [sflag:s11] =	dma.local [hbm:s8], $0x2780  }
0x26: {  	_ =	swait.ge [sflag:s23], $0x2780  }
0x27: {  	[sflag:s23] =	ssyncset.done $0x0  }
0x28: {  	[sflag:s23] =	ssyncadd.s32 $0xFFFFD880  }
0x29: {  	[bflag:$0x0] =	sbarrier.arrive $0xFFFF  }
0x2a: {  	_ =	swait.ge [sflag:s24], $0x80  }
0x2b: {  	[sflag:s24] =	ssyncset.done $0x0  }
0x2c: {  	[sflag:s24] =	ssyncadd.s32 $0xFFFFFF80  }
0x2d: {  	[tilespmem:s25], [sflag:$0x5] =	stream.indirect.gather [hbm4b:s4+s20], $0x80, s3, s20, $0xb8;
	[tilespmem:$0x1BE00] =	vst v63  }
0x2e: {  	_ =	swait.ge [sflag:s26], $0x80  }
0x2f: {  	[sflag:s26] =	ssyncset.done $0x0  }
0x30: {  	[sflag:s26] =	ssyncadd.s32 $0xFFFFFF80  }
0x31: {  	[tilespmem:s28], [sflag:$0x6] =	stream.indirect.gather [hbm4b:s4+s20], $0x80, s21, s20, $0xb8;
	[tilespmem:$0x1BE00] =	vst v63  }
0x32: {  	_ =	swait.ge [sflag:s29], $0x80  }
0x33: {  	[sflag:s29] =	ssyncset.done $0x0  }
0x34: {  	[sflag:s29] =	ssyncadd.s32 $0xFFFFFF80  }
0x35: {  	_ =	swait.ge [sflag:s30], $0x4000  }
0x36: {  	[sflag:s30] =	ssyncset.done $0x0  }
0x37: {  	[sflag:s30] =	ssyncadd.s32 $0xFFFFC000  }
0x38: {  	[spmem:s1] =	stream.indirect.scatter.add.f32 [tilespmem:s25], [sflag:$0x7], $0x80, s20, s20, $0xb8;
	[tilespmem:$0x1BE00] =	vst v63  }
0x39: {  	_ =	swait.ge [sflag:s31], $0x80  }
0x3a: {  	[sflag:s31] =	ssyncset.done $0x0  }
0x3b: {  	[sflag:s31] =	ssyncadd.s32 $0xFFFFFF80  }
0x3c: {  	_ =	swait.ge [sflag:s0], $0x4000  }
0x3d: {  	[sflag:s0] =	ssyncset.done $0x0  }
0x3e: {  	[sflag:s0] =	ssyncadd.s32 $0xFFFFC000  }
0x3f: {  	[spmem:s1] =	stream.indirect.scatter.add.f32 [tilespmem:s28], [sflag:$0x8], $0x80, s22, s20, $0xb8;
	[tilespmem:$0x1BE00] =	vst v63  }
0x40: {  	_ =	swait.ge [sflag:s2], $0x4000  }
0x41: {  	[sflag:s2] =	ssyncset.done $0x0  }
0x42: {  	s9 =	sadd.s32 $0x0, s18;
	[sflag:s2] =	ssyncadd.s32 $0xFFFFC000  }
0x43: {  	[tilespmem:s3], [sflag:$0x1] =	stream.linear.gather [hbm4b:s9+s3], $0x80, $0x38;
	[tilespmem:$0x1BE00] =	vst v63  }
0x44: {  	s10 =	sadd.s32 $0x0, s19  }
0x45: {  	[tilespmem:s20], [sflag:$0x2] =	stream.linear.gather [hbm4b:s10+s3], $0x80, $0x38;
	[tilespmem:$0x1BE00] =	vst v63  }
0x46: {  	_ =	swait.ge [sflag:s5], $0x4000  }
0x47: {  	s12 =	sadd.s32 $0x0, s16;
	[sflag:s5] =	ssyncset.done $0x0  }
0x48: {  	s8 =	simm.s32 $0x400;
	s9 =	sadd.s32 $0x0, s17;
	[sflag:s5] =	ssyncadd.s32 $0xFFFFC000  }
0x49: {  	[tilespmem:s21], [sflag:$0x3] =	stream.linear.gather [hbm4b:s12+s3], $0x80, $0x38;
	[tilespmem:$0x1BE00] =	vst v63  }
.LBB2_2:
0x4a: {  	[tilespmem:s22], [sflag:$0x4] =	stream.linear.gather [hbm4b:s9+s3], $0x80, $0x38;
	[tilespmem:$0x1BE00] =	vst v63  }
0x4b: {  	s9 =	smov.u32 s8  }
0x4c: {  	p1 =	sne.s32 s8, $0x9400;
	s8 =	sadd.s32 $0x400, s8;
	_ =	swait.ge [sflag:s24], $0x80  }
0x4d: {  	[sflag:s24] =	ssyncset.done $0x0  }
0x4e: {  	[sflag:s24] =	ssyncadd.s32 $0xFFFFFF80  }
0x4f: {  	[tilespmem:s25], [sflag:$0x5] =	stream.indirect.gather [hbm4b:s4+s20], $0x80, s3, s20, $0xb8;
	[tilespmem:$0x1BE00] =	vst v63  }
0x50: {  	_ =	swait.ge [sflag:s26], $0x80  }
0x51: {  	[sflag:s26] =	ssyncset.done $0x0  }
0x52: {  	[sflag:s26] =	ssyncadd.s32 $0xFFFFFF80  }
0x53: {  	[tilespmem:s28], [sflag:$0x6] =	stream.indirect.gather [hbm4b:s4+s20], $0x80, s21, s20, $0xb8;
	[tilespmem:$0x1BE00] =	vst v63  }
0x54: {  	_ =	swait.ge [sflag:s29], $0x80  }
0x55: {  	[sflag:s29] =	ssyncset.done $0x0  }
0x56: {  	[sflag:s29] =	ssyncadd.s32 $0xFFFFFF80  }
0x57: {  	_ =	swait.ge [sflag:s30], $0x4000  }
0x58: {  	[sflag:s30] =	ssyncset.done $0x0  }
0x59: {  	[sflag:s30] =	ssyncadd.s32 $0xFFFFC000  }
0x5a: {  	[spmem:s1] =	stream.indirect.scatter.add.f32 [tilespmem:s25], [sflag:$0x7], $0x80, s20, s20, $0xb8;
	[tilespmem:$0x1BE00] =	vst v63  }
0x5b: {  	_ =	swait.ge [sflag:s31], $0x80  }
0x5c: {  	[sflag:s31] =	ssyncset.done $0x0  }
0x5d: {  	[sflag:s31] =	ssyncadd.s32 $0xFFFFFF80  }
0x5e: {  	_ =	swait.ge [sflag:s0], $0x4000  }
0x5f: {  	[sflag:s0] =	ssyncset.done $0x0  }
0x60: {  	[sflag:s0] =	ssyncadd.s32 $0xFFFFC000  }
0x61: {  	[spmem:s1] =	stream.indirect.scatter.add.f32 [tilespmem:s28], [sflag:$0x8], $0x80, s22, s20, $0xb8;
	[tilespmem:$0x1BE00] =	vst v63  }
0x62: {  	_ =	swait.ge [sflag:s2], $0x4000  }
0x63: {  	[sflag:s2] =	ssyncset.done $0x0  }
0x64: {  	s10 =	sadd.s32 s9, s18;
	[sflag:s2] =	ssyncadd.s32 $0xFFFFC000  }
0x65: {  	[tilespmem:s3], [sflag:$0x1] =	stream.linear.gather [hbm4b:s10+s3], $0x80, $0x38;
	[tilespmem:$0x1BE00] =	vst v63  }
0x66: {  	s10 =	sadd.s32 s9, s19  }
0x67: {  	[tilespmem:s20], [sflag:$0x2] =	stream.linear.gather [hbm4b:s10+s3], $0x80, $0x38;
	[tilespmem:$0x1BE00] =	vst v63  }
.Ltmp0:
0x68: {  	_ =	swait.ge [sflag:s5], $0x4000;
	(pc) =	sbr.rel @p1 .LBB2_2-.Ltmp0, $4  }
0x69: {  	[sflag:s5] =	ssyncset.done $0x0  }
0x6a: {  	s10 =	sadd.s32 s9, s16;
	[sflag:s5] =	ssyncadd.s32 $0xFFFFC000  }
0x6b: {  	[tilespmem:s21], [sflag:$0x3] =	stream.linear.gather [hbm4b:s10+s3], $0x80, $0x38;
	[tilespmem:$0x1BE00] =	vst v63  }
0x6c: {  	s9 =	sadd.s32 s9, s17  }
0x6d: {  	[tilespmem:s22], [sflag:$0x4] =	stream.linear.gather [hbm4b:s9+s3], $0x80, $0x38;
	[tilespmem:$0x1BE00] =	vst v63  }
0x6e: {  	_ =	swait.ge [sflag:s24], $0x80  }
0x6f: {  	[sflag:s24] =	ssyncset.done $0x0  }
0x70: {  	[sflag:s24] =	ssyncadd.s32 $0xFFFFFF80  }
0x71: {  	[tilespmem:s25], [sflag:$0x5] =	stream.indirect.gather [hbm4b:s4+s20], $0x80, s3, s20, $0xb8;
	[tilespmem:$0x1BE00] =	vst v63  }
0x72: {  	_ =	swait.ge [sflag:s26], $0x80  }
0x73: {  	[sflag:s26] =	ssyncset.done $0x0  }
0x74: {  	[sflag:s26] =	ssyncadd.s32 $0xFFFFFF80  }
0x75: {  	[tilespmem:s28], [sflag:$0x6] =	stream.indirect.gather [hbm4b:s4+s20], $0x80, s21, s20, $0xb8;
	[tilespmem:$0x1BE00] =	vst v63  }
0x76: {  	_ =	swait.ge [sflag:s29], $0x80  }
0x77: {  	[sflag:s29] =	ssyncset.done $0x0  }
0x78: {  	[sflag:s29] =	ssyncadd.s32 $0xFFFFFF80  }
0x79: {  	_ =	swait.ge [sflag:s30], $0x4000  }
0x7a: {  	[sflag:s30] =	ssyncset.done $0x0  }
0x7b: {  	[sflag:s30] =	ssyncadd.s32 $0xFFFFC000  }
0x7c: {  	[spmem:s1] =	stream.indirect.scatter.add.f32 [tilespmem:s25], [sflag:$0x7], $0x80, s20, s20, $0xb8;
	[tilespmem:$0x1BE00] =	vst v63  }
0x7d: {  	_ =	swait.ge [sflag:s31], $0x80  }
0x7e: {  	[sflag:s31] =	ssyncset.done $0x0  }
0x7f: {  	[sflag:s31] =	ssyncadd.s32 $0xFFFFFF80  }
0x80: {  	_ =	swait.ge [sflag:s0], $0x4000  }
0x81: {  	[sflag:s0] =	ssyncset.done $0x0  }
0x82: {  	[sflag:s0] =	ssyncadd.s32 $0xFFFFC000  }
0x83: {  	[spmem:s1] =	stream.indirect.scatter.add.f32 [tilespmem:s28], [sflag:$0x8], $0x80, s22, s20, $0xb8;
	[tilespmem:$0x1BE00] =	vst v63  }
0x84: {  	_ =	swait.ge [sflag:s2], $0x4000  }
0x85: {  	[sflag:s2] =	ssyncset.done $0x0  }
0x86: {  	[sflag:s2] =	ssyncadd.s32 $0xFFFFC000  }
0x87: {  	_ =	swait.ge [sflag:s5], $0x4000  }
0x88: {  	[sflag:s5] =	ssyncset.done $0x0  }
0x89: {  	s8 =	simm.s32 @!p0 $0x0;
	s9 =	rddreg [dreg:$0x9];
	[sflag:s5] =	ssyncadd.s32 $0xFFFFC000  }
0x8a: {  	[tilespmem:s8], [sflag:$0x9] =	stream.linear.gather @!p0 [hbm4b:s9+s8], $0x80, $0x38;
	[tilespmem:$0x1BE00] =	vst v63  }
0x8b: {  	s9 =	simm.s32 @!p0 $0x9  }
0x8c: {  	_ =	swait.ge @!p0 [sflag:s9], $0x80  }
0x8d: {  	[sflag:s9] =	ssyncset.done @!p0 $0x0  }
0x8e: {  	s10 =	simm.s32 @!p0 $0x80;
	[sflag:s9] =	ssyncadd.s32 @!p0 $0xFFFFFF80  }
0x8f: {  	[tilespmem:s10], [sflag:$0x9] =	stream.linear.gather @!p0 [hbm4b:s13+s8], $0x80, $0x38;
	[tilespmem:$0x1BE00] =	vst v63  }
0x90: {  	_ =	swait.ge @!p0 [sflag:s9], $0x80  }
0x91: {  	[sflag:s9] =	ssyncset.done @!p0 $0x0  }
0x92: {  	s12 =	simm.s32 @!p0 $0x200;
	[sflag:s9] =	ssyncadd.s32 @!p0 $0xFFFFFF80  }
0x93: {  	[tilespmem:s12], [sflag:$0x5] =	stream.indirect.gather @!p0 [hbm4b:s4+s10], $0x80, s8, s10, $0xb8;
	[tilespmem:$0x1BE00] =	vst v63  }
0x94: {  	s8 =	simm.s32 @!p0 $0x5  }
0x95: {  	_ =	swait.ge @!p0 [sflag:s8], $0x4000  }
0x96: {  	[sflag:s8] =	ssyncset.done @!p0 $0x0  }
0x97: {  	[sflag:s8] =	ssyncadd.s32 @!p0 $0xFFFFC000  }
0x98: {  	[spmem:s1] =	stream.indirect.scatter.add.f32 @!p0 [tilespmem:s12], [sflag:$0x9], $0x80, s10, s10, $0xb8;
	[tilespmem:$0x1BE00] =	vst v63  }
0x99: {  	_ =	swait.ge @!p0 [sflag:s9], $0x4000  }
0x9a: {  	s6 =	sadd.s32 $0x1, s6;
	[sflag:s9] =	ssyncset.done @!p0 $0x0  }
0x9b: {  	p1 =	sne.s32 s6, s15;
	[sflag:s9] =	ssyncadd.s32 @!p0 $0xFFFFC000  }
.Ltmp1:
0x9c: {  	[bflag:$0x0] =	sbarrier.arrive $0xFFFF;
	(pc) =	sbr.rel @p1 .LBB2_1-.Ltmp1, $4  }
0x9d: {  	[hbm:s14], [sflag:s11] =	dma.local [spmem:s7], $0x2780  }
0x9e: {  	_ =	swait.ge [sflag:s23], $0x2780  }
0x9f: {  	[sflag:s23] =	ssyncset.done $0x0  }
0xa0: {  	[sflag:s23] =	ssyncadd.s32 $0xFFFFD880  }
0xa1: {  	_ =	sfence.sel $0x180000  }
0xa2: {  	[bflag:$0x0] =	sbarrier.arrive $0xFFFF  }
0xa3: {  	_ =	strace $0x90000053  }
0xa4: {  	s0 =	stileid.u32;
	[bflag:$0x2] =	sbarrier.arrive $0xFFFF  }
0xa5: {  	p0 =	sne.s32 s0, $0x0;
	s0 =	rddreg [dreg:$0x2]  }
0xa6: {  	s0 =	sadd.s32 @!p0 $0x100000, s0  }
0xa7: {  	[sflag:s0] =	ssyncadd.tile.s32 @!p0 $0x1;
	_ =	shalt  }
.Lfunc_end2:
_tile_overlayer_lowered:
.L_overlay_start_2:
0xa8: {  	(tag) =	ssettag $0x2  }
0xa9: {  	s0 =	rddreg [dreg:$0x0];
	s2 =	stileid.u32  }
0xaa: {  	s1 =	rddreg [dreg:$0x1];
	p0 =	sne.s32 s2, $0x0  }
0xab: {  	s3 =	rddreg [dreg:$0x2];
	[bflag:$0x3] =	sbarrier.arrive $0xFFFF;
	s2 =	simm.s32 @!p0 $0x1C09  }
0xac: {  	[timem:s3], [sflag:s2] =	dma.local @!p0 [hbm:s0], s1  }
0xad: {  	s0 =	simm.s32 @!p0 $0x9  }
0xae: {  	_ =	swait.ge @!p0 [sflag:s0], s1  }
0xaf: {  	s1 =	ssub.s32 @!p0 $0x0, s1;
	[sflag:s0] =	ssyncset.done @!p0 $0x0  }
0xb0: {  	[sflag:s0] =	ssyncadd.s32 @!p0 s1  }
0xb1: {  	[bflag:$0x3] =	sbarrier.arrive $0xFFFF  }
0xb2: {  	_ =	shalt  }

</sc_bundles>
